<compile_context>
chip_gen: v7x
topology: tpu7x:2x2x1
jax: 0.10.2.dev20260603
libtpu: 0.0.44.dev20260713+nightly
codegen_flags: <defaults>
</compile_context>

<pallas_src>
import functools

import jax
import jax.numpy as jnp
import numpy as np
from jax import lax
from jax.experimental import pallas as pl
from jax.experimental.pallas import tpu as pltpu
from jax.experimental.pallas import tpu_sc as plsc

N = 10000
E = 320000
LMAX = 2
NCH = 16
SPH = (LMAX + 1) ** 2
OUT = SPH * NCH
D_DIST = 128
HID = 64
MAX_ELEM = 90
RESCALE = 32.0

NC = 2
NS = 16
NW = NC * NS
EPW = E // NW
CK = 40
NPAD = 10240
ROWS = NPAD // NS

_mesh = plsc.VectorSubcoreMesh(core_axis_name="c", subcore_axis_name="s")
_sc_params = pltpu.CompilerParams(needs_layout_passes=False)


@functools.partial(
    pl.kernel,
    out_type=(jax.ShapeDtypeStruct((E,), jnp.float32),
              jax.ShapeDtypeStruct((E,), jnp.float32)),
    mesh=_mesh,
    scratch_types=[
        pltpu.VMEM((N,), jnp.int32),
        pltpu.VMEM((EPW,), jnp.int32),
        pltpu.VMEM((EPW,), jnp.float32),
    ],
    compiler_params=_sc_params,
)
def _gather_els(an_hbm, sidx_hbm, tidx_hbm, souts_hbm, touts_hbm, an_v, idx_v, el_v):
    wid = lax.axis_index("s") * NC + lax.axis_index("c")
    base = wid * EPW
    pltpu.sync_copy(an_hbm, an_v)
    for in_hbm, out_hbm in ((sidx_hbm, souts_hbm), (tidx_hbm, touts_hbm)):
        pltpu.sync_copy(in_hbm.at[pl.ds(base, EPW)], idx_v)

        def body(k, carry):
            idx = idx_v[pl.ds(k * 16, 16)]
            el = plsc.load_gather(an_v, [idx])
            el_v[pl.ds(k * 16, 16)] = el.astype(jnp.float32)
            return carry

        lax.fori_loop(0, EPW // 16, body, 0)
        pltpu.sync_copy(el_v, out_hbm.at[pl.ds(base, EPW)])


BB = 1280
NB = E // BB


def _dense_body(ed_ref, sel_ref, tel_ref, env_ref, wig_ref,
                w0d_ref, ps_ref, pt_ref, b0_ref, g0_ref, be0_ref,
                w1_ref, b1_ref, g1_ref, be1_ref, w2_ref, b2_ref,
                g_ref, h_ref, outa_ref, outb_ref):
    f32 = jnp.float32

    def mm(a, b):
        return jnp.dot(a, b, preferred_element_type=f32)

    def mmt(a, b):
        return lax.dot_general(a, b, (((0,), (0,)), ((), ())),
                               preferred_element_type=f32)

    ed = ed_ref[...]
    iota = lax.broadcasted_iota(jnp.int32, (96, BB), 0).astype(f32)
    selr = sel_ref[...].reshape(1, BB)
    telr = tel_ref[...].reshape(1, BB)
    ohst = (iota == selr).astype(f32)
    ohtt = (iota == telr).astype(f32)
    h = mm(ed, w0d_ref[...]) + mmt(ohst, ps_ref[...]) + mmt(ohtt, pt_ref[...]) + b0_ref[...]

    def ln_silu(x, g, b):
        mu = jnp.mean(x, axis=1, keepdims=True)
        xc = x - mu
        var = jnp.mean(xc * xc, axis=1, keepdims=True)
        y = xc * lax.rsqrt(var + 1e-5) * g + b
        return y * jax.nn.sigmoid(y)

    a1 = ln_silu(h, g0_ref[...], be0_ref[...])
    h2 = mm(a1, w1_ref[...]) + b1_ref[...]
    a2 = ln_silu(h2, g1_ref[...], be1_ref[...])
    r = mm(a2, w2_ref[...]) + b2_ref[...]

    envr = env_ref[...].reshape(1, BB)
    acc = jnp.zeros((BB, OUT), f32)
    for j in range(LMAX + 1):
        wjt = jnp.concatenate(
            [wig_ref[i, j, :].reshape(1, BB) for i in range(SPH)],
            axis=0) * envr
        xj = r[:, j * NCH:(j + 1) * NCH]
        acc = acc + mmt(wjt, g_ref[...]) * mm(xj, h_ref[...])
    outa_ref[...] = acc[:, :128]
    outb_ref[...] = jnp.concatenate(
        [acc[:, 128:], jnp.zeros((BB, 256 - OUT), f32)], axis=1)


def _make_dense(nb, off):
    full = lambda shape: pl.BlockSpec(shape, lambda i: (0,) * len(shape))
    row = lambda w: pl.BlockSpec((BB, w), lambda i: (i + off, 0))
    return pl.pallas_call(
        _dense_body,
        grid=(nb,),
        in_specs=[
            row(D_DIST),
            pl.BlockSpec((1, 1, BB), lambda i: (i + off, 0, 0)),
            pl.BlockSpec((1, 1, BB), lambda i: (i + off, 0, 0)),
            pl.BlockSpec((1, 1, BB), lambda i: (i + off, 0, 0)),
            pl.BlockSpec((SPH, SPH, BB), lambda i: (0, 0, i + off)),
            full((128, HID)), full((96, HID)), full((96, HID)),
            full((1, HID)), full((1, HID)), full((1, HID)),
            full((HID, HID)), full((1, HID)), full((1, HID)), full((1, HID)),
            full((HID, (LMAX + 1) * NCH)), full((1, (LMAX + 1) * NCH)),
            full((SPH, OUT)), full((NCH, OUT)),
        ],
        out_specs=[pl.BlockSpec((BB, 128), lambda i: (i, 0)),
                   pl.BlockSpec((BB, 128), lambda i: (i, 0))],
        out_shape=[jax.ShapeDtypeStruct((nb * BB, 128), jnp.float32),
                   jax.ShapeDtypeStruct((nb * BB, 128), jnp.float32)],
        compiler_params=pltpu.CompilerParams(dimension_semantics=("arbitrary",)),
    )


E0 = 217600
E1 = E - E0
_dense0 = _make_dense(E0 // BB, 0)
_dense1 = _make_dense(E1 // BB, E0 // BB)


G = 2


def _make_scatter(ne):
    eps = ne // NS
    nchk = eps // CK
    ngrp = nchk // G
    assert eps * NS == ne and nchk * CK == eps and ngrp * G == nchk
    assert ngrp % 2 == 0

    @functools.partial(
        pl.kernel,
        out_type=jax.ShapeDtypeStruct((NC, NPAD, 128), jnp.float32),
        mesh=_mesh,
        scratch_types=[
            pltpu.VMEM_SHARED((NPAD, 128), jnp.float32),
            pltpu.VMEM((2 * G * CK, 128), jnp.float32),
            pltpu.VMEM((2, G, CK), jnp.int32),
            pltpu.SemaphoreType.DMA,
            pltpu.SemaphoreType.DMA,
            pltpu.SemaphoreType.DMA,
            pltpu.SemaphoreType.DMA,
            pltpu.SemaphoreType.DMA,
        ],
        compiler_params=_sc_params,
    )
    def _scatter(xa_hbm, xb_hbm, tgt4_hbm, zer_hbm, out_hbm, acc, vals_v,
                 idx_v, fsem0, fsem1, ssem0, ssem1, isem):
        cid = lax.axis_index("c")
        sid = lax.axis_index("s")
        pltpu.sync_copy(zer_hbm, acc.at[pl.ds(sid * ROWS, ROWS)])
        plsc.subcore_barrier()
        base = sid * eps
        fsems = (fsem0, fsem1)
        ssems = (ssem0, ssem1)

        def run(src_hbm):
            def fill(g, h, fsem):
                pltpu.async_copy(tgt4_hbm.at[sid, g], idx_v.at[h], fsem)
                for b in range(G):
                    pltpu.async_copy(
                        src_hbm.at[pl.ds(base + (g * G + b) * CK, CK)],
                        vals_v.at[pl.ds((h * G + b) * CK, CK)], fsem)

            def fill_wait(g, h, fsem):
                pltpu.make_async_copy(tgt4_hbm.at[sid, g], idx_v.at[h],
                                      fsem).wait()
                for b in range(G):
                    pltpu.make_async_copy(
                        src_hbm.at[pl.ds(base + (g * G + b) * CK, CK)],
                        vals_v.at[pl.ds((h * G + b) * CK, CK)], fsem).wait()

            def scat(h, ssem):
                for b in range(G):
                    pltpu.async_copy(vals_v.at[pl.ds((h * G + b) * CK, CK)],
                                     acc.at[idx_v.at[h, b]], ssem, add=True)

            def scat_wait(h, ssem):
                for b in range(G):
                    pltpu.make_async_copy(
                        src_hbm.at[pl.ds(base, CK)],
                        vals_v.at[pl.ds((h * G + b) * CK, CK)], ssem).wait()

            fill(0, 0, fsem0)

            def pair(p, carry):
                for h in (0, 1):
                    g = 2 * p + h
                    fill_wait(g, h, fsems[h])
                    scat(h, ssems[h])
                    if h == 0:
                        @pl.when(p > 0)
                        def _():
                            scat_wait(1, ssems[1])

                        fill(g + 1, 1, fsems[1])
                    else:
                        scat_wait(0, ssems[0])

                        @pl.when(p < ngrp // 2 - 1)
                        def _():
                            fill(g + 1, 0, fsems[0])
                return carry

            lax.fori_loop(0, ngrp // 2, pair, 0)
            scat_wait(1, ssems[1])

        @pl.when(cid == 0)
        def _():
            run(xa_hbm)

        @pl.when(cid == 1)
        def _():
            run(xb_hbm)

        plsc.subcore_barrier()
        r0 = sid * ROWS
        pltpu.sync_copy(acc.at[pl.ds(r0, ROWS)],
                        out_hbm.at[cid, pl.ds(r0, ROWS)])

    return _scatter


_scatter0 = _make_scatter(E0)
_scatter1 = _make_scatter(E1)


def kernel(atomic_numbers, edge_distance, edge_index, edge_envelope_weight,
           wigner_inv, source_emb, target_emb, W0, b0, g0, be0, W1, b1, g1,
           be1, W2, b2):
    f32 = jnp.float32
    an = atomic_numbers.astype(jnp.int32)
    eidx = edge_index.astype(jnp.int32)

    sel, tel = _gather_els(an, eidx[0], eidx[1])

    w0d = W0[:D_DIST]
    semb = jnp.zeros((96, HID), f32).at[:MAX_ELEM].set(source_emb)
    temb = jnp.zeros((96, HID), f32).at[:MAX_ELEM].set(target_emb)
    ps = semb @ W0[D_DIST:D_DIST + HID]
    pt = temb @ W0[D_DIST + HID:]
    r1 = lambda v: v.reshape(1, -1)

    g_np = np.zeros((SPH, OUT), np.float32)
    for i in range(SPH):
        g_np[i, i * NCH:(i + 1) * NCH] = 1.0
    h_np = np.zeros((NCH, OUT), np.float32)
    for c in range(NCH):
        for i in range(SPH):
            h_np[c, i * NCH + c] = 1.0

    wigjt = jnp.transpose(wigner_inv, (1, 2, 0))
    args = (edge_distance, sel.reshape(NB, 1, BB), tel.reshape(NB, 1, BB),
            edge_envelope_weight.reshape(NB, 1, BB), wigjt,
            w0d, ps, pt, r1(b0), r1(g0), r1(be0),
            W1, r1(b1), r1(g1), r1(be1), W2, r1(b2),
            jnp.asarray(g_np), jnp.asarray(h_np))
    zer = jnp.zeros((ROWS, 128), f32)
    tgt = eidx[1]

    xa0, xb0 = _dense0(*args)
    p0 = _scatter0(xa0, xb0,
                   tgt[:E0].reshape(NS, E0 // NS // (G * CK), G, CK), zer)
    xa1, xb1 = _dense1(*args)
    p1 = _scatter1(xa1, xb1,
                   tgt[E0:].reshape(NS, E1 // NS // (G * CK), G, CK), zer)
    partials = p0 + p1
    out = jnp.concatenate([partials[0, :N], partials[1, :N, :OUT - 128]],
                          axis=1) * (1.0 / RESCALE)
    return out.reshape(N, SPH, NCH)

# --- scband reference (transcript-rebuilt; emitter-appended) ---
"""Pipeline reference for scband-edge-degree-embedding-42305427866224 (READ-ONLY COPY).

The authoritative reference and input builder live on the scoring server;
editing this copy changes nothing except your own understanding.
"""

import jax, jax.numpy as jnp
import numpy as np

N = 10000
E = 320000
LMAX = 2
NUM_CHANNELS = 16
MAX_ELEM = 90
D_DIST = 128
HID = 64
RESCALE = 32.0
SPH = (LMAX + 1) ** 2
OUT_RAD = (LMAX + 1) * NUM_CHANNELS


def _linear_init(key, fan_in, fan_out):
    bound = 1.0 / float(np.sqrt(fan_in))
    kw, kb = jax.random.split(key)
    W = jax.random.uniform(kw, (fan_in, fan_out), minval=-bound, maxval=bound, dtype=jnp.float32)
    b = jax.random.uniform(kb, (fan_out,), minval=-bound, maxval=bound, dtype=jnp.float32)
    return W, b


def setup_inputs(seed: int = 0) -> dict:
    key = jax.random.key(seed)
    ks = jax.random.split(key, 12)
    inp = {}
    inp["atomic_numbers"] = jax.random.randint(ks[0], (N,), 0, MAX_ELEM)
    inp["edge_distance"] = jax.random.normal(ks[1], (E, D_DIST), dtype=jnp.float32)
    inp["edge_index"] = jax.random.randint(ks[2], (2, E), 0, N)
    inp["edge_envelope_weight"] = jax.random.uniform(ks[3], (E, 1), dtype=jnp.float32)
    inp["wigner_inv"] = jax.random.normal(ks[4], (E, SPH, SPH), dtype=jnp.float32) * 0.1
    inp["source_emb"] = jax.random.uniform(ks[5], (MAX_ELEM, HID), minval=-0.001, maxval=0.001, dtype=jnp.float32)
    inp["target_emb"] = jax.random.uniform(ks[6], (MAX_ELEM, HID), minval=-0.001, maxval=0.001, dtype=jnp.float32)
    c_in = D_DIST + 2 * HID
    inp["W0"], inp["b0"] = _linear_init(ks[7], c_in, HID)
    inp["g0"] = jnp.ones((HID,), jnp.float32)
    inp["be0"] = jnp.zeros((HID,), jnp.float32)
    inp["W1"], inp["b1"] = _linear_init(ks[8], HID, HID)
    inp["g1"] = jnp.ones((HID,), jnp.float32)
    inp["be1"] = jnp.zeros((HID,), jnp.float32)
    inp["W2"], inp["b2"] = _linear_init(ks[9], HID, OUT_RAD)
    return inp


def _layer_norm(x, g, b):
    mu = jnp.mean(x, axis=-1, keepdims=True)
    var = jnp.mean((x - mu) ** 2, axis=-1, keepdims=True)
    return (x - mu) / jnp.sqrt(var + 1e-5) * g + b


def reference(atomic_numbers, edge_distance, edge_index, edge_envelope_weight, wigner_inv,
              source_emb, target_emb, W0, b0, g0, be0, W1, b1, g1, be1, W2, b2):
    # atom-edge embedding gathers
    src_el = atomic_numbers[edge_index[0]]
    tgt_el = atomic_numbers[edge_index[1]]
    se = jnp.take(source_emb, src_el, axis=0)
    te = jnp.take(target_emb, tgt_el, axis=0)
    x_edge = jnp.concatenate([edge_distance, se, te], axis=1)
    # RadialFunction: Linear -> LN -> SiLU -> Linear -> LN -> SiLU -> Linear
    h = x_edge @ W0 + b0
    h = jax.nn.silu(_layer_norm(h, g0, be0))
    h = h @ W1 + b1
    h = jax.nn.silu(_layer_norm(h, g1, be1))
    x_edge_m0 = h @ W2 + b2
    # envelope
    x_edge_m0 = x_edge_m0 * edge_envelope_weight
    x_edge_m0 = x_edge_m0.reshape(E, LMAX + 1, NUM_CHANNELS)
    # rotate with (narrowed) inverse Wigner-D: [E, SPH, lmax+1] @ [E, lmax+1, C]
    x_rot = jnp.einsum("eij,ejc->eic", wigner_inv[:, :, : LMAX + 1], x_edge_m0)
    # reduce_edge: scatter-add over destination nodes
    out = jax.ops.segment_sum(x_rot, edge_index[1], num_segments=N)
    out = out / RESCALE
    return out

if __name__ == "__main__":
    import jax
    _d = setup_inputs()
    print(jax.jit(kernel)(*tuple(_d.values())))

</pallas_src>

<mosaic_0001>
#map = affine_map<(d0, d1) -> (0)>
module attributes {stable_mosaic.version = 14 : i64} {
  func.func @_gather_els(%arg0: i32, %arg1: i32, %arg2: memref<10000xi32, #tpu.memory_space<hbm>>, %arg3: memref<320000xi32, #tpu.memory_space<hbm>>, %arg4: memref<320000xi32, #tpu.memory_space<hbm>>, %arg5: memref<320000xf32, #tpu.memory_space<hbm>>, %arg6: memref<320000xf32, #tpu.memory_space<hbm>>, %arg7: memref<10000xi32, #tpu.memory_space<vmem>>, %arg8: memref<10000xi32, #tpu.memory_space<vmem>>, %arg9: memref<10000xf32, #tpu.memory_space<vmem>>) attributes {dimension_semantics = [#tpu.dimension_semantics<core_parallel>, #tpu.dimension_semantics<subcore_parallel>], iteration_bounds = array<i64: 2, 16>, scalar_prefetch = 0 : i64, scratch_operands = 3 : i64, tpu.core_type = #tpu.core_type<sc_vector_subcore>, window_params = [{transform_indices = #map}, {transform_indices = #map}, {transform_indices = #map}, {transform_indices = #map}, {transform_indices = #map}]} {
    %mul3A = arith.constant 2 : i32
    %mul3A_0 = arith.muli %arg1, %mul3A : i32
    %add3A = arith.addi %mul3A_0, %arg0 : i32
    %mul3A_1 = arith.constant 10000 : i32
    %mul3A_2 = arith.muli %add3A, %mul3A_1 : i32
    "tpu.region"() ({
      %run_scoped3A = tpu.sem_alloc : memref<!tpu.dma_semaphore, #tpu.memory_space<semaphore_mem>>
      tpu.enqueue_dma source(%arg2 : memref<10000xi32, #tpu.memory_space<hbm>>) target(%arg7 : memref<10000xi32, #tpu.memory_space<vmem>>) target_semaphore(%run_scoped3A : memref<!tpu.dma_semaphore, #tpu.memory_space<semaphore_mem>>)
      tpu.wait_dma2 semaphore(%run_scoped3A : memref<!tpu.dma_semaphore, #tpu.memory_space<semaphore_mem>>) src(%arg2 : memref<10000xi32, #tpu.memory_space<hbm>>) dst(%arg7 : memref<10000xi32, #tpu.memory_space<vmem>>)
      tpu.yield
    }) : () -> ()
    "tpu.region"() ({
      %run_scoped3A = tpu.sem_alloc : memref<!tpu.dma_semaphore, #tpu.memory_space<semaphore_mem>>
      %dma_start3A = tpu.memref_slice %arg3[%mul3A_2] : memref<320000xi32, #tpu.memory_space<hbm>> -> memref<10000xi32, #tpu.memory_space<hbm>>
      %dma_start3A_14 = tpu.memref_slice %arg3[%mul3A_2] : memref<320000xi32, #tpu.memory_space<hbm>> -> memref<10000xi32, #tpu.memory_space<hbm>>
      tpu.enqueue_dma source(%dma_start3A_14 : memref<10000xi32, #tpu.memory_space<hbm>>) target(%arg8 : memref<10000xi32, #tpu.memory_space<vmem>>) target_semaphore(%run_scoped3A : memref<!tpu.dma_semaphore, #tpu.memory_space<semaphore_mem>>)
      %dma_wait3A = tpu.memref_slice %arg3[%mul3A_2] : memref<320000xi32, #tpu.memory_space<hbm>> -> memref<10000xi32, #tpu.memory_space<hbm>>
      %dma_wait3A_15 = tpu.memref_slice %arg3[%mul3A_2] : memref<320000xi32, #tpu.memory_space<hbm>> -> memref<10000xi32, #tpu.memory_space<hbm>>
      tpu.wait_dma2 semaphore(%run_scoped3A : memref<!tpu.dma_semaphore, #tpu.memory_space<semaphore_mem>>) src(%dma_wait3A_15 : memref<10000xi32, #tpu.memory_space<hbm>>) dst(%arg8 : memref<10000xi32, #tpu.memory_space<vmem>>)
      tpu.yield
    }) : () -> ()
    %scan3A = arith.constant 0 : i32
    %scan3A_3 = arith.constant 0 : i32
    %scan3A_4 = arith.constant 625 : i32
    %scan3A_5 = arith.addi %scan3A_3, %scan3A_4 : i32
    %scan3A_6 = arith.constant 1 : i32
    scf.for %scan3A_14 = %scan3A_3 to %scan3A_5 step %scan3A_6  : i32 {
      %mul3A_15 = arith.constant 16 : i32
      %mul3A_16 = arith.muli %scan3A_14, %mul3A_15 : i32
      %get3A = arith.index_cast %mul3A_16 : i32 to index
      %get3A_17 = tpu.vector_load %arg8[%get3A] {strides = array<i32>} : memref<10000xi32, #tpu.memory_space<vmem>>, vector<16xi32>,
      %gather3A = tpu.vector_load_idx %arg7[%get3A_17] : memref<10000xi32, #tpu.memory_space<vmem>>[vector<16xi32>], vector<16xi32>,
      %convert_element_type3A = arith.sitofp %gather3A : vector<16xi32> to vector<16xf32>
      %mul3A_18 = arith.constant 16 : i32
      %mul3A_19 = arith.muli %scan3A_14, %mul3A_18 : i32
      %swap3A = arith.index_cast %mul3A_19 : i32 to index
      %swap3A_20 = tpu.vector_load %arg9[%swap3A] {strides = array<i32>} : memref<10000xf32, #tpu.memory_space<vmem>>, vector<16xf32>,
      tpu.vector_store %arg9[%swap3A], %convert_element_type3A {strides = array<i32>} : memref<10000xf32, #tpu.memory_space<vmem>>, vector<16xf32>,
    }
    %scan3A_7 = arith.constant 625 : i32
    "tpu.region"() ({
      %run_scoped3A = tpu.sem_alloc : memref<!tpu.dma_semaphore, #tpu.memory_space<semaphore_mem>>
      %dma_start3A = tpu.memref_slice %arg5[%mul3A_2] : memref<320000xf32, #tpu.memory_space<hbm>> -> memref<10000xf32, #tpu.memory_space<hbm>>
      %dma_start3A_14 = tpu.memref_slice %arg5[%mul3A_2] : memref<320000xf32, #tpu.memory_space<hbm>> -> memref<10000xf32, #tpu.memory_space<hbm>>
      tpu.enqueue_dma source(%arg9 : memref<10000xf32, #tpu.memory_space<vmem>>) target(%dma_start3A_14 : memref<10000xf32, #tpu.memory_space<hbm>>) target_semaphore(%run_scoped3A : memref<!tpu.dma_semaphore, #tpu.memory_space<semaphore_mem>>)
      %dma_wait3A = tpu.memref_slice %arg5[%mul3A_2] : memref<320000xf32, #tpu.memory_space<hbm>> -> memref<10000xf32, #tpu.memory_space<hbm>>
      %dma_wait3A_15 = tpu.memref_slice %arg5[%mul3A_2] : memref<320000xf32, #tpu.memory_space<hbm>> -> memref<10000xf32, #tpu.memory_space<hbm>>
      tpu.wait_dma2 semaphore(%run_scoped3A : memref<!tpu.dma_semaphore, #tpu.memory_space<semaphore_mem>>) src(%arg9 : memref<10000xf32, #tpu.memory_space<vmem>>) dst(%dma_wait3A_15 : memref<10000xf32, #tpu.memory_space<hbm>>)
      tpu.yield
    }) : () -> ()
    "tpu.region"() ({
      %run_scoped3A = tpu.sem_alloc : memref<!tpu.dma_semaphore, #tpu.memory_space<semaphore_mem>>
      %dma_start3A = tpu.memref_slice %arg4[%mul3A_2] : memref<320000xi32, #tpu.memory_space<hbm>> -> memref<10000xi32, #tpu.memory_space<hbm>>
      %dma_start3A_14 = tpu.memref_slice %arg4[%mul3A_2] : memref<320000xi32, #tpu.memory_space<hbm>> -> memref<10000xi32, #tpu.memory_space<hbm>>
      tpu.enqueue_dma source(%dma_start3A_14 : memref<10000xi32, #tpu.memory_space<hbm>>) target(%arg8 : memref<10000xi32, #tpu.memory_space<vmem>>) target_semaphore(%run_scoped3A : memref<!tpu.dma_semaphore, #tpu.memory_space<semaphore_mem>>)
      %dma_wait3A = tpu.memref_slice %arg4[%mul3A_2] : memref<320000xi32, #tpu.memory_space<hbm>> -> memref<10000xi32, #tpu.memory_space<hbm>>
      %dma_wait3A_15 = tpu.memref_slice %arg4[%mul3A_2] : memref<320000xi32, #tpu.memory_space<hbm>> -> memref<10000xi32, #tpu.memory_space<hbm>>
      tpu.wait_dma2 semaphore(%run_scoped3A : memref<!tpu.dma_semaphore, #tpu.memory_space<semaphore_mem>>) src(%dma_wait3A_15 : memref<10000xi32, #tpu.memory_space<hbm>>) dst(%arg8 : memref<10000xi32, #tpu.memory_space<vmem>>)
      tpu.yield
    }) : () -> ()
    %scan3A_8 = arith.constant 0 : i32
    %scan3A_9 = arith.constant 0 : i32
    %scan3A_10 = arith.constant 625 : i32
    %scan3A_11 = arith.addi %scan3A_9, %scan3A_10 : i32
    %scan3A_12 = arith.constant 1 : i32
    scf.for %scan3A_14 = %scan3A_9 to %scan3A_11 step %scan3A_12  : i32 {
      %mul3A_15 = arith.constant 16 : i32
      %mul3A_16 = arith.muli %scan3A_14, %mul3A_15 : i32
      %get3A = arith.index_cast %mul3A_16 : i32 to index
      %get3A_17 = tpu.vector_load %arg8[%get3A] {strides = array<i32>} : memref<10000xi32, #tpu.memory_space<vmem>>, vector<16xi32>,
      %gather3A = tpu.vector_load_idx %arg7[%get3A_17] : memref<10000xi32, #tpu.memory_space<vmem>>[vector<16xi32>], vector<16xi32>,
      %convert_element_type3A = arith.sitofp %gather3A : vector<16xi32> to vector<16xf32>
      %mul3A_18 = arith.constant 16 : i32
      %mul3A_19 = arith.muli %scan3A_14, %mul3A_18 : i32
      %swap3A = arith.index_cast %mul3A_19 : i32 to index
      %swap3A_20 = tpu.vector_load %arg9[%swap3A] {strides = array<i32>} : memref<10000xf32, #tpu.memory_space<vmem>>, vector<16xf32>,
      tpu.vector_store %arg9[%swap3A], %convert_element_type3A {strides = array<i32>} : memref<10000xf32, #tpu.memory_space<vmem>>, vector<16xf32>,
    }
    %scan3A_13 = arith.constant 625 : i32
    "tpu.region"() ({
      %run_scoped3A = tpu.sem_alloc : memref<!tpu.dma_semaphore, #tpu.memory_space<semaphore_mem>>
      %dma_start3A = tpu.memref_slice %arg6[%mul3A_2] : memref<320000xf32, #tpu.memory_space<hbm>> -> memref<10000xf32, #tpu.memory_space<hbm>>
      %dma_start3A_14 = tpu.memref_slice %arg6[%mul3A_2] : memref<320000xf32, #tpu.memory_space<hbm>> -> memref<10000xf32, #tpu.memory_space<hbm>>
      tpu.enqueue_dma source(%arg9 : memref<10000xf32, #tpu.memory_space<vmem>>) target(%dma_start3A_14 : memref<10000xf32, #tpu.memory_space<hbm>>) target_semaphore(%run_scoped3A : memref<!tpu.dma_semaphore, #tpu.memory_space<semaphore_mem>>)
      %dma_wait3A = tpu.memref_slice %arg6[%mul3A_2] : memref<320000xf32, #tpu.memory_space<hbm>> -> memref<10000xf32, #tpu.memory_space<hbm>>
      %dma_wait3A_15 = tpu.memref_slice %arg6[%mul3A_2] : memref<320000xf32, #tpu.memory_space<hbm>> -> memref<10000xf32, #tpu.memory_space<hbm>>
      tpu.wait_dma2 semaphore(%run_scoped3A : memref<!tpu.dma_semaphore, #tpu.memory_space<semaphore_mem>>) src(%arg9 : memref<10000xf32, #tpu.memory_space<vmem>>) dst(%dma_wait3A_15 : memref<10000xf32, #tpu.memory_space<hbm>>)
      tpu.yield
    }) : () -> ()
    return
  }
}

#map = affine_map<(d0, d1) -> (0, 0)>
#map1 = affine_map<(d0, d1) -> (0, 0, 0, 0)>
#map2 = affine_map<(d0, d1) -> (0, 0, 0)>
module attributes {stable_mosaic.version = 14 : i64} {
  func.func @_scatter(%arg0: i32, %arg1: i32, %arg2: memref<217600x128xf32, #tpu.memory_space<hbm>>, %arg3: memref<217600x128xf32, #tpu.memory_space<hbm>>, %arg4: memref<16x170x2x40xi32, #tpu.memory_space<hbm>>, %arg5: memref<640x128xf32, #tpu.memory_space<hbm>>, %arg6: memref<2x10240x128xf32, #tpu.memory_space<hbm>>, %arg7: memref<10240x128xf32, #tpu.memory_space<vmem_shared>>, %arg8: memref<160x128xf32, #tpu.memory_space<vmem>>, %arg9: memref<2x2x40xi32, #tpu.memory_space<vmem>>, %arg10: memref<!tpu.dma_semaphore, #tpu.memory_space<semaphore_mem>>, %arg11: memref<!tpu.dma_semaphore, #tpu.memory_space<semaphore_mem>>, %arg12: memref<!tpu.dma_semaphore, #tpu.memory_space<semaphore_mem>>, %arg13: memref<!tpu.dma_semaphore, #tpu.memory_space<semaphore_mem>>, %arg14: memref<!tpu.dma_semaphore, #tpu.memory_space<semaphore_mem>>) attributes {dimension_semantics = [#tpu.dimension_semantics<core_parallel>, #tpu.dimension_semantics<subcore_parallel>], iteration_bounds = array<i64: 2, 16>, scalar_prefetch = 0 : i64, scratch_operands = 8 : i64, tpu.core_type = #tpu.core_type<sc_vector_subcore>, window_params = [{transform_indices = #map}, {transform_indices = #map}, {transform_indices = #map1}, {transform_indices = #map}, {transform_indices = #map2}]} {
    %mul3A = arith.constant 640 : i32
    %mul3A_0 = arith.muli %arg1, %mul3A : i32
    "tpu.region"() ({
      %run_scoped3A = tpu.sem_alloc : memref<!tpu.dma_semaphore, #tpu.memory_space<semaphore_mem>>
      %dma_start3A = arith.constant 0 : i32
      %dma_start3A_13 = tpu.memref_slice %arg7[%mul3A_0, %dma_start3A] : memref<10240x128xf32, #tpu.memory_space<vmem_shared>> -> memref<640x128xf32, #tpu.memory_space<vmem_shared>>
      tpu.enqueue_dma source(%arg5 : memref<640x128xf32, #tpu.memory_space<hbm>>) target(%dma_start3A_13 : memref<640x128xf32, #tpu.memory_space<vmem_shared>>) target_semaphore(%run_scoped3A : memref<!tpu.dma_semaphore, #tpu.memory_space<semaphore_mem>>)
      %dma_wait3A = arith.constant 0 : i32
      %dma_wait3A_14 = tpu.memref_slice %arg7[%mul3A_0, %dma_wait3A] : memref<10240x128xf32, #tpu.memory_space<vmem_shared>> -> memref<640x128xf32, #tpu.memory_space<vmem_shared>>
      tpu.wait_dma2 semaphore(%run_scoped3A : memref<!tpu.dma_semaphore, #tpu.memory_space<semaphore_mem>>) src(%arg5 : memref<640x128xf32, #tpu.memory_space<hbm>>) dst(%dma_wait3A_14 : memref<640x128xf32, #tpu.memory_space<vmem_shared>>)
      tpu.yield
    }) : () -> ()
    %barrier3A = arith.constant 0 : index
    tpu.barrier barrier_id(%barrier3A)
    %mul3A_1 = arith.constant 13600 : i32
    %mul3A_2 = arith.muli %arg1, %mul3A_1 : i32
    %eq3A = arith.constant 0 : i32
    %eq3A_3 = arith.cmpi eq, %arg0, %eq3A : i32
    %convert_element_type3A = arith.extui %eq3A_3 : i1 to i32
    %cond3A = arith.constant 0 : i32
    %cond3A_4 = arith.cmpi ne, %convert_element_type3A, %cond3A : i32
    scf.if %cond3A_4 {
      %dma_start3A = arith.constant 0 : i32
      %dma_start3A_13 = arith.constant 0 : i32
      %dma_start3A_14 = arith.constant 0 : i32
      %dma_start3A_15 = arith.constant 0 : i32
      %dma_start3A_16 = tpu.memref_slice %arg9[%dma_start3A_13, %dma_start3A_14, %dma_start3A_15] : memref<2x2x40xi32, #tpu.memory_space<vmem>> -> memref<1x2x40xi32, #tpu.memory_space<vmem>>
      %dma_start3A_17 = tpu.memref_squeeze %dma_start3A_16 : memref<1x2x40xi32, #tpu.memory_space<vmem>> -> memref<2x40xi32, #tpu.memory_space<vmem>>
      %dma_start3A_18 = arith.constant 0 : i32
      %dma_start3A_19 = arith.constant 0 : i32
      %dma_start3A_20 = tpu.memref_slice %arg4[%arg1, %dma_start3A, %dma_start3A_18, %dma_start3A_19] : memref<16x170x2x40xi32, #tpu.memory_space<hbm>> -> memref<1x1x2x40xi32, #tpu.memory_space<hbm>>
      %dma_start3A_21 = tpu.memref_squeeze %dma_start3A_20 : memref<1x1x2x40xi32, #tpu.memory_space<hbm>> -> memref<2x40xi32, #tpu.memory_space<hbm>>
      %dma_start3A_22 = arith.constant 0 : i32
      %dma_start3A_23 = arith.constant 0 : i32
      %dma_start3A_24 = tpu.memref_slice %arg9[%dma_start3A_13, %dma_start3A_22, %dma_start3A_23] : memref<2x2x40xi32, #tpu.memory_space<vmem>> -> memref<1x2x40xi32, #tpu.memory_space<vmem>>
      %dma_start3A_25 = tpu.memref_squeeze %dma_start3A_24 : memref<1x2x40xi32, #tpu.memory_space<vmem>> -> memref<2x40xi32, #tpu.memory_space<vmem>>
      %dma_start3A_26 = arith.constant 0 : i32
      %dma_start3A_27 = arith.constant 0 : i32
      %dma_start3A_28 = tpu.memref_slice %arg4[%arg1, %dma_start3A, %dma_start3A_26, %dma_start3A_27] : memref<16x170x2x40xi32, #tpu.memory_space<hbm>> -> memref<1x1x2x40xi32, #tpu.memory_space<hbm>>
      %dma_start3A_29 = tpu.memref_squeeze %dma_start3A_28 : memref<1x1x2x40xi32, #tpu.memory_space<hbm>> -> memref<2x40xi32, #tpu.memory_space<hbm>>
      tpu.enqueue_dma source(%dma_start3A_29 : memref<2x40xi32, #tpu.memory_space<hbm>>) target(%dma_start3A_25 : memref<2x40xi32, #tpu.memory_space<vmem>>) target_semaphore(%arg10 : memref<!tpu.dma_semaphore, #tpu.memory_space<semaphore_mem>>)
      %add3A = arith.constant 0 : i32
      %add3A_30 = arith.addi %mul3A_2, %add3A : i32
      %dma_start3A_31 = arith.constant 0 : i32
      %dma_start3A_32 = arith.constant 0 : i32
      %dma_start3A_33 = tpu.memref_slice %arg8[%dma_start3A_31, %dma_start3A_32] : memref<160x128xf32, #tpu.memory_space<vmem>> -> memref<40x128xf32, #tpu.memory_space<vmem>>
      %dma_start3A_34 = arith.constant 0 : i32
      %dma_start3A_35 = tpu.memref_slice %arg2[%add3A_30, %dma_start3A_34] : memref<217600x128xf32, #tpu.memory_space<hbm>> -> memref<40x128xf32, #tpu.memory_space<hbm>>
      %dma_start3A_36 = arith.constant 0 : i32
      %dma_start3A_37 = arith.constant 0 : i32
      %dma_start3A_38 = tpu.memref_slice %arg8[%dma_start3A_36, %dma_start3A_37] : memref<160x128xf32, #tpu.memory_space<vmem>> -> memref<40x128xf32, #tpu.memory_space<vmem>>
      %dma_start3A_39 = arith.constant 0 : i32
      %dma_start3A_40 = tpu.memref_slice %arg2[%add3A_30, %dma_start3A_39] : memref<217600x128xf32, #tpu.memory_space<hbm>> -> memref<40x128xf32, #tpu.memory_space<hbm>>
      tpu.enqueue_dma source(%dma_start3A_40 : memref<40x128xf32, #tpu.memory_space<hbm>>) target(%dma_start3A_38 : memref<40x128xf32, #tpu.memory_space<vmem>>) target_semaphore(%arg10 : memref<!tpu.dma_semaphore, #tpu.memory_space<semaphore_mem>>)
      %add3A_41 = arith.constant 40 : i32
      %add3A_42 = arith.addi %mul3A_2, %add3A_41 : i32
      %dma_start3A_43 = arith.constant 40 : i32
      %dma_start3A_44 = arith.constant 0 : i32
      %dma_start3A_45 = tpu.memref_slice %arg8[%dma_start3A_43, %dma_start3A_44] : memref<160x128xf32, #tpu.memory_space<vmem>> -> memref<40x128xf32, #tpu.memory_space<vmem>>
      %dma_start3A_46 = arith.constant 0 : i32
      %dma_start3A_47 = tpu.memref_slice %arg2[%add3A_42, %dma_start3A_46] : memref<217600x128xf32, #tpu.memory_space<hbm>> -> memref<40x128xf32, #tpu.memory_space<hbm>>
      %dma_start3A_48 = arith.constant 40 : i32
      %dma_start3A_49 = arith.constant 0 : i32
      %dma_start3A_50 = tpu.memref_slice %arg8[%dma_start3A_48, %dma_start3A_49] : memref<160x128xf32, #tpu.memory_space<vmem>> -> memref<40x128xf32, #tpu.memory_space<vmem>>
      %dma_start3A_51 = arith.constant 0 : i32
      %dma_start3A_52 = tpu.memref_slice %arg2[%add3A_42, %dma_start3A_51] : memref<217600x128xf32, #tpu.memory_space<hbm>> -> memref<40x128xf32, #tpu.memory_space<hbm>>
      tpu.enqueue_dma source(%dma_start3A_52 : memref<40x128xf32, #tpu.memory_space<hbm>>) target(%dma_start3A_50 : memref<40x128xf32, #tpu.memory_space<vmem>>) target_semaphore(%arg10 : memref<!tpu.dma_semaphore, #tpu.memory_space<semaphore_mem>>)
      %scan3A = arith.constant 0 : i32
      %scan3A_53 = arith.constant 0 : i32
      %scan3A_54 = arith.constant 85 : i32
      %scan3A_55 = arith.addi %scan3A_53, %scan3A_54 : i32
      %scan3A_56 = arith.constant 1 : i32
      scf.for %scan3A_77 = %scan3A_53 to %scan3A_55 step %scan3A_56  : i32 {
        %mul3A_78 = arith.constant 2 : i32
        %mul3A_79 = arith.muli %mul3A_78, %scan3A_77 : i32
        %add3A_80 = arith.constant 0 : i32
        %add3A_81 = arith.addi %mul3A_79, %add3A_80 : i32
        %dma_wait3A_82 = arith.constant 0 : i32
        %dma_wait3A_83 = arith.constant 0 : i32
        %dma_wait3A_84 = arith.constant 0 : i32
        %dma_wait3A_85 = tpu.memref_slice %arg9[%dma_wait3A_82, %dma_wait3A_83, %dma_wait3A_84] : memref<2x2x40xi32, #tpu.memory_space<vmem>> -> memref<1x2x40xi32, #tpu.memory_space<vmem>>
        %dma_wait3A_86 = tpu.memref_squeeze %dma_wait3A_85 : memref<1x2x40xi32, #tpu.memory_space<vmem>> -> memref<2x40xi32, #tpu.memory_space<vmem>>
        %dma_wait3A_87 = arith.constant 0 : i32
        %dma_wait3A_88 = arith.constant 0 : i32
        %dma_wait3A_89 = tpu.memref_slice %arg4[%arg1, %add3A_81, %dma_wait3A_87, %dma_wait3A_88] : memref<16x170x2x40xi32, #tpu.memory_space<hbm>> -> memref<1x1x2x40xi32, #tpu.memory_space<hbm>>
        %dma_wait3A_90 = tpu.memref_squeeze %dma_wait3A_89 : memref<1x1x2x40xi32, #tpu.memory_space<hbm>> -> memref<2x40xi32, #tpu.memory_space<hbm>>
        %dma_wait3A_91 = arith.constant 0 : i32
        %dma_wait3A_92 = arith.constant 0 : i32
        %dma_wait3A_93 = tpu.memref_slice %arg9[%dma_wait3A_82, %dma_wait3A_91, %dma_wait3A_92] : memref<2x2x40xi32, #tpu.memory_space<vmem>> -> memref<1x2x40xi32, #tpu.memory_space<vmem>>
        %dma_wait3A_94 = tpu.memref_squeeze %dma_wait3A_93 : memref<1x2x40xi32, #tpu.memory_space<vmem>> -> memref<2x40xi32, #tpu.memory_space<vmem>>
        %dma_wait3A_95 = arith.constant 0 : i32
        %dma_wait3A_96 = arith.constant 0 : i32
        %dma_wait3A_97 = tpu.memref_slice %arg4[%arg1, %add3A_81, %dma_wait3A_95, %dma_wait3A_96] : memref<16x170x2x40xi32, #tpu.memory_space<hbm>> -> memref<1x1x2x40xi32, #tpu.memory_space<hbm>>
        %dma_wait3A_98 = tpu.memref_squeeze %dma_wait3A_97 : memref<1x1x2x40xi32, #tpu.memory_space<hbm>> -> memref<2x40xi32, #tpu.memory_space<hbm>>
        tpu.wait_dma2 semaphore(%arg10 : memref<!tpu.dma_semaphore, #tpu.memory_space<semaphore_mem>>) src(%dma_wait3A_98 : memref<2x40xi32, #tpu.memory_space<hbm>>) dst(%dma_wait3A_94 : memref<2x40xi32, #tpu.memory_space<vmem>>)
        %mul3A_99 = arith.constant 2 : i32
        %mul3A_100 = arith.muli %add3A_81, %mul3A_99 : i32
        %add3A_101 = arith.constant 0 : i32
        %add3A_102 = arith.addi %mul3A_100, %add3A_101 : i32
        %mul3A_103 = arith.constant 40 : i32
        %mul3A_104 = arith.muli %add3A_102, %mul3A_103 : i32
        %add3A_105 = arith.addi %mul3A_2, %mul3A_104 : i32
        %dma_wait3A_106 = arith.constant 0 : i32
        %dma_wait3A_107 = arith.constant 0 : i32
        %dma_wait3A_108 = tpu.memref_slice %arg8[%dma_wait3A_106, %dma_wait3A_107] : memref<160x128xf32, #tpu.memory_space<vmem>> -> memref<40x128xf32, #tpu.memory_space<vmem>>
        %dma_wait3A_109 = arith.constant 0 : i32
        %dma_wait3A_110 = tpu.memref_slice %arg2[%add3A_105, %dma_wait3A_109] : memref<217600x128xf32, #tpu.memory_space<hbm>> -> memref<40x128xf32, #tpu.memory_space<hbm>>
        %dma_wait3A_111 = arith.constant 0 : i32
        %dma_wait3A_112 = arith.constant 0 : i32
        %dma_wait3A_113 = tpu.memref_slice %arg8[%dma_wait3A_111, %dma_wait3A_112] : memref<160x128xf32, #tpu.memory_space<vmem>> -> memref<40x128xf32, #tpu.memory_space<vmem>>
        %dma_wait3A_114 = arith.constant 0 : i32
        %dma_wait3A_115 = tpu.memref_slice %arg2[%add3A_105, %dma_wait3A_114] : memref<217600x128xf32, #tpu.memory_space<hbm>> -> memref<40x128xf32, #tpu.memory_space<hbm>>
        tpu.wait_dma2 semaphore(%arg10 : memref<!tpu.dma_semaphore, #tpu.memory_space<semaphore_mem>>) src(%dma_wait3A_115 : memref<40x128xf32, #tpu.memory_space<hbm>>) dst(%dma_wait3A_113 : memref<40x128xf32, #tpu.memory_space<vmem>>)
        %mul3A_116 = arith.constant 2 : i32
        %mul3A_117 = arith.muli %add3A_81, %mul3A_116 : i32
        %add3A_118 = arith.constant 1 : i32
        %add3A_119 = arith.addi %mul3A_117, %add3A_118 : i32
        %mul3A_120 = arith.constant 40 : i32
        %mul3A_121 = arith.muli %add3A_119, %mul3A_120 : i32
        %add3A_122 = arith.addi %mul3A_2, %mul3A_121 : i32
        %dma_wait3A_123 = arith.constant 40 : i32
        %dma_wait3A_124 = arith.constant 0 : i32
        %dma_wait3A_125 = tpu.memref_slice %arg8[%dma_wait3A_123, %dma_wait3A_124] : memref<160x128xf32, #tpu.memory_space<vmem>> -> memref<40x128xf32, #tpu.memory_space<vmem>>
        %dma_wait3A_126 = arith.constant 0 : i32
        %dma_wait3A_127 = tpu.memref_slice %arg2[%add3A_122, %dma_wait3A_126] : memref<217600x128xf32, #tpu.memory_space<hbm>> -> memref<40x128xf32, #tpu.memory_space<hbm>>
        %dma_wait3A_128 = arith.constant 40 : i32
        %dma_wait3A_129 = arith.constant 0 : i32
        %dma_wait3A_130 = tpu.memref_slice %arg8[%dma_wait3A_128, %dma_wait3A_129] : memref<160x128xf32, #tpu.memory_space<vmem>> -> memref<40x128xf32, #tpu.memory_space<vmem>>
        %dma_wait3A_131 = arith.constant 0 : i32
        %dma_wait3A_132 = tpu.memref_slice %arg2[%add3A_122, %dma_wait3A_131] : memref<217600x128xf32, #tpu.memory_space<hbm>> -> memref<40x128xf32, #tpu.memory_space<hbm>>
        tpu.wait_dma2 semaphore(%arg10 : memref<!tpu.dma_semaphore, #tpu.memory_space<semaphore_mem>>) src(%dma_wait3A_132 : memref<40x128xf32, #tpu.memory_space<hbm>>) dst(%dma_wait3A_130 : memref<40x128xf32, #tpu.memory_space<vmem>>)
        %dma_start3A_133 = arith.constant 0 : i32
        %dma_start3A_134 = arith.constant 0 : i32
        %dma_start3A_135 = arith.constant 0 : i32
        %dma_start3A_136 = arith.constant 0 : i32
        %dma_start3A_137 = tpu.memref_slice %arg8[%dma_start3A_135, %dma_start3A_136] : memref<160x128xf32, #tpu.memory_space<vmem>> -> memref<40x128xf32, #tpu.memory_space<vmem>>
        %dma_start3A_138 = arith.constant 0 : i32
        %dma_start3A_139 = tpu.memref_slice %arg9[%dma_start3A_133, %dma_start3A_134, %dma_start3A_138] : memref<2x2x40xi32, #tpu.memory_space<vmem>> -> memref<1x1x40xi32, #tpu.memory_space<vmem>>
        %dma_start3A_140 = tpu.memref_squeeze %dma_start3A_139 : memref<1x1x40xi32, #tpu.memory_space<vmem>> -> memref<40xi32, #tpu.memory_space<vmem>>
        %dma_start3A_141 = arith.constant 0 : i32
        %dma_start3A_142 = arith.constant 0 : i32
        %dma_start3A_143 = tpu.memref_slice %arg7[%dma_start3A_141, %dma_start3A_142] : memref<10240x128xf32, #tpu.memory_space<vmem_shared>> -> memref<10240x128xf32, #tpu.memory_space<vmem_shared>>
        tpu.enqueue_indirect_dma source(%dma_start3A_137 : memref<40x128xf32, #tpu.memory_space<vmem>>) target(%dma_start3A_143 : memref<10240x128xf32, #tpu.memory_space<vmem_shared>>) offsets(%dma_start3A_140 : memref<40xi32, #tpu.memory_space<vmem>>) semaphore(%arg12 : memref<!tpu.dma_semaphore, #tpu.memory_space<semaphore_mem>>) {add = true}
        %dma_start3A_144 = arith.constant 0 : i32
        %dma_start3A_145 = arith.constant 1 : i32
        %dma_start3A_146 = arith.constant 40 : i32
        %dma_start3A_147 = arith.constant 0 : i32
        %dma_start3A_148 = tpu.memref_slice %arg8[%dma_start3A_146, %dma_start3A_147] : memref<160x128xf32, #tpu.memory_space<vmem>> -> memref<40x128xf32, #tpu.memory_space<vmem>>
        %dma_start3A_149 = arith.constant 0 : i32
        %dma_start3A_150 = tpu.memref_slice %arg9[%dma_start3A_144, %dma_start3A_145, %dma_start3A_149] : memref<2x2x40xi32, #tpu.memory_space<vmem>> -> memref<1x1x40xi32, #tpu.memory_space<vmem>>
        %dma_start3A_151 = tpu.memref_squeeze %dma_start3A_150 : memref<1x1x40xi32, #tpu.memory_space<vmem>> -> memref<40xi32, #tpu.memory_space<vmem>>
        %dma_start3A_152 = arith.constant 0 : i32
        %dma_start3A_153 = arith.constant 0 : i32
        %dma_start3A_154 = tpu.memref_slice %arg7[%dma_start3A_152, %dma_start3A_153] : memref<10240x128xf32, #tpu.memory_space<vmem_shared>> -> memref<10240x128xf32, #tpu.memory_space<vmem_shared>>
        tpu.enqueue_indirect_dma source(%dma_start3A_148 : memref<40x128xf32, #tpu.memory_space<vmem>>) target(%dma_start3A_154 : memref<10240x128xf32, #tpu.memory_space<vmem_shared>>) offsets(%dma_start3A_151 : memref<40xi32, #tpu.memory_space<vmem>>) semaphore(%arg12 : memref<!tpu.dma_semaphore, #tpu.memory_space<semaphore_mem>>) {add = true}
        %gt3A = arith.constant 0 : i32
        %gt3A_155 = arith.cmpi sgt, %scan3A_77, %gt3A : i32
        %convert_element_type3A_156 = arith.extui %gt3A_155 : i1 to i32
        %cond3A_157 = arith.constant 0 : i32
        %cond3A_158 = arith.cmpi ne, %convert_element_type3A_156, %cond3A_157 : i32
        scf.if %cond3A_158 {
          %dma_wait3A_313 = arith.constant 80 : i32
          %dma_wait3A_314 = arith.constant 0 : i32
          %dma_wait3A_315 = tpu.memref_slice %arg8[%dma_wait3A_313, %dma_wait3A_314] : memref<160x128xf32, #tpu.memory_space<vmem>> -> memref<40x128xf32, #tpu.memory_space<vmem>>
          %dma_wait3A_316 = arith.constant 0 : i32
          %dma_wait3A_317 = tpu.memref_slice %arg2[%mul3A_2, %dma_wait3A_316] : memref<217600x128xf32, #tpu.memory_space<hbm>> -> memref<40x128xf32, #tpu.memory_space<hbm>>
          %dma_wait3A_318 = arith.constant 80 : i32
          %dma_wait3A_319 = arith.constant 0 : i32
          %dma_wait3A_320 = tpu.memref_slice %arg8[%dma_wait3A_318, %dma_wait3A_319] : memref<160x128xf32, #tpu.memory_space<vmem>> -> memref<40x128xf32, #tpu.memory_space<vmem>>
          %dma_wait3A_321 = arith.constant 0 : i32
          %dma_wait3A_322 = tpu.memref_slice %arg2[%mul3A_2, %dma_wait3A_321] : memref<217600x128xf32, #tpu.memory_space<hbm>> -> memref<40x128xf32, #tpu.memory_space<hbm>>
          tpu.wait_dma2 semaphore(%arg13 : memref<!tpu.dma_semaphore, #tpu.memory_space<semaphore_mem>>) src(%dma_wait3A_322 : memref<40x128xf32, #tpu.memory_space<hbm>>) dst(%dma_wait3A_320 : memref<40x128xf32, #tpu.memory_space<vmem>>)
          %dma_wait3A_323 = arith.constant 120 : i32
          %dma_wait3A_324 = arith.constant 0 : i32
          %dma_wait3A_325 = tpu.memref_slice %arg8[%dma_wait3A_323, %dma_wait3A_324] : memref<160x128xf32, #tpu.memory_space<vmem>> -> memref<40x128xf32, #tpu.memory_space<vmem>>
          %dma_wait3A_326 = arith.constant 0 : i32
          %dma_wait3A_327 = tpu.memref_slice %arg2[%mul3A_2, %dma_wait3A_326] : memref<217600x128xf32, #tpu.memory_space<hbm>> -> memref<40x128xf32, #tpu.memory_space<hbm>>
          %dma_wait3A_328 = arith.constant 120 : i32
          %dma_wait3A_329 = arith.constant 0 : i32
          %dma_wait3A_330 = tpu.memref_slice %arg8[%dma_wait3A_328, %dma_wait3A_329] : memref<160x128xf32, #tpu.memory_space<vmem>> -> memref<40x128xf32, #tpu.memory_space<vmem>>
          %dma_wait3A_331 = arith.constant 0 : i32
          %dma_wait3A_332 = tpu.memref_slice %arg2[%mul3A_2, %dma_wait3A_331] : memref<217600x128xf32, #tpu.memory_space<hbm>> -> memref<40x128xf32, #tpu.memory_space<hbm>>
          tpu.wait_dma2 semaphore(%arg13 : memref<!tpu.dma_semaphore, #tpu.memory_space<semaphore_mem>>) src(%dma_wait3A_332 : memref<40x128xf32, #tpu.memory_space<hbm>>) dst(%dma_wait3A_330 : memref<40x128xf32, #tpu.memory_space<vmem>>)
        } else {
        }
        %add3A_159 = arith.constant 1 : i32
        %add3A_160 = arith.addi %add3A_81, %add3A_159 : i32
        %dma_start3A_161 = arith.constant 1 : i32
        %dma_start3A_162 = arith.constant 0 : i32
        %dma_start3A_163 = arith.constant 0 : i32
        %dma_start3A_164 = tpu.memref_slice %arg9[%dma_start3A_161, %dma_start3A_162, %dma_start3A_163] : memref<2x2x40xi32, #tpu.memory_space<vmem>> -> memref<1x2x40xi32, #tpu.memory_space<vmem>>
        %dma_start3A_165 = tpu.memref_squeeze %dma_start3A_164 : memref<1x2x40xi32, #tpu.memory_space<vmem>> -> memref<2x40xi32, #tpu.memory_space<vmem>>
        %dma_start3A_166 = arith.constant 0 : i32
        %dma_start3A_167 = arith.constant 0 : i32
        %dma_start3A_168 = tpu.memref_slice %arg4[%arg1, %add3A_160, %dma_start3A_166, %dma_start3A_167] : memref<16x170x2x40xi32, #tpu.memory_space<hbm>> -> memref<1x1x2x40xi32, #tpu.memory_space<hbm>>
        %dma_start3A_169 = tpu.memref_squeeze %dma_start3A_168 : memref<1x1x2x40xi32, #tpu.memory_space<hbm>> -> memref<2x40xi32, #tpu.memory_space<hbm>>
        %dma_start3A_170 = arith.constant 0 : i32
        %dma_start3A_171 = arith.constant 0 : i32
        %dma_start3A_172 = tpu.memref_slice %arg9[%dma_start3A_161, %dma_start3A_170, %dma_start3A_171] : memref<2x2x40xi32, #tpu.memory_space<vmem>> -> memref<1x2x40xi32, #tpu.memory_space<vmem>>
        %dma_start3A_173 = tpu.memref_squeeze %dma_start3A_172 : memref<1x2x40xi32, #tpu.memory_space<vmem>> -> memref<2x40xi32, #tpu.memory_space<vmem>>
        %dma_start3A_174 = arith.constant 0 : i32
        %dma_start3A_175 = arith.constant 0 : i32
        %dma_start3A_176 = tpu.memref_slice %arg4[%arg1, %add3A_160, %dma_start3A_174, %dma_start3A_175] : memref<16x170x2x40xi32, #tpu.memory_space<hbm>> -> memref<1x1x2x40xi32, #tpu.memory_space<hbm>>
        %dma_start3A_177 = tpu.memref_squeeze %dma_start3A_176 : memref<1x1x2x40xi32, #tpu.memory_space<hbm>> -> memref<2x40xi32, #tpu.memory_space<hbm>>
        tpu.enqueue_dma source(%dma_start3A_177 : memref<2x40xi32, #tpu.memory_space<hbm>>) target(%dma_start3A_173 : memref<2x40xi32, #tpu.memory_space<vmem>>) target_semaphore(%arg11 : memref<!tpu.dma_semaphore, #tpu.memory_space<semaphore_mem>>)
        %mul3A_178 = arith.constant 2 : i32
        %mul3A_179 = arith.muli %add3A_160, %mul3A_178 : i32
        %add3A_180 = arith.constant 0 : i32
        %add3A_181 = arith.addi %mul3A_179, %add3A_180 : i32
        %mul3A_182 = arith.constant 40 : i32
        %mul3A_183 = arith.muli %add3A_181, %mul3A_182 : i32
        %add3A_184 = arith.addi %mul3A_2, %mul3A_183 : i32
        %dma_start3A_185 = arith.constant 80 : i32
        %dma_start3A_186 = arith.constant 0 : i32
        %dma_start3A_187 = tpu.memref_slice %arg8[%dma_start3A_185, %dma_start3A_186] : memref<160x128xf32, #tpu.memory_space<vmem>> -> memref<40x128xf32, #tpu.memory_space<vmem>>
        %dma_start3A_188 = arith.constant 0 : i32
        %dma_start3A_189 = tpu.memref_slice %arg2[%add3A_184, %dma_start3A_188] : memref<217600x128xf32, #tpu.memory_space<hbm>> -> memref<40x128xf32, #tpu.memory_space<hbm>>
        %dma_start3A_190 = arith.constant 80 : i32
        %dma_start3A_191 = arith.constant 0 : i32
        %dma_start3A_192 = tpu.memref_slice %arg8[%dma_start3A_190, %dma_start3A_191] : memref<160x128xf32, #tpu.memory_space<vmem>> -> memref<40x128xf32, #tpu.memory_space<vmem>>
        %dma_start3A_193 = arith.constant 0 : i32
        %dma_start3A_194 = tpu.memref_slice %arg2[%add3A_184, %dma_start3A_193] : memref<217600x128xf32, #tpu.memory_space<hbm>> -> memref<40x128xf32, #tpu.memory_space<hbm>>
        tpu.enqueue_dma source(%dma_start3A_194 : memref<40x128xf32, #tpu.memory_space<hbm>>) target(%dma_start3A_192 : memref<40x128xf32, #tpu.memory_space<vmem>>) target_semaphore(%arg11 : memref<!tpu.dma_semaphore, #tpu.memory_space<semaphore_mem>>)
        %mul3A_195 = arith.constant 2 : i32
        %mul3A_196 = arith.muli %add3A_160, %mul3A_195 : i32
        %add3A_197 = arith.constant 1 : i32
        %add3A_198 = arith.addi %mul3A_196, %add3A_197 : i32
        %mul3A_199 = arith.constant 40 : i32
        %mul3A_200 = arith.muli %add3A_198, %mul3A_199 : i32
        %add3A_201 = arith.addi %mul3A_2, %mul3A_200 : i32
        %dma_start3A_202 = arith.constant 120 : i32
        %dma_start3A_203 = arith.constant 0 : i32
        %dma_start3A_204 = tpu.memref_slice %arg8[%dma_start3A_202, %dma_start3A_203] : memref<160x128xf32, #tpu.memory_space<vmem>> -> memref<40x128xf32, #tpu.memory_space<vmem>>
        %dma_start3A_205 = arith.constant 0 : i32
        %dma_start3A_206 = tpu.memref_slice %arg2[%add3A_201, %dma_start3A_205] : memref<217600x128xf32, #tpu.memory_space<hbm>> -> memref<40x128xf32, #tpu.memory_space<hbm>>
        %dma_start3A_207 = arith.constant 120 : i32
        %dma_start3A_208 = arith.constant 0 : i32
        %dma_start3A_209 = tpu.memref_slice %arg8[%dma_start3A_207, %dma_start3A_208] : memref<160x128xf32, #tpu.memory_space<vmem>> -> memref<40x128xf32, #tpu.memory_space<vmem>>
        %dma_start3A_210 = arith.constant 0 : i32
        %dma_start3A_211 = tpu.memref_slice %arg2[%add3A_201, %dma_start3A_210] : memref<217600x128xf32, #tpu.memory_space<hbm>> -> memref<40x128xf32, #tpu.memory_space<hbm>>
        tpu.enqueue_dma source(%dma_start3A_211 : memref<40x128xf32, #tpu.memory_space<hbm>>) target(%dma_start3A_209 : memref<40x128xf32, #tpu.memory_space<vmem>>) target_semaphore(%arg11 : memref<!tpu.dma_semaphore, #tpu.memory_space<semaphore_mem>>)
        %mul3A_212 = arith.constant 2 : i32
        %mul3A_213 = arith.muli %mul3A_212, %scan3A_77 : i32
        %add3A_214 = arith.constant 1 : i32
        %add3A_215 = arith.addi %mul3A_213, %add3A_214 : i32
        %dma_wait3A_216 = arith.constant 1 : i32
        %dma_wait3A_217 = arith.constant 0 : i32
        %dma_wait3A_218 = arith.constant 0 : i32
        %dma_wait3A_219 = tpu.memref_slice %arg9[%dma_wait3A_216, %dma_wait3A_217, %dma_wait3A_218] : memref<2x2x40xi32, #tpu.memory_space<vmem>> -> memref<1x2x40xi32, #tpu.memory_space<vmem>>
        %dma_wait3A_220 = tpu.memref_squeeze %dma_wait3A_219 : memref<1x2x40xi32, #tpu.memory_space<vmem>> -> memref<2x40xi32, #tpu.memory_space<vmem>>
        %dma_wait3A_221 = arith.constant 0 : i32
        %dma_wait3A_222 = arith.constant 0 : i32
        %dma_wait3A_223 = tpu.memref_slice %arg4[%arg1, %add3A_215, %dma_wait3A_221, %dma_wait3A_222] : memref<16x170x2x40xi32, #tpu.memory_space<hbm>> -> memref<1x1x2x40xi32, #tpu.memory_space<hbm>>
        %dma_wait3A_224 = tpu.memref_squeeze %dma_wait3A_223 : memref<1x1x2x40xi32, #tpu.memory_space<hbm>> -> memref<2x40xi32, #tpu.memory_space<hbm>>
        %dma_wait3A_225 = arith.constant 0 : i32
        %dma_wait3A_226 = arith.constant 0 : i32
        %dma_wait3A_227 = tpu.memref_slice %arg9[%dma_wait3A_216, %dma_wait3A_225, %dma_wait3A_226] : memref<2x2x40xi32, #tpu.memory_space<vmem>> -> memref<1x2x40xi32, #tpu.memory_space<vmem>>
        %dma_wait3A_228 = tpu.memref_squeeze %dma_wait3A_227 : memref<1x2x40xi32, #tpu.memory_space<vmem>> -> memref<2x40xi32, #tpu.memory_space<vmem>>
        %dma_wait3A_229 = arith.constant 0 : i32
        %dma_wait3A_230 = arith.constant 0 : i32
        %dma_wait3A_231 = tpu.memref_slice %arg4[%arg1, %add3A_215, %dma_wait3A_229, %dma_wait3A_230] : memref<16x170x2x40xi32, #tpu.memory_space<hbm>> -> memref<1x1x2x40xi32, #tpu.memory_space<hbm>>
        %dma_wait3A_232 = tpu.memref_squeeze %dma_wait3A_231 : memref<1x1x2x40xi32, #tpu.memory_space<hbm>> -> memref<2x40xi32, #tpu.memory_space<hbm>>
        tpu.wait_dma2 semaphore(%arg11 : memref<!tpu.dma_semaphore, #tpu.memory_space<semaphore_mem>>) src(%dma_wait3A_232 : memref<2x40xi32, #tpu.memory_space<hbm>>) dst(%dma_wait3A_228 : memref<2x40xi32, #tpu.memory_space<vmem>>)
        %mul3A_233 = arith.constant 2 : i32
        %mul3A_234 = arith.muli %add3A_215, %mul3A_233 : i32
        %add3A_235 = arith.constant 0 : i32
        %add3A_236 = arith.addi %mul3A_234, %add3A_235 : i32
        %mul3A_237 = arith.constant 40 : i32
        %mul3A_238 = arith.muli %add3A_236, %mul3A_237 : i32
        %add3A_239 = arith.addi %mul3A_2, %mul3A_238 : i32
        %dma_wait3A_240 = arith.constant 80 : i32
        %dma_wait3A_241 = arith.constant 0 : i32
        %dma_wait3A_242 = tpu.memref_slice %arg8[%dma_wait3A_240, %dma_wait3A_241] : memref<160x128xf32, #tpu.memory_space<vmem>> -> memref<40x128xf32, #tpu.memory_space<vmem>>
        %dma_wait3A_243 = arith.constant 0 : i32
        %dma_wait3A_244 = tpu.memref_slice %arg2[%add3A_239, %dma_wait3A_243] : memref<217600x128xf32, #tpu.memory_space<hbm>> -> memref<40x128xf32, #tpu.memory_space<hbm>>
        %dma_wait3A_245 = arith.constant 80 : i32
        %dma_wait3A_246 = arith.constant 0 : i32
        %dma_wait3A_247 = tpu.memref_slice %arg8[%dma_wait3A_245, %dma_wait3A_246] : memref<160x128xf32, #tpu.memory_space<vmem>> -> memref<40x128xf32, #tpu.memory_space<vmem>>
        %dma_wait3A_248 = arith.constant 0 : i32
        %dma_wait3A_249 = tpu.memref_slice %arg2[%add3A_239, %dma_wait3A_248] : memref<217600x128xf32, #tpu.memory_space<hbm>> -> memref<40x128xf32, #tpu.memory_space<hbm>>
        tpu.wait_dma2 semaphore(%arg11 : memref<!tpu.dma_semaphore, #tpu.memory_space<semaphore_mem>>) src(%dma_wait3A_249 : memref<40x128xf32, #tpu.memory_space<hbm>>) dst(%dma_wait3A_247 : memref<40x128xf32, #tpu.memory_space<vmem>>)
        %mul3A_250 = arith.constant 2 : i32
        %mul3A_251 = arith.muli %add3A_215, %mul3A_250 : i32
        %add3A_252 = arith.constant 1 : i32
        %add3A_253 = arith.addi %mul3A_251, %add3A_252 : i32
        %mul3A_254 = arith.constant 40 : i32
        %mul3A_255 = arith.muli %add3A_253, %mul3A_254 : i32
        %add3A_256 = arith.addi %mul3A_2, %mul3A_255 : i32
        %dma_wait3A_257 = arith.constant 120 : i32
        %dma_wait3A_258 = arith.constant 0 : i32
        %dma_wait3A_259 = tpu.memref_slice %arg8[%dma_wait3A_257, %dma_wait3A_258] : memref<160x128xf32, #tpu.memory_space<vmem>> -> memref<40x128xf32, #tpu.memory_space<vmem>>
        %dma_wait3A_260 = arith.constant 0 : i32
        %dma_wait3A_261 = tpu.memref_slice %arg2[%add3A_256, %dma_wait3A_260] : memref<217600x128xf32, #tpu.memory_space<hbm>> -> memref<40x128xf32, #tpu.memory_space<hbm>>
        %dma_wait3A_262 = arith.constant 120 : i32
        %dma_wait3A_263 = arith.constant 0 : i32
        %dma_wait3A_264 = tpu.memref_slice %arg8[%dma_wait3A_262, %dma_wait3A_263] : memref<160x128xf32, #tpu.memory_space<vmem>> -> memref<40x128xf32, #tpu.memory_space<vmem>>
        %dma_wait3A_265 = arith.constant 0 : i32
        %dma_wait3A_266 = tpu.memref_slice %arg2[%add3A_256, %dma_wait3A_265] : memref<217600x128xf32, #tpu.memory_space<hbm>> -> memref<40x128xf32, #tpu.memory_space<hbm>>
        tpu.wait_dma2 semaphore(%arg11 : memref<!tpu.dma_semaphore, #tpu.memory_space<semaphore_mem>>) src(%dma_wait3A_266 : memref<40x128xf32, #tpu.memory_space<hbm>>) dst(%dma_wait3A_264 : memref<40x128xf32, #tpu.memory_space<vmem>>)
        %dma_start3A_267 = arith.constant 1 : i32
        %dma_start3A_268 = arith.constant 0 : i32
        %dma_start3A_269 = arith.constant 80 : i32
        %dma_start3A_270 = arith.constant 0 : i32
        %dma_start3A_271 = tpu.memref_slice %arg8[%dma_start3A_269, %dma_start3A_270] : memref<160x128xf32, #tpu.memory_space<vmem>> -> memref<40x128xf32, #tpu.memory_space<vmem>>
        %dma_start3A_272 = arith.constant 0 : i32
        %dma_start3A_273 = tpu.memref_slice %arg9[%dma_start3A_267, %dma_start3A_268, %dma_start3A_272] : memref<2x2x40xi32, #tpu.memory_space<vmem>> -> memref<1x1x40xi32, #tpu.memory_space<vmem>>
        %dma_start3A_274 = tpu.memref_squeeze %dma_start3A_273 : memref<1x1x40xi32, #tpu.memory_space<vmem>> -> memref<40xi32, #tpu.memory_space<vmem>>
        %dma_start3A_275 = arith.constant 0 : i32
        %dma_start3A_276 = arith.constant 0 : i32
        %dma_start3A_277 = tpu.memref_slice %arg7[%dma_start3A_275, %dma_start3A_276] : memref<10240x128xf32, #tpu.memory_space<vmem_shared>> -> memref<10240x128xf32, #tpu.memory_space<vmem_shared>>
        tpu.enqueue_indirect_dma source(%dma_start3A_271 : memref<40x128xf32, #tpu.memory_space<vmem>>) target(%dma_start3A_277 : memref<10240x128xf32, #tpu.memory_space<vmem_shared>>) offsets(%dma_start3A_274 : memref<40xi32, #tpu.memory_space<vmem>>) semaphore(%arg13 : memref<!tpu.dma_semaphore, #tpu.memory_space<semaphore_mem>>) {add = true}
        %dma_start3A_278 = arith.constant 1 : i32
        %dma_start3A_279 = arith.constant 1 : i32
        %dma_start3A_280 = arith.constant 120 : i32
        %dma_start3A_281 = arith.constant 0 : i32
        %dma_start3A_282 = tpu.memref_slice %arg8[%dma_start3A_280, %dma_start3A_281] : memref<160x128xf32, #tpu.memory_space<vmem>> -> memref<40x128xf32, #tpu.memory_space<vmem>>
        %dma_start3A_283 = arith.constant 0 : i32
        %dma_start3A_284 = tpu.memref_slice %arg9[%dma_start3A_278, %dma_start3A_279, %dma_start3A_283] : memref<2x2x40xi32, #tpu.memory_space<vmem>> -> memref<1x1x40xi32, #tpu.memory_space<vmem>>
        %dma_start3A_285 = tpu.memref_squeeze %dma_start3A_284 : memref<1x1x40xi32, #tpu.memory_space<vmem>> -> memref<40xi32, #tpu.memory_space<vmem>>
        %dma_start3A_286 = arith.constant 0 : i32
        %dma_start3A_287 = arith.constant 0 : i32
        %dma_start3A_288 = tpu.memref_slice %arg7[%dma_start3A_286, %dma_start3A_287] : memref<10240x128xf32, #tpu.memory_space<vmem_shared>> -> memref<10240x128xf32, #tpu.memory_space<vmem_shared>>
        tpu.enqueue_indirect_dma source(%dma_start3A_282 : memref<40x128xf32, #tpu.memory_space<vmem>>) target(%dma_start3A_288 : memref<10240x128xf32, #tpu.memory_space<vmem_shared>>) offsets(%dma_start3A_285 : memref<40xi32, #tpu.memory_space<vmem>>) semaphore(%arg13 : memref<!tpu.dma_semaphore, #tpu.memory_space<semaphore_mem>>) {add = true}
        %dma_wait3A_289 = arith.constant 0 : i32
        %dma_wait3A_290 = arith.constant 0 : i32
        %dma_wait3A_291 = tpu.memref_slice %arg8[%dma_wait3A_289, %dma_wait3A_290] : memref<160x128xf32, #tpu.memory_space<vmem>> -> memref<40x128xf32, #tpu.memory_space<vmem>>
        %dma_wait3A_292 = arith.constant 0 : i32
        %dma_wait3A_293 = tpu.memref_slice %arg2[%mul3A_2, %dma_wait3A_292] : memref<217600x128xf32, #tpu.memory_space<hbm>> -> memref<40x128xf32, #tpu.memory_space<hbm>>
        %dma_wait3A_294 = arith.constant 0 : i32
        %dma_wait3A_295 = arith.constant 0 : i32
        %dma_wait3A_296 = tpu.memref_slice %arg8[%dma_wait3A_294, %dma_wait3A_295] : memref<160x128xf32, #tpu.memory_space<vmem>> -> memref<40x128xf32, #tpu.memory_space<vmem>>
        %dma_wait3A_297 = arith.constant 0 : i32
        %dma_wait3A_298 = tpu.memref_slice %arg2[%mul3A_2, %dma_wait3A_297] : memref<217600x128xf32, #tpu.memory_space<hbm>> -> memref<40x128xf32, #tpu.memory_space<hbm>>
        tpu.wait_dma2 semaphore(%arg12 : memref<!tpu.dma_semaphore, #tpu.memory_space<semaphore_mem>>) src(%dma_wait3A_298 : memref<40x128xf32, #tpu.memory_space<hbm>>) dst(%dma_wait3A_296 : memref<40x128xf32, #tpu.memory_space<vmem>>)
        %dma_wait3A_299 = arith.constant 40 : i32
        %dma_wait3A_300 = arith.constant 0 : i32
        %dma_wait3A_301 = tpu.memref_slice %arg8[%dma_wait3A_299, %dma_wait3A_300] : memref<160x128xf32, #tpu.memory_space<vmem>> -> memref<40x128xf32, #tpu.memory_space<vmem>>
        %dma_wait3A_302 = arith.constant 0 : i32
        %dma_wait3A_303 = tpu.memref_slice %arg2[%mul3A_2, %dma_wait3A_302] : memref<217600x128xf32, #tpu.memory_space<hbm>> -> memref<40x128xf32, #tpu.memory_space<hbm>>
        %dma_wait3A_304 = arith.constant 40 : i32
        %dma_wait3A_305 = arith.constant 0 : i32
        %dma_wait3A_306 = tpu.memref_slice %arg8[%dma_wait3A_304, %dma_wait3A_305] : memref<160x128xf32, #tpu.memory_space<vmem>> -> memref<40x128xf32, #tpu.memory_space<vmem>>
        %dma_wait3A_307 = arith.constant 0 : i32
        %dma_wait3A_308 = tpu.memref_slice %arg2[%mul3A_2, %dma_wait3A_307] : memref<217600x128xf32, #tpu.memory_space<hbm>> -> memref<40x128xf32, #tpu.memory_space<hbm>>
        tpu.wait_dma2 semaphore(%arg12 : memref<!tpu.dma_semaphore, #tpu.memory_space<semaphore_mem>>) src(%dma_wait3A_308 : memref<40x128xf32, #tpu.memory_space<hbm>>) dst(%dma_wait3A_306 : memref<40x128xf32, #tpu.memory_space<vmem>>)
        %lt3A = arith.constant 84 : i32
        %lt3A_309 = arith.cmpi slt, %scan3A_77, %lt3A : i32
        %convert_element_type3A_310 = arith.extui %lt3A_309 : i1 to i32
        %cond3A_311 = arith.constant 0 : i32
        %cond3A_312 = arith.cmpi ne, %convert_element_type3A_310, %cond3A_311 : i32
        scf.if %cond3A_312 {
          %add3A_313 = arith.constant 1 : i32
          %add3A_314 = arith.addi %add3A_215, %add3A_313 : i32
          %dma_start3A_315 = arith.constant 0 : i32
          %dma_start3A_316 = arith.constant 0 : i32
          %dma_start3A_317 = arith.constant 0 : i32
          %dma_start3A_318 = tpu.memref_slice %arg9[%dma_start3A_315, %dma_start3A_316, %dma_start3A_317] : memref<2x2x40xi32, #tpu.memory_space<vmem>> -> memref<1x2x40xi32, #tpu.memory_space<vmem>>
          %dma_start3A_319 = tpu.memref_squeeze %dma_start3A_318 : memref<1x2x40xi32, #tpu.memory_space<vmem>> -> memref<2x40xi32, #tpu.memory_space<vmem>>
          %dma_start3A_320 = arith.constant 0 : i32
          %dma_start3A_321 = arith.constant 0 : i32
          %dma_start3A_322 = tpu.memref_slice %arg4[%arg1, %add3A_314, %dma_start3A_320, %dma_start3A_321] : memref<16x170x2x40xi32, #tpu.memory_space<hbm>> -> memref<1x1x2x40xi32, #tpu.memory_space<hbm>>
          %dma_start3A_323 = tpu.memref_squeeze %dma_start3A_322 : memref<1x1x2x40xi32, #tpu.memory_space<hbm>> -> memref<2x40xi32, #tpu.memory_space<hbm>>
          %dma_start3A_324 = arith.constant 0 : i32
          %dma_start3A_325 = arith.constant 0 : i32
          %dma_start3A_326 = tpu.memref_slice %arg9[%dma_start3A_315, %dma_start3A_324, %dma_start3A_325] : memref<2x2x40xi32, #tpu.memory_space<vmem>> -> memref<1x2x40xi32, #tpu.memory_space<vmem>>
          %dma_start3A_327 = tpu.memref_squeeze %dma_start3A_326 : memref<1x2x40xi32, #tpu.memory_space<vmem>> -> memref<2x40xi32, #tpu.memory_space<vmem>>
          %dma_start3A_328 = arith.constant 0 : i32
          %dma_start3A_329 = arith.constant 0 : i32
          %dma_start3A_330 = tpu.memref_slice %arg4[%arg1, %add3A_314, %dma_start3A_328, %dma_start3A_329] : memref<16x170x2x40xi32, #tpu.memory_space<hbm>> -> memref<1x1x2x40xi32, #tpu.memory_space<hbm>>
          %dma_start3A_331 = tpu.memref_squeeze %dma_start3A_330 : memref<1x1x2x40xi32, #tpu.memory_space<hbm>> -> memref<2x40xi32, #tpu.memory_space<hbm>>
          tpu.enqueue_dma source(%dma_start3A_331 : memref<2x40xi32, #tpu.memory_space<hbm>>) target(%dma_start3A_327 : memref<2x40xi32, #tpu.memory_space<vmem>>) target_semaphore(%arg10 : memref<!tpu.dma_semaphore, #tpu.memory_space<semaphore_mem>>)
          %mul3A_332 = arith.constant 2 : i32
          %mul3A_333 = arith.muli %add3A_314, %mul3A_332 : i32
          %add3A_334 = arith.constant 0 : i32
          %add3A_335 = arith.addi %mul3A_333, %add3A_334 : i32
          %mul3A_336 = arith.constant 40 : i32
          %mul3A_337 = arith.muli %add3A_335, %mul3A_336 : i32
          %add3A_338 = arith.addi %mul3A_2, %mul3A_337 : i32
          %dma_start3A_339 = arith.constant 0 : i32
          %dma_start3A_340 = arith.constant 0 : i32
          %dma_start3A_341 = tpu.memref_slice %arg8[%dma_start3A_339, %dma_start3A_340] : memref<160x128xf32, #tpu.memory_space<vmem>> -> memref<40x128xf32, #tpu.memory_space<vmem>>
          %dma_start3A_342 = arith.constant 0 : i32
          %dma_start3A_343 = tpu.memref_slice %arg2[%add3A_338, %dma_start3A_342] : memref<217600x128xf32, #tpu.memory_space<hbm>> -> memref<40x128xf32, #tpu.memory_space<hbm>>
          %dma_start3A_344 = arith.constant 0 : i32
          %dma_start3A_345 = arith.constant 0 : i32
          %dma_start3A_346 = tpu.memref_slice %arg8[%dma_start3A_344, %dma_start3A_345] : memref<160x128xf32, #tpu.memory_space<vmem>> -> memref<40x128xf32, #tpu.memory_space<vmem>>
          %dma_start3A_347 = arith.constant 0 : i32
          %dma_start3A_348 = tpu.memref_slice %arg2[%add3A_338, %dma_start3A_347] : memref<217600x128xf32, #tpu.memory_space<hbm>> -> memref<40x128xf32, #tpu.memory_space<hbm>>
          tpu.enqueue_dma source(%dma_start3A_348 : memref<40x128xf32, #tpu.memory_space<hbm>>) target(%dma_start3A_346 : memref<40x128xf32, #tpu.memory_space<vmem>>) target_semaphore(%arg10 : memref<!tpu.dma_semaphore, #tpu.memory_space<semaphore_mem>>)
          %mul3A_349 = arith.constant 2 : i32
          %mul3A_350 = arith.muli %add3A_314, %mul3A_349 : i32
          %add3A_351 = arith.constant 1 : i32
          %add3A_352 = arith.addi %mul3A_350, %add3A_351 : i32
          %mul3A_353 = arith.constant 40 : i32
          %mul3A_354 = arith.muli %add3A_352, %mul3A_353 : i32
          %add3A_355 = arith.addi %mul3A_2, %mul3A_354 : i32
          %dma_start3A_356 = arith.constant 40 : i32
          %dma_start3A_357 = arith.constant 0 : i32
          %dma_start3A_358 = tpu.memref_slice %arg8[%dma_start3A_356, %dma_start3A_357] : memref<160x128xf32, #tpu.memory_space<vmem>> -> memref<40x128xf32, #tpu.memory_space<vmem>>
          %dma_start3A_359 = arith.constant 0 : i32
          %dma_start3A_360 = tpu.memref_slice %arg2[%add3A_355, %dma_start3A_359] : memref<217600x128xf32, #tpu.memory_space<hbm>> -> memref<40x128xf32, #tpu.memory_space<hbm>>
          %dma_start3A_361 = arith.constant 40 : i32
          %dma_start3A_362 = arith.constant 0 : i32
          %dma_start3A_363 = tpu.memref_slice %arg8[%dma_start3A_361, %dma_start3A_362] : memref<160x128xf32, #tpu.memory_space<vmem>> -> memref<40x128xf32, #tpu.memory_space<vmem>>
          %dma_start3A_364 = arith.constant 0 : i32
          %dma_start3A_365 = tpu.memref_slice %arg2[%add3A_355, %dma_start3A_364] : memref<217600x128xf32, #tpu.memory_space<hbm>> -> memref<40x128xf32, #tpu.memory_space<hbm>>
          tpu.enqueue_dma source(%dma_start3A_365 : memref<40x128xf32, #tpu.memory_space<hbm>>) target(%dma_start3A_363 : memref<40x128xf32, #tpu.memory_space<vmem>>) target_semaphore(%arg10 : memref<!tpu.dma_semaphore, #tpu.memory_space<semaphore_mem>>)
        } else {
        }
      }
      %scan3A_57 = arith.constant 85 : i32
      %dma_wait3A = arith.constant 80 : i32
      %dma_wait3A_58 = arith.constant 0 : i32
      %dma_wait3A_59 = tpu.memref_slice %arg8[%dma_wait3A, %dma_wait3A_58] : memref<160x128xf32, #tpu.memory_space<vmem>> -> memref<40x128xf32, #tpu.memory_space<vmem>>
      %dma_wait3A_60 = arith.constant 0 : i32
      %dma_wait3A_61 = tpu.memref_slice %arg2[%mul3A_2, %dma_wait3A_60] : memref<217600x128xf32, #tpu.memory_space<hbm>> -> memref<40x128xf32, #tpu.memory_space<hbm>>
      %dma_wait3A_62 = arith.constant 80 : i32
      %dma_wait3A_63 = arith.constant 0 : i32
      %dma_wait3A_64 = tpu.memref_slice %arg8[%dma_wait3A_62, %dma_wait3A_63] : memref<160x128xf32, #tpu.memory_space<vmem>> -> memref<40x128xf32, #tpu.memory_space<vmem>>
      %dma_wait3A_65 = arith.constant 0 : i32
      %dma_wait3A_66 = tpu.memref_slice %arg2[%mul3A_2, %dma_wait3A_65] : memref<217600x128xf32, #tpu.memory_space<hbm>> -> memref<40x128xf32, #tpu.memory_space<hbm>>
      tpu.wait_dma2 semaphore(%arg13 : memref<!tpu.dma_semaphore, #tpu.memory_space<semaphore_mem>>) src(%dma_wait3A_66 : memref<40x128xf32, #tpu.memory_space<hbm>>) dst(%dma_wait3A_64 : memref<40x128xf32, #tpu.memory_space<vmem>>)
      %dma_wait3A_67 = arith.constant 120 : i32
      %dma_wait3A_68 = arith.constant 0 : i32
      %dma_wait3A_69 = tpu.memref_slice %arg8[%dma_wait3A_67, %dma_wait3A_68] : memref<160x128xf32, #tpu.memory_space<vmem>> -> memref<40x128xf32, #tpu.memory_space<vmem>>
      %dma_wait3A_70 = arith.constant 0 : i32
      %dma_wait3A_71 = tpu.memref_slice %arg2[%mul3A_2, %dma_wait3A_70] : memref<217600x128xf32, #tpu.memory_space<hbm>> -> memref<40x128xf32, #tpu.memory_space<hbm>>
      %dma_wait3A_72 = arith.constant 120 : i32
      %dma_wait3A_73 = arith.constant 0 : i32
      %dma_wait3A_74 = tpu.memref_slice %arg8[%dma_wait3A_72, %dma_wait3A_73] : memref<160x128xf32, #tpu.memory_space<vmem>> -> memref<40x128xf32, #tpu.memory_space<vmem>>
      %dma_wait3A_75 = arith.constant 0 : i32
      %dma_wait3A_76 = tpu.memref_slice %arg2[%mul3A_2, %dma_wait3A_75] : memref<217600x128xf32, #tpu.memory_space<hbm>> -> memref<40x128xf32, #tpu.memory_space<hbm>>
      tpu.wait_dma2 semaphore(%arg13 : memref<!tpu.dma_semaphore, #tpu.memory_space<semaphore_mem>>) src(%dma_wait3A_76 : memref<40x128xf32, #tpu.memory_space<hbm>>) dst(%dma_wait3A_74 : memref<40x128xf32, #tpu.memory_space<vmem>>)
    } else {
    }
    %eq3A_5 = arith.constant 1 : i32
    %eq3A_6 = arith.cmpi eq, %arg0, %eq3A_5 : i32
    %convert_element_type3A_7 = arith.extui %eq3A_6 : i1 to i32
    %cond3A_8 = arith.constant 0 : i32
    %cond3A_9 = arith.cmpi ne, %convert_element_type3A_7, %cond3A_8 : i32
    scf.if %cond3A_9 {
      %dma_start3A = arith.constant 0 : i32
      %dma_start3A_13 = arith.constant 0 : i32
      %dma_start3A_14 = arith.constant 0 : i32
      %dma_start3A_15 = arith.constant 0 : i32
      %dma_start3A_16 = tpu.memref_slice %arg9[%dma_start3A_13, %dma_start3A_14, %dma_start3A_15] : memref<2x2x40xi32, #tpu.memory_space<vmem>> -> memref<1x2x40xi32, #tpu.memory_space<vmem>>
      %dma_start3A_17 = tpu.memref_squeeze %dma_start3A_16 : memref<1x2x40xi32, #tpu.memory_space<vmem>> -> memref<2x40xi32, #tpu.memory_space<vmem>>
      %dma_start3A_18 = arith.constant 0 : i32
      %dma_start3A_19 = arith.constant 0 : i32
      %dma_start3A_20 = tpu.memref_slice %arg4[%arg1, %dma_start3A, %dma_start3A_18, %dma_start3A_19] : memref<16x170x2x40xi32, #tpu.memory_space<hbm>> -> memref<1x1x2x40xi32, #tpu.memory_space<hbm>>
      %dma_start3A_21 = tpu.memref_squeeze %dma_start3A_20 : memref<1x1x2x40xi32, #tpu.memory_space<hbm>> -> memref<2x40xi32, #tpu.memory_space<hbm>>
      %dma_start3A_22 = arith.constant 0 : i32
      %dma_start3A_23 = arith.constant 0 : i32
      %dma_start3A_24 = tpu.memref_slice %arg9[%dma_start3A_13, %dma_start3A_22, %dma_start3A_23] : memref<2x2x40xi32, #tpu.memory_space<vmem>> -> memref<1x2x40xi32, #tpu.memory_space<vmem>>
      %dma_start3A_25 = tpu.memref_squeeze %dma_start3A_24 : memref<1x2x40xi32, #tpu.memory_space<vmem>> -> memref<2x40xi32, #tpu.memory_space<vmem>>
      %dma_start3A_26 = arith.constant 0 : i32
      %dma_start3A_27 = arith.constant 0 : i32
      %dma_start3A_28 = tpu.memref_slice %arg4[%arg1, %dma_start3A, %dma_start3A_26, %dma_start3A_27] : memref<16x170x2x40xi32, #tpu.memory_space<hbm>> -> memref<1x1x2x40xi32, #tpu.memory_space<hbm>>
      %dma_start3A_29 = tpu.memref_squeeze %dma_start3A_28 : memref<1x1x2x40xi32, #tpu.memory_space<hbm>> -> memref<2x40xi32, #tpu.memory_space<hbm>>
      tpu.enqueue_dma source(%dma_start3A_29 : memref<2x40xi32, #tpu.memory_space<hbm>>) target(%dma_start3A_25 : memref<2x40xi32, #tpu.memory_space<vmem>>) target_semaphore(%arg10 : memref<!tpu.dma_semaphore, #tpu.memory_space<semaphore_mem>>)
      %add3A = arith.constant 0 : i32
      %add3A_30 = arith.addi %mul3A_2, %add3A : i32
      %dma_start3A_31 = arith.constant 0 : i32
      %dma_start3A_32 = arith.constant 0 : i32
      %dma_start3A_33 = tpu.memref_slice %arg8[%dma_start3A_31, %dma_start3A_32] : memref<160x128xf32, #tpu.memory_space<vmem>> -> memref<40x128xf32, #tpu.memory_space<vmem>>
      %dma_start3A_34 = arith.constant 0 : i32
      %dma_start3A_35 = tpu.memref_slice %arg3[%add3A_30, %dma_start3A_34] : memref<217600x128xf32, #tpu.memory_space<hbm>> -> memref<40x128xf32, #tpu.memory_space<hbm>>
      %dma_start3A_36 = arith.constant 0 : i32
      %dma_start3A_37 = arith.constant 0 : i32
      %dma_start3A_38 = tpu.memref_slice %arg8[%dma_start3A_36, %dma_start3A_37] : memref<160x128xf32, #tpu.memory_space<vmem>> -> memref<40x128xf32, #tpu.memory_space<vmem>>
      %dma_start3A_39 = arith.constant 0 : i32
      %dma_start3A_40 = tpu.memref_slice %arg3[%add3A_30, %dma_start3A_39] : memref<217600x128xf32, #tpu.memory_space<hbm>> -> memref<40x128xf32, #tpu.memory_space<hbm>>
      tpu.enqueue_dma source(%dma_start3A_40 : memref<40x128xf32, #tpu.memory_space<hbm>>) target(%dma_start3A_38 : memref<40x128xf32, #tpu.memory_space<vmem>>) target_semaphore(%arg10 : memref<!tpu.dma_semaphore, #tpu.memory_space<semaphore_mem>>)
      %add3A_41 = arith.constant 40 : i32
      %add3A_42 = arith.addi %mul3A_2, %add3A_41 : i32
      %dma_start3A_43 = arith.constant 40 : i32
      %dma_start3A_44 = arith.constant 0 : i32
      %dma_start3A_45 = tpu.memref_slice %arg8[%dma_start3A_43, %dma_start3A_44] : memref<160x128xf32, #tpu.memory_space<vmem>> -> memref<40x128xf32, #tpu.memory_space<vmem>>
      %dma_start3A_46 = arith.constant 0 : i32
      %dma_start3A_47 = tpu.memref_slice %arg3[%add3A_42, %dma_start3A_46] : memref<217600x128xf32, #tpu.memory_space<hbm>> -> memref<40x128xf32, #tpu.memory_space<hbm>>
      %dma_start3A_48 = arith.constant 40 : i32
      %dma_start3A_49 = arith.constant 0 : i32
      %dma_start3A_50 = tpu.memref_slice %arg8[%dma_start3A_48, %dma_start3A_49] : memref<160x128xf32, #tpu.memory_space<vmem>> -> memref<40x128xf32, #tpu.memory_space<vmem>>
      %dma_start3A_51 = arith.constant 0 : i32
      %dma_start3A_52 = tpu.memref_slice %arg3[%add3A_42, %dma_start3A_51] : memref<217600x128xf32, #tpu.memory_space<hbm>> -> memref<40x128xf32, #tpu.memory_space<hbm>>
      tpu.enqueue_dma source(%dma_start3A_52 : memref<40x128xf32, #tpu.memory_space<hbm>>) target(%dma_start3A_50 : memref<40x128xf32, #tpu.memory_space<vmem>>) target_semaphore(%arg10 : memref<!tpu.dma_semaphore, #tpu.memory_space<semaphore_mem>>)
      %scan3A = arith.constant 0 : i32
      %scan3A_53 = arith.constant 0 : i32
      %scan3A_54 = arith.constant 85 : i32
      %scan3A_55 = arith.addi %scan3A_53, %scan3A_54 : i32
      %scan3A_56 = arith.constant 1 : i32
      scf.for %scan3A_77 = %scan3A_53 to %scan3A_55 step %scan3A_56  : i32 {
        %mul3A_78 = arith.constant 2 : i32
        %mul3A_79 = arith.muli %mul3A_78, %scan3A_77 : i32
        %add3A_80 = arith.constant 0 : i32
        %add3A_81 = arith.addi %mul3A_79, %add3A_80 : i32
        %dma_wait3A_82 = arith.constant 0 : i32
        %dma_wait3A_83 = arith.constant 0 : i32
        %dma_wait3A_84 = arith.constant 0 : i32
        %dma_wait3A_85 = tpu.memref_slice %arg9[%dma_wait3A_82, %dma_wait3A_83, %dma_wait3A_84] : memref<2x2x40xi32, #tpu.memory_space<vmem>> -> memref<1x2x40xi32, #tpu.memory_space<vmem>>
        %dma_wait3A_86 = tpu.memref_squeeze %dma_wait3A_85 : memref<1x2x40xi32, #tpu.memory_space<vmem>> -> memref<2x40xi32, #tpu.memory_space<vmem>>
        %dma_wait3A_87 = arith.constant 0 : i32
        %dma_wait3A_88 = arith.constant 0 : i32
        %dma_wait3A_89 = tpu.memref_slice %arg4[%arg1, %add3A_81, %dma_wait3A_87, %dma_wait3A_88] : memref<16x170x2x40xi32, #tpu.memory_space<hbm>> -> memref<1x1x2x40xi32, #tpu.memory_space<hbm>>
        %dma_wait3A_90 = tpu.memref_squeeze %dma_wait3A_89 : memref<1x1x2x40xi32, #tpu.memory_space<hbm>> -> memref<2x40xi32, #tpu.memory_space<hbm>>
        %dma_wait3A_91 = arith.constant 0 : i32
        %dma_wait3A_92 = arith.constant 0 : i32
        %dma_wait3A_93 = tpu.memref_slice %arg9[%dma_wait3A_82, %dma_wait3A_91, %dma_wait3A_92] : memref<2x2x40xi32, #tpu.memory_space<vmem>> -> memref<1x2x40xi32, #tpu.memory_space<vmem>>
        %dma_wait3A_94 = tpu.memref_squeeze %dma_wait3A_93 : memref<1x2x40xi32, #tpu.memory_space<vmem>> -> memref<2x40xi32, #tpu.memory_space<vmem>>
        %dma_wait3A_95 = arith.constant 0 : i32
        %dma_wait3A_96 = arith.constant 0 : i32
        %dma_wait3A_97 = tpu.memref_slice %arg4[%arg1, %add3A_81, %dma_wait3A_95, %dma_wait3A_96] : memref<16x170x2x40xi32, #tpu.memory_space<hbm>> -> memref<1x1x2x40xi32, #tpu.memory_space<hbm>>
        %dma_wait3A_98 = tpu.memref_squeeze %dma_wait3A_97 : memref<1x1x2x40xi32, #tpu.memory_space<hbm>> -> memref<2x40xi32, #tpu.memory_space<hbm>>
        tpu.wait_dma2 semaphore(%arg10 : memref<!tpu.dma_semaphore, #tpu.memory_space<semaphore_mem>>) src(%dma_wait3A_98 : memref<2x40xi32, #tpu.memory_space<hbm>>) dst(%dma_wait3A_94 : memref<2x40xi32, #tpu.memory_space<vmem>>)
        %mul3A_99 = arith.constant 2 : i32
        %mul3A_100 = arith.muli %add3A_81, %mul3A_99 : i32
        %add3A_101 = arith.constant 0 : i32
        %add3A_102 = arith.addi %mul3A_100, %add3A_101 : i32
        %mul3A_103 = arith.constant 40 : i32
        %mul3A_104 = arith.muli %add3A_102, %mul3A_103 : i32
        %add3A_105 = arith.addi %mul3A_2, %mul3A_104 : i32
        %dma_wait3A_106 = arith.constant 0 : i32
        %dma_wait3A_107 = arith.constant 0 : i32
        %dma_wait3A_108 = tpu.memref_slice %arg8[%dma_wait3A_106, %dma_wait3A_107] : memref<160x128xf32, #tpu.memory_space<vmem>> -> memref<40x128xf32, #tpu.memory_space<vmem>>
        %dma_wait3A_109 = arith.constant 0 : i32
        %dma_wait3A_110 = tpu.memref_slice %arg3[%add3A_105, %dma_wait3A_109] : memref<217600x128xf32, #tpu.memory_space<hbm>> -> memref<40x128xf32, #tpu.memory_space<hbm>>
        %dma_wait3A_111 = arith.constant 0 : i32
        %dma_wait3A_112 = arith.constant 0 : i32
        %dma_wait3A_113 = tpu.memref_slice %arg8[%dma_wait3A_111, %dma_wait3A_112] : memref<160x128xf32, #tpu.memory_space<vmem>> -> memref<40x128xf32, #tpu.memory_space<vmem>>
        %dma_wait3A_114 = arith.constant 0 : i32
        %dma_wait3A_115 = tpu.memref_slice %arg3[%add3A_105, %dma_wait3A_114] : memref<217600x128xf32, #tpu.memory_space<hbm>> -> memref<40x128xf32, #tpu.memory_space<hbm>>
        tpu.wait_dma2 semaphore(%arg10 : memref<!tpu.dma_semaphore, #tpu.memory_space<semaphore_mem>>) src(%dma_wait3A_115 : memref<40x128xf32, #tpu.memory_space<hbm>>) dst(%dma_wait3A_113 : memref<40x128xf32, #tpu.memory_space<vmem>>)
        %mul3A_116 = arith.constant 2 : i32
        %mul3A_117 = arith.muli %add3A_81, %mul3A_116 : i32
        %add3A_118 = arith.constant 1 : i32
        %add3A_119 = arith.addi %mul3A_117, %add3A_118 : i32
        %mul3A_120 = arith.constant 40 : i32
        %mul3A_121 = arith.muli %add3A_119, %mul3A_120 : i32
        %add3A_122 = arith.addi %mul3A_2, %mul3A_121 : i32
        %dma_wait3A_123 = arith.constant 40 : i32
        %dma_wait3A_124 = arith.constant 0 : i32
        %dma_wait3A_125 = tpu.memref_slice %arg8[%dma_wait3A_123, %dma_wait3A_124] : memref<160x128xf32, #tpu.memory_space<vmem>> -> memref<40x128xf32, #tpu.memory_space<vmem>>
        %dma_wait3A_126 = arith.constant 0 : i32
        %dma_wait3A_127 = tpu.memref_slice %arg3[%add3A_122, %dma_wait3A_126] : memref<217600x128xf32, #tpu.memory_space<hbm>> -> memref<40x128xf32, #tpu.memory_space<hbm>>
        %dma_wait3A_128 = arith.constant 40 : i32
        %dma_wait3A_129 = arith.constant 0 : i32
        %dma_wait3A_130 = tpu.memref_slice %arg8[%dma_wait3A_128, %dma_wait3A_129] : memref<160x128xf32, #tpu.memory_space<vmem>> -> memref<40x128xf32, #tpu.memory_space<vmem>>
        %dma_wait3A_131 = arith.constant 0 : i32
        %dma_wait3A_132 = tpu.memref_slice %arg3[%add3A_122, %dma_wait3A_131] : memref<217600x128xf32, #tpu.memory_space<hbm>> -> memref<40x128xf32, #tpu.memory_space<hbm>>
        tpu.wait_dma2 semaphore(%arg10 : memref<!tpu.dma_semaphore, #tpu.memory_space<semaphore_mem>>) src(%dma_wait3A_132 : memref<40x128xf32, #tpu.memory_space<hbm>>) dst(%dma_wait3A_130 : memref<40x128xf32, #tpu.memory_space<vmem>>)
        %dma_start3A_133 = arith.constant 0 : i32
        %dma_start3A_134 = arith.constant 0 : i32
        %dma_start3A_135 = arith.constant 0 : i32
        %dma_start3A_136 = arith.constant 0 : i32
        %dma_start3A_137 = tpu.memref_slice %arg8[%dma_start3A_135, %dma_start3A_136] : memref<160x128xf32, #tpu.memory_space<vmem>> -> memref<40x128xf32, #tpu.memory_space<vmem>>
        %dma_start3A_138 = arith.constant 0 : i32
        %dma_start3A_139 = tpu.memref_slice %arg9[%dma_start3A_133, %dma_start3A_134, %dma_start3A_138] : memref<2x2x40xi32, #tpu.memory_space<vmem>> -> memref<1x1x40xi32, #tpu.memory_space<vmem>>
        %dma_start3A_140 = tpu.memref_squeeze %dma_start3A_139 : memref<1x1x40xi32, #tpu.memory_space<vmem>> -> memref<40xi32, #tpu.memory_space<vmem>>
        %dma_start3A_141 = arith.constant 0 : i32
        %dma_start3A_142 = arith.constant 0 : i32
        %dma_start3A_143 = tpu.memref_slice %arg7[%dma_start3A_141, %dma_start3A_142] : memref<10240x128xf32, #tpu.memory_space<vmem_shared>> -> memref<10240x128xf32, #tpu.memory_space<vmem_shared>>
        tpu.enqueue_indirect_dma source(%dma_start3A_137 : memref<40x128xf32, #tpu.memory_space<vmem>>) target(%dma_start3A_143 : memref<10240x128xf32, #tpu.memory_space<vmem_shared>>) offsets(%dma_start3A_140 : memref<40xi32, #tpu.memory_space<vmem>>) semaphore(%arg12 : memref<!tpu.dma_semaphore, #tpu.memory_space<semaphore_mem>>) {add = true}
        %dma_start3A_144 = arith.constant 0 : i32
        %dma_start3A_145 = arith.constant 1 : i32
        %dma_start3A_146 = arith.constant 40 : i32
        %dma_start3A_147 = arith.constant 0 : i32
        %dma_start3A_148 = tpu.memref_slice %arg8[%dma_start3A_146, %dma_start3A_147] : memref<160x128xf32, #tpu.memory_space<vmem>> -> memref<40x128xf32, #tpu.memory_space<vmem>>
        %dma_start3A_149 = arith.constant 0 : i32
        %dma_start3A_150 = tpu.memref_slice %arg9[%dma_start3A_144, %dma_start3A_145, %dma_start3A_149] : memref<2x2x40xi32, #tpu.memory_space<vmem>> -> memref<1x1x40xi32, #tpu.memory_space<vmem>>
        %dma_start3A_151 = tpu.memref_squeeze %dma_start3A_150 : memref<1x1x40xi32, #tpu.memory_space<vmem>> -> memref<40xi32, #tpu.memory_space<vmem>>
        %dma_start3A_152 = arith.constant 0 : i32
        %dma_start3A_153 = arith.constant 0 : i32
        %dma_start3A_154 = tpu.memref_slice %arg7[%dma_start3A_152, %dma_start3A_153] : memref<10240x128xf32, #tpu.memory_space<vmem_shared>> -> memref<10240x128xf32, #tpu.memory_space<vmem_shared>>
        tpu.enqueue_indirect_dma source(%dma_start3A_148 : memref<40x128xf32, #tpu.memory_space<vmem>>) target(%dma_start3A_154 : memref<10240x128xf32, #tpu.memory_space<vmem_shared>>) offsets(%dma_start3A_151 : memref<40xi32, #tpu.memory_space<vmem>>) semaphore(%arg12 : memref<!tpu.dma_semaphore, #tpu.memory_space<semaphore_mem>>) {add = true}
        %gt3A = arith.constant 0 : i32
        %gt3A_155 = arith.cmpi sgt, %scan3A_77, %gt3A : i32
        %convert_element_type3A_156 = arith.extui %gt3A_155 : i1 to i32
        %cond3A_157 = arith.constant 0 : i32
        %cond3A_158 = arith.cmpi ne, %convert_element_type3A_156, %cond3A_157 : i32
        scf.if %cond3A_158 {
          %dma_wait3A_313 = arith.constant 80 : i32
          %dma_wait3A_314 = arith.constant 0 : i32
          %dma_wait3A_315 = tpu.memref_slice %arg8[%dma_wait3A_313, %dma_wait3A_314] : memref<160x128xf32, #tpu.memory_space<vmem>> -> memref<40x128xf32, #tpu.memory_space<vmem>>
          %dma_wait3A_316 = arith.constant 0 : i32
          %dma_wait3A_317 = tpu.memref_slice %arg3[%mul3A_2, %dma_wait3A_316] : memref<217600x128xf32, #tpu.memory_space<hbm>> -> memref<40x128xf32, #tpu.memory_space<hbm>>
          %dma_wait3A_318 = arith.constant 80 : i32
          %dma_wait3A_319 = arith.constant 0 : i32
          %dma_wait3A_320 = tpu.memref_slice %arg8[%dma_wait3A_318, %dma_wait3A_319] : memref<160x128xf32, #tpu.memory_space<vmem>> -> memref<40x128xf32, #tpu.memory_space<vmem>>
          %dma_wait3A_321 = arith.constant 0 : i32
          %dma_wait3A_322 = tpu.memref_slice %arg3[%mul3A_2, %dma_wait3A_321] : memref<217600x128xf32, #tpu.memory_space<hbm>> -> memref<40x128xf32, #tpu.memory_space<hbm>>
          tpu.wait_dma2 semaphore(%arg13 : memref<!tpu.dma_semaphore, #tpu.memory_space<semaphore_mem>>) src(%dma_wait3A_322 : memref<40x128xf32, #tpu.memory_space<hbm>>) dst(%dma_wait3A_320 : memref<40x128xf32, #tpu.memory_space<vmem>>)
          %dma_wait3A_323 = arith.constant 120 : i32
          %dma_wait3A_324 = arith.constant 0 : i32
          %dma_wait3A_325 = tpu.memref_slice %arg8[%dma_wait3A_323, %dma_wait3A_324] : memref<160x128xf32, #tpu.memory_space<vmem>> -> memref<40x128xf32, #tpu.memory_space<vmem>>
          %dma_wait3A_326 = arith.constant 0 : i32
          %dma_wait3A_327 = tpu.memref_slice %arg3[%mul3A_2, %dma_wait3A_326] : memref<217600x128xf32, #tpu.memory_space<hbm>> -> memref<40x128xf32, #tpu.memory_space<hbm>>
          %dma_wait3A_328 = arith.constant 120 : i32
          %dma_wait3A_329 = arith.constant 0 : i32
          %dma_wait3A_330 = tpu.memref_slice %arg8[%dma_wait3A_328, %dma_wait3A_329] : memref<160x128xf32, #tpu.memory_space<vmem>> -> memref<40x128xf32, #tpu.memory_space<vmem>>
          %dma_wait3A_331 = arith.constant 0 : i32
          %dma_wait3A_332 = tpu.memref_slice %arg3[%mul3A_2, %dma_wait3A_331] : memref<217600x128xf32, #tpu.memory_space<hbm>> -> memref<40x128xf32, #tpu.memory_space<hbm>>
          tpu.wait_dma2 semaphore(%arg13 : memref<!tpu.dma_semaphore, #tpu.memory_space<semaphore_mem>>) src(%dma_wait3A_332 : memref<40x128xf32, #tpu.memory_space<hbm>>) dst(%dma_wait3A_330 : memref<40x128xf32, #tpu.memory_space<vmem>>)
        } else {
        }
        %add3A_159 = arith.constant 1 : i32
        %add3A_160 = arith.addi %add3A_81, %add3A_159 : i32
        %dma_start3A_161 = arith.constant 1 : i32
        %dma_start3A_162 = arith.constant 0 : i32
        %dma_start3A_163 = arith.constant 0 : i32
        %dma_start3A_164 = tpu.memref_slice %arg9[%dma_start3A_161, %dma_start3A_162, %dma_start3A_163] : memref<2x2x40xi32, #tpu.memory_space<vmem>> -> memref<1x2x40xi32, #tpu.memory_space<vmem>>
        %dma_start3A_165 = tpu.memref_squeeze %dma_start3A_164 : memref<1x2x40xi32, #tpu.memory_space<vmem>> -> memref<2x40xi32, #tpu.memory_space<vmem>>
        %dma_start3A_166 = arith.constant 0 : i32
        %dma_start3A_167 = arith.constant 0 : i32
        %dma_start3A_168 = tpu.memref_slice %arg4[%arg1, %add3A_160, %dma_start3A_166, %dma_start3A_167] : memref<16x170x2x40xi32, #tpu.memory_space<hbm>> -> memref<1x1x2x40xi32, #tpu.memory_space<hbm>>
        %dma_start3A_169 = tpu.memref_squeeze %dma_start3A_168 : memref<1x1x2x40xi32, #tpu.memory_space<hbm>> -> memref<2x40xi32, #tpu.memory_space<hbm>>
        %dma_start3A_170 = arith.constant 0 : i32
        %dma_start3A_171 = arith.constant 0 : i32
        %dma_start3A_172 = tpu.memref_slice %arg9[%dma_start3A_161, %dma_start3A_170, %dma_start3A_171] : memref<2x2x40xi32, #tpu.memory_space<vmem>> -> memref<1x2x40xi32, #tpu.memory_space<vmem>>
        %dma_start3A_173 = tpu.memref_squeeze %dma_start3A_172 : memref<1x2x40xi32, #tpu.memory_space<vmem>> -> memref<2x40xi32, #tpu.memory_space<vmem>>
        %dma_start3A_174 = arith.constant 0 : i32
        %dma_start3A_175 = arith.constant 0 : i32
        %dma_start3A_176 = tpu.memref_slice %arg4[%arg1, %add3A_160, %dma_start3A_174, %dma_start3A_175] : memref<16x170x2x40xi32, #tpu.memory_space<hbm>> -> memref<1x1x2x40xi32, #tpu.memory_space<hbm>>
        %dma_start3A_177 = tpu.memref_squeeze %dma_start3A_176 : memref<1x1x2x40xi32, #tpu.memory_space<hbm>> -> memref<2x40xi32, #tpu.memory_space<hbm>>
        tpu.enqueue_dma source(%dma_start3A_177 : memref<2x40xi32, #tpu.memory_space<hbm>>) target(%dma_start3A_173 : memref<2x40xi32, #tpu.memory_space<vmem>>) target_semaphore(%arg11 : memref<!tpu.dma_semaphore, #tpu.memory_space<semaphore_mem>>)
        %mul3A_178 = arith.constant 2 : i32
        %mul3A_179 = arith.muli %add3A_160, %mul3A_178 : i32
        %add3A_180 = arith.constant 0 : i32
        %add3A_181 = arith.addi %mul3A_179, %add3A_180 : i32
        %mul3A_182 = arith.constant 40 : i32
        %mul3A_183 = arith.muli %add3A_181, %mul3A_182 : i32
        %add3A_184 = arith.addi %mul3A_2, %mul3A_183 : i32
        %dma_start3A_185 = arith.constant 80 : i32
        %dma_start3A_186 = arith.constant 0 : i32
        %dma_start3A_187 = tpu.memref_slice %arg8[%dma_start3A_185, %dma_start3A_186] : memref<160x128xf32, #tpu.memory_space<vmem>> -> memref<40x128xf32, #tpu.memory_space<vmem>>
        %dma_start3A_188 = arith.constant 0 : i32
        %dma_start3A_189 = tpu.memref_slice %arg3[%add3A_184, %dma_start3A_188] : memref<217600x128xf32, #tpu.memory_space<hbm>> -> memref<40x128xf32, #tpu.memory_space<hbm>>
        %dma_start3A_190 = arith.constant 80 : i32
        %dma_start3A_191 = arith.constant 0 : i32
        %dma_start3A_192 = tpu.memref_slice %arg8[%dma_start3A_190, %dma_start3A_191] : memref<160x128xf32, #tpu.memory_space<vmem>> -> memref<40x128xf32, #tpu.memory_space<vmem>>
        %dma_start3A_193 = arith.constant 0 : i32
        %dma_start3A_194 = tpu.memref_slice %arg3[%add3A_184, %dma_start3A_193] : memref<217600x128xf32, #tpu.memory_space<hbm>> -> memref<40x128xf32, #tpu.memory_space<hbm>>
        tpu.enqueue_dma source(%dma_start3A_194 : memref<40x128xf32, #tpu.memory_space<hbm>>) target(%dma_start3A_192 : memref<40x128xf32, #tpu.memory_space<vmem>>) target_semaphore(%arg11 : memref<!tpu.dma_semaphore, #tpu.memory_space<semaphore_mem>>)
        %mul3A_195 = arith.constant 2 : i32
        %mul3A_196 = arith.muli %add3A_160, %mul3A_195 : i32
        %add3A_197 = arith.constant 1 : i32
        %add3A_198 = arith.addi %mul3A_196, %add3A_197 : i32
        %mul3A_199 = arith.constant 40 : i32
        %mul3A_200 = arith.muli %add3A_198, %mul3A_199 : i32
        %add3A_201 = arith.addi %mul3A_2, %mul3A_200 : i32
        %dma_start3A_202 = arith.constant 120 : i32
        %dma_start3A_203 = arith.constant 0 : i32
        %dma_start3A_204 = tpu.memref_slice %arg8[%dma_start3A_202, %dma_start3A_203] : memref<160x128xf32, #tpu.memory_space<vmem>> -> memref<40x128xf32, #tpu.memory_space<vmem>>
        %dma_start3A_205 = arith.constant 0 : i32
        %dma_start3A_206 = tpu.memref_slice %arg3[%add3A_201, %dma_start3A_205] : memref<217600x128xf32, #tpu.memory_space<hbm>> -> memref<40x128xf32, #tpu.memory_space<hbm>>
        %dma_start3A_207 = arith.constant 120 : i32
        %dma_start3A_208 = arith.constant 0 : i32
        %dma_start3A_209 = tpu.memref_slice %arg8[%dma_start3A_207, %dma_start3A_208] : memref<160x128xf32, #tpu.memory_space<vmem>> -> memref<40x128xf32, #tpu.memory_space<vmem>>
        %dma_start3A_210 = arith.constant 0 : i32
        %dma_start3A_211 = tpu.memref_slice %arg3[%add3A_201, %dma_start3A_210] : memref<217600x128xf32, #tpu.memory_space<hbm>> -> memref<40x128xf32, #tpu.memory_space<hbm>>
        tpu.enqueue_dma source(%dma_start3A_211 : memref<40x128xf32, #tpu.memory_space<hbm>>) target(%dma_start3A_209 : memref<40x128xf32, #tpu.memory_space<vmem>>) target_semaphore(%arg11 : memref<!tpu.dma_semaphore, #tpu.memory_space<semaphore_mem>>)
        %mul3A_212 = arith.constant 2 : i32
        %mul3A_213 = arith.muli %mul3A_212, %scan3A_77 : i32
        %add3A_214 = arith.constant 1 : i32
        %add3A_215 = arith.addi %mul3A_213, %add3A_214 : i32
        %dma_wait3A_216 = arith.constant 1 : i32
        %dma_wait3A_217 = arith.constant 0 : i32
        %dma_wait3A_218 = arith.constant 0 : i32
        %dma_wait3A_219 = tpu.memref_slice %arg9[%dma_wait3A_216, %dma_wait3A_217, %dma_wait3A_218] : memref<2x2x40xi32, #tpu.memory_space<vmem>> -> memref<1x2x40xi32, #tpu.memory_space<vmem>>
        %dma_wait3A_220 = tpu.memref_squeeze %dma_wait3A_219 : memref<1x2x40xi32, #tpu.memory_space<vmem>> -> memref<2x40xi32, #tpu.memory_space<vmem>>
        %dma_wait3A_221 = arith.constant 0 : i32
        %dma_wait3A_222 = arith.constant 0 : i32
        %dma_wait3A_223 = tpu.memref_slice %arg4[%arg1, %add3A_215, %dma_wait3A_221, %dma_wait3A_222] : memref<16x170x2x40xi32, #tpu.memory_space<hbm>> -> memref<1x1x2x40xi32, #tpu.memory_space<hbm>>
        %dma_wait3A_224 = tpu.memref_squeeze %dma_wait3A_223 : memref<1x1x2x40xi32, #tpu.memory_space<hbm>> -> memref<2x40xi32, #tpu.memory_space<hbm>>
        %dma_wait3A_225 = arith.constant 0 : i32
        %dma_wait3A_226 = arith.constant 0 : i32
        %dma_wait3A_227 = tpu.memref_slice %arg9[%dma_wait3A_216, %dma_wait3A_225, %dma_wait3A_226] : memref<2x2x40xi32, #tpu.memory_space<vmem>> -> memref<1x2x40xi32, #tpu.memory_space<vmem>>
        %dma_wait3A_228 = tpu.memref_squeeze %dma_wait3A_227 : memref<1x2x40xi32, #tpu.memory_space<vmem>> -> memref<2x40xi32, #tpu.memory_space<vmem>>
        %dma_wait3A_229 = arith.constant 0 : i32
        %dma_wait3A_230 = arith.constant 0 : i32
        %dma_wait3A_231 = tpu.memref_slice %arg4[%arg1, %add3A_215, %dma_wait3A_229, %dma_wait3A_230] : memref<16x170x2x40xi32, #tpu.memory_space<hbm>> -> memref<1x1x2x40xi32, #tpu.memory_space<hbm>>
        %dma_wait3A_232 = tpu.memref_squeeze %dma_wait3A_231 : memref<1x1x2x40xi32, #tpu.memory_space<hbm>> -> memref<2x40xi32, #tpu.memory_space<hbm>>
        tpu.wait_dma2 semaphore(%arg11 : memref<!tpu.dma_semaphore, #tpu.memory_space<semaphore_mem>>) src(%dma_wait3A_232 : memref<2x40xi32, #tpu.memory_space<hbm>>) dst(%dma_wait3A_228 : memref<2x40xi32, #tpu.memory_space<vmem>>)
        %mul3A_233 = arith.constant 2 : i32
        %mul3A_234 = arith.muli %add3A_215, %mul3A_233 : i32
        %add3A_235 = arith.constant 0 : i32
        %add3A_236 = arith.addi %mul3A_234, %add3A_235 : i32
        %mul3A_237 = arith.constant 40 : i32
        %mul3A_238 = arith.muli %add3A_236, %mul3A_237 : i32
        %add3A_239 = arith.addi %mul3A_2, %mul3A_238 : i32
        %dma_wait3A_240 = arith.constant 80 : i32
        %dma_wait3A_241 = arith.constant 0 : i32
        %dma_wait3A_242 = tpu.memref_slice %arg8[%dma_wait3A_240, %dma_wait3A_241] : memref<160x128xf32, #tpu.memory_space<vmem>> -> memref<40x128xf32, #tpu.memory_space<vmem>>
        %dma_wait3A_243 = arith.constant 0 : i32
        %dma_wait3A_244 = tpu.memref_slice %arg3[%add3A_239, %dma_wait3A_243] : memref<217600x128xf32, #tpu.memory_space<hbm>> -> memref<40x128xf32, #tpu.memory_space<hbm>>
        %dma_wait3A_245 = arith.constant 80 : i32
        %dma_wait3A_246 = arith.constant 0 : i32
        %dma_wait3A_247 = tpu.memref_slice %arg8[%dma_wait3A_245, %dma_wait3A_246] : memref<160x128xf32, #tpu.memory_space<vmem>> -> memref<40x128xf32, #tpu.memory_space<vmem>>
        %dma_wait3A_248 = arith.constant 0 : i32
        %dma_wait3A_249 = tpu.memref_slice %arg3[%add3A_239, %dma_wait3A_248] : memref<217600x128xf32, #tpu.memory_space<hbm>> -> memref<40x128xf32, #tpu.memory_space<hbm>>
        tpu.wait_dma2 semaphore(%arg11 : memref<!tpu.dma_semaphore, #tpu.memory_space<semaphore_mem>>) src(%dma_wait3A_249 : memref<40x128xf32, #tpu.memory_space<hbm>>) dst(%dma_wait3A_247 : memref<40x128xf32, #tpu.memory_space<vmem>>)
        %mul3A_250 = arith.constant 2 : i32
        %mul3A_251 = arith.muli %add3A_215, %mul3A_250 : i32
        %add3A_252 = arith.constant 1 : i32
        %add3A_253 = arith.addi %mul3A_251, %add3A_252 : i32
        %mul3A_254 = arith.constant 40 : i32
        %mul3A_255 = arith.muli %add3A_253, %mul3A_254 : i32
        %add3A_256 = arith.addi %mul3A_2, %mul3A_255 : i32
        %dma_wait3A_257 = arith.constant 120 : i32
        %dma_wait3A_258 = arith.constant 0 : i32
        %dma_wait3A_259 = tpu.memref_slice %arg8[%dma_wait3A_257, %dma_wait3A_258] : memref<160x128xf32, #tpu.memory_space<vmem>> -> memref<40x128xf32, #tpu.memory_space<vmem>>
        %dma_wait3A_260 = arith.constant 0 : i32
        %dma_wait3A_261 = tpu.memref_slice %arg3[%add3A_256, %dma_wait3A_260] : memref<217600x128xf32, #tpu.memory_space<hbm>> -> memref<40x128xf32, #tpu.memory_space<hbm>>
        %dma_wait3A_262 = arith.constant 120 : i32
        %dma_wait3A_263 = arith.constant 0 : i32
        %dma_wait3A_264 = tpu.memref_slice %arg8[%dma_wait3A_262, %dma_wait3A_263] : memref<160x128xf32, #tpu.memory_space<vmem>> -> memref<40x128xf32, #tpu.memory_space<vmem>>
        %dma_wait3A_265 = arith.constant 0 : i32
        %dma_wait3A_266 = tpu.memref_slice %arg3[%add3A_256, %dma_wait3A_265] : memref<217600x128xf32, #tpu.memory_space<hbm>> -> memref<40x128xf32, #tpu.memory_space<hbm>>
        tpu.wait_dma2 semaphore(%arg11 : memref<!tpu.dma_semaphore, #tpu.memory_space<semaphore_mem>>) src(%dma_wait3A_266 : memref<40x128xf32, #tpu.memory_space<hbm>>) dst(%dma_wait3A_264 : memref<40x128xf32, #tpu.memory_space<vmem>>)
        %dma_start3A_267 = arith.constant 1 : i32
        %dma_start3A_268 = arith.constant 0 : i32
        %dma_start3A_269 = arith.constant 80 : i32
        %dma_start3A_270 = arith.constant 0 : i32
        %dma_start3A_271 = tpu.memref_slice %arg8[%dma_start3A_269, %dma_start3A_270] : memref<160x128xf32, #tpu.memory_space<vmem>> -> memref<40x128xf32, #tpu.memory_space<vmem>>
        %dma_start3A_272 = arith.constant 0 : i32
        %dma_start3A_273 = tpu.memref_slice %arg9[%dma_start3A_267, %dma_start3A_268, %dma_start3A_272] : memref<2x2x40xi32, #tpu.memory_space<vmem>> -> memref<1x1x40xi32, #tpu.memory_space<vmem>>
        %dma_start3A_274 = tpu.memref_squeeze %dma_start3A_273 : memref<1x1x40xi32, #tpu.memory_space<vmem>> -> memref<40xi32, #tpu.memory_space<vmem>>
        %dma_start3A_275 = arith.constant 0 : i32
        %dma_start3A_276 = arith.constant 0 : i32
        %dma_start3A_277 = tpu.memref_slice %arg7[%dma_start3A_275, %dma_start3A_276] : memref<10240x128xf32, #tpu.memory_space<vmem_shared>> -> memref<10240x128xf32, #tpu.memory_space<vmem_shared>>
        tpu.enqueue_indirect_dma source(%dma_start3A_271 : memref<40x128xf32, #tpu.memory_space<vmem>>) target(%dma_start3A_277 : memref<10240x128xf32, #tpu.memory_space<vmem_shared>>) offsets(%dma_start3A_274 : memref<40xi32, #tpu.memory_space<vmem>>) semaphore(%arg13 : memref<!tpu.dma_semaphore, #tpu.memory_space<semaphore_mem>>) {add = true}
        %dma_start3A_278 = arith.constant 1 : i32
        %dma_start3A_279 = arith.constant 1 : i32
        %dma_start3A_280 = arith.constant 120 : i32
        %dma_start3A_281 = arith.constant 0 : i32
        %dma_start3A_282 = tpu.memref_slice %arg8[%dma_start3A_280, %dma_start3A_281] : memref<160x128xf32, #tpu.memory_space<vmem>> -> memref<40x128xf32, #tpu.memory_space<vmem>>
        %dma_start3A_283 = arith.constant 0 : i32
        %dma_start3A_284 = tpu.memref_slice %arg9[%dma_start3A_278, %dma_start3A_279, %dma_start3A_283] : memref<2x2x40xi32, #tpu.memory_space<vmem>> -> memref<1x1x40xi32, #tpu.memory_space<vmem>>
        %dma_start3A_285 = tpu.memref_squeeze %dma_start3A_284 : memref<1x1x40xi32, #tpu.memory_space<vmem>> -> memref<40xi32, #tpu.memory_space<vmem>>
        %dma_start3A_286 = arith.constant 0 : i32
        %dma_start3A_287 = arith.constant 0 : i32
        %dma_start3A_288 = tpu.memref_slice %arg7[%dma_start3A_286, %dma_start3A_287] : memref<10240x128xf32, #tpu.memory_space<vmem_shared>> -> memref<10240x128xf32, #tpu.memory_space<vmem_shared>>
        tpu.enqueue_indirect_dma source(%dma_start3A_282 : memref<40x128xf32, #tpu.memory_space<vmem>>) target(%dma_start3A_288 : memref<10240x128xf32, #tpu.memory_space<vmem_shared>>) offsets(%dma_start3A_285 : memref<40xi32, #tpu.memory_space<vmem>>) semaphore(%arg13 : memref<!tpu.dma_semaphore, #tpu.memory_space<semaphore_mem>>) {add = true}
        %dma_wait3A_289 = arith.constant 0 : i32
        %dma_wait3A_290 = arith.constant 0 : i32
        %dma_wait3A_291 = tpu.memref_slice %arg8[%dma_wait3A_289, %dma_wait3A_290] : memref<160x128xf32, #tpu.memory_space<vmem>> -> memref<40x128xf32, #tpu.memory_space<vmem>>
        %dma_wait3A_292 = arith.constant 0 : i32
        %dma_wait3A_293 = tpu.memref_slice %arg3[%mul3A_2, %dma_wait3A_292] : memref<217600x128xf32, #tpu.memory_space<hbm>> -> memref<40x128xf32, #tpu.memory_space<hbm>>
        %dma_wait3A_294 = arith.constant 0 : i32
        %dma_wait3A_295 = arith.constant 0 : i32
        %dma_wait3A_296 = tpu.memref_slice %arg8[%dma_wait3A_294, %dma_wait3A_295] : memref<160x128xf32, #tpu.memory_space<vmem>> -> memref<40x128xf32, #tpu.memory_space<vmem>>
        %dma_wait3A_297 = arith.constant 0 : i32
        %dma_wait3A_298 = tpu.memref_slice %arg3[%mul3A_2, %dma_wait3A_297] : memref<217600x128xf32, #tpu.memory_space<hbm>> -> memref<40x128xf32, #tpu.memory_space<hbm>>
        tpu.wait_dma2 semaphore(%arg12 : memref<!tpu.dma_semaphore, #tpu.memory_space<semaphore_mem>>) src(%dma_wait3A_298 : memref<40x128xf32, #tpu.memory_space<hbm>>) dst(%dma_wait3A_296 : memref<40x128xf32, #tpu.memory_space<vmem>>)
        %dma_wait3A_299 = arith.constant 40 : i32
        %dma_wait3A_300 = arith.constant 0 : i32
        %dma_wait3A_301 = tpu.memref_slice %arg8[%dma_wait3A_299, %dma_wait3A_300] : memref<160x128xf32, #tpu.memory_space<vmem>> -> memref<40x128xf32, #tpu.memory_space<vmem>>
        %dma_wait3A_302 = arith.constant 0 : i32
        %dma_wait3A_303 = tpu.memref_slice %arg3[%mul3A_2, %dma_wait3A_302] : memref<217600x128xf32, #tpu.memory_space<hbm>> -> memref<40x128xf32, #tpu.memory_space<hbm>>
        %dma_wait3A_304 = arith.constant 40 : i32
        %dma_wait3A_305 = arith.constant 0 : i32
        %dma_wait3A_306 = tpu.memref_slice %arg8[%dma_wait3A_304, %dma_wait3A_305] : memref<160x128xf32, #tpu.memory_space<vmem>> -> memref<40x128xf32, #tpu.memory_space<vmem>>
        %dma_wait3A_307 = arith.constant 0 : i32
        %dma_wait3A_308 = tpu.memref_slice %arg3[%mul3A_2, %dma_wait3A_307] : memref<217600x128xf32, #tpu.memory_space<hbm>> -> memref<40x128xf32, #tpu.memory_space<hbm>>
        tpu.wait_dma2 semaphore(%arg12 : memref<!tpu.dma_semaphore, #tpu.memory_space<semaphore_mem>>) src(%dma_wait3A_308 : memref<40x128xf32, #tpu.memory_space<hbm>>) dst(%dma_wait3A_306 : memref<40x128xf32, #tpu.memory_space<vmem>>)
        %lt3A = arith.constant 84 : i32
        %lt3A_309 = arith.cmpi slt, %scan3A_77, %lt3A : i32
        %convert_element_type3A_310 = arith.extui %lt3A_309 : i1 to i32
        %cond3A_311 = arith.constant 0 : i32
        %cond3A_312 = arith.cmpi ne, %convert_element_type3A_310, %cond3A_311 : i32
        scf.if %cond3A_312 {
          %add3A_313 = arith.constant 1 : i32
          %add3A_314 = arith.addi %add3A_215, %add3A_313 : i32
          %dma_start3A_315 = arith.constant 0 : i32
          %dma_start3A_316 = arith.constant 0 : i32
          %dma_start3A_317 = arith.constant 0 : i32
          %dma_start3A_318 = tpu.memref_slice %arg9[%dma_start3A_315, %dma_start3A_316, %dma_start3A_317] : memref<2x2x40xi32, #tpu.memory_space<vmem>> -> memref<1x2x40xi32, #tpu.memory_space<vmem>>
          %dma_start3A_319 = tpu.memref_squeeze %dma_start3A_318 : memref<1x2x40xi32, #tpu.memory_space<vmem>> -> memref<2x40xi32, #tpu.memory_space<vmem>>
          %dma_start3A_320 = arith.constant 0 : i32
          %dma_start3A_321 = arith.constant 0 : i32
          %dma_start3A_322 = tpu.memref_slice %arg4[%arg1, %add3A_314, %dma_start3A_320, %dma_start3A_321] : memref<16x170x2x40xi32, #tpu.memory_space<hbm>> -> memref<1x1x2x40xi32, #tpu.memory_space<hbm>>
          %dma_start3A_323 = tpu.memref_squeeze %dma_start3A_322 : memref<1x1x2x40xi32, #tpu.memory_space<hbm>> -> memref<2x40xi32, #tpu.memory_space<hbm>>
          %dma_start3A_324 = arith.constant 0 : i32
          %dma_start3A_325 = arith.constant 0 : i32
          %dma_start3A_326 = tpu.memref_slice %arg9[%dma_start3A_315, %dma_start3A_324, %dma_start3A_325] : memref<2x2x40xi32, #tpu.memory_space<vmem>> -> memref<1x2x40xi32, #tpu.memory_space<vmem>>
          %dma_start3A_327 = tpu.memref_squeeze %dma_start3A_326 : memref<1x2x40xi32, #tpu.memory_space<vmem>> -> memref<2x40xi32, #tpu.memory_space<vmem>>
          %dma_start3A_328 = arith.constant 0 : i32
          %dma_start3A_329 = arith.constant 0 : i32
          %dma_start3A_330 = tpu.memref_slice %arg4[%arg1, %add3A_314, %dma_start3A_328, %dma_start3A_329] : memref<16x170x2x40xi32, #tpu.memory_space<hbm>> -> memref<1x1x2x40xi32, #tpu.memory_space<hbm>>
          %dma_start3A_331 = tpu.memref_squeeze %dma_start3A_330 : memref<1x1x2x40xi32, #tpu.memory_space<hbm>> -> memref<2x40xi32, #tpu.memory_space<hbm>>
          tpu.enqueue_dma source(%dma_start3A_331 : memref<2x40xi32, #tpu.memory_space<hbm>>) target(%dma_start3A_327 : memref<2x40xi32, #tpu.memory_space<vmem>>) target_semaphore(%arg10 : memref<!tpu.dma_semaphore, #tpu.memory_space<semaphore_mem>>)
          %mul3A_332 = arith.constant 2 : i32
          %mul3A_333 = arith.muli %add3A_314, %mul3A_332 : i32
          %add3A_334 = arith.constant 0 : i32
          %add3A_335 = arith.addi %mul3A_333, %add3A_334 : i32
          %mul3A_336 = arith.constant 40 : i32
          %mul3A_337 = arith.muli %add3A_335, %mul3A_336 : i32
          %add3A_338 = arith.addi %mul3A_2, %mul3A_337 : i32
          %dma_start3A_339 = arith.constant 0 : i32
          %dma_start3A_340 = arith.constant 0 : i32
          %dma_start3A_341 = tpu.memref_slice %arg8[%dma_start3A_339, %dma_start3A_340] : memref<160x128xf32, #tpu.memory_space<vmem>> -> memref<40x128xf32, #tpu.memory_space<vmem>>
          %dma_start3A_342 = arith.constant 0 : i32
          %dma_start3A_343 = tpu.memref_slice %arg3[%add3A_338, %dma_start3A_342] : memref<217600x128xf32, #tpu.memory_space<hbm>> -> memref<40x128xf32, #tpu.memory_space<hbm>>
          %dma_start3A_344 = arith.constant 0 : i32
          %dma_start3A_345 = arith.constant 0 : i32
          %dma_start3A_346 = tpu.memref_slice %arg8[%dma_start3A_344, %dma_start3A_345] : memref<160x128xf32, #tpu.memory_space<vmem>> -> memref<40x128xf32, #tpu.memory_space<vmem>>
          %dma_start3A_347 = arith.constant 0 : i32
          %dma_start3A_348 = tpu.memref_slice %arg3[%add3A_338, %dma_start3A_347] : memref<217600x128xf32, #tpu.memory_space<hbm>> -> memref<40x128xf32, #tpu.memory_space<hbm>>
          tpu.enqueue_dma source(%dma_start3A_348 : memref<40x128xf32, #tpu.memory_space<hbm>>) target(%dma_start3A_346 : memref<40x128xf32, #tpu.memory_space<vmem>>) target_semaphore(%arg10 : memref<!tpu.dma_semaphore, #tpu.memory_space<semaphore_mem>>)
          %mul3A_349 = arith.constant 2 : i32
          %mul3A_350 = arith.muli %add3A_314, %mul3A_349 : i32
          %add3A_351 = arith.constant 1 : i32
          %add3A_352 = arith.addi %mul3A_350, %add3A_351 : i32
          %mul3A_353 = arith.constant 40 : i32
          %mul3A_354 = arith.muli %add3A_352, %mul3A_353 : i32
          %add3A_355 = arith.addi %mul3A_2, %mul3A_354 : i32
          %dma_start3A_356 = arith.constant 40 : i32
          %dma_start3A_357 = arith.constant 0 : i32
          %dma_start3A_358 = tpu.memref_slice %arg8[%dma_start3A_356, %dma_start3A_357] : memref<160x128xf32, #tpu.memory_space<vmem>> -> memref<40x128xf32, #tpu.memory_space<vmem>>
          %dma_start3A_359 = arith.constant 0 : i32
          %dma_start3A_360 = tpu.memref_slice %arg3[%add3A_355, %dma_start3A_359] : memref<217600x128xf32, #tpu.memory_space<hbm>> -> memref<40x128xf32, #tpu.memory_space<hbm>>
          %dma_start3A_361 = arith.constant 40 : i32
          %dma_start3A_362 = arith.constant 0 : i32
          %dma_start3A_363 = tpu.memref_slice %arg8[%dma_start3A_361, %dma_start3A_362] : memref<160x128xf32, #tpu.memory_space<vmem>> -> memref<40x128xf32, #tpu.memory_space<vmem>>
          %dma_start3A_364 = arith.constant 0 : i32
          %dma_start3A_365 = tpu.memref_slice %arg3[%add3A_355, %dma_start3A_364] : memref<217600x128xf32, #tpu.memory_space<hbm>> -> memref<40x128xf32, #tpu.memory_space<hbm>>
          tpu.enqueue_dma source(%dma_start3A_365 : memref<40x128xf32, #tpu.memory_space<hbm>>) target(%dma_start3A_363 : memref<40x128xf32, #tpu.memory_space<vmem>>) target_semaphore(%arg10 : memref<!tpu.dma_semaphore, #tpu.memory_space<semaphore_mem>>)
        } else {
        }
      }
      %scan3A_57 = arith.constant 85 : i32
      %dma_wait3A = arith.constant 80 : i32
      %dma_wait3A_58 = arith.constant 0 : i32
      %dma_wait3A_59 = tpu.memref_slice %arg8[%dma_wait3A, %dma_wait3A_58] : memref<160x128xf32, #tpu.memory_space<vmem>> -> memref<40x128xf32, #tpu.memory_space<vmem>>
      %dma_wait3A_60 = arith.constant 0 : i32
      %dma_wait3A_61 = tpu.memref_slice %arg3[%mul3A_2, %dma_wait3A_60] : memref<217600x128xf32, #tpu.memory_space<hbm>> -> memref<40x128xf32, #tpu.memory_space<hbm>>
      %dma_wait3A_62 = arith.constant 80 : i32
      %dma_wait3A_63 = arith.constant 0 : i32
      %dma_wait3A_64 = tpu.memref_slice %arg8[%dma_wait3A_62, %dma_wait3A_63] : memref<160x128xf32, #tpu.memory_space<vmem>> -> memref<40x128xf32, #tpu.memory_space<vmem>>
      %dma_wait3A_65 = arith.constant 0 : i32
      %dma_wait3A_66 = tpu.memref_slice %arg3[%mul3A_2, %dma_wait3A_65] : memref<217600x128xf32, #tpu.memory_space<hbm>> -> memref<40x128xf32, #tpu.memory_space<hbm>>
      tpu.wait_dma2 semaphore(%arg13 : memref<!tpu.dma_semaphore, #tpu.memory_space<semaphore_mem>>) src(%dma_wait3A_66 : memref<40x128xf32, #tpu.memory_space<hbm>>) dst(%dma_wait3A_64 : memref<40x128xf32, #tpu.memory_space<vmem>>)
      %dma_wait3A_67 = arith.constant 120 : i32
      %dma_wait3A_68 = arith.constant 0 : i32
      %dma_wait3A_69 = tpu.memref_slice %arg8[%dma_wait3A_67, %dma_wait3A_68] : memref<160x128xf32, #tpu.memory_space<vmem>> -> memref<40x128xf32, #tpu.memory_space<vmem>>
      %dma_wait3A_70 = arith.constant 0 : i32
      %dma_wait3A_71 = tpu.memref_slice %arg3[%mul3A_2, %dma_wait3A_70] : memref<217600x128xf32, #tpu.memory_space<hbm>> -> memref<40x128xf32, #tpu.memory_space<hbm>>
      %dma_wait3A_72 = arith.constant 120 : i32
      %dma_wait3A_73 = arith.constant 0 : i32
      %dma_wait3A_74 = tpu.memref_slice %arg8[%dma_wait3A_72, %dma_wait3A_73] : memref<160x128xf32, #tpu.memory_space<vmem>> -> memref<40x128xf32, #tpu.memory_space<vmem>>
      %dma_wait3A_75 = arith.constant 0 : i32
      %dma_wait3A_76 = tpu.memref_slice %arg3[%mul3A_2, %dma_wait3A_75] : memref<217600x128xf32, #tpu.memory_space<hbm>> -> memref<40x128xf32, #tpu.memory_space<hbm>>
      tpu.wait_dma2 semaphore(%arg13 : memref<!tpu.dma_semaphore, #tpu.memory_space<semaphore_mem>>) src(%dma_wait3A_76 : memref<40x128xf32, #tpu.memory_space<hbm>>) dst(%dma_wait3A_74 : memref<40x128xf32, #tpu.memory_space<vmem>>)
    } else {
    }
    %barrier3A_10 = arith.constant 0 : index
    tpu.barrier barrier_id(%barrier3A_10)
    %mul3A_11 = arith.constant 640 : i32
    %mul3A_12 = arith.muli %arg1, %mul3A_11 : i32
    "tpu.region"() ({
      %run_scoped3A = tpu.sem_alloc : memref<!tpu.dma_semaphore, #tpu.memory_space<semaphore_mem>>
      %dma_start3A = arith.constant 0 : i32
      %dma_start3A_13 = tpu.memref_slice %arg6[%arg0, %mul3A_12, %dma_start3A] : memref<2x10240x128xf32, #tpu.memory_space<hbm>> -> memref<1x640x128xf32, #tpu.memory_space<hbm>>
      %dma_start3A_14 = tpu.memref_squeeze %dma_start3A_13 : memref<1x640x128xf32, #tpu.memory_space<hbm>> -> memref<640x128xf32, #tpu.memory_space<hbm>>
      %dma_start3A_15 = arith.constant 0 : i32
      %dma_start3A_16 = tpu.memref_slice %arg7[%mul3A_12, %dma_start3A_15] : memref<10240x128xf32, #tpu.memory_space<vmem_shared>> -> memref<640x128xf32, #tpu.memory_space<vmem_shared>>
      tpu.enqueue_dma source(%dma_start3A_16 : memref<640x128xf32, #tpu.memory_space<vmem_shared>>) target(%dma_start3A_14 : memref<640x128xf32, #tpu.memory_space<hbm>>) target_semaphore(%run_scoped3A : memref<!tpu.dma_semaphore, #tpu.memory_space<semaphore_mem>>)
      %dma_wait3A = arith.constant 0 : i32
      %dma_wait3A_17 = tpu.memref_slice %arg6[%arg0, %mul3A_12, %dma_wait3A] : memref<2x10240x128xf32, #tpu.memory_space<hbm>> -> memref<1x640x128xf32, #tpu.memory_space<hbm>>
      %dma_wait3A_18 = tpu.memref_squeeze %dma_wait3A_17 : memref<1x640x128xf32, #tpu.memory_space<hbm>> -> memref<640x128xf32, #tpu.memory_space<hbm>>
      %dma_wait3A_19 = arith.constant 0 : i32
      %dma_wait3A_20 = tpu.memref_slice %arg7[%mul3A_12, %dma_wait3A_19] : memref<10240x128xf32, #tpu.memory_space<vmem_shared>> -> memref<640x128xf32, #tpu.memory_space<vmem_shared>>
      tpu.wait_dma2 semaphore(%run_scoped3A : memref<!tpu.dma_semaphore, #tpu.memory_space<semaphore_mem>>) src(%dma_wait3A_20 : memref<640x128xf32, #tpu.memory_space<vmem_shared>>) dst(%dma_wait3A_18 : memref<640x128xf32, #tpu.memory_space<hbm>>)
      tpu.yield
    }) : () -> ()
    return
  }
}

#map = affine_map<(d0, d1) -> (0, 0)>
#map1 = affine_map<(d0, d1) -> (0, 0, 0, 0)>
#map2 = affine_map<(d0, d1) -> (0, 0, 0)>
module attributes {stable_mosaic.version = 14 : i64} {
  func.func @_scatter(%arg0: i32, %arg1: i32, %arg2: memref<102400x128xf32, #tpu.memory_space<hbm>>, %arg3: memref<102400x128xf32, #tpu.memory_space<hbm>>, %arg4: memref<16x80x2x40xi32, #tpu.memory_space<hbm>>, %arg5: memref<640x128xf32, #tpu.memory_space<hbm>>, %arg6: memref<2x10240x128xf32, #tpu.memory_space<hbm>>, %arg7: memref<10240x128xf32, #tpu.memory_space<vmem_shared>>, %arg8: memref<160x128xf32, #tpu.memory_space<vmem>>, %arg9: memref<2x2x40xi32, #tpu.memory_space<vmem>>, %arg10: memref<!tpu.dma_semaphore, #tpu.memory_space<semaphore_mem>>, %arg11: memref<!tpu.dma_semaphore, #tpu.memory_space<semaphore_mem>>, %arg12: memref<!tpu.dma_semaphore, #tpu.memory_space<semaphore_mem>>, %arg13: memref<!tpu.dma_semaphore, #tpu.memory_space<semaphore_mem>>, %arg14: memref<!tpu.dma_semaphore, #tpu.memory_space<semaphore_mem>>) attributes {dimension_semantics = [#tpu.dimension_semantics<core_parallel>, #tpu.dimension_semantics<subcore_parallel>], iteration_bounds = array<i64: 2, 16>, scalar_prefetch = 0 : i64, scratch_operands = 8 : i64, tpu.core_type = #tpu.core_type<sc_vector_subcore>, window_params = [{transform_indices = #map}, {transform_indices = #map}, {transform_indices = #map1}, {transform_indices = #map}, {transform_indices = #map2}]} {
    %mul3A = arith.constant 640 : i32
    %mul3A_0 = arith.muli %arg1, %mul3A : i32
    "tpu.region"() ({
      %run_scoped3A = tpu.sem_alloc : memref<!tpu.dma_semaphore, #tpu.memory_space<semaphore_mem>>
      %dma_start3A = arith.constant 0 : i32
      %dma_start3A_13 = tpu.memref_slice %arg7[%mul3A_0, %dma_start3A] : memref<10240x128xf32, #tpu.memory_space<vmem_shared>> -> memref<640x128xf32, #tpu.memory_space<vmem_shared>>
      tpu.enqueue_dma source(%arg5 : memref<640x128xf32, #tpu.memory_space<hbm>>) target(%dma_start3A_13 : memref<640x128xf32, #tpu.memory_space<vmem_shared>>) target_semaphore(%run_scoped3A : memref<!tpu.dma_semaphore, #tpu.memory_space<semaphore_mem>>)
      %dma_wait3A = arith.constant 0 : i32
      %dma_wait3A_14 = tpu.memref_slice %arg7[%mul3A_0, %dma_wait3A] : memref<10240x128xf32, #tpu.memory_space<vmem_shared>> -> memref<640x128xf32, #tpu.memory_space<vmem_shared>>
      tpu.wait_dma2 semaphore(%run_scoped3A : memref<!tpu.dma_semaphore, #tpu.memory_space<semaphore_mem>>) src(%arg5 : memref<640x128xf32, #tpu.memory_space<hbm>>) dst(%dma_wait3A_14 : memref<640x128xf32, #tpu.memory_space<vmem_shared>>)
      tpu.yield
    }) : () -> ()
    %barrier3A = arith.constant 0 : index
    tpu.barrier barrier_id(%barrier3A)
    %mul3A_1 = arith.constant 6400 : i32
    %mul3A_2 = arith.muli %arg1, %mul3A_1 : i32
    %eq3A = arith.constant 0 : i32
    %eq3A_3 = arith.cmpi eq, %arg0, %eq3A : i32
    %convert_element_type3A = arith.extui %eq3A_3 : i1 to i32
    %cond3A = arith.constant 0 : i32
    %cond3A_4 = arith.cmpi ne, %convert_element_type3A, %cond3A : i32
    scf.if %cond3A_4 {
      %dma_start3A = arith.constant 0 : i32
      %dma_start3A_13 = arith.constant 0 : i32
      %dma_start3A_14 = arith.constant 0 : i32
      %dma_start3A_15 = arith.constant 0 : i32
      %dma_start3A_16 = tpu.memref_slice %arg9[%dma_start3A_13, %dma_start3A_14, %dma_start3A_15] : memref<2x2x40xi32, #tpu.memory_space<vmem>> -> memref<1x2x40xi32, #tpu.memory_space<vmem>>
      %dma_start3A_17 = tpu.memref_squeeze %dma_start3A_16 : memref<1x2x40xi32, #tpu.memory_space<vmem>> -> memref<2x40xi32, #tpu.memory_space<vmem>>
      %dma_start3A_18 = arith.constant 0 : i32
      %dma_start3A_19 = arith.constant 0 : i32
      %dma_start3A_20 = tpu.memref_slice %arg4[%arg1, %dma_start3A, %dma_start3A_18, %dma_start3A_19] : memref<16x80x2x40xi32, #tpu.memory_space<hbm>> -> memref<1x1x2x40xi32, #tpu.memory_space<hbm>>
      %dma_start3A_21 = tpu.memref_squeeze %dma_start3A_20 : memref<1x1x2x40xi32, #tpu.memory_space<hbm>> -> memref<2x40xi32, #tpu.memory_space<hbm>>
      %dma_start3A_22 = arith.constant 0 : i32
      %dma_start3A_23 = arith.constant 0 : i32
      %dma_start3A_24 = tpu.memref_slice %arg9[%dma_start3A_13, %dma_start3A_22, %dma_start3A_23] : memref<2x2x40xi32, #tpu.memory_space<vmem>> -> memref<1x2x40xi32, #tpu.memory_space<vmem>>
      %dma_start3A_25 = tpu.memref_squeeze %dma_start3A_24 : memref<1x2x40xi32, #tpu.memory_space<vmem>> -> memref<2x40xi32, #tpu.memory_space<vmem>>
      %dma_start3A_26 = arith.constant 0 : i32
      %dma_start3A_27 = arith.constant 0 : i32
      %dma_start3A_28 = tpu.memref_slice %arg4[%arg1, %dma_start3A, %dma_start3A_26, %dma_start3A_27] : memref<16x80x2x40xi32, #tpu.memory_space<hbm>> -> memref<1x1x2x40xi32, #tpu.memory_space<hbm>>
      %dma_start3A_29 = tpu.memref_squeeze %dma_start3A_28 : memref<1x1x2x40xi32, #tpu.memory_space<hbm>> -> memref<2x40xi32, #tpu.memory_space<hbm>>
      tpu.enqueue_dma source(%dma_start3A_29 : memref<2x40xi32, #tpu.memory_space<hbm>>) target(%dma_start3A_25 : memref<2x40xi32, #tpu.memory_space<vmem>>) target_semaphore(%arg10 : memref<!tpu.dma_semaphore, #tpu.memory_space<semaphore_mem>>)
      %add3A = arith.constant 0 : i32
      %add3A_30 = arith.addi %mul3A_2, %add3A : i32
      %dma_start3A_31 = arith.constant 0 : i32
      %dma_start3A_32 = arith.constant 0 : i32
      %dma_start3A_33 = tpu.memref_slice %arg8[%dma_start3A_31, %dma_start3A_32] : memref<160x128xf32, #tpu.memory_space<vmem>> -> memref<40x128xf32, #tpu.memory_space<vmem>>
      %dma_start3A_34 = arith.constant 0 : i32
      %dma_start3A_35 = tpu.memref_slice %arg2[%add3A_30, %dma_start3A_34] : memref<102400x128xf32, #tpu.memory_space<hbm>> -> memref<40x128xf32, #tpu.memory_space<hbm>>
      %dma_start3A_36 = arith.constant 0 : i32
      %dma_start3A_37 = arith.constant 0 : i32
      %dma_start3A_38 = tpu.memref_slice %arg8[%dma_start3A_36, %dma_start3A_37] : memref<160x128xf32, #tpu.memory_space<vmem>> -> memref<40x128xf32, #tpu.memory_space<vmem>>
      %dma_start3A_39 = arith.constant 0 : i32
      %dma_start3A_40 = tpu.memref_slice %arg2[%add3A_30, %dma_start3A_39] : memref<102400x128xf32, #tpu.memory_space<hbm>> -> memref<40x128xf32, #tpu.memory_space<hbm>>
      tpu.enqueue_dma source(%dma_start3A_40 : memref<40x128xf32, #tpu.memory_space<hbm>>) target(%dma_start3A_38 : memref<40x128xf32, #tpu.memory_space<vmem>>) target_semaphore(%arg10 : memref<!tpu.dma_semaphore, #tpu.memory_space<semaphore_mem>>)
      %add3A_41 = arith.constant 40 : i32
      %add3A_42 = arith.addi %mul3A_2, %add3A_41 : i32
      %dma_start3A_43 = arith.constant 40 : i32
      %dma_start3A_44 = arith.constant 0 : i32
      %dma_start3A_45 = tpu.memref_slice %arg8[%dma_start3A_43, %dma_start3A_44] : memref<160x128xf32, #tpu.memory_space<vmem>> -> memref<40x128xf32, #tpu.memory_space<vmem>>
      %dma_start3A_46 = arith.constant 0 : i32
      %dma_start3A_47 = tpu.memref_slice %arg2[%add3A_42, %dma_start3A_46] : memref<102400x128xf32, #tpu.memory_space<hbm>> -> memref<40x128xf32, #tpu.memory_space<hbm>>
      %dma_start3A_48 = arith.constant 40 : i32
      %dma_start3A_49 = arith.constant 0 : i32
      %dma_start3A_50 = tpu.memref_slice %arg8[%dma_start3A_48, %dma_start3A_49] : memref<160x128xf32, #tpu.memory_space<vmem>> -> memref<40x128xf32, #tpu.memory_space<vmem>>
      %dma_start3A_51 = arith.constant 0 : i32
      %dma_start3A_52 = tpu.memref_slice %arg2[%add3A_42, %dma_start3A_51] : memref<102400x128xf32, #tpu.memory_space<hbm>> -> memref<40x128xf32, #tpu.memory_space<hbm>>
      tpu.enqueue_dma source(%dma_start3A_52 : memref<40x128xf32, #tpu.memory_space<hbm>>) target(%dma_start3A_50 : memref<40x128xf32, #tpu.memory_space<vmem>>) target_semaphore(%arg10 : memref<!tpu.dma_semaphore, #tpu.memory_space<semaphore_mem>>)
      %scan3A = arith.constant 0 : i32
      %scan3A_53 = arith.constant 0 : i32
      %scan3A_54 = arith.constant 40 : i32
      %scan3A_55 = arith.addi %scan3A_53, %scan3A_54 : i32
      %scan3A_56 = arith.constant 1 : i32
      scf.for %scan3A_77 = %scan3A_53 to %scan3A_55 step %scan3A_56  : i32 {
        %mul3A_78 = arith.constant 2 : i32
        %mul3A_79 = arith.muli %mul3A_78, %scan3A_77 : i32
        %add3A_80 = arith.constant 0 : i32
        %add3A_81 = arith.addi %mul3A_79, %add3A_80 : i32
        %dma_wait3A_82 = arith.constant 0 : i32
        %dma_wait3A_83 = arith.constant 0 : i32
        %dma_wait3A_84 = arith.constant 0 : i32
        %dma_wait3A_85 = tpu.memref_slice %arg9[%dma_wait3A_82, %dma_wait3A_83, %dma_wait3A_84] : memref<2x2x40xi32, #tpu.memory_space<vmem>> -> memref<1x2x40xi32, #tpu.memory_space<vmem>>
        %dma_wait3A_86 = tpu.memref_squeeze %dma_wait3A_85 : memref<1x2x40xi32, #tpu.memory_space<vmem>> -> memref<2x40xi32, #tpu.memory_space<vmem>>
        %dma_wait3A_87 = arith.constant 0 : i32
        %dma_wait3A_88 = arith.constant 0 : i32
        %dma_wait3A_89 = tpu.memref_slice %arg4[%arg1, %add3A_81, %dma_wait3A_87, %dma_wait3A_88] : memref<16x80x2x40xi32, #tpu.memory_space<hbm>> -> memref<1x1x2x40xi32, #tpu.memory_space<hbm>>
        %dma_wait3A_90 = tpu.memref_squeeze %dma_wait3A_89 : memref<1x1x2x40xi32, #tpu.memory_space<hbm>> -> memref<2x40xi32, #tpu.memory_space<hbm>>
        %dma_wait3A_91 = arith.constant 0 : i32
        %dma_wait3A_92 = arith.constant 0 : i32
        %dma_wait3A_93 = tpu.memref_slice %arg9[%dma_wait3A_82, %dma_wait3A_91, %dma_wait3A_92] : memref<2x2x40xi32, #tpu.memory_space<vmem>> -> memref<1x2x40xi32, #tpu.memory_space<vmem>>
        %dma_wait3A_94 = tpu.memref_squeeze %dma_wait3A_93 : memref<1x2x40xi32, #tpu.memory_space<vmem>> -> memref<2x40xi32, #tpu.memory_space<vmem>>
        %dma_wait3A_95 = arith.constant 0 : i32
        %dma_wait3A_96 = arith.constant 0 : i32
        %dma_wait3A_97 = tpu.memref_slice %arg4[%arg1, %add3A_81, %dma_wait3A_95, %dma_wait3A_96] : memref<16x80x2x40xi32, #tpu.memory_space<hbm>> -> memref<1x1x2x40xi32, #tpu.memory_space<hbm>>
        %dma_wait3A_98 = tpu.memref_squeeze %dma_wait3A_97 : memref<1x1x2x40xi32, #tpu.memory_space<hbm>> -> memref<2x40xi32, #tpu.memory_space<hbm>>
        tpu.wait_dma2 semaphore(%arg10 : memref<!tpu.dma_semaphore, #tpu.memory_space<semaphore_mem>>) src(%dma_wait3A_98 : memref<2x40xi32, #tpu.memory_space<hbm>>) dst(%dma_wait3A_94 : memref<2x40xi32, #tpu.memory_space<vmem>>)
        %mul3A_99 = arith.constant 2 : i32
        %mul3A_100 = arith.muli %add3A_81, %mul3A_99 : i32
        %add3A_101 = arith.constant 0 : i32
        %add3A_102 = arith.addi %mul3A_100, %add3A_101 : i32
        %mul3A_103 = arith.constant 40 : i32
        %mul3A_104 = arith.muli %add3A_102, %mul3A_103 : i32
        %add3A_105 = arith.addi %mul3A_2, %mul3A_104 : i32
        %dma_wait3A_106 = arith.constant 0 : i32
        %dma_wait3A_107 = arith.constant 0 : i32
        %dma_wait3A_108 = tpu.memref_slice %arg8[%dma_wait3A_106, %dma_wait3A_107] : memref<160x128xf32, #tpu.memory_space<vmem>> -> memref<40x128xf32, #tpu.memory_space<vmem>>
        %dma_wait3A_109 = arith.constant 0 : i32
        %dma_wait3A_110 = tpu.memref_slice %arg2[%add3A_105, %dma_wait3A_109] : memref<102400x128xf32, #tpu.memory_space<hbm>> -> memref<40x128xf32, #tpu.memory_space<hbm>>
        %dma_wait3A_111 = arith.constant 0 : i32
        %dma_wait3A_112 = arith.constant 0 : i32
        %dma_wait3A_113 = tpu.memref_slice %arg8[%dma_wait3A_111, %dma_wait3A_112] : memref<160x128xf32, #tpu.memory_space<vmem>> -> memref<40x128xf32, #tpu.memory_space<vmem>>
        %dma_wait3A_114 = arith.constant 0 : i32
        %dma_wait3A_115 = tpu.memref_slice %arg2[%add3A_105, %dma_wait3A_114] : memref<102400x128xf32, #tpu.memory_space<hbm>> -> memref<40x128xf32, #tpu.memory_space<hbm>>
        tpu.wait_dma2 semaphore(%arg10 : memref<!tpu.dma_semaphore, #tpu.memory_space<semaphore_mem>>) src(%dma_wait3A_115 : memref<40x128xf32, #tpu.memory_space<hbm>>) dst(%dma_wait3A_113 : memref<40x128xf32, #tpu.memory_space<vmem>>)
        %mul3A_116 = arith.constant 2 : i32
        %mul3A_117 = arith.muli %add3A_81, %mul3A_116 : i32
        %add3A_118 = arith.constant 1 : i32
        %add3A_119 = arith.addi %mul3A_117, %add3A_118 : i32
        %mul3A_120 = arith.constant 40 : i32
        %mul3A_121 = arith.muli %add3A_119, %mul3A_120 : i32
        %add3A_122 = arith.addi %mul3A_2, %mul3A_121 : i32
        %dma_wait3A_123 = arith.constant 40 : i32
        %dma_wait3A_124 = arith.constant 0 : i32
        %dma_wait3A_125 = tpu.memref_slice %arg8[%dma_wait3A_123, %dma_wait3A_124] : memref<160x128xf32, #tpu.memory_space<vmem>> -> memref<40x128xf32, #tpu.memory_space<vmem>>
        %dma_wait3A_126 = arith.constant 0 : i32
        %dma_wait3A_127 = tpu.memref_slice %arg2[%add3A_122, %dma_wait3A_126] : memref<102400x128xf32, #tpu.memory_space<hbm>> -> memref<40x128xf32, #tpu.memory_space<hbm>>
        %dma_wait3A_128 = arith.constant 40 : i32
        %dma_wait3A_129 = arith.constant 0 : i32
        %dma_wait3A_130 = tpu.memref_slice %arg8[%dma_wait3A_128, %dma_wait3A_129] : memref<160x128xf32, #tpu.memory_space<vmem>> -> memref<40x128xf32, #tpu.memory_space<vmem>>
        %dma_wait3A_131 = arith.constant 0 : i32
        %dma_wait3A_132 = tpu.memref_slice %arg2[%add3A_122, %dma_wait3A_131] : memref<102400x128xf32, #tpu.memory_space<hbm>> -> memref<40x128xf32, #tpu.memory_space<hbm>>
        tpu.wait_dma2 semaphore(%arg10 : memref<!tpu.dma_semaphore, #tpu.memory_space<semaphore_mem>>) src(%dma_wait3A_132 : memref<40x128xf32, #tpu.memory_space<hbm>>) dst(%dma_wait3A_130 : memref<40x128xf32, #tpu.memory_space<vmem>>)
        %dma_start3A_133 = arith.constant 0 : i32
        %dma_start3A_134 = arith.constant 0 : i32
        %dma_start3A_135 = arith.constant 0 : i32
        %dma_start3A_136 = arith.constant 0 : i32
        %dma_start3A_137 = tpu.memref_slice %arg8[%dma_start3A_135, %dma_start3A_136] : memref<160x128xf32, #tpu.memory_space<vmem>> -> memref<40x128xf32, #tpu.memory_space<vmem>>
        %dma_start3A_138 = arith.constant 0 : i32
        %dma_start3A_139 = tpu.memref_slice %arg9[%dma_start3A_133, %dma_start3A_134, %dma_start3A_138] : memref<2x2x40xi32, #tpu.memory_space<vmem>> -> memref<1x1x40xi32, #tpu.memory_space<vmem>>
        %dma_start3A_140 = tpu.memref_squeeze %dma_start3A_139 : memref<1x1x40xi32, #tpu.memory_space<vmem>> -> memref<40xi32, #tpu.memory_space<vmem>>
        %dma_start3A_141 = arith.constant 0 : i32
        %dma_start3A_142 = arith.constant 0 : i32
        %dma_start3A_143 = tpu.memref_slice %arg7[%dma_start3A_141, %dma_start3A_142] : memref<10240x128xf32, #tpu.memory_space<vmem_shared>> -> memref<10240x128xf32, #tpu.memory_space<vmem_shared>>
        tpu.enqueue_indirect_dma source(%dma_start3A_137 : memref<40x128xf32, #tpu.memory_space<vmem>>) target(%dma_start3A_143 : memref<10240x128xf32, #tpu.memory_space<vmem_shared>>) offsets(%dma_start3A_140 : memref<40xi32, #tpu.memory_space<vmem>>) semaphore(%arg12 : memref<!tpu.dma_semaphore, #tpu.memory_space<semaphore_mem>>) {add = true}
        %dma_start3A_144 = arith.constant 0 : i32
        %dma_start3A_145 = arith.constant 1 : i32
        %dma_start3A_146 = arith.constant 40 : i32
        %dma_start3A_147 = arith.constant 0 : i32
        %dma_start3A_148 = tpu.memref_slice %arg8[%dma_start3A_146, %dma_start3A_147] : memref<160x128xf32, #tpu.memory_space<vmem>> -> memref<40x128xf32, #tpu.memory_space<vmem>>
        %dma_start3A_149 = arith.constant 0 : i32
        %dma_start3A_150 = tpu.memref_slice %arg9[%dma_start3A_144, %dma_start3A_145, %dma_start3A_149] : memref<2x2x40xi32, #tpu.memory_space<vmem>> -> memref<1x1x40xi32, #tpu.memory_space<vmem>>
        %dma_start3A_151 = tpu.memref_squeeze %dma_start3A_150 : memref<1x1x40xi32, #tpu.memory_space<vmem>> -> memref<40xi32, #tpu.memory_space<vmem>>
        %dma_start3A_152 = arith.constant 0 : i32
        %dma_start3A_153 = arith.constant 0 : i32
        %dma_start3A_154 = tpu.memref_slice %arg7[%dma_start3A_152, %dma_start3A_153] : memref<10240x128xf32, #tpu.memory_space<vmem_shared>> -> memref<10240x128xf32, #tpu.memory_space<vmem_shared>>
        tpu.enqueue_indirect_dma source(%dma_start3A_148 : memref<40x128xf32, #tpu.memory_space<vmem>>) target(%dma_start3A_154 : memref<10240x128xf32, #tpu.memory_space<vmem_shared>>) offsets(%dma_start3A_151 : memref<40xi32, #tpu.memory_space<vmem>>) semaphore(%arg12 : memref<!tpu.dma_semaphore, #tpu.memory_space<semaphore_mem>>) {add = true}
        %gt3A = arith.constant 0 : i32
        %gt3A_155 = arith.cmpi sgt, %scan3A_77, %gt3A : i32
        %convert_element_type3A_156 = arith.extui %gt3A_155 : i1 to i32
        %cond3A_157 = arith.constant 0 : i32
        %cond3A_158 = arith.cmpi ne, %convert_element_type3A_156, %cond3A_157 : i32
        scf.if %cond3A_158 {
          %dma_wait3A_313 = arith.constant 80 : i32
          %dma_wait3A_314 = arith.constant 0 : i32
          %dma_wait3A_315 = tpu.memref_slice %arg8[%dma_wait3A_313, %dma_wait3A_314] : memref<160x128xf32, #tpu.memory_space<vmem>> -> memref<40x128xf32, #tpu.memory_space<vmem>>
          %dma_wait3A_316 = arith.constant 0 : i32
          %dma_wait3A_317 = tpu.memref_slice %arg2[%mul3A_2, %dma_wait3A_316] : memref<102400x128xf32, #tpu.memory_space<hbm>> -> memref<40x128xf32, #tpu.memory_space<hbm>>
          %dma_wait3A_318 = arith.constant 80 : i32
          %dma_wait3A_319 = arith.constant 0 : i32
          %dma_wait3A_320 = tpu.memref_slice %arg8[%dma_wait3A_318, %dma_wait3A_319] : memref<160x128xf32, #tpu.memory_space<vmem>> -> memref<40x128xf32, #tpu.memory_space<vmem>>
          %dma_wait3A_321 = arith.constant 0 : i32
          %dma_wait3A_322 = tpu.memref_slice %arg2[%mul3A_2, %dma_wait3A_321] : memref<102400x128xf32, #tpu.memory_space<hbm>> -> memref<40x128xf32, #tpu.memory_space<hbm>>
          tpu.wait_dma2 semaphore(%arg13 : memref<!tpu.dma_semaphore, #tpu.memory_space<semaphore_mem>>) src(%dma_wait3A_322 : memref<40x128xf32, #tpu.memory_space<hbm>>) dst(%dma_wait3A_320 : memref<40x128xf32, #tpu.memory_space<vmem>>)
          %dma_wait3A_323 = arith.constant 120 : i32
          %dma_wait3A_324 = arith.constant 0 : i32
          %dma_wait3A_325 = tpu.memref_slice %arg8[%dma_wait3A_323, %dma_wait3A_324] : memref<160x128xf32, #tpu.memory_space<vmem>> -> memref<40x128xf32, #tpu.memory_space<vmem>>
          %dma_wait3A_326 = arith.constant 0 : i32
          %dma_wait3A_327 = tpu.memref_slice %arg2[%mul3A_2, %dma_wait3A_326] : memref<102400x128xf32, #tpu.memory_space<hbm>> -> memref<40x128xf32, #tpu.memory_space<hbm>>
          %dma_wait3A_328 = arith.constant 120 : i32
          %dma_wait3A_329 = arith.constant 0 : i32
          %dma_wait3A_330 = tpu.memref_slice %arg8[%dma_wait3A_328, %dma_wait3A_329] : memref<160x128xf32, #tpu.memory_space<vmem>> -> memref<40x128xf32, #tpu.memory_space<vmem>>
          %dma_wait3A_331 = arith.constant 0 : i32
          %dma_wait3A_332 = tpu.memref_slice %arg2[%mul3A_2, %dma_wait3A_331] : memref<102400x128xf32, #tpu.memory_space<hbm>> -> memref<40x128xf32, #tpu.memory_space<hbm>>
          tpu.wait_dma2 semaphore(%arg13 : memref<!tpu.dma_semaphore, #tpu.memory_space<semaphore_mem>>) src(%dma_wait3A_332 : memref<40x128xf32, #tpu.memory_space<hbm>>) dst(%dma_wait3A_330 : memref<40x128xf32, #tpu.memory_space<vmem>>)
        } else {
        }
        %add3A_159 = arith.constant 1 : i32
        %add3A_160 = arith.addi %add3A_81, %add3A_159 : i32
        %dma_start3A_161 = arith.constant 1 : i32
        %dma_start3A_162 = arith.constant 0 : i32
        %dma_start3A_163 = arith.constant 0 : i32
        %dma_start3A_164 = tpu.memref_slice %arg9[%dma_start3A_161, %dma_start3A_162, %dma_start3A_163] : memref<2x2x40xi32, #tpu.memory_space<vmem>> -> memref<1x2x40xi32, #tpu.memory_space<vmem>>
        %dma_start3A_165 = tpu.memref_squeeze %dma_start3A_164 : memref<1x2x40xi32, #tpu.memory_space<vmem>> -> memref<2x40xi32, #tpu.memory_space<vmem>>
        %dma_start3A_166 = arith.constant 0 : i32
        %dma_start3A_167 = arith.constant 0 : i32
        %dma_start3A_168 = tpu.memref_slice %arg4[%arg1, %add3A_160, %dma_start3A_166, %dma_start3A_167] : memref<16x80x2x40xi32, #tpu.memory_space<hbm>> -> memref<1x1x2x40xi32, #tpu.memory_space<hbm>>
        %dma_start3A_169 = tpu.memref_squeeze %dma_start3A_168 : memref<1x1x2x40xi32, #tpu.memory_space<hbm>> -> memref<2x40xi32, #tpu.memory_space<hbm>>
        %dma_start3A_170 = arith.constant 0 : i32
        %dma_start3A_171 = arith.constant 0 : i32
        %dma_start3A_172 = tpu.memref_slice %arg9[%dma_start3A_161, %dma_start3A_170, %dma_start3A_171] : memref<2x2x40xi32, #tpu.memory_space<vmem>> -> memref<1x2x40xi32, #tpu.memory_space<vmem>>
        %dma_start3A_173 = tpu.memref_squeeze %dma_start3A_172 : memref<1x2x40xi32, #tpu.memory_space<vmem>> -> memref<2x40xi32, #tpu.memory_space<vmem>>
        %dma_start3A_174 = arith.constant 0 : i32
        %dma_start3A_175 = arith.constant 0 : i32
        %dma_start3A_176 = tpu.memref_slice %arg4[%arg1, %add3A_160, %dma_start3A_174, %dma_start3A_175] : memref<16x80x2x40xi32, #tpu.memory_space<hbm>> -> memref<1x1x2x40xi32, #tpu.memory_space<hbm>>
        %dma_start3A_177 = tpu.memref_squeeze %dma_start3A_176 : memref<1x1x2x40xi32, #tpu.memory_space<hbm>> -> memref<2x40xi32, #tpu.memory_space<hbm>>
        tpu.enqueue_dma source(%dma_start3A_177 : memref<2x40xi32, #tpu.memory_space<hbm>>) target(%dma_start3A_173 : memref<2x40xi32, #tpu.memory_space<vmem>>) target_semaphore(%arg11 : memref<!tpu.dma_semaphore, #tpu.memory_space<semaphore_mem>>)
        %mul3A_178 = arith.constant 2 : i32
        %mul3A_179 = arith.muli %add3A_160, %mul3A_178 : i32
        %add3A_180 = arith.constant 0 : i32
        %add3A_181 = arith.addi %mul3A_179, %add3A_180 : i32
        %mul3A_182 = arith.constant 40 : i32
        %mul3A_183 = arith.muli %add3A_181, %mul3A_182 : i32
        %add3A_184 = arith.addi %mul3A_2, %mul3A_183 : i32
        %dma_start3A_185 = arith.constant 80 : i32
        %dma_start3A_186 = arith.constant 0 : i32
        %dma_start3A_187 = tpu.memref_slice %arg8[%dma_start3A_185, %dma_start3A_186] : memref<160x128xf32, #tpu.memory_space<vmem>> -> memref<40x128xf32, #tpu.memory_space<vmem>>
        %dma_start3A_188 = arith.constant 0 : i32
        %dma_start3A_189 = tpu.memref_slice %arg2[%add3A_184, %dma_start3A_188] : memref<102400x128xf32, #tpu.memory_space<hbm>> -> memref<40x128xf32, #tpu.memory_space<hbm>>
        %dma_start3A_190 = arith.constant 80 : i32
        %dma_start3A_191 = arith.constant 0 : i32
        %dma_start3A_192 = tpu.memref_slice %arg8[%dma_start3A_190, %dma_start3A_191] : memref<160x128xf32, #tpu.memory_space<vmem>> -> memref<40x128xf32, #tpu.memory_space<vmem>>
        %dma_start3A_193 = arith.constant 0 : i32
        %dma_start3A_194 = tpu.memref_slice %arg2[%add3A_184, %dma_start3A_193] : memref<102400x128xf32, #tpu.memory_space<hbm>> -> memref<40x128xf32, #tpu.memory_space<hbm>>
        tpu.enqueue_dma source(%dma_start3A_194 : memref<40x128xf32, #tpu.memory_space<hbm>>) target(%dma_start3A_192 : memref<40x128xf32, #tpu.memory_space<vmem>>) target_semaphore(%arg11 : memref<!tpu.dma_semaphore, #tpu.memory_space<semaphore_mem>>)
        %mul3A_195 = arith.constant 2 : i32
        %mul3A_196 = arith.muli %add3A_160, %mul3A_195 : i32
        %add3A_197 = arith.constant 1 : i32
        %add3A_198 = arith.addi %mul3A_196, %add3A_197 : i32
        %mul3A_199 = arith.constant 40 : i32
        %mul3A_200 = arith.muli %add3A_198, %mul3A_199 : i32
        %add3A_201 = arith.addi %mul3A_2, %mul3A_200 : i32
        %dma_start3A_202 = arith.constant 120 : i32
        %dma_start3A_203 = arith.constant 0 : i32
        %dma_start3A_204 = tpu.memref_slice %arg8[%dma_start3A_202, %dma_start3A_203] : memref<160x128xf32, #tpu.memory_space<vmem>> -> memref<40x128xf32, #tpu.memory_space<vmem>>
        %dma_start3A_205 = arith.constant 0 : i32
        %dma_start3A_206 = tpu.memref_slice %arg2[%add3A_201, %dma_start3A_205] : memref<102400x128xf32, #tpu.memory_space<hbm>> -> memref<40x128xf32, #tpu.memory_space<hbm>>
        %dma_start3A_207 = arith.constant 120 : i32
        %dma_start3A_208 = arith.constant 0 : i32
        %dma_start3A_209 = tpu.memref_slice %arg8[%dma_start3A_207, %dma_start3A_208] : memref<160x128xf32, #tpu.memory_space<vmem>> -> memref<40x128xf32, #tpu.memory_space<vmem>>
        %dma_start3A_210 = arith.constant 0 : i32
        %dma_start3A_211 = tpu.memref_slice %arg2[%add3A_201, %dma_start3A_210] : memref<102400x128xf32, #tpu.memory_space<hbm>> -> memref<40x128xf32, #tpu.memory_space<hbm>>
        tpu.enqueue_dma source(%dma_start3A_211 : memref<40x128xf32, #tpu.memory_space<hbm>>) target(%dma_start3A_209 : memref<40x128xf32, #tpu.memory_space<vmem>>) target_semaphore(%arg11 : memref<!tpu.dma_semaphore, #tpu.memory_space<semaphore_mem>>)
        %mul3A_212 = arith.constant 2 : i32
        %mul3A_213 = arith.muli %mul3A_212, %scan3A_77 : i32
        %add3A_214 = arith.constant 1 : i32
        %add3A_215 = arith.addi %mul3A_213, %add3A_214 : i32
        %dma_wait3A_216 = arith.constant 1 : i32
        %dma_wait3A_217 = arith.constant 0 : i32
        %dma_wait3A_218 = arith.constant 0 : i32
        %dma_wait3A_219 = tpu.memref_slice %arg9[%dma_wait3A_216, %dma_wait3A_217, %dma_wait3A_218] : memref<2x2x40xi32, #tpu.memory_space<vmem>> -> memref<1x2x40xi32, #tpu.memory_space<vmem>>
        %dma_wait3A_220 = tpu.memref_squeeze %dma_wait3A_219 : memref<1x2x40xi32, #tpu.memory_space<vmem>> -> memref<2x40xi32, #tpu.memory_space<vmem>>
        %dma_wait3A_221 = arith.constant 0 : i32
        %dma_wait3A_222 = arith.constant 0 : i32
        %dma_wait3A_223 = tpu.memref_slice %arg4[%arg1, %add3A_215, %dma_wait3A_221, %dma_wait3A_222] : memref<16x80x2x40xi32, #tpu.memory_space<hbm>> -> memref<1x1x2x40xi32, #tpu.memory_space<hbm>>
        %dma_wait3A_224 = tpu.memref_squeeze %dma_wait3A_223 : memref<1x1x2x40xi32, #tpu.memory_space<hbm>> -> memref<2x40xi32, #tpu.memory_space<hbm>>
        %dma_wait3A_225 = arith.constant 0 : i32
        %dma_wait3A_226 = arith.constant 0 : i32
        %dma_wait3A_227 = tpu.memref_slice %arg9[%dma_wait3A_216, %dma_wait3A_225, %dma_wait3A_226] : memref<2x2x40xi32, #tpu.memory_space<vmem>> -> memref<1x2x40xi32, #tpu.memory_space<vmem>>
        %dma_wait3A_228 = tpu.memref_squeeze %dma_wait3A_227 : memref<1x2x40xi32, #tpu.memory_space<vmem>> -> memref<2x40xi32, #tpu.memory_space<vmem>>
        %dma_wait3A_229 = arith.constant 0 : i32
        %dma_wait3A_230 = arith.constant 0 : i32
        %dma_wait3A_231 = tpu.memref_slice %arg4[%arg1, %add3A_215, %dma_wait3A_229, %dma_wait3A_230] : memref<16x80x2x40xi32, #tpu.memory_space<hbm>> -> memref<1x1x2x40xi32, #tpu.memory_space<hbm>>
        %dma_wait3A_232 = tpu.memref_squeeze %dma_wait3A_231 : memref<1x1x2x40xi32, #tpu.memory_space<hbm>> -> memref<2x40xi32, #tpu.memory_space<hbm>>
        tpu.wait_dma2 semaphore(%arg11 : memref<!tpu.dma_semaphore, #tpu.memory_space<semaphore_mem>>) src(%dma_wait3A_232 : memref<2x40xi32, #tpu.memory_space<hbm>>) dst(%dma_wait3A_228 : memref<2x40xi32, #tpu.memory_space<vmem>>)
        %mul3A_233 = arith.constant 2 : i32
        %mul3A_234 = arith.muli %add3A_215, %mul3A_233 : i32
        %add3A_235 = arith.constant 0 : i32
        %add3A_236 = arith.addi %mul3A_234, %add3A_235 : i32
        %mul3A_237 = arith.constant 40 : i32
        %mul3A_238 = arith.muli %add3A_236, %mul3A_237 : i32
        %add3A_239 = arith.addi %mul3A_2, %mul3A_238 : i32
        %dma_wait3A_240 = arith.constant 80 : i32
        %dma_wait3A_241 = arith.constant 0 : i32
        %dma_wait3A_242 = tpu.memref_slice %arg8[%dma_wait3A_240, %dma_wait3A_241] : memref<160x128xf32, #tpu.memory_space<vmem>> -> memref<40x128xf32, #tpu.memory_space<vmem>>
        %dma_wait3A_243 = arith.constant 0 : i32
        %dma_wait3A_244 = tpu.memref_slice %arg2[%add3A_239, %dma_wait3A_243] : memref<102400x128xf32, #tpu.memory_space<hbm>> -> memref<40x128xf32, #tpu.memory_space<hbm>>
        %dma_wait3A_245 = arith.constant 80 : i32
        %dma_wait3A_246 = arith.constant 0 : i32
        %dma_wait3A_247 = tpu.memref_slice %arg8[%dma_wait3A_245, %dma_wait3A_246] : memref<160x128xf32, #tpu.memory_space<vmem>> -> memref<40x128xf32, #tpu.memory_space<vmem>>
        %dma_wait3A_248 = arith.constant 0 : i32
        %dma_wait3A_249 = tpu.memref_slice %arg2[%add3A_239, %dma_wait3A_248] : memref<102400x128xf32, #tpu.memory_space<hbm>> -> memref<40x128xf32, #tpu.memory_space<hbm>>
        tpu.wait_dma2 semaphore(%arg11 : memref<!tpu.dma_semaphore, #tpu.memory_space<semaphore_mem>>) src(%dma_wait3A_249 : memref<40x128xf32, #tpu.memory_space<hbm>>) dst(%dma_wait3A_247 : memref<40x128xf32, #tpu.memory_space<vmem>>)
        %mul3A_250 = arith.constant 2 : i32
        %mul3A_251 = arith.muli %add3A_215, %mul3A_250 : i32
        %add3A_252 = arith.constant 1 : i32
        %add3A_253 = arith.addi %mul3A_251, %add3A_252 : i32
        %mul3A_254 = arith.constant 40 : i32
        %mul3A_255 = arith.muli %add3A_253, %mul3A_254 : i32
        %add3A_256 = arith.addi %mul3A_2, %mul3A_255 : i32
        %dma_wait3A_257 = arith.constant 120 : i32
        %dma_wait3A_258 = arith.constant 0 : i32
        %dma_wait3A_259 = tpu.memref_slice %arg8[%dma_wait3A_257, %dma_wait3A_258] : memref<160x128xf32, #tpu.memory_space<vmem>> -> memref<40x128xf32, #tpu.memory_space<vmem>>
        %dma_wait3A_260 = arith.constant 0 : i32
        %dma_wait3A_261 = tpu.memref_slice %arg2[%add3A_256, %dma_wait3A_260] : memref<102400x128xf32, #tpu.memory_space<hbm>> -> memref<40x128xf32, #tpu.memory_space<hbm>>
        %dma_wait3A_262 = arith.constant 120 : i32
        %dma_wait3A_263 = arith.constant 0 : i32
        %dma_wait3A_264 = tpu.memref_slice %arg8[%dma_wait3A_262, %dma_wait3A_263] : memref<160x128xf32, #tpu.memory_space<vmem>> -> memref<40x128xf32, #tpu.memory_space<vmem>>
        %dma_wait3A_265 = arith.constant 0 : i32
        %dma_wait3A_266 = tpu.memref_slice %arg2[%add3A_256, %dma_wait3A_265] : memref<102400x128xf32, #tpu.memory_space<hbm>> -> memref<40x128xf32, #tpu.memory_space<hbm>>
        tpu.wait_dma2 semaphore(%arg11 : memref<!tpu.dma_semaphore, #tpu.memory_space<semaphore_mem>>) src(%dma_wait3A_266 : memref<40x128xf32, #tpu.memory_space<hbm>>) dst(%dma_wait3A_264 : memref<40x128xf32, #tpu.memory_space<vmem>>)
        %dma_start3A_267 = arith.constant 1 : i32
        %dma_start3A_268 = arith.constant 0 : i32
        %dma_start3A_269 = arith.constant 80 : i32
        %dma_start3A_270 = arith.constant 0 : i32
        %dma_start3A_271 = tpu.memref_slice %arg8[%dma_start3A_269, %dma_start3A_270] : memref<160x128xf32, #tpu.memory_space<vmem>> -> memref<40x128xf32, #tpu.memory_space<vmem>>
        %dma_start3A_272 = arith.constant 0 : i32
        %dma_start3A_273 = tpu.memref_slice %arg9[%dma_start3A_267, %dma_start3A_268, %dma_start3A_272] : memref<2x2x40xi32, #tpu.memory_space<vmem>> -> memref<1x1x40xi32, #tpu.memory_space<vmem>>
        %dma_start3A_274 = tpu.memref_squeeze %dma_start3A_273 : memref<1x1x40xi32, #tpu.memory_space<vmem>> -> memref<40xi32, #tpu.memory_space<vmem>>
        %dma_start3A_275 = arith.constant 0 : i32
        %dma_start3A_276 = arith.constant 0 : i32
        %dma_start3A_277 = tpu.memref_slice %arg7[%dma_start3A_275, %dma_start3A_276] : memref<10240x128xf32, #tpu.memory_space<vmem_shared>> -> memref<10240x128xf32, #tpu.memory_space<vmem_shared>>
        tpu.enqueue_indirect_dma source(%dma_start3A_271 : memref<40x128xf32, #tpu.memory_space<vmem>>) target(%dma_start3A_277 : memref<10240x128xf32, #tpu.memory_space<vmem_shared>>) offsets(%dma_start3A_274 : memref<40xi32, #tpu.memory_space<vmem>>) semaphore(%arg13 : memref<!tpu.dma_semaphore, #tpu.memory_space<semaphore_mem>>) {add = true}
        %dma_start3A_278 = arith.constant 1 : i32
        %dma_start3A_279 = arith.constant 1 : i32
        %dma_start3A_280 = arith.constant 120 : i32
        %dma_start3A_281 = arith.constant 0 : i32
        %dma_start3A_282 = tpu.memref_slice %arg8[%dma_start3A_280, %dma_start3A_281] : memref<160x128xf32, #tpu.memory_space<vmem>> -> memref<40x128xf32, #tpu.memory_space<vmem>>
        %dma_start3A_283 = arith.constant 0 : i32
        %dma_start3A_284 = tpu.memref_slice %arg9[%dma_start3A_278, %dma_start3A_279, %dma_start3A_283] : memref<2x2x40xi32, #tpu.memory_space<vmem>> -> memref<1x1x40xi32, #tpu.memory_space<vmem>>
        %dma_start3A_285 = tpu.memref_squeeze %dma_start3A_284 : memref<1x1x40xi32, #tpu.memory_space<vmem>> -> memref<40xi32, #tpu.memory_space<vmem>>
        %dma_start3A_286 = arith.constant 0 : i32
        %dma_start3A_287 = arith.constant 0 : i32
        %dma_start3A_288 = tpu.memref_slice %arg7[%dma_start3A_286, %dma_start3A_287] : memref<10240x128xf32, #tpu.memory_space<vmem_shared>> -> memref<10240x128xf32, #tpu.memory_space<vmem_shared>>
        tpu.enqueue_indirect_dma source(%dma_start3A_282 : memref<40x128xf32, #tpu.memory_space<vmem>>) target(%dma_start3A_288 : memref<10240x128xf32, #tpu.memory_space<vmem_shared>>) offsets(%dma_start3A_285 : memref<40xi32, #tpu.memory_space<vmem>>) semaphore(%arg13 : memref<!tpu.dma_semaphore, #tpu.memory_space<semaphore_mem>>) {add = true}
        %dma_wait3A_289 = arith.constant 0 : i32
        %dma_wait3A_290 = arith.constant 0 : i32
        %dma_wait3A_291 = tpu.memref_slice %arg8[%dma_wait3A_289, %dma_wait3A_290] : memref<160x128xf32, #tpu.memory_space<vmem>> -> memref<40x128xf32, #tpu.memory_space<vmem>>
        %dma_wait3A_292 = arith.constant 0 : i32
        %dma_wait3A_293 = tpu.memref_slice %arg2[%mul3A_2, %dma_wait3A_292] : memref<102400x128xf32, #tpu.memory_space<hbm>> -> memref<40x128xf32, #tpu.memory_space<hbm>>
        %dma_wait3A_294 = arith.constant 0 : i32
        %dma_wait3A_295 = arith.constant 0 : i32
        %dma_wait3A_296 = tpu.memref_slice %arg8[%dma_wait3A_294, %dma_wait3A_295] : memref<160x128xf32, #tpu.memory_space<vmem>> -> memref<40x128xf32, #tpu.memory_space<vmem>>
        %dma_wait3A_297 = arith.constant 0 : i32
        %dma_wait3A_298 = tpu.memref_slice %arg2[%mul3A_2, %dma_wait3A_297] : memref<102400x128xf32, #tpu.memory_space<hbm>> -> memref<40x128xf32, #tpu.memory_space<hbm>>
        tpu.wait_dma2 semaphore(%arg12 : memref<!tpu.dma_semaphore, #tpu.memory_space<semaphore_mem>>) src(%dma_wait3A_298 : memref<40x128xf32, #tpu.memory_space<hbm>>) dst(%dma_wait3A_296 : memref<40x128xf32, #tpu.memory_space<vmem>>)
        %dma_wait3A_299 = arith.constant 40 : i32
        %dma_wait3A_300 = arith.constant 0 : i32
        %dma_wait3A_301 = tpu.memref_slice %arg8[%dma_wait3A_299, %dma_wait3A_300] : memref<160x128xf32, #tpu.memory_space<vmem>> -> memref<40x128xf32, #tpu.memory_space<vmem>>
        %dma_wait3A_302 = arith.constant 0 : i32
        %dma_wait3A_303 = tpu.memref_slice %arg2[%mul3A_2, %dma_wait3A_302] : memref<102400x128xf32, #tpu.memory_space<hbm>> -> memref<40x128xf32, #tpu.memory_space<hbm>>
        %dma_wait3A_304 = arith.constant 40 : i32
        %dma_wait3A_305 = arith.constant 0 : i32
        %dma_wait3A_306 = tpu.memref_slice %arg8[%dma_wait3A_304, %dma_wait3A_305] : memref<160x128xf32, #tpu.memory_space<vmem>> -> memref<40x128xf32, #tpu.memory_space<vmem>>
        %dma_wait3A_307 = arith.constant 0 : i32
        %dma_wait3A_308 = tpu.memref_slice %arg2[%mul3A_2, %dma_wait3A_307] : memref<102400x128xf32, #tpu.memory_space<hbm>> -> memref<40x128xf32, #tpu.memory_space<hbm>>
        tpu.wait_dma2 semaphore(%arg12 : memref<!tpu.dma_semaphore, #tpu.memory_space<semaphore_mem>>) src(%dma_wait3A_308 : memref<40x128xf32, #tpu.memory_space<hbm>>) dst(%dma_wait3A_306 : memref<40x128xf32, #tpu.memory_space<vmem>>)
        %lt3A = arith.constant 39 : i32
        %lt3A_309 = arith.cmpi slt, %scan3A_77, %lt3A : i32
        %convert_element_type3A_310 = arith.extui %lt3A_309 : i1 to i32
        %cond3A_311 = arith.constant 0 : i32
        %cond3A_312 = arith.cmpi ne, %convert_element_type3A_310, %cond3A_311 : i32
        scf.if %cond3A_312 {
          %add3A_313 = arith.constant 1 : i32
          %add3A_314 = arith.addi %add3A_215, %add3A_313 : i32
          %dma_start3A_315 = arith.constant 0 : i32
          %dma_start3A_316 = arith.constant 0 : i32
          %dma_start3A_317 = arith.constant 0 : i32
          %dma_start3A_318 = tpu.memref_slice %arg9[%dma_start3A_315, %dma_start3A_316, %dma_start3A_317] : memref<2x2x40xi32, #tpu.memory_space<vmem>> -> memref<1x2x40xi32, #tpu.memory_space<vmem>>
          %dma_start3A_319 = tpu.memref_squeeze %dma_start3A_318 : memref<1x2x40xi32, #tpu.memory_space<vmem>> -> memref<2x40xi32, #tpu.memory_space<vmem>>
          %dma_start3A_320 = arith.constant 0 : i32
          %dma_start3A_321 = arith.constant 0 : i32
          %dma_start3A_322 = tpu.memref_slice %arg4[%arg1, %add3A_314, %dma_start3A_320, %dma_start3A_321] : memref<16x80x2x40xi32, #tpu.memory_space<hbm>> -> memref<1x1x2x40xi32, #tpu.memory_space<hbm>>
          %dma_start3A_323 = tpu.memref_squeeze %dma_start3A_322 : memref<1x1x2x40xi32, #tpu.memory_space<hbm>> -> memref<2x40xi32, #tpu.memory_space<hbm>>
          %dma_start3A_324 = arith.constant 0 : i32
          %dma_start3A_325 = arith.constant 0 : i32
          %dma_start3A_326 = tpu.memref_slice %arg9[%dma_start3A_315, %dma_start3A_324, %dma_start3A_325] : memref<2x2x40xi32, #tpu.memory_space<vmem>> -> memref<1x2x40xi32, #tpu.memory_space<vmem>>
          %dma_start3A_327 = tpu.memref_squeeze %dma_start3A_326 : memref<1x2x40xi32, #tpu.memory_space<vmem>> -> memref<2x40xi32, #tpu.memory_space<vmem>>
          %dma_start3A_328 = arith.constant 0 : i32
          %dma_start3A_329 = arith.constant 0 : i32
          %dma_start3A_330 = tpu.memref_slice %arg4[%arg1, %add3A_314, %dma_start3A_328, %dma_start3A_329] : memref<16x80x2x40xi32, #tpu.memory_space<hbm>> -> memref<1x1x2x40xi32, #tpu.memory_space<hbm>>
          %dma_start3A_331 = tpu.memref_squeeze %dma_start3A_330 : memref<1x1x2x40xi32, #tpu.memory_space<hbm>> -> memref<2x40xi32, #tpu.memory_space<hbm>>
          tpu.enqueue_dma source(%dma_start3A_331 : memref<2x40xi32, #tpu.memory_space<hbm>>) target(%dma_start3A_327 : memref<2x40xi32, #tpu.memory_space<vmem>>) target_semaphore(%arg10 : memref<!tpu.dma_semaphore, #tpu.memory_space<semaphore_mem>>)
          %mul3A_332 = arith.constant 2 : i32
          %mul3A_333 = arith.muli %add3A_314, %mul3A_332 : i32
          %add3A_334 = arith.constant 0 : i32
          %add3A_335 = arith.addi %mul3A_333, %add3A_334 : i32
          %mul3A_336 = arith.constant 40 : i32
          %mul3A_337 = arith.muli %add3A_335, %mul3A_336 : i32
          %add3A_338 = arith.addi %mul3A_2, %mul3A_337 : i32
          %dma_start3A_339 = arith.constant 0 : i32
          %dma_start3A_340 = arith.constant 0 : i32
          %dma_start3A_341 = tpu.memref_slice %arg8[%dma_start3A_339, %dma_start3A_340] : memref<160x128xf32, #tpu.memory_space<vmem>> -> memref<40x128xf32, #tpu.memory_space<vmem>>
          %dma_start3A_342 = arith.constant 0 : i32
          %dma_start3A_343 = tpu.memref_slice %arg2[%add3A_338, %dma_start3A_342] : memref<102400x128xf32, #tpu.memory_space<hbm>> -> memref<40x128xf32, #tpu.memory_space<hbm>>
          %dma_start3A_344 = arith.constant 0 : i32
          %dma_start3A_345 = arith.constant 0 : i32
          %dma_start3A_346 = tpu.memref_slice %arg8[%dma_start3A_344, %dma_start3A_345] : memref<160x128xf32, #tpu.memory_space<vmem>> -> memref<40x128xf32, #tpu.memory_space<vmem>>
          %dma_start3A_347 = arith.constant 0 : i32
          %dma_start3A_348 = tpu.memref_slice %arg2[%add3A_338, %dma_start3A_347] : memref<102400x128xf32, #tpu.memory_space<hbm>> -> memref<40x128xf32, #tpu.memory_space<hbm>>
          tpu.enqueue_dma source(%dma_start3A_348 : memref<40x128xf32, #tpu.memory_space<hbm>>) target(%dma_start3A_346 : memref<40x128xf32, #tpu.memory_space<vmem>>) target_semaphore(%arg10 : memref<!tpu.dma_semaphore, #tpu.memory_space<semaphore_mem>>)
          %mul3A_349 = arith.constant 2 : i32
          %mul3A_350 = arith.muli %add3A_314, %mul3A_349 : i32
          %add3A_351 = arith.constant 1 : i32
          %add3A_352 = arith.addi %mul3A_350, %add3A_351 : i32
          %mul3A_353 = arith.constant 40 : i32
          %mul3A_354 = arith.muli %add3A_352, %mul3A_353 : i32
          %add3A_355 = arith.addi %mul3A_2, %mul3A_354 : i32
          %dma_start3A_356 = arith.constant 40 : i32
          %dma_start3A_357 = arith.constant 0 : i32
          %dma_start3A_358 = tpu.memref_slice %arg8[%dma_start3A_356, %dma_start3A_357] : memref<160x128xf32, #tpu.memory_space<vmem>> -> memref<40x128xf32, #tpu.memory_space<vmem>>
          %dma_start3A_359 = arith.constant 0 : i32
          %dma_start3A_360 = tpu.memref_slice %arg2[%add3A_355, %dma_start3A_359] : memref<102400x128xf32, #tpu.memory_space<hbm>> -> memref<40x128xf32, #tpu.memory_space<hbm>>
          %dma_start3A_361 = arith.constant 40 : i32
          %dma_start3A_362 = arith.constant 0 : i32
          %dma_start3A_363 = tpu.memref_slice %arg8[%dma_start3A_361, %dma_start3A_362] : memref<160x128xf32, #tpu.memory_space<vmem>> -> memref<40x128xf32, #tpu.memory_space<vmem>>
          %dma_start3A_364 = arith.constant 0 : i32
          %dma_start3A_365 = tpu.memref_slice %arg2[%add3A_355, %dma_start3A_364] : memref<102400x128xf32, #tpu.memory_space<hbm>> -> memref<40x128xf32, #tpu.memory_space<hbm>>
          tpu.enqueue_dma source(%dma_start3A_365 : memref<40x128xf32, #tpu.memory_space<hbm>>) target(%dma_start3A_363 : memref<40x128xf32, #tpu.memory_space<vmem>>) target_semaphore(%arg10 : memref<!tpu.dma_semaphore, #tpu.memory_space<semaphore_mem>>)
        } else {
        }
      }
      %scan3A_57 = arith.constant 40 : i32
      %dma_wait3A = arith.constant 80 : i32
      %dma_wait3A_58 = arith.constant 0 : i32
      %dma_wait3A_59 = tpu.memref_slice %arg8[%dma_wait3A, %dma_wait3A_58] : memref<160x128xf32, #tpu.memory_space<vmem>> -> memref<40x128xf32, #tpu.memory_space<vmem>>
      %dma_wait3A_60 = arith.constant 0 : i32
      %dma_wait3A_61 = tpu.memref_slice %arg2[%mul3A_2, %dma_wait3A_60] : memref<102400x128xf32, #tpu.memory_space<hbm>> -> memref<40x128xf32, #tpu.memory_space<hbm>>
      %dma_wait3A_62 = arith.constant 80 : i32
      %dma_wait3A_63 = arith.constant 0 : i32
      %dma_wait3A_64 = tpu.memref_slice %arg8[%dma_wait3A_62, %dma_wait3A_63] : memref<160x128xf32, #tpu.memory_space<vmem>> -> memref<40x128xf32, #tpu.memory_space<vmem>>
      %dma_wait3A_65 = arith.constant 0 : i32
      %dma_wait3A_66 = tpu.memref_slice %arg2[%mul3A_2, %dma_wait3A_65] : memref<102400x128xf32, #tpu.memory_space<hbm>> -> memref<40x128xf32, #tpu.memory_space<hbm>>
      tpu.wait_dma2 semaphore(%arg13 : memref<!tpu.dma_semaphore, #tpu.memory_space<semaphore_mem>>) src(%dma_wait3A_66 : memref<40x128xf32, #tpu.memory_space<hbm>>) dst(%dma_wait3A_64 : memref<40x128xf32, #tpu.memory_space<vmem>>)
      %dma_wait3A_67 = arith.constant 120 : i32
      %dma_wait3A_68 = arith.constant 0 : i32
      %dma_wait3A_69 = tpu.memref_slice %arg8[%dma_wait3A_67, %dma_wait3A_68] : memref<160x128xf32, #tpu.memory_space<vmem>> -> memref<40x128xf32, #tpu.memory_space<vmem>>
      %dma_wait3A_70 = arith.constant 0 : i32
      %dma_wait3A_71 = tpu.memref_slice %arg2[%mul3A_2, %dma_wait3A_70] : memref<102400x128xf32, #tpu.memory_space<hbm>> -> memref<40x128xf32, #tpu.memory_space<hbm>>
      %dma_wait3A_72 = arith.constant 120 : i32
      %dma_wait3A_73 = arith.constant 0 : i32
      %dma_wait3A_74 = tpu.memref_slice %arg8[%dma_wait3A_72, %dma_wait3A_73] : memref<160x128xf32, #tpu.memory_space<vmem>> -> memref<40x128xf32, #tpu.memory_space<vmem>>
      %dma_wait3A_75 = arith.constant 0 : i32
      %dma_wait3A_76 = tpu.memref_slice %arg2[%mul3A_2, %dma_wait3A_75] : memref<102400x128xf32, #tpu.memory_space<hbm>> -> memref<40x128xf32, #tpu.memory_space<hbm>>
      tpu.wait_dma2 semaphore(%arg13 : memref<!tpu.dma_semaphore, #tpu.memory_space<semaphore_mem>>) src(%dma_wait3A_76 : memref<40x128xf32, #tpu.memory_space<hbm>>) dst(%dma_wait3A_74 : memref<40x128xf32, #tpu.memory_space<vmem>>)
    } else {
    }
    %eq3A_5 = arith.constant 1 : i32
    %eq3A_6 = arith.cmpi eq, %arg0, %eq3A_5 : i32
    %convert_element_type3A_7 = arith.extui %eq3A_6 : i1 to i32
    %cond3A_8 = arith.constant 0 : i32
    %cond3A_9 = arith.cmpi ne, %convert_element_type3A_7, %cond3A_8 : i32
    scf.if %cond3A_9 {
      %dma_start3A = arith.constant 0 : i32
      %dma_start3A_13 = arith.constant 0 : i32
      %dma_start3A_14 = arith.constant 0 : i32
      %dma_start3A_15 = arith.constant 0 : i32
      %dma_start3A_16 = tpu.memref_slice %arg9[%dma_start3A_13, %dma_start3A_14, %dma_start3A_15] : memref<2x2x40xi32, #tpu.memory_space<vmem>> -> memref<1x2x40xi32, #tpu.memory_space<vmem>>
      %dma_start3A_17 = tpu.memref_squeeze %dma_start3A_16 : memref<1x2x40xi32, #tpu.memory_space<vmem>> -> memref<2x40xi32, #tpu.memory_space<vmem>>
      %dma_start3A_18 = arith.constant 0 : i32
      %dma_start3A_19 = arith.constant 0 : i32
      %dma_start3A_20 = tpu.memref_slice %arg4[%arg1, %dma_start3A, %dma_start3A_18, %dma_start3A_19] : memref<16x80x2x40xi32, #tpu.memory_space<hbm>> -> memref<1x1x2x40xi32, #tpu.memory_space<hbm>>
      %dma_start3A_21 = tpu.memref_squeeze %dma_start3A_20 : memref<1x1x2x40xi32, #tpu.memory_space<hbm>> -> memref<2x40xi32, #tpu.memory_space<hbm>>
      %dma_start3A_22 = arith.constant 0 : i32
      %dma_start3A_23 = arith.constant 0 : i32
      %dma_start3A_24 = tpu.memref_slice %arg9[%dma_start3A_13, %dma_start3A_22, %dma_start3A_23] : memref<2x2x40xi32, #tpu.memory_space<vmem>> -> memref<1x2x40xi32, #tpu.memory_space<vmem>>
      %dma_start3A_25 = tpu.memref_squeeze %dma_start3A_24 : memref<1x2x40xi32, #tpu.memory_space<vmem>> -> memref<2x40xi32, #tpu.memory_space<vmem>>
      %dma_start3A_26 = arith.constant 0 : i32
      %dma_start3A_27 = arith.constant 0 : i32
      %dma_start3A_28 = tpu.memref_slice %arg4[%arg1, %dma_start3A, %dma_start3A_26, %dma_start3A_27] : memref<16x80x2x40xi32, #tpu.memory_space<hbm>> -> memref<1x1x2x40xi32, #tpu.memory_space<hbm>>
      %dma_start3A_29 = tpu.memref_squeeze %dma_start3A_28 : memref<1x1x2x40xi32, #tpu.memory_space<hbm>> -> memref<2x40xi32, #tpu.memory_space<hbm>>
      tpu.enqueue_dma source(%dma_start3A_29 : memref<2x40xi32, #tpu.memory_space<hbm>>) target(%dma_start3A_25 : memref<2x40xi32, #tpu.memory_space<vmem>>) target_semaphore(%arg10 : memref<!tpu.dma_semaphore, #tpu.memory_space<semaphore_mem>>)
      %add3A = arith.constant 0 : i32
      %add3A_30 = arith.addi %mul3A_2, %add3A : i32
      %dma_start3A_31 = arith.constant 0 : i32
      %dma_start3A_32 = arith.constant 0 : i32
      %dma_start3A_33 = tpu.memref_slice %arg8[%dma_start3A_31, %dma_start3A_32] : memref<160x128xf32, #tpu.memory_space<vmem>> -> memref<40x128xf32, #tpu.memory_space<vmem>>
      %dma_start3A_34 = arith.constant 0 : i32
      %dma_start3A_35 = tpu.memref_slice %arg3[%add3A_30, %dma_start3A_34] : memref<102400x128xf32, #tpu.memory_space<hbm>> -> memref<40x128xf32, #tpu.memory_space<hbm>>
      %dma_start3A_36 = arith.constant 0 : i32
      %dma_start3A_37 = arith.constant 0 : i32
      %dma_start3A_38 = tpu.memref_slice %arg8[%dma_start3A_36, %dma_start3A_37] : memref<160x128xf32, #tpu.memory_space<vmem>> -> memref<40x128xf32, #tpu.memory_space<vmem>>
      %dma_start3A_39 = arith.constant 0 : i32
      %dma_start3A_40 = tpu.memref_slice %arg3[%add3A_30, %dma_start3A_39] : memref<102400x128xf32, #tpu.memory_space<hbm>> -> memref<40x128xf32, #tpu.memory_space<hbm>>
      tpu.enqueue_dma source(%dma_start3A_40 : memref<40x128xf32, #tpu.memory_space<hbm>>) target(%dma_start3A_38 : memref<40x128xf32, #tpu.memory_space<vmem>>) target_semaphore(%arg10 : memref<!tpu.dma_semaphore, #tpu.memory_space<semaphore_mem>>)
      %add3A_41 = arith.constant 40 : i32
      %add3A_42 = arith.addi %mul3A_2, %add3A_41 : i32
      %dma_start3A_43 = arith.constant 40 : i32
      %dma_start3A_44 = arith.constant 0 : i32
      %dma_start3A_45 = tpu.memref_slice %arg8[%dma_start3A_43, %dma_start3A_44] : memref<160x128xf32, #tpu.memory_space<vmem>> -> memref<40x128xf32, #tpu.memory_space<vmem>>
      %dma_start3A_46 = arith.constant 0 : i32
      %dma_start3A_47 = tpu.memref_slice %arg3[%add3A_42, %dma_start3A_46] : memref<102400x128xf32, #tpu.memory_space<hbm>> -> memref<40x128xf32, #tpu.memory_space<hbm>>
      %dma_start3A_48 = arith.constant 40 : i32
      %dma_start3A_49 = arith.constant 0 : i32
      %dma_start3A_50 = tpu.memref_slice %arg8[%dma_start3A_48, %dma_start3A_49] : memref<160x128xf32, #tpu.memory_space<vmem>> -> memref<40x128xf32, #tpu.memory_space<vmem>>
      %dma_start3A_51 = arith.constant 0 : i32
      %dma_start3A_52 = tpu.memref_slice %arg3[%add3A_42, %dma_start3A_51] : memref<102400x128xf32, #tpu.memory_space<hbm>> -> memref<40x128xf32, #tpu.memory_space<hbm>>
      tpu.enqueue_dma source(%dma_start3A_52 : memref<40x128xf32, #tpu.memory_space<hbm>>) target(%dma_start3A_50 : memref<40x128xf32, #tpu.memory_space<vmem>>) target_semaphore(%arg10 : memref<!tpu.dma_semaphore, #tpu.memory_space<semaphore_mem>>)
      %scan3A = arith.constant 0 : i32
      %scan3A_53 = arith.constant 0 : i32
      %scan3A_54 = arith.constant 40 : i32
      %scan3A_55 = arith.addi %scan3A_53, %scan3A_54 : i32
      %scan3A_56 = arith.constant 1 : i32
      scf.for %scan3A_77 = %scan3A_53 to %scan3A_55 step %scan3A_56  : i32 {
        %mul3A_78 = arith.constant 2 : i32
        %mul3A_79 = arith.muli %mul3A_78, %scan3A_77 : i32
        %add3A_80 = arith.constant 0 : i32
        %add3A_81 = arith.addi %mul3A_79, %add3A_80 : i32
        %dma_wait3A_82 = arith.constant 0 : i32
        %dma_wait3A_83 = arith.constant 0 : i32
        %dma_wait3A_84 = arith.constant 0 : i32
        %dma_wait3A_85 = tpu.memref_slice %arg9[%dma_wait3A_82, %dma_wait3A_83, %dma_wait3A_84] : memref<2x2x40xi32, #tpu.memory_space<vmem>> -> memref<1x2x40xi32, #tpu.memory_space<vmem>>
        %dma_wait3A_86 = tpu.memref_squeeze %dma_wait3A_85 : memref<1x2x40xi32, #tpu.memory_space<vmem>> -> memref<2x40xi32, #tpu.memory_space<vmem>>
        %dma_wait3A_87 = arith.constant 0 : i32
        %dma_wait3A_88 = arith.constant 0 : i32
        %dma_wait3A_89 = tpu.memref_slice %arg4[%arg1, %add3A_81, %dma_wait3A_87, %dma_wait3A_88] : memref<16x80x2x40xi32, #tpu.memory_space<hbm>> -> memref<1x1x2x40xi32, #tpu.memory_space<hbm>>
        %dma_wait3A_90 = tpu.memref_squeeze %dma_wait3A_89 : memref<1x1x2x40xi32, #tpu.memory_space<hbm>> -> memref<2x40xi32, #tpu.memory_space<hbm>>
        %dma_wait3A_91 = arith.constant 0 : i32
        %dma_wait3A_92 = arith.constant 0 : i32
        %dma_wait3A_93 = tpu.memref_slice %arg9[%dma_wait3A_82, %dma_wait3A_91, %dma_wait3A_92] : memref<2x2x40xi32, #tpu.memory_space<vmem>> -> memref<1x2x40xi32, #tpu.memory_space<vmem>>
        %dma_wait3A_94 = tpu.memref_squeeze %dma_wait3A_93 : memref<1x2x40xi32, #tpu.memory_space<vmem>> -> memref<2x40xi32, #tpu.memory_space<vmem>>
        %dma_wait3A_95 = arith.constant 0 : i32
        %dma_wait3A_96 = arith.constant 0 : i32
        %dma_wait3A_97 = tpu.memref_slice %arg4[%arg1, %add3A_81, %dma_wait3A_95, %dma_wait3A_96] : memref<16x80x2x40xi32, #tpu.memory_space<hbm>> -> memref<1x1x2x40xi32, #tpu.memory_space<hbm>>
        %dma_wait3A_98 = tpu.memref_squeeze %dma_wait3A_97 : memref<1x1x2x40xi32, #tpu.memory_space<hbm>> -> memref<2x40xi32, #tpu.memory_space<hbm>>
        tpu.wait_dma2 semaphore(%arg10 : memref<!tpu.dma_semaphore, #tpu.memory_space<semaphore_mem>>) src(%dma_wait3A_98 : memref<2x40xi32, #tpu.memory_space<hbm>>) dst(%dma_wait3A_94 : memref<2x40xi32, #tpu.memory_space<vmem>>)
        %mul3A_99 = arith.constant 2 : i32
        %mul3A_100 = arith.muli %add3A_81, %mul3A_99 : i32
        %add3A_101 = arith.constant 0 : i32
        %add3A_102 = arith.addi %mul3A_100, %add3A_101 : i32
        %mul3A_103 = arith.constant 40 : i32
        %mul3A_104 = arith.muli %add3A_102, %mul3A_103 : i32
        %add3A_105 = arith.addi %mul3A_2, %mul3A_104 : i32
        %dma_wait3A_106 = arith.constant 0 : i32
        %dma_wait3A_107 = arith.constant 0 : i32
        %dma_wait3A_108 = tpu.memref_slice %arg8[%dma_wait3A_106, %dma_wait3A_107] : memref<160x128xf32, #tpu.memory_space<vmem>> -> memref<40x128xf32, #tpu.memory_space<vmem>>
        %dma_wait3A_109 = arith.constant 0 : i32
        %dma_wait3A_110 = tpu.memref_slice %arg3[%add3A_105, %dma_wait3A_109] : memref<102400x128xf32, #tpu.memory_space<hbm>> -> memref<40x128xf32, #tpu.memory_space<hbm>>
        %dma_wait3A_111 = arith.constant 0 : i32
        %dma_wait3A_112 = arith.constant 0 : i32
        %dma_wait3A_113 = tpu.memref_slice %arg8[%dma_wait3A_111, %dma_wait3A_112] : memref<160x128xf32, #tpu.memory_space<vmem>> -> memref<40x128xf32, #tpu.memory_space<vmem>>
        %dma_wait3A_114 = arith.constant 0 : i32
        %dma_wait3A_115 = tpu.memref_slice %arg3[%add3A_105, %dma_wait3A_114] : memref<102400x128xf32, #tpu.memory_space<hbm>> -> memref<40x128xf32, #tpu.memory_space<hbm>>
        tpu.wait_dma2 semaphore(%arg10 : memref<!tpu.dma_semaphore, #tpu.memory_space<semaphore_mem>>) src(%dma_wait3A_115 : memref<40x128xf32, #tpu.memory_space<hbm>>) dst(%dma_wait3A_113 : memref<40x128xf32, #tpu.memory_space<vmem>>)
        %mul3A_116 = arith.constant 2 : i32
        %mul3A_117 = arith.muli %add3A_81, %mul3A_116 : i32
        %add3A_118 = arith.constant 1 : i32
        %add3A_119 = arith.addi %mul3A_117, %add3A_118 : i32
        %mul3A_120 = arith.constant 40 : i32
        %mul3A_121 = arith.muli %add3A_119, %mul3A_120 : i32
        %add3A_122 = arith.addi %mul3A_2, %mul3A_121 : i32
        %dma_wait3A_123 = arith.constant 40 : i32
        %dma_wait3A_124 = arith.constant 0 : i32
        %dma_wait3A_125 = tpu.memref_slice %arg8[%dma_wait3A_123, %dma_wait3A_124] : memref<160x128xf32, #tpu.memory_space<vmem>> -> memref<40x128xf32, #tpu.memory_space<vmem>>
        %dma_wait3A_126 = arith.constant 0 : i32
        %dma_wait3A_127 = tpu.memref_slice %arg3[%add3A_122, %dma_wait3A_126] : memref<102400x128xf32, #tpu.memory_space<hbm>> -> memref<40x128xf32, #tpu.memory_space<hbm>>
        %dma_wait3A_128 = arith.constant 40 : i32
        %dma_wait3A_129 = arith.constant 0 : i32
        %dma_wait3A_130 = tpu.memref_slice %arg8[%dma_wait3A_128, %dma_wait3A_129] : memref<160x128xf32, #tpu.memory_space<vmem>> -> memref<40x128xf32, #tpu.memory_space<vmem>>
        %dma_wait3A_131 = arith.constant 0 : i32
        %dma_wait3A_132 = tpu.memref_slice %arg3[%add3A_122, %dma_wait3A_131] : memref<102400x128xf32, #tpu.memory_space<hbm>> -> memref<40x128xf32, #tpu.memory_space<hbm>>
        tpu.wait_dma2 semaphore(%arg10 : memref<!tpu.dma_semaphore, #tpu.memory_space<semaphore_mem>>) src(%dma_wait3A_132 : memref<40x128xf32, #tpu.memory_space<hbm>>) dst(%dma_wait3A_130 : memref<40x128xf32, #tpu.memory_space<vmem>>)
        %dma_start3A_133 = arith.constant 0 : i32
        %dma_start3A_134 = arith.constant 0 : i32
        %dma_start3A_135 = arith.constant 0 : i32
        %dma_start3A_136 = arith.constant 0 : i32
        %dma_start3A_137 = tpu.memref_slice %arg8[%dma_start3A_135, %dma_start3A_136] : memref<160x128xf32, #tpu.memory_space<vmem>> -> memref<40x128xf32, #tpu.memory_space<vmem>>
        %dma_start3A_138 = arith.constant 0 : i32
        %dma_start3A_139 = tpu.memref_slice %arg9[%dma_start3A_133, %dma_start3A_134, %dma_start3A_138] : memref<2x2x40xi32, #tpu.memory_space<vmem>> -> memref<1x1x40xi32, #tpu.memory_space<vmem>>
        %dma_start3A_140 = tpu.memref_squeeze %dma_start3A_139 : memref<1x1x40xi32, #tpu.memory_space<vmem>> -> memref<40xi32, #tpu.memory_space<vmem>>
        %dma_start3A_141 = arith.constant 0 : i32
        %dma_start3A_142 = arith.constant 0 : i32
        %dma_start3A_143 = tpu.memref_slice %arg7[%dma_start3A_141, %dma_start3A_142] : memref<10240x128xf32, #tpu.memory_space<vmem_shared>> -> memref<10240x128xf32, #tpu.memory_space<vmem_shared>>
        tpu.enqueue_indirect_dma source(%dma_start3A_137 : memref<40x128xf32, #tpu.memory_space<vmem>>) target(%dma_start3A_143 : memref<10240x128xf32, #tpu.memory_space<vmem_shared>>) offsets(%dma_start3A_140 : memref<40xi32, #tpu.memory_space<vmem>>) semaphore(%arg12 : memref<!tpu.dma_semaphore, #tpu.memory_space<semaphore_mem>>) {add = true}
        %dma_start3A_144 = arith.constant 0 : i32
        %dma_start3A_145 = arith.constant 1 : i32
        %dma_start3A_146 = arith.constant 40 : i32
        %dma_start3A_147 = arith.constant 0 : i32
        %dma_start3A_148 = tpu.memref_slice %arg8[%dma_start3A_146, %dma_start3A_147] : memref<160x128xf32, #tpu.memory_space<vmem>> -> memref<40x128xf32, #tpu.memory_space<vmem>>
        %dma_start3A_149 = arith.constant 0 : i32
        %dma_start3A_150 = tpu.memref_slice %arg9[%dma_start3A_144, %dma_start3A_145, %dma_start3A_149] : memref<2x2x40xi32, #tpu.memory_space<vmem>> -> memref<1x1x40xi32, #tpu.memory_space<vmem>>
        %dma_start3A_151 = tpu.memref_squeeze %dma_start3A_150 : memref<1x1x40xi32, #tpu.memory_space<vmem>> -> memref<40xi32, #tpu.memory_space<vmem>>
        %dma_start3A_152 = arith.constant 0 : i32
        %dma_start3A_153 = arith.constant 0 : i32
        %dma_start3A_154 = tpu.memref_slice %arg7[%dma_start3A_152, %dma_start3A_153] : memref<10240x128xf32, #tpu.memory_space<vmem_shared>> -> memref<10240x128xf32, #tpu.memory_space<vmem_shared>>
        tpu.enqueue_indirect_dma source(%dma_start3A_148 : memref<40x128xf32, #tpu.memory_space<vmem>>) target(%dma_start3A_154 : memref<10240x128xf32, #tpu.memory_space<vmem_shared>>) offsets(%dma_start3A_151 : memref<40xi32, #tpu.memory_space<vmem>>) semaphore(%arg12 : memref<!tpu.dma_semaphore, #tpu.memory_space<semaphore_mem>>) {add = true}
        %gt3A = arith.constant 0 : i32
        %gt3A_155 = arith.cmpi sgt, %scan3A_77, %gt3A : i32
        %convert_element_type3A_156 = arith.extui %gt3A_155 : i1 to i32
        %cond3A_157 = arith.constant 0 : i32
        %cond3A_158 = arith.cmpi ne, %convert_element_type3A_156, %cond3A_157 : i32
        scf.if %cond3A_158 {
          %dma_wait3A_313 = arith.constant 80 : i32
          %dma_wait3A_314 = arith.constant 0 : i32
          %dma_wait3A_315 = tpu.memref_slice %arg8[%dma_wait3A_313, %dma_wait3A_314] : memref<160x128xf32, #tpu.memory_space<vmem>> -> memref<40x128xf32, #tpu.memory_space<vmem>>
          %dma_wait3A_316 = arith.constant 0 : i32
          %dma_wait3A_317 = tpu.memref_slice %arg3[%mul3A_2, %dma_wait3A_316] : memref<102400x128xf32, #tpu.memory_space<hbm>> -> memref<40x128xf32, #tpu.memory_space<hbm>>
          %dma_wait3A_318 = arith.constant 80 : i32
          %dma_wait3A_319 = arith.constant 0 : i32
          %dma_wait3A_320 = tpu.memref_slice %arg8[%dma_wait3A_318, %dma_wait3A_319] : memref<160x128xf32, #tpu.memory_space<vmem>> -> memref<40x128xf32, #tpu.memory_space<vmem>>
          %dma_wait3A_321 = arith.constant 0 : i32
          %dma_wait3A_322 = tpu.memref_slice %arg3[%mul3A_2, %dma_wait3A_321] : memref<102400x128xf32, #tpu.memory_space<hbm>> -> memref<40x128xf32, #tpu.memory_space<hbm>>
          tpu.wait_dma2 semaphore(%arg13 : memref<!tpu.dma_semaphore, #tpu.memory_space<semaphore_mem>>) src(%dma_wait3A_322 : memref<40x128xf32, #tpu.memory_space<hbm>>) dst(%dma_wait3A_320 : memref<40x128xf32, #tpu.memory_space<vmem>>)
          %dma_wait3A_323 = arith.constant 120 : i32
          %dma_wait3A_324 = arith.constant 0 : i32
          %dma_wait3A_325 = tpu.memref_slice %arg8[%dma_wait3A_323, %dma_wait3A_324] : memref<160x128xf32, #tpu.memory_space<vmem>> -> memref<40x128xf32, #tpu.memory_space<vmem>>
          %dma_wait3A_326 = arith.constant 0 : i32
          %dma_wait3A_327 = tpu.memref_slice %arg3[%mul3A_2, %dma_wait3A_326] : memref<102400x128xf32, #tpu.memory_space<hbm>> -> memref<40x128xf32, #tpu.memory_space<hbm>>
          %dma_wait3A_328 = arith.constant 120 : i32
          %dma_wait3A_329 = arith.constant 0 : i32
          %dma_wait3A_330 = tpu.memref_slice %arg8[%dma_wait3A_328, %dma_wait3A_329] : memref<160x128xf32, #tpu.memory_space<vmem>> -> memref<40x128xf32, #tpu.memory_space<vmem>>
          %dma_wait3A_331 = arith.constant 0 : i32
          %dma_wait3A_332 = tpu.memref_slice %arg3[%mul3A_2, %dma_wait3A_331] : memref<102400x128xf32, #tpu.memory_space<hbm>> -> memref<40x128xf32, #tpu.memory_space<hbm>>
          tpu.wait_dma2 semaphore(%arg13 : memref<!tpu.dma_semaphore, #tpu.memory_space<semaphore_mem>>) src(%dma_wait3A_332 : memref<40x128xf32, #tpu.memory_space<hbm>>) dst(%dma_wait3A_330 : memref<40x128xf32, #tpu.memory_space<vmem>>)
        } else {
        }
        %add3A_159 = arith.constant 1 : i32
        %add3A_160 = arith.addi %add3A_81, %add3A_159 : i32
        %dma_start3A_161 = arith.constant 1 : i32
        %dma_start3A_162 = arith.constant 0 : i32
        %dma_start3A_163 = arith.constant 0 : i32
        %dma_start3A_164 = tpu.memref_slice %arg9[%dma_start3A_161, %dma_start3A_162, %dma_start3A_163] : memref<2x2x40xi32, #tpu.memory_space<vmem>> -> memref<1x2x40xi32, #tpu.memory_space<vmem>>
        %dma_start3A_165 = tpu.memref_squeeze %dma_start3A_164 : memref<1x2x40xi32, #tpu.memory_space<vmem>> -> memref<2x40xi32, #tpu.memory_space<vmem>>
        %dma_start3A_166 = arith.constant 0 : i32
        %dma_start3A_167 = arith.constant 0 : i32
        %dma_start3A_168 = tpu.memref_slice %arg4[%arg1, %add3A_160, %dma_start3A_166, %dma_start3A_167] : memref<16x80x2x40xi32, #tpu.memory_space<hbm>> -> memref<1x1x2x40xi32, #tpu.memory_space<hbm>>
        %dma_start3A_169 = tpu.memref_squeeze %dma_start3A_168 : memref<1x1x2x40xi32, #tpu.memory_space<hbm>> -> memref<2x40xi32, #tpu.memory_space<hbm>>
        %dma_start3A_170 = arith.constant 0 : i32
        %dma_start3A_171 = arith.constant 0 : i32
        %dma_start3A_172 = tpu.memref_slice %arg9[%dma_start3A_161, %dma_start3A_170, %dma_start3A_171] : memref<2x2x40xi32, #tpu.memory_space<vmem>> -> memref<1x2x40xi32, #tpu.memory_space<vmem>>
        %dma_start3A_173 = tpu.memref_squeeze %dma_start3A_172 : memref<1x2x40xi32, #tpu.memory_space<vmem>> -> memref<2x40xi32, #tpu.memory_space<vmem>>
        %dma_start3A_174 = arith.constant 0 : i32
        %dma_start3A_175 = arith.constant 0 : i32
        %dma_start3A_176 = tpu.memref_slice %arg4[%arg1, %add3A_160, %dma_start3A_174, %dma_start3A_175] : memref<16x80x2x40xi32, #tpu.memory_space<hbm>> -> memref<1x1x2x40xi32, #tpu.memory_space<hbm>>
        %dma_start3A_177 = tpu.memref_squeeze %dma_start3A_176 : memref<1x1x2x40xi32, #tpu.memory_space<hbm>> -> memref<2x40xi32, #tpu.memory_space<hbm>>
        tpu.enqueue_dma source(%dma_start3A_177 : memref<2x40xi32, #tpu.memory_space<hbm>>) target(%dma_start3A_173 : memref<2x40xi32, #tpu.memory_space<vmem>>) target_semaphore(%arg11 : memref<!tpu.dma_semaphore, #tpu.memory_space<semaphore_mem>>)
        %mul3A_178 = arith.constant 2 : i32
        %mul3A_179 = arith.muli %add3A_160, %mul3A_178 : i32
        %add3A_180 = arith.constant 0 : i32
        %add3A_181 = arith.addi %mul3A_179, %add3A_180 : i32
        %mul3A_182 = arith.constant 40 : i32
        %mul3A_183 = arith.muli %add3A_181, %mul3A_182 : i32
        %add3A_184 = arith.addi %mul3A_2, %mul3A_183 : i32
        %dma_start3A_185 = arith.constant 80 : i32
        %dma_start3A_186 = arith.constant 0 : i32
        %dma_start3A_187 = tpu.memref_slice %arg8[%dma_start3A_185, %dma_start3A_186] : memref<160x128xf32, #tpu.memory_space<vmem>> -> memref<40x128xf32, #tpu.memory_space<vmem>>
        %dma_start3A_188 = arith.constant 0 : i32
        %dma_start3A_189 = tpu.memref_slice %arg3[%add3A_184, %dma_start3A_188] : memref<102400x128xf32, #tpu.memory_space<hbm>> -> memref<40x128xf32, #tpu.memory_space<hbm>>
        %dma_start3A_190 = arith.constant 80 : i32
        %dma_start3A_191 = arith.constant 0 : i32
        %dma_start3A_192 = tpu.memref_slice %arg8[%dma_start3A_190, %dma_start3A_191] : memref<160x128xf32, #tpu.memory_space<vmem>> -> memref<40x128xf32, #tpu.memory_space<vmem>>
        %dma_start3A_193 = arith.constant 0 : i32
        %dma_start3A_194 = tpu.memref_slice %arg3[%add3A_184, %dma_start3A_193] : memref<102400x128xf32, #tpu.memory_space<hbm>> -> memref<40x128xf32, #tpu.memory_space<hbm>>
        tpu.enqueue_dma source(%dma_start3A_194 : memref<40x128xf32, #tpu.memory_space<hbm>>) target(%dma_start3A_192 : memref<40x128xf32, #tpu.memory_space<vmem>>) target_semaphore(%arg11 : memref<!tpu.dma_semaphore, #tpu.memory_space<semaphore_mem>>)
        %mul3A_195 = arith.constant 2 : i32
        %mul3A_196 = arith.muli %add3A_160, %mul3A_195 : i32
        %add3A_197 = arith.constant 1 : i32
        %add3A_198 = arith.addi %mul3A_196, %add3A_197 : i32
        %mul3A_199 = arith.constant 40 : i32
        %mul3A_200 = arith.muli %add3A_198, %mul3A_199 : i32
        %add3A_201 = arith.addi %mul3A_2, %mul3A_200 : i32
        %dma_start3A_202 = arith.constant 120 : i32
        %dma_start3A_203 = arith.constant 0 : i32
        %dma_start3A_204 = tpu.memref_slice %arg8[%dma_start3A_202, %dma_start3A_203] : memref<160x128xf32, #tpu.memory_space<vmem>> -> memref<40x128xf32, #tpu.memory_space<vmem>>
        %dma_start3A_205 = arith.constant 0 : i32
        %dma_start3A_206 = tpu.memref_slice %arg3[%add3A_201, %dma_start3A_205] : memref<102400x128xf32, #tpu.memory_space<hbm>> -> memref<40x128xf32, #tpu.memory_space<hbm>>
        %dma_start3A_207 = arith.constant 120 : i32
        %dma_start3A_208 = arith.constant 0 : i32
        %dma_start3A_209 = tpu.memref_slice %arg8[%dma_start3A_207, %dma_start3A_208] : memref<160x128xf32, #tpu.memory_space<vmem>> -> memref<40x128xf32, #tpu.memory_space<vmem>>
        %dma_start3A_210 = arith.constant 0 : i32
        %dma_start3A_211 = tpu.memref_slice %arg3[%add3A_201, %dma_start3A_210] : memref<102400x128xf32, #tpu.memory_space<hbm>> -> memref<40x128xf32, #tpu.memory_space<hbm>>
        tpu.enqueue_dma source(%dma_start3A_211 : memref<40x128xf32, #tpu.memory_space<hbm>>) target(%dma_start3A_209 : memref<40x128xf32, #tpu.memory_space<vmem>>) target_semaphore(%arg11 : memref<!tpu.dma_semaphore, #tpu.memory_space<semaphore_mem>>)
        %mul3A_212 = arith.constant 2 : i32
        %mul3A_213 = arith.muli %mul3A_212, %scan3A_77 : i32
        %add3A_214 = arith.constant 1 : i32
        %add3A_215 = arith.addi %mul3A_213, %add3A_214 : i32
        %dma_wait3A_216 = arith.constant 1 : i32
        %dma_wait3A_217 = arith.constant 0 : i32
        %dma_wait3A_218 = arith.constant 0 : i32
        %dma_wait3A_219 = tpu.memref_slice %arg9[%dma_wait3A_216, %dma_wait3A_217, %dma_wait3A_218] : memref<2x2x40xi32, #tpu.memory_space<vmem>> -> memref<1x2x40xi32, #tpu.memory_space<vmem>>
        %dma_wait3A_220 = tpu.memref_squeeze %dma_wait3A_219 : memref<1x2x40xi32, #tpu.memory_space<vmem>> -> memref<2x40xi32, #tpu.memory_space<vmem>>
        %dma_wait3A_221 = arith.constant 0 : i32
        %dma_wait3A_222 = arith.constant 0 : i32
        %dma_wait3A_223 = tpu.memref_slice %arg4[%arg1, %add3A_215, %dma_wait3A_221, %dma_wait3A_222] : memref<16x80x2x40xi32, #tpu.memory_space<hbm>> -> memref<1x1x2x40xi32, #tpu.memory_space<hbm>>
        %dma_wait3A_224 = tpu.memref_squeeze %dma_wait3A_223 : memref<1x1x2x40xi32, #tpu.memory_space<hbm>> -> memref<2x40xi32, #tpu.memory_space<hbm>>
        %dma_wait3A_225 = arith.constant 0 : i32
        %dma_wait3A_226 = arith.constant 0 : i32
        %dma_wait3A_227 = tpu.memref_slice %arg9[%dma_wait3A_216, %dma_wait3A_225, %dma_wait3A_226] : memref<2x2x40xi32, #tpu.memory_space<vmem>> -> memref<1x2x40xi32, #tpu.memory_space<vmem>>
        %dma_wait3A_228 = tpu.memref_squeeze %dma_wait3A_227 : memref<1x2x40xi32, #tpu.memory_space<vmem>> -> memref<2x40xi32, #tpu.memory_space<vmem>>
        %dma_wait3A_229 = arith.constant 0 : i32
        %dma_wait3A_230 = arith.constant 0 : i32
        %dma_wait3A_231 = tpu.memref_slice %arg4[%arg1, %add3A_215, %dma_wait3A_229, %dma_wait3A_230] : memref<16x80x2x40xi32, #tpu.memory_space<hbm>> -> memref<1x1x2x40xi32, #tpu.memory_space<hbm>>
        %dma_wait3A_232 = tpu.memref_squeeze %dma_wait3A_231 : memref<1x1x2x40xi32, #tpu.memory_space<hbm>> -> memref<2x40xi32, #tpu.memory_space<hbm>>
        tpu.wait_dma2 semaphore(%arg11 : memref<!tpu.dma_semaphore, #tpu.memory_space<semaphore_mem>>) src(%dma_wait3A_232 : memref<2x40xi32, #tpu.memory_space<hbm>>) dst(%dma_wait3A_228 : memref<2x40xi32, #tpu.memory_space<vmem>>)
        %mul3A_233 = arith.constant 2 : i32
        %mul3A_234 = arith.muli %add3A_215, %mul3A_233 : i32
        %add3A_235 = arith.constant 0 : i32
        %add3A_236 = arith.addi %mul3A_234, %add3A_235 : i32
        %mul3A_237 = arith.constant 40 : i32
        %mul3A_238 = arith.muli %add3A_236, %mul3A_237 : i32
        %add3A_239 = arith.addi %mul3A_2, %mul3A_238 : i32
        %dma_wait3A_240 = arith.constant 80 : i32
        %dma_wait3A_241 = arith.constant 0 : i32
        %dma_wait3A_242 = tpu.memref_slice %arg8[%dma_wait3A_240, %dma_wait3A_241] : memref<160x128xf32, #tpu.memory_space<vmem>> -> memref<40x128xf32, #tpu.memory_space<vmem>>
        %dma_wait3A_243 = arith.constant 0 : i32
        %dma_wait3A_244 = tpu.memref_slice %arg3[%add3A_239, %dma_wait3A_243] : memref<102400x128xf32, #tpu.memory_space<hbm>> -> memref<40x128xf32, #tpu.memory_space<hbm>>
        %dma_wait3A_245 = arith.constant 80 : i32
        %dma_wait3A_246 = arith.constant 0 : i32
        %dma_wait3A_247 = tpu.memref_slice %arg8[%dma_wait3A_245, %dma_wait3A_246] : memref<160x128xf32, #tpu.memory_space<vmem>> -> memref<40x128xf32, #tpu.memory_space<vmem>>
        %dma_wait3A_248 = arith.constant 0 : i32
        %dma_wait3A_249 = tpu.memref_slice %arg3[%add3A_239, %dma_wait3A_248] : memref<102400x128xf32, #tpu.memory_space<hbm>> -> memref<40x128xf32, #tpu.memory_space<hbm>>
        tpu.wait_dma2 semaphore(%arg11 : memref<!tpu.dma_semaphore, #tpu.memory_space<semaphore_mem>>) src(%dma_wait3A_249 : memref<40x128xf32, #tpu.memory_space<hbm>>) dst(%dma_wait3A_247 : memref<40x128xf32, #tpu.memory_space<vmem>>)
        %mul3A_250 = arith.constant 2 : i32
        %mul3A_251 = arith.muli %add3A_215, %mul3A_250 : i32
        %add3A_252 = arith.constant 1 : i32
        %add3A_253 = arith.addi %mul3A_251, %add3A_252 : i32
        %mul3A_254 = arith.constant 40 : i32
        %mul3A_255 = arith.muli %add3A_253, %mul3A_254 : i32
        %add3A_256 = arith.addi %mul3A_2, %mul3A_255 : i32
        %dma_wait3A_257 = arith.constant 120 : i32
        %dma_wait3A_258 = arith.constant 0 : i32
        %dma_wait3A_259 = tpu.memref_slice %arg8[%dma_wait3A_257, %dma_wait3A_258] : memref<160x128xf32, #tpu.memory_space<vmem>> -> memref<40x128xf32, #tpu.memory_space<vmem>>
        %dma_wait3A_260 = arith.constant 0 : i32
        %dma_wait3A_261 = tpu.memref_slice %arg3[%add3A_256, %dma_wait3A_260] : memref<102400x128xf32, #tpu.memory_space<hbm>> -> memref<40x128xf32, #tpu.memory_space<hbm>>
        %dma_wait3A_262 = arith.constant 120 : i32
        %dma_wait3A_263 = arith.constant 0 : i32
        %dma_wait3A_264 = tpu.memref_slice %arg8[%dma_wait3A_262, %dma_wait3A_263] : memref<160x128xf32, #tpu.memory_space<vmem>> -> memref<40x128xf32, #tpu.memory_space<vmem>>
        %dma_wait3A_265 = arith.constant 0 : i32
        %dma_wait3A_266 = tpu.memref_slice %arg3[%add3A_256, %dma_wait3A_265] : memref<102400x128xf32, #tpu.memory_space<hbm>> -> memref<40x128xf32, #tpu.memory_space<hbm>>
        tpu.wait_dma2 semaphore(%arg11 : memref<!tpu.dma_semaphore, #tpu.memory_space<semaphore_mem>>) src(%dma_wait3A_266 : memref<40x128xf32, #tpu.memory_space<hbm>>) dst(%dma_wait3A_264 : memref<40x128xf32, #tpu.memory_space<vmem>>)
        %dma_start3A_267 = arith.constant 1 : i32
        %dma_start3A_268 = arith.constant 0 : i32
        %dma_start3A_269 = arith.constant 80 : i32
        %dma_start3A_270 = arith.constant 0 : i32
        %dma_start3A_271 = tpu.memref_slice %arg8[%dma_start3A_269, %dma_start3A_270] : memref<160x128xf32, #tpu.memory_space<vmem>> -> memref<40x128xf32, #tpu.memory_space<vmem>>
        %dma_start3A_272 = arith.constant 0 : i32
        %dma_start3A_273 = tpu.memref_slice %arg9[%dma_start3A_267, %dma_start3A_268, %dma_start3A_272] : memref<2x2x40xi32, #tpu.memory_space<vmem>> -> memref<1x1x40xi32, #tpu.memory_space<vmem>>
        %dma_start3A_274 = tpu.memref_squeeze %dma_start3A_273 : memref<1x1x40xi32, #tpu.memory_space<vmem>> -> memref<40xi32, #tpu.memory_space<vmem>>
        %dma_start3A_275 = arith.constant 0 : i32
        %dma_start3A_276 = arith.constant 0 : i32
        %dma_start3A_277 = tpu.memref_slice %arg7[%dma_start3A_275, %dma_start3A_276] : memref<10240x128xf32, #tpu.memory_space<vmem_shared>> -> memref<10240x128xf32, #tpu.memory_space<vmem_shared>>
        tpu.enqueue_indirect_dma source(%dma_start3A_271 : memref<40x128xf32, #tpu.memory_space<vmem>>) target(%dma_start3A_277 : memref<10240x128xf32, #tpu.memory_space<vmem_shared>>) offsets(%dma_start3A_274 : memref<40xi32, #tpu.memory_space<vmem>>) semaphore(%arg13 : memref<!tpu.dma_semaphore, #tpu.memory_space<semaphore_mem>>) {add = true}
        %dma_start3A_278 = arith.constant 1 : i32
        %dma_start3A_279 = arith.constant 1 : i32
        %dma_start3A_280 = arith.constant 120 : i32
        %dma_start3A_281 = arith.constant 0 : i32
        %dma_start3A_282 = tpu.memref_slice %arg8[%dma_start3A_280, %dma_start3A_281] : memref<160x128xf32, #tpu.memory_space<vmem>> -> memref<40x128xf32, #tpu.memory_space<vmem>>
        %dma_start3A_283 = arith.constant 0 : i32
        %dma_start3A_284 = tpu.memref_slice %arg9[%dma_start3A_278, %dma_start3A_279, %dma_start3A_283] : memref<2x2x40xi32, #tpu.memory_space<vmem>> -> memref<1x1x40xi32, #tpu.memory_space<vmem>>
        %dma_start3A_285 = tpu.memref_squeeze %dma_start3A_284 : memref<1x1x40xi32, #tpu.memory_space<vmem>> -> memref<40xi32, #tpu.memory_space<vmem>>
        %dma_start3A_286 = arith.constant 0 : i32
        %dma_start3A_287 = arith.constant 0 : i32
        %dma_start3A_288 = tpu.memref_slice %arg7[%dma_start3A_286, %dma_start3A_287] : memref<10240x128xf32, #tpu.memory_space<vmem_shared>> -> memref<10240x128xf32, #tpu.memory_space<vmem_shared>>
        tpu.enqueue_indirect_dma source(%dma_start3A_282 : memref<40x128xf32, #tpu.memory_space<vmem>>) target(%dma_start3A_288 : memref<10240x128xf32, #tpu.memory_space<vmem_shared>>) offsets(%dma_start3A_285 : memref<40xi32, #tpu.memory_space<vmem>>) semaphore(%arg13 : memref<!tpu.dma_semaphore, #tpu.memory_space<semaphore_mem>>) {add = true}
        %dma_wait3A_289 = arith.constant 0 : i32
        %dma_wait3A_290 = arith.constant 0 : i32
        %dma_wait3A_291 = tpu.memref_slice %arg8[%dma_wait3A_289, %dma_wait3A_290] : memref<160x128xf32, #tpu.memory_space<vmem>> -> memref<40x128xf32, #tpu.memory_space<vmem>>
        %dma_wait3A_292 = arith.constant 0 : i32
        %dma_wait3A_293 = tpu.memref_slice %arg3[%mul3A_2, %dma_wait3A_292] : memref<102400x128xf32, #tpu.memory_space<hbm>> -> memref<40x128xf32, #tpu.memory_space<hbm>>
        %dma_wait3A_294 = arith.constant 0 : i32
        %dma_wait3A_295 = arith.constant 0 : i32
        %dma_wait3A_296 = tpu.memref_slice %arg8[%dma_wait3A_294, %dma_wait3A_295] : memref<160x128xf32, #tpu.memory_space<vmem>> -> memref<40x128xf32, #tpu.memory_space<vmem>>
        %dma_wait3A_297 = arith.constant 0 : i32
        %dma_wait3A_298 = tpu.memref_slice %arg3[%mul3A_2, %dma_wait3A_297] : memref<102400x128xf32, #tpu.memory_space<hbm>> -> memref<40x128xf32, #tpu.memory_space<hbm>>
        tpu.wait_dma2 semaphore(%arg12 : memref<!tpu.dma_semaphore, #tpu.memory_space<semaphore_mem>>) src(%dma_wait3A_298 : memref<40x128xf32, #tpu.memory_space<hbm>>) dst(%dma_wait3A_296 : memref<40x128xf32, #tpu.memory_space<vmem>>)
        %dma_wait3A_299 = arith.constant 40 : i32
        %dma_wait3A_300 = arith.constant 0 : i32
        %dma_wait3A_301 = tpu.memref_slice %arg8[%dma_wait3A_299, %dma_wait3A_300] : memref<160x128xf32, #tpu.memory_space<vmem>> -> memref<40x128xf32, #tpu.memory_space<vmem>>
        %dma_wait3A_302 = arith.constant 0 : i32
        %dma_wait3A_303 = tpu.memref_slice %arg3[%mul3A_2, %dma_wait3A_302] : memref<102400x128xf32, #tpu.memory_space<hbm>> -> memref<40x128xf32, #tpu.memory_space<hbm>>
        %dma_wait3A_304 = arith.constant 40 : i32
        %dma_wait3A_305 = arith.constant 0 : i32
        %dma_wait3A_306 = tpu.memref_slice %arg8[%dma_wait3A_304, %dma_wait3A_305] : memref<160x128xf32, #tpu.memory_space<vmem>> -> memref<40x128xf32, #tpu.memory_space<vmem>>
        %dma_wait3A_307 = arith.constant 0 : i32
        %dma_wait3A_308 = tpu.memref_slice %arg3[%mul3A_2, %dma_wait3A_307] : memref<102400x128xf32, #tpu.memory_space<hbm>> -> memref<40x128xf32, #tpu.memory_space<hbm>>
        tpu.wait_dma2 semaphore(%arg12 : memref<!tpu.dma_semaphore, #tpu.memory_space<semaphore_mem>>) src(%dma_wait3A_308 : memref<40x128xf32, #tpu.memory_space<hbm>>) dst(%dma_wait3A_306 : memref<40x128xf32, #tpu.memory_space<vmem>>)
        %lt3A = arith.constant 39 : i32
        %lt3A_309 = arith.cmpi slt, %scan3A_77, %lt3A : i32
        %convert_element_type3A_310 = arith.extui %lt3A_309 : i1 to i32
        %cond3A_311 = arith.constant 0 : i32
        %cond3A_312 = arith.cmpi ne, %convert_element_type3A_310, %cond3A_311 : i32
        scf.if %cond3A_312 {
          %add3A_313 = arith.constant 1 : i32
          %add3A_314 = arith.addi %add3A_215, %add3A_313 : i32
          %dma_start3A_315 = arith.constant 0 : i32
          %dma_start3A_316 = arith.constant 0 : i32
          %dma_start3A_317 = arith.constant 0 : i32
          %dma_start3A_318 = tpu.memref_slice %arg9[%dma_start3A_315, %dma_start3A_316, %dma_start3A_317] : memref<2x2x40xi32, #tpu.memory_space<vmem>> -> memref<1x2x40xi32, #tpu.memory_space<vmem>>
          %dma_start3A_319 = tpu.memref_squeeze %dma_start3A_318 : memref<1x2x40xi32, #tpu.memory_space<vmem>> -> memref<2x40xi32, #tpu.memory_space<vmem>>
          %dma_start3A_320 = arith.constant 0 : i32
          %dma_start3A_321 = arith.constant 0 : i32
          %dma_start3A_322 = tpu.memref_slice %arg4[%arg1, %add3A_314, %dma_start3A_320, %dma_start3A_321] : memref<16x80x2x40xi32, #tpu.memory_space<hbm>> -> memref<1x1x2x40xi32, #tpu.memory_space<hbm>>
          %dma_start3A_323 = tpu.memref_squeeze %dma_start3A_322 : memref<1x1x2x40xi32, #tpu.memory_space<hbm>> -> memref<2x40xi32, #tpu.memory_space<hbm>>
          %dma_start3A_324 = arith.constant 0 : i32
          %dma_start3A_325 = arith.constant 0 : i32
          %dma_start3A_326 = tpu.memref_slice %arg9[%dma_start3A_315, %dma_start3A_324, %dma_start3A_325] : memref<2x2x40xi32, #tpu.memory_space<vmem>> -> memref<1x2x40xi32, #tpu.memory_space<vmem>>
          %dma_start3A_327 = tpu.memref_squeeze %dma_start3A_326 : memref<1x2x40xi32, #tpu.memory_space<vmem>> -> memref<2x40xi32, #tpu.memory_space<vmem>>
          %dma_start3A_328 = arith.constant 0 : i32
          %dma_start3A_329 = arith.constant 0 : i32
          %dma_start3A_330 = tpu.memref_slice %arg4[%arg1, %add3A_314, %dma_start3A_328, %dma_start3A_329] : memref<16x80x2x40xi32, #tpu.memory_space<hbm>> -> memref<1x1x2x40xi32, #tpu.memory_space<hbm>>
          %dma_start3A_331 = tpu.memref_squeeze %dma_start3A_330 : memref<1x1x2x40xi32, #tpu.memory_space<hbm>> -> memref<2x40xi32, #tpu.memory_space<hbm>>
          tpu.enqueue_dma source(%dma_start3A_331 : memref<2x40xi32, #tpu.memory_space<hbm>>) target(%dma_start3A_327 : memref<2x40xi32, #tpu.memory_space<vmem>>) target_semaphore(%arg10 : memref<!tpu.dma_semaphore, #tpu.memory_space<semaphore_mem>>)
          %mul3A_332 = arith.constant 2 : i32
          %mul3A_333 = arith.muli %add3A_314, %mul3A_332 : i32
          %add3A_334 = arith.constant 0 : i32
          %add3A_335 = arith.addi %mul3A_333, %add3A_334 : i32
          %mul3A_336 = arith.constant 40 : i32
          %mul3A_337 = arith.muli %add3A_335, %mul3A_336 : i32
          %add3A_338 = arith.addi %mul3A_2, %mul3A_337 : i32
          %dma_start3A_339 = arith.constant 0 : i32
          %dma_start3A_340 = arith.constant 0 : i32
          %dma_start3A_341 = tpu.memref_slice %arg8[%dma_start3A_339, %dma_start3A_340] : memref<160x128xf32, #tpu.memory_space<vmem>> -> memref<40x128xf32, #tpu.memory_space<vmem>>
          %dma_start3A_342 = arith.constant 0 : i32
          %dma_start3A_343 = tpu.memref_slice %arg3[%add3A_338, %dma_start3A_342] : memref<102400x128xf32, #tpu.memory_space<hbm>> -> memref<40x128xf32, #tpu.memory_space<hbm>>
          %dma_start3A_344 = arith.constant 0 : i32
          %dma_start3A_345 = arith.constant 0 : i32
          %dma_start3A_346 = tpu.memref_slice %arg8[%dma_start3A_344, %dma_start3A_345] : memref<160x128xf32, #tpu.memory_space<vmem>> -> memref<40x128xf32, #tpu.memory_space<vmem>>
          %dma_start3A_347 = arith.constant 0 : i32
          %dma_start3A_348 = tpu.memref_slice %arg3[%add3A_338, %dma_start3A_347] : memref<102400x128xf32, #tpu.memory_space<hbm>> -> memref<40x128xf32, #tpu.memory_space<hbm>>
          tpu.enqueue_dma source(%dma_start3A_348 : memref<40x128xf32, #tpu.memory_space<hbm>>) target(%dma_start3A_346 : memref<40x128xf32, #tpu.memory_space<vmem>>) target_semaphore(%arg10 : memref<!tpu.dma_semaphore, #tpu.memory_space<semaphore_mem>>)
          %mul3A_349 = arith.constant 2 : i32
          %mul3A_350 = arith.muli %add3A_314, %mul3A_349 : i32
          %add3A_351 = arith.constant 1 : i32
          %add3A_352 = arith.addi %mul3A_350, %add3A_351 : i32
          %mul3A_353 = arith.constant 40 : i32
          %mul3A_354 = arith.muli %add3A_352, %mul3A_353 : i32
          %add3A_355 = arith.addi %mul3A_2, %mul3A_354 : i32
          %dma_start3A_356 = arith.constant 40 : i32
          %dma_start3A_357 = arith.constant 0 : i32
          %dma_start3A_358 = tpu.memref_slice %arg8[%dma_start3A_356, %dma_start3A_357] : memref<160x128xf32, #tpu.memory_space<vmem>> -> memref<40x128xf32, #tpu.memory_space<vmem>>
          %dma_start3A_359 = arith.constant 0 : i32
          %dma_start3A_360 = tpu.memref_slice %arg3[%add3A_355, %dma_start3A_359] : memref<102400x128xf32, #tpu.memory_space<hbm>> -> memref<40x128xf32, #tpu.memory_space<hbm>>
          %dma_start3A_361 = arith.constant 40 : i32
          %dma_start3A_362 = arith.constant 0 : i32
          %dma_start3A_363 = tpu.memref_slice %arg8[%dma_start3A_361, %dma_start3A_362] : memref<160x128xf32, #tpu.memory_space<vmem>> -> memref<40x128xf32, #tpu.memory_space<vmem>>
          %dma_start3A_364 = arith.constant 0 : i32
          %dma_start3A_365 = tpu.memref_slice %arg3[%add3A_355, %dma_start3A_364] : memref<102400x128xf32, #tpu.memory_space<hbm>> -> memref<40x128xf32, #tpu.memory_space<hbm>>
          tpu.enqueue_dma source(%dma_start3A_365 : memref<40x128xf32, #tpu.memory_space<hbm>>) target(%dma_start3A_363 : memref<40x128xf32, #tpu.memory_space<vmem>>) target_semaphore(%arg10 : memref<!tpu.dma_semaphore, #tpu.memory_space<semaphore_mem>>)
        } else {
        }
      }
      %scan3A_57 = arith.constant 40 : i32
      %dma_wait3A = arith.constant 80 : i32
      %dma_wait3A_58 = arith.constant 0 : i32
      %dma_wait3A_59 = tpu.memref_slice %arg8[%dma_wait3A, %dma_wait3A_58] : memref<160x128xf32, #tpu.memory_space<vmem>> -> memref<40x128xf32, #tpu.memory_space<vmem>>
      %dma_wait3A_60 = arith.constant 0 : i32
      %dma_wait3A_61 = tpu.memref_slice %arg3[%mul3A_2, %dma_wait3A_60] : memref<102400x128xf32, #tpu.memory_space<hbm>> -> memref<40x128xf32, #tpu.memory_space<hbm>>
      %dma_wait3A_62 = arith.constant 80 : i32
      %dma_wait3A_63 = arith.constant 0 : i32
      %dma_wait3A_64 = tpu.memref_slice %arg8[%dma_wait3A_62, %dma_wait3A_63] : memref<160x128xf32, #tpu.memory_space<vmem>> -> memref<40x128xf32, #tpu.memory_space<vmem>>
      %dma_wait3A_65 = arith.constant 0 : i32
      %dma_wait3A_66 = tpu.memref_slice %arg3[%mul3A_2, %dma_wait3A_65] : memref<102400x128xf32, #tpu.memory_space<hbm>> -> memref<40x128xf32, #tpu.memory_space<hbm>>
      tpu.wait_dma2 semaphore(%arg13 : memref<!tpu.dma_semaphore, #tpu.memory_space<semaphore_mem>>) src(%dma_wait3A_66 : memref<40x128xf32, #tpu.memory_space<hbm>>) dst(%dma_wait3A_64 : memref<40x128xf32, #tpu.memory_space<vmem>>)
      %dma_wait3A_67 = arith.constant 120 : i32
      %dma_wait3A_68 = arith.constant 0 : i32
      %dma_wait3A_69 = tpu.memref_slice %arg8[%dma_wait3A_67, %dma_wait3A_68] : memref<160x128xf32, #tpu.memory_space<vmem>> -> memref<40x128xf32, #tpu.memory_space<vmem>>
      %dma_wait3A_70 = arith.constant 0 : i32
      %dma_wait3A_71 = tpu.memref_slice %arg3[%mul3A_2, %dma_wait3A_70] : memref<102400x128xf32, #tpu.memory_space<hbm>> -> memref<40x128xf32, #tpu.memory_space<hbm>>
      %dma_wait3A_72 = arith.constant 120 : i32
      %dma_wait3A_73 = arith.constant 0 : i32
      %dma_wait3A_74 = tpu.memref_slice %arg8[%dma_wait3A_72, %dma_wait3A_73] : memref<160x128xf32, #tpu.memory_space<vmem>> -> memref<40x128xf32, #tpu.memory_space<vmem>>
      %dma_wait3A_75 = arith.constant 0 : i32
      %dma_wait3A_76 = tpu.memref_slice %arg3[%mul3A_2, %dma_wait3A_75] : memref<102400x128xf32, #tpu.memory_space<hbm>> -> memref<40x128xf32, #tpu.memory_space<hbm>>
      tpu.wait_dma2 semaphore(%arg13 : memref<!tpu.dma_semaphore, #tpu.memory_space<semaphore_mem>>) src(%dma_wait3A_76 : memref<40x128xf32, #tpu.memory_space<hbm>>) dst(%dma_wait3A_74 : memref<40x128xf32, #tpu.memory_space<vmem>>)
    } else {
    }
    %barrier3A_10 = arith.constant 0 : index
    tpu.barrier barrier_id(%barrier3A_10)
    %mul3A_11 = arith.constant 640 : i32
    %mul3A_12 = arith.muli %arg1, %mul3A_11 : i32
    "tpu.region"() ({
      %run_scoped3A = tpu.sem_alloc : memref<!tpu.dma_semaphore, #tpu.memory_space<semaphore_mem>>
      %dma_start3A = arith.constant 0 : i32
      %dma_start3A_13 = tpu.memref_slice %arg6[%arg0, %mul3A_12, %dma_start3A] : memref<2x10240x128xf32, #tpu.memory_space<hbm>> -> memref<1x640x128xf32, #tpu.memory_space<hbm>>
      %dma_start3A_14 = tpu.memref_squeeze %dma_start3A_13 : memref<1x640x128xf32, #tpu.memory_space<hbm>> -> memref<640x128xf32, #tpu.memory_space<hbm>>
      %dma_start3A_15 = arith.constant 0 : i32
      %dma_start3A_16 = tpu.memref_slice %arg7[%mul3A_12, %dma_start3A_15] : memref<10240x128xf32, #tpu.memory_space<vmem_shared>> -> memref<640x128xf32, #tpu.memory_space<vmem_shared>>
      tpu.enqueue_dma source(%dma_start3A_16 : memref<640x128xf32, #tpu.memory_space<vmem_shared>>) target(%dma_start3A_14 : memref<640x128xf32, #tpu.memory_space<hbm>>) target_semaphore(%run_scoped3A : memref<!tpu.dma_semaphore, #tpu.memory_space<semaphore_mem>>)
      %dma_wait3A = arith.constant 0 : i32
      %dma_wait3A_17 = tpu.memref_slice %arg6[%arg0, %mul3A_12, %dma_wait3A] : memref<2x10240x128xf32, #tpu.memory_space<hbm>> -> memref<1x640x128xf32, #tpu.memory_space<hbm>>
      %dma_wait3A_18 = tpu.memref_squeeze %dma_wait3A_17 : memref<1x640x128xf32, #tpu.memory_space<hbm>> -> memref<640x128xf32, #tpu.memory_space<hbm>>
      %dma_wait3A_19 = arith.constant 0 : i32
      %dma_wait3A_20 = tpu.memref_slice %arg7[%mul3A_12, %dma_wait3A_19] : memref<10240x128xf32, #tpu.memory_space<vmem_shared>> -> memref<640x128xf32, #tpu.memory_space<vmem_shared>>
      tpu.wait_dma2 semaphore(%run_scoped3A : memref<!tpu.dma_semaphore, #tpu.memory_space<semaphore_mem>>) src(%dma_wait3A_20 : memref<640x128xf32, #tpu.memory_space<vmem_shared>>) dst(%dma_wait3A_18 : memref<640x128xf32, #tpu.memory_space<hbm>>)
      tpu.yield
    }) : () -> ()
    return
  }
}

module attributes {stable_mosaic.version = 14 : i64} {
  func.func @_dense_body(%arg0: i32, %arg1: memref<1280x128xf32, #tpu.memory_space<vmem>>, %arg2: memref<1x1x1280xf32, #tpu.memory_space<vmem>>, %arg3: memref<1x1x1280xf32, #tpu.memory_space<vmem>>, %arg4: memref<1x1x1280xf32, #tpu.memory_space<vmem>>, %arg5: memref<9x9x1280xf32, #tpu.memory_space<vmem>>, %arg6: memref<128x64xf32, #tpu.memory_space<vmem>>, %arg7: memref<96x64xf32, #tpu.memory_space<vmem>>, %arg8: memref<96x64xf32, #tpu.memory_space<vmem>>, %arg9: memref<1x64xf32, #tpu.memory_space<vmem>>, %arg10: memref<1x64xf32, #tpu.memory_space<vmem>>, %arg11: memref<1x64xf32, #tpu.memory_space<vmem>>, %arg12: memref<64x64xf32, #tpu.memory_space<vmem>>, %arg13: memref<1x64xf32, #tpu.memory_space<vmem>>, %arg14: memref<1x64xf32, #tpu.memory_space<vmem>>, %arg15: memref<1x64xf32, #tpu.memory_space<vmem>>, %arg16: memref<64x48xf32, #tpu.memory_space<vmem>>, %arg17: memref<1x48xf32, #tpu.memory_space<vmem>>, %arg18: memref<9x144xf32, #tpu.memory_space<vmem>>, %arg19: memref<16x144xf32, #tpu.memory_space<vmem>>, %arg20: memref<1280x128xf32, #tpu.memory_space<vmem>>, %arg21: memref<1280x128xf32, #tpu.memory_space<vmem>>) attributes {dimension_semantics = [#tpu.dimension_semantics<arbitrary>], iteration_bounds = array<i64: 170>, scalar_prefetch = 0 : i64, scratch_operands = 0 : i64, tpu.core_type = #tpu.core_type<tc>, window_params = [{transform_indices = @transform_0, window_bounds = array<i64: 1280, 128>}, {transform_indices = @transform_1, window_bounds = array<i64: 1, 1, 1280>}, {transform_indices = @transform_2, window_bounds = array<i64: 1, 1, 1280>}, {transform_indices = @transform_3, window_bounds = array<i64: 1, 1, 1280>}, {transform_indices = @transform_4, window_bounds = array<i64: 9, 9, 1280>}, {pipeline_mode = #tpu.pipeline_mode<synchronous>, transform_indices = @transform_5, window_bounds = array<i64: 128, 64>}, {pipeline_mode = #tpu.pipeline_mode<synchronous>, transform_indices = @transform_6, window_bounds = array<i64: 96, 64>}, {pipeline_mode = #tpu.pipeline_mode<synchronous>, transform_indices = @transform_7, window_bounds = array<i64: 96, 64>}, {pipeline_mode = #tpu.pipeline_mode<synchronous>, transform_indices = @transform_8, window_bounds = array<i64: 1, 64>}, {pipeline_mode = #tpu.pipeline_mode<synchronous>, transform_indices = @transform_9, window_bounds = array<i64: 1, 64>}, {pipeline_mode = #tpu.pipeline_mode<synchronous>, transform_indices = @transform_10, window_bounds = array<i64: 1, 64>}, {pipeline_mode = #tpu.pipeline_mode<synchronous>, transform_indices = @transform_11, window_bounds = array<i64: 64, 64>}, {pipeline_mode = #tpu.pipeline_mode<synchronous>, transform_indices = @transform_12, window_bounds = array<i64: 1, 64>}, {pipeline_mode = #tpu.pipeline_mode<synchronous>, transform_indices = @transform_13, window_bounds = array<i64: 1, 64>}, {pipeline_mode = #tpu.pipeline_mode<synchronous>, transform_indices = @transform_14, window_bounds = array<i64: 1, 64>}, {pipeline_mode = #tpu.pipeline_mode<synchronous>, transform_indices = @transform_15, window_bounds = array<i64: 64, 48>}, {pipeline_mode = #tpu.pipeline_mode<synchronous>, transform_indices = @transform_16, window_bounds = array<i64: 1, 48>}, {pipeline_mode = #tpu.pipeline_mode<synchronous>, transform_indices = @transform_17, window_bounds = array<i64: 9, 144>}, {pipeline_mode = #tpu.pipeline_mode<synchronous>, transform_indices = @transform_18, window_bounds = array<i64: 16, 144>}, {transform_indices = @transform_19, window_bounds = array<i64: 1280, 128>}, {transform_indices = @transform_20, window_bounds = array<i64: 1280, 128>}]} {
    %get3A = arith.constant 0 : index
    %get3A_0 = arith.constant 0 : index
    %get3A_1 = vector.load %arg1[%get3A, %get3A_0] : memref<1280x128xf32, #tpu.memory_space<vmem>>, vector<1280x128xf32>
    %iota3A = tpu.iota {dimensions = array<i32: 0>} : vector<96x1280xi32>
    %convert_element_type3A = arith.sitofp %iota3A : vector<96x1280xi32> to vector<96x1280xf32>
    %get3A_2 = arith.constant 0 : index
    %get3A_3 = arith.constant 0 : index
    %get3A_4 = arith.constant 0 : index
    %get3A_5 = vector.load %arg2[%get3A_2, %get3A_3, %get3A_4] : memref<1x1x1280xf32, #tpu.memory_space<vmem>>, vector<1x1x1280xf32>
    %reshape3A = vector.shape_cast %get3A_5 : vector<1x1x1280xf32> to vector<1x1280xf32>
    %get3A_6 = arith.constant 0 : index
    %get3A_7 = arith.constant 0 : index
    %get3A_8 = arith.constant 0 : index
    %get3A_9 = vector.load %arg3[%get3A_6, %get3A_7, %get3A_8] : memref<1x1x1280xf32, #tpu.memory_space<vmem>>, vector<1x1x1280xf32>
    %reshape3A_10 = vector.shape_cast %get3A_9 : vector<1x1x1280xf32> to vector<1x1280xf32>
    %eq3A = vector.broadcast %reshape3A : vector<1x1280xf32> to vector<96x1280xf32>
    %eq3A_11 = arith.cmpf oeq, %convert_element_type3A, %eq3A : vector<96x1280xf32>
    %convert_element_type3A_12 = arith.extui %eq3A_11 : vector<96x1280xi1> to vector<96x1280xi32>
    %convert_element_type3A_13 = arith.sitofp %convert_element_type3A_12 : vector<96x1280xi32> to vector<96x1280xf32>
    %eq3A_14 = vector.broadcast %reshape3A_10 : vector<1x1280xf32> to vector<96x1280xf32>
    %eq3A_15 = arith.cmpf oeq, %convert_element_type3A, %eq3A_14 : vector<96x1280xf32>
    %convert_element_type3A_16 = arith.extui %eq3A_15 : vector<96x1280xi1> to vector<96x1280xi32>
    %convert_element_type3A_17 = arith.sitofp %convert_element_type3A_16 : vector<96x1280xi32> to vector<96x1280xf32>
    %get3A_18 = arith.constant 0 : index
    %get3A_19 = arith.constant 0 : index
    %get3A_20 = vector.load %arg6[%get3A_18, %get3A_19] : memref<128x64xf32, #tpu.memory_space<vmem>>, vector<128x64xf32>
    %dot_general3A = arith.constant dense<0.000000e+00> : vector<1280x64xf32>
    %dot_general3A_21 = tpu.matmul %get3A_1, %get3A_20, %dot_general3A {dimension_numbers = #tpu.dot_dimension_numbers<[1], [0], [0], [1], [0, 0, 1, 1], [], []>, transpose_lhs_hint = false} : vector<1280x128xf32>, vector<128x64xf32>, vector<1280x64xf32> -> vector<1280x64xf32>
    %get3A_22 = arith.constant 0 : index
    %get3A_23 = arith.constant 0 : index
    %get3A_24 = vector.load %arg7[%get3A_22, %get3A_23] : memref<96x64xf32, #tpu.memory_space<vmem>>, vector<96x64xf32>
    %dot_general3A_25 = arith.constant dense<0.000000e+00> : vector<1280x64xf32>
    %dot_general3A_26 = tpu.matmul %convert_element_type3A_13, %get3A_24, %dot_general3A_25 {dimension_numbers = #tpu.dot_dimension_numbers<[0], [0], [1], [1], [0, 1, 1, 1], [], []>, transpose_lhs_hint = false} : vector<96x1280xf32>, vector<96x64xf32>, vector<1280x64xf32> -> vector<1280x64xf32>
    %add3A = arith.addf %dot_general3A_21, %dot_general3A_26 : vector<1280x64xf32>
    %get3A_27 = arith.constant 0 : index
    %get3A_28 = arith.constant 0 : index
    %get3A_29 = vector.load %arg8[%get3A_27, %get3A_28] : memref<96x64xf32, #tpu.memory_space<vmem>>, vector<96x64xf32>
    %dot_general3A_30 = arith.constant dense<0.000000e+00> : vector<1280x64xf32>
    %dot_general3A_31 = tpu.matmul %convert_element_type3A_17, %get3A_29, %dot_general3A_30 {dimension_numbers = #tpu.dot_dimension_numbers<[0], [0], [1], [1], [0, 1, 1, 1], [], []>, transpose_lhs_hint = false} : vector<96x1280xf32>, vector<96x64xf32>, vector<1280x64xf32> -> vector<1280x64xf32>
    %add3A_32 = arith.addf %add3A, %dot_general3A_31 : vector<1280x64xf32>
    %get3A_33 = arith.constant 0 : index
    %get3A_34 = arith.constant 0 : index
    %get3A_35 = vector.load %arg9[%get3A_33, %get3A_34] : memref<1x64xf32, #tpu.memory_space<vmem>>, vector<1x64xf32>
    %add3A_36 = vector.broadcast %get3A_35 : vector<1x64xf32> to vector<1280x64xf32>
    %add3A_37 = arith.addf %add3A_32, %add3A_36 : vector<1280x64xf32>
    %get3A_38 = arith.constant 0 : index
    %get3A_39 = arith.constant 0 : index
    %get3A_40 = vector.load %arg10[%get3A_38, %get3A_39] : memref<1x64xf32, #tpu.memory_space<vmem>>, vector<1x64xf32>
    %get3A_41 = arith.constant 0 : index
    %get3A_42 = arith.constant 0 : index
    %get3A_43 = vector.load %arg11[%get3A_41, %get3A_42] : memref<1x64xf32, #tpu.memory_space<vmem>>, vector<1x64xf32>
    %reduce_sum3A = arith.constant dense<0.000000e+00> : vector<1280xf32>
    %reduce_sum3A_44 = vector.multi_reduction <add>, %add3A_37, %reduce_sum3A [1] : vector<1280x64xf32> to vector<1280xf32>
    %broadcast_in_dim3A = vector.shape_cast %reduce_sum3A_44 : vector<1280xf32> to vector<1280x1xf32>
    %div3A = arith.constant 6.400000e+01 : f32
    %div3A_45 = vector.broadcast %div3A : f32 to vector<1280x1xf32>
    %div3A_46 = arith.divf %broadcast_in_dim3A, %div3A_45 : vector<1280x1xf32>
    %sub3A = vector.broadcast %div3A_46 : vector<1280x1xf32> to vector<1280x64xf32>
    %sub3A_47 = arith.subf %add3A_37, %sub3A : vector<1280x64xf32>
    %mul3A = arith.mulf %sub3A_47, %sub3A_47 : vector<1280x64xf32>
    %reduce_sum3A_48 = arith.constant dense<0.000000e+00> : vector<1280xf32>
    %reduce_sum3A_49 = vector.multi_reduction <add>, %mul3A, %reduce_sum3A_48 [1] : vector<1280x64xf32> to vector<1280xf32>
    %broadcast_in_dim3A_50 = vector.shape_cast %reduce_sum3A_49 : vector<1280xf32> to vector<1280x1xf32>
    %div3A_51 = arith.constant 6.400000e+01 : f32
    %div3A_52 = vector.broadcast %div3A_51 : f32 to vector<1280x1xf32>
    %div3A_53 = arith.divf %broadcast_in_dim3A_50, %div3A_52 : vector<1280x1xf32>
    %add3A_54 = arith.constant 9.99999974E-6 : f32
    %add3A_55 = vector.broadcast %add3A_54 : f32 to vector<1280x1xf32>
    %add3A_56 = arith.addf %div3A_53, %add3A_55 : vector<1280x1xf32>
    %rsqrt3A = math.rsqrt %add3A_56 : vector<1280x1xf32>
    %mul3A_57 = vector.broadcast %rsqrt3A : vector<1280x1xf32> to vector<1280x64xf32>
    %mul3A_58 = arith.mulf %sub3A_47, %mul3A_57 : vector<1280x64xf32>
    %mul3A_59 = vector.broadcast %get3A_40 : vector<1x64xf32> to vector<1280x64xf32>
    %mul3A_60 = arith.mulf %mul3A_58, %mul3A_59 : vector<1280x64xf32>
    %add3A_61 = vector.broadcast %get3A_43 : vector<1x64xf32> to vector<1280x64xf32>
    %add3A_62 = arith.addf %mul3A_60, %add3A_61 : vector<1280x64xf32>
    %logistic3A = arith.negf %add3A_62 : vector<1280x64xf32>
    %logistic3A_63 = math.exp %logistic3A : vector<1280x64xf32>
    %logistic3A_64 = arith.constant 1.000000e+00 : f32
    %logistic3A_65 = vector.broadcast %logistic3A_64 : f32 to vector<1280x64xf32>
    %logistic3A_66 = arith.addf %logistic3A_65, %logistic3A_63 : vector<1280x64xf32>
    %logistic3A_67 = arith.divf %logistic3A_65, %logistic3A_66 : vector<1280x64xf32>
    %mul3A_68 = arith.mulf %add3A_62, %logistic3A_67 : vector<1280x64xf32>
    %get3A_69 = arith.constant 0 : index
    %get3A_70 = arith.constant 0 : index
    %get3A_71 = vector.load %arg12[%get3A_69, %get3A_70] : memref<64x64xf32, #tpu.memory_space<vmem>>, vector<64x64xf32>
    %dot_general3A_72 = arith.constant dense<0.000000e+00> : vector<1280x64xf32>
    %dot_general3A_73 = tpu.matmul %mul3A_68, %get3A_71, %dot_general3A_72 {dimension_numbers = #tpu.dot_dimension_numbers<[1], [0], [0], [1], [0, 0, 1, 1], [], []>, transpose_lhs_hint = false} : vector<1280x64xf32>, vector<64x64xf32>, vector<1280x64xf32> -> vector<1280x64xf32>
    %get3A_74 = arith.constant 0 : index
    %get3A_75 = arith.constant 0 : index
    %get3A_76 = vector.load %arg13[%get3A_74, %get3A_75] : memref<1x64xf32, #tpu.memory_space<vmem>>, vector<1x64xf32>
    %add3A_77 = vector.broadcast %get3A_76 : vector<1x64xf32> to vector<1280x64xf32>
    %add3A_78 = arith.addf %dot_general3A_73, %add3A_77 : vector<1280x64xf32>
    %get3A_79 = arith.constant 0 : index
    %get3A_80 = arith.constant 0 : index
    %get3A_81 = vector.load %arg14[%get3A_79, %get3A_80] : memref<1x64xf32, #tpu.memory_space<vmem>>, vector<1x64xf32>
    %get3A_82 = arith.constant 0 : index
    %get3A_83 = arith.constant 0 : index
    %get3A_84 = vector.load %arg15[%get3A_82, %get3A_83] : memref<1x64xf32, #tpu.memory_space<vmem>>, vector<1x64xf32>
    %reduce_sum3A_85 = arith.constant dense<0.000000e+00> : vector<1280xf32>
    %reduce_sum3A_86 = vector.multi_reduction <add>, %add3A_78, %reduce_sum3A_85 [1] : vector<1280x64xf32> to vector<1280xf32>
    %broadcast_in_dim3A_87 = vector.shape_cast %reduce_sum3A_86 : vector<1280xf32> to vector<1280x1xf32>
    %div3A_88 = arith.constant 6.400000e+01 : f32
    %div3A_89 = vector.broadcast %div3A_88 : f32 to vector<1280x1xf32>
    %div3A_90 = arith.divf %broadcast_in_dim3A_87, %div3A_89 : vector<1280x1xf32>
    %sub3A_91 = vector.broadcast %div3A_90 : vector<1280x1xf32> to vector<1280x64xf32>
    %sub3A_92 = arith.subf %add3A_78, %sub3A_91 : vector<1280x64xf32>
    %mul3A_93 = arith.mulf %sub3A_92, %sub3A_92 : vector<1280x64xf32>
    %reduce_sum3A_94 = arith.constant dense<0.000000e+00> : vector<1280xf32>
    %reduce_sum3A_95 = vector.multi_reduction <add>, %mul3A_93, %reduce_sum3A_94 [1] : vector<1280x64xf32> to vector<1280xf32>
    %broadcast_in_dim3A_96 = vector.shape_cast %reduce_sum3A_95 : vector<1280xf32> to vector<1280x1xf32>
    %div3A_97 = arith.constant 6.400000e+01 : f32
    %div3A_98 = vector.broadcast %div3A_97 : f32 to vector<1280x1xf32>
    %div3A_99 = arith.divf %broadcast_in_dim3A_96, %div3A_98 : vector<1280x1xf32>
    %add3A_100 = arith.constant 9.99999974E-6 : f32
    %add3A_101 = vector.broadcast %add3A_100 : f32 to vector<1280x1xf32>
    %add3A_102 = arith.addf %div3A_99, %add3A_101 : vector<1280x1xf32>
    %rsqrt3A_103 = math.rsqrt %add3A_102 : vector<1280x1xf32>
    %mul3A_104 = vector.broadcast %rsqrt3A_103 : vector<1280x1xf32> to vector<1280x64xf32>
    %mul3A_105 = arith.mulf %sub3A_92, %mul3A_104 : vector<1280x64xf32>
    %mul3A_106 = vector.broadcast %get3A_81 : vector<1x64xf32> to vector<1280x64xf32>
    %mul3A_107 = arith.mulf %mul3A_105, %mul3A_106 : vector<1280x64xf32>
    %add3A_108 = vector.broadcast %get3A_84 : vector<1x64xf32> to vector<1280x64xf32>
    %add3A_109 = arith.addf %mul3A_107, %add3A_108 : vector<1280x64xf32>
    %logistic3A_110 = arith.negf %add3A_109 : vector<1280x64xf32>
    %logistic3A_111 = math.exp %logistic3A_110 : vector<1280x64xf32>
    %logistic3A_112 = arith.constant 1.000000e+00 : f32
    %logistic3A_113 = vector.broadcast %logistic3A_112 : f32 to vector<1280x64xf32>
    %logistic3A_114 = arith.addf %logistic3A_113, %logistic3A_111 : vector<1280x64xf32>
    %logistic3A_115 = arith.divf %logistic3A_113, %logistic3A_114 : vector<1280x64xf32>
    %mul3A_116 = arith.mulf %add3A_109, %logistic3A_115 : vector<1280x64xf32>
    %get3A_117 = arith.constant 0 : index
    %get3A_118 = arith.constant 0 : index
    %get3A_119 = vector.load %arg16[%get3A_117, %get3A_118] : memref<64x48xf32, #tpu.memory_space<vmem>>, vector<64x48xf32>
    %dot_general3A_120 = arith.constant dense<0.000000e+00> : vector<1280x48xf32>
    %dot_general3A_121 = tpu.matmul %mul3A_116, %get3A_119, %dot_general3A_120 {dimension_numbers = #tpu.dot_dimension_numbers<[1], [0], [0], [1], [0, 0, 1, 1], [], []>, transpose_lhs_hint = false} : vector<1280x64xf32>, vector<64x48xf32>, vector<1280x48xf32> -> vector<1280x48xf32>
    %get3A_122 = arith.constant 0 : index
    %get3A_123 = arith.constant 0 : index
    %get3A_124 = vector.load %arg17[%get3A_122, %get3A_123] : memref<1x48xf32, #tpu.memory_space<vmem>>, vector<1x48xf32>
    %add3A_125 = vector.broadcast %get3A_124 : vector<1x48xf32> to vector<1280x48xf32>
    %add3A_126 = arith.addf %dot_general3A_121, %add3A_125 : vector<1280x48xf32>
    %get3A_127 = arith.constant 0 : index
    %get3A_128 = arith.constant 0 : index
    %get3A_129 = arith.constant 0 : index
    %get3A_130 = vector.load %arg4[%get3A_127, %get3A_128, %get3A_129] : memref<1x1x1280xf32, #tpu.memory_space<vmem>>, vector<1x1x1280xf32>
    %reshape3A_131 = vector.shape_cast %get3A_130 : vector<1x1x1280xf32> to vector<1x1280xf32>
    %broadcast_in_dim3A_132 = arith.constant 0.000000e+00 : f32
    %broadcast_in_dim3A_133 = vector.broadcast %broadcast_in_dim3A_132 : f32 to vector<1280x144xf32>
    %get3A_134 = arith.constant 0 : index
    %get3A_135 = arith.constant 0 : index
    %get3A_136 = arith.constant 0 : index
    %get3A_137 = vector.load %arg5[%get3A_134, %get3A_135, %get3A_136] : memref<9x9x1280xf32, #tpu.memory_space<vmem>>, vector<1x1x1280xf32>
    %get3A_138 = vector.shape_cast %get3A_137 : vector<1x1x1280xf32> to vector<1280xf32>
    %reshape3A_139 = vector.shape_cast %get3A_138 : vector<1280xf32> to vector<1x1280xf32>
    %get3A_140 = arith.constant 1 : index
    %get3A_141 = arith.constant 0 : index
    %get3A_142 = arith.constant 0 : index
    %get3A_143 = vector.load %arg5[%get3A_140, %get3A_141, %get3A_142] : memref<9x9x1280xf32, #tpu.memory_space<vmem>>, vector<1x1x1280xf32>
    %get3A_144 = vector.shape_cast %get3A_143 : vector<1x1x1280xf32> to vector<1280xf32>
    %reshape3A_145 = vector.shape_cast %get3A_144 : vector<1280xf32> to vector<1x1280xf32>
    %get3A_146 = arith.constant 2 : index
    %get3A_147 = arith.constant 0 : index
    %get3A_148 = arith.constant 0 : index
    %get3A_149 = vector.load %arg5[%get3A_146, %get3A_147, %get3A_148] : memref<9x9x1280xf32, #tpu.memory_space<vmem>>, vector<1x1x1280xf32>
    %get3A_150 = vector.shape_cast %get3A_149 : vector<1x1x1280xf32> to vector<1280xf32>
    %reshape3A_151 = vector.shape_cast %get3A_150 : vector<1280xf32> to vector<1x1280xf32>
    %get3A_152 = arith.constant 3 : index
    %get3A_153 = arith.constant 0 : index
    %get3A_154 = arith.constant 0 : index
    %get3A_155 = vector.load %arg5[%get3A_152, %get3A_153, %get3A_154] : memref<9x9x1280xf32, #tpu.memory_space<vmem>>, vector<1x1x1280xf32>
    %get3A_156 = vector.shape_cast %get3A_155 : vector<1x1x1280xf32> to vector<1280xf32>
    %reshape3A_157 = vector.shape_cast %get3A_156 : vector<1280xf32> to vector<1x1280xf32>
    %get3A_158 = arith.constant 4 : index
    %get3A_159 = arith.constant 0 : index
    %get3A_160 = arith.constant 0 : index
    %get3A_161 = vector.load %arg5[%get3A_158, %get3A_159, %get3A_160] : memref<9x9x1280xf32, #tpu.memory_space<vmem>>, vector<1x1x1280xf32>
    %get3A_162 = vector.shape_cast %get3A_161 : vector<1x1x1280xf32> to vector<1280xf32>
    %reshape3A_163 = vector.shape_cast %get3A_162 : vector<1280xf32> to vector<1x1280xf32>
    %get3A_164 = arith.constant 5 : index
    %get3A_165 = arith.constant 0 : index
    %get3A_166 = arith.constant 0 : index
    %get3A_167 = vector.load %arg5[%get3A_164, %get3A_165, %get3A_166] : memref<9x9x1280xf32, #tpu.memory_space<vmem>>, vector<1x1x1280xf32>
    %get3A_168 = vector.shape_cast %get3A_167 : vector<1x1x1280xf32> to vector<1280xf32>
    %reshape3A_169 = vector.shape_cast %get3A_168 : vector<1280xf32> to vector<1x1280xf32>
    %get3A_170 = arith.constant 6 : index
    %get3A_171 = arith.constant 0 : index
    %get3A_172 = arith.constant 0 : index
    %get3A_173 = vector.load %arg5[%get3A_170, %get3A_171, %get3A_172] : memref<9x9x1280xf32, #tpu.memory_space<vmem>>, vector<1x1x1280xf32>
    %get3A_174 = vector.shape_cast %get3A_173 : vector<1x1x1280xf32> to vector<1280xf32>
    %reshape3A_175 = vector.shape_cast %get3A_174 : vector<1280xf32> to vector<1x1280xf32>
    %get3A_176 = arith.constant 7 : index
    %get3A_177 = arith.constant 0 : index
    %get3A_178 = arith.constant 0 : index
    %get3A_179 = vector.load %arg5[%get3A_176, %get3A_177, %get3A_178] : memref<9x9x1280xf32, #tpu.memory_space<vmem>>, vector<1x1x1280xf32>
    %get3A_180 = vector.shape_cast %get3A_179 : vector<1x1x1280xf32> to vector<1280xf32>
    %reshape3A_181 = vector.shape_cast %get3A_180 : vector<1280xf32> to vector<1x1280xf32>
    %get3A_182 = arith.constant 8 : index
    %get3A_183 = arith.constant 0 : index
    %get3A_184 = arith.constant 0 : index
    %get3A_185 = vector.load %arg5[%get3A_182, %get3A_183, %get3A_184] : memref<9x9x1280xf32, #tpu.memory_space<vmem>>, vector<1x1x1280xf32>
    %get3A_186 = vector.shape_cast %get3A_185 : vector<1x1x1280xf32> to vector<1280xf32>
    %reshape3A_187 = vector.shape_cast %get3A_186 : vector<1280xf32> to vector<1x1280xf32>
    %concatenate3A = tpu.concatenate %reshape3A_139, %reshape3A_145, %reshape3A_151, %reshape3A_157, %reshape3A_163, %reshape3A_169, %reshape3A_175, %reshape3A_181, %reshape3A_187 in 0 : vector<1x1280xf32>, vector<1x1280xf32>, vector<1x1280xf32>, vector<1x1280xf32>, vector<1x1280xf32>, vector<1x1280xf32>, vector<1x1280xf32>, vector<1x1280xf32>, vector<1x1280xf32> -> vector<9x1280xf32>
    %mul3A_188 = vector.broadcast %reshape3A_131 : vector<1x1280xf32> to vector<9x1280xf32>
    %mul3A_189 = arith.mulf %concatenate3A, %mul3A_188 : vector<9x1280xf32>
    %slice3A = vector.extract_strided_slice %add3A_126 {offsets = [0, 0], sizes = [1280, 16], strides = [1, 1]} : vector<1280x48xf32> to vector<1280x16xf32>
    %get3A_190 = arith.constant 0 : index
    %get3A_191 = arith.constant 0 : index
    %get3A_192 = vector.load %arg18[%get3A_190, %get3A_191] : memref<9x144xf32, #tpu.memory_space<vmem>>, vector<9x144xf32>
    %dot_general3A_193 = arith.constant dense<0.000000e+00> : vector<1280x144xf32>
    %dot_general3A_194 = tpu.matmul %mul3A_189, %get3A_192, %dot_general3A_193 {dimension_numbers = #tpu.dot_dimension_numbers<[0], [0], [1], [1], [0, 1, 1, 1], [], []>, transpose_lhs_hint = false} : vector<9x1280xf32>, vector<9x144xf32>, vector<1280x144xf32> -> vector<1280x144xf32>
    %get3A_195 = arith.constant 0 : index
    %get3A_196 = arith.constant 0 : index
    %get3A_197 = vector.load %arg19[%get3A_195, %get3A_196] : memref<16x144xf32, #tpu.memory_space<vmem>>, vector<16x144xf32>
    %dot_general3A_198 = arith.constant dense<0.000000e+00> : vector<1280x144xf32>
    %dot_general3A_199 = tpu.matmul %slice3A, %get3A_197, %dot_general3A_198 {dimension_numbers = #tpu.dot_dimension_numbers<[1], [0], [0], [1], [0, 0, 1, 1], [], []>, transpose_lhs_hint = false} : vector<1280x16xf32>, vector<16x144xf32>, vector<1280x144xf32> -> vector<1280x144xf32>
    %mul3A_200 = arith.mulf %dot_general3A_194, %dot_general3A_199 : vector<1280x144xf32>
    %add3A_201 = arith.addf %broadcast_in_dim3A_133, %mul3A_200 : vector<1280x144xf32>
    %get3A_202 = arith.constant 0 : index
    %get3A_203 = arith.constant 1 : index
    %get3A_204 = arith.constant 0 : index
    %get3A_205 = vector.load %arg5[%get3A_202, %get3A_203, %get3A_204] : memref<9x9x1280xf32, #tpu.memory_space<vmem>>, vector<1x1x1280xf32>
    %get3A_206 = vector.shape_cast %get3A_205 : vector<1x1x1280xf32> to vector<1280xf32>
    %reshape3A_207 = vector.shape_cast %get3A_206 : vector<1280xf32> to vector<1x1280xf32>
    %get3A_208 = arith.constant 1 : index
    %get3A_209 = arith.constant 1 : index
    %get3A_210 = arith.constant 0 : index
    %get3A_211 = vector.load %arg5[%get3A_208, %get3A_209, %get3A_210] : memref<9x9x1280xf32, #tpu.memory_space<vmem>>, vector<1x1x1280xf32>
    %get3A_212 = vector.shape_cast %get3A_211 : vector<1x1x1280xf32> to vector<1280xf32>
    %reshape3A_213 = vector.shape_cast %get3A_212 : vector<1280xf32> to vector<1x1280xf32>
    %get3A_214 = arith.constant 2 : index
    %get3A_215 = arith.constant 1 : index
    %get3A_216 = arith.constant 0 : index
    %get3A_217 = vector.load %arg5[%get3A_214, %get3A_215, %get3A_216] : memref<9x9x1280xf32, #tpu.memory_space<vmem>>, vector<1x1x1280xf32>
    %get3A_218 = vector.shape_cast %get3A_217 : vector<1x1x1280xf32> to vector<1280xf32>
    %reshape3A_219 = vector.shape_cast %get3A_218 : vector<1280xf32> to vector<1x1280xf32>
    %get3A_220 = arith.constant 3 : index
    %get3A_221 = arith.constant 1 : index
    %get3A_222 = arith.constant 0 : index
    %get3A_223 = vector.load %arg5[%get3A_220, %get3A_221, %get3A_222] : memref<9x9x1280xf32, #tpu.memory_space<vmem>>, vector<1x1x1280xf32>
    %get3A_224 = vector.shape_cast %get3A_223 : vector<1x1x1280xf32> to vector<1280xf32>
    %reshape3A_225 = vector.shape_cast %get3A_224 : vector<1280xf32> to vector<1x1280xf32>
    %get3A_226 = arith.constant 4 : index
    %get3A_227 = arith.constant 1 : index
    %get3A_228 = arith.constant 0 : index
    %get3A_229 = vector.load %arg5[%get3A_226, %get3A_227, %get3A_228] : memref<9x9x1280xf32, #tpu.memory_space<vmem>>, vector<1x1x1280xf32>
    %get3A_230 = vector.shape_cast %get3A_229 : vector<1x1x1280xf32> to vector<1280xf32>
    %reshape3A_231 = vector.shape_cast %get3A_230 : vector<1280xf32> to vector<1x1280xf32>
    %get3A_232 = arith.constant 5 : index
    %get3A_233 = arith.constant 1 : index
    %get3A_234 = arith.constant 0 : index
    %get3A_235 = vector.load %arg5[%get3A_232, %get3A_233, %get3A_234] : memref<9x9x1280xf32, #tpu.memory_space<vmem>>, vector<1x1x1280xf32>
    %get3A_236 = vector.shape_cast %get3A_235 : vector<1x1x1280xf32> to vector<1280xf32>
    %reshape3A_237 = vector.shape_cast %get3A_236 : vector<1280xf32> to vector<1x1280xf32>
    %get3A_238 = arith.constant 6 : index
    %get3A_239 = arith.constant 1 : index
    %get3A_240 = arith.constant 0 : index
    %get3A_241 = vector.load %arg5[%get3A_238, %get3A_239, %get3A_240] : memref<9x9x1280xf32, #tpu.memory_space<vmem>>, vector<1x1x1280xf32>
    %get3A_242 = vector.shape_cast %get3A_241 : vector<1x1x1280xf32> to vector<1280xf32>
    %reshape3A_243 = vector.shape_cast %get3A_242 : vector<1280xf32> to vector<1x1280xf32>
    %get3A_244 = arith.constant 7 : index
    %get3A_245 = arith.constant 1 : index
    %get3A_246 = arith.constant 0 : index
    %get3A_247 = vector.load %arg5[%get3A_244, %get3A_245, %get3A_246] : memref<9x9x1280xf32, #tpu.memory_space<vmem>>, vector<1x1x1280xf32>
    %get3A_248 = vector.shape_cast %get3A_247 : vector<1x1x1280xf32> to vector<1280xf32>
    %reshape3A_249 = vector.shape_cast %get3A_248 : vector<1280xf32> to vector<1x1280xf32>
    %get3A_250 = arith.constant 8 : index
    %get3A_251 = arith.constant 1 : index
    %get3A_252 = arith.constant 0 : index
    %get3A_253 = vector.load %arg5[%get3A_250, %get3A_251, %get3A_252] : memref<9x9x1280xf32, #tpu.memory_space<vmem>>, vector<1x1x1280xf32>
    %get3A_254 = vector.shape_cast %get3A_253 : vector<1x1x1280xf32> to vector<1280xf32>
    %reshape3A_255 = vector.shape_cast %get3A_254 : vector<1280xf32> to vector<1x1280xf32>
    %concatenate3A_256 = tpu.concatenate %reshape3A_207, %reshape3A_213, %reshape3A_219, %reshape3A_225, %reshape3A_231, %reshape3A_237, %reshape3A_243, %reshape3A_249, %reshape3A_255 in 0 : vector<1x1280xf32>, vector<1x1280xf32>, vector<1x1280xf32>, vector<1x1280xf32>, vector<1x1280xf32>, vector<1x1280xf32>, vector<1x1280xf32>, vector<1x1280xf32>, vector<1x1280xf32> -> vector<9x1280xf32>
    %mul3A_257 = vector.broadcast %reshape3A_131 : vector<1x1280xf32> to vector<9x1280xf32>
    %mul3A_258 = arith.mulf %concatenate3A_256, %mul3A_257 : vector<9x1280xf32>
    %slice3A_259 = vector.extract_strided_slice %add3A_126 {offsets = [0, 16], sizes = [1280, 16], strides = [1, 1]} : vector<1280x48xf32> to vector<1280x16xf32>
    %get3A_260 = arith.constant 0 : index
    %get3A_261 = arith.constant 0 : index
    %get3A_262 = vector.load %arg18[%get3A_260, %get3A_261] : memref<9x144xf32, #tpu.memory_space<vmem>>, vector<9x144xf32>
    %dot_general3A_263 = arith.constant dense<0.000000e+00> : vector<1280x144xf32>
    %dot_general3A_264 = tpu.matmul %mul3A_258, %get3A_262, %dot_general3A_263 {dimension_numbers = #tpu.dot_dimension_numbers<[0], [0], [1], [1], [0, 1, 1, 1], [], []>, transpose_lhs_hint = false} : vector<9x1280xf32>, vector<9x144xf32>, vector<1280x144xf32> -> vector<1280x144xf32>
    %get3A_265 = arith.constant 0 : index
    %get3A_266 = arith.constant 0 : index
    %get3A_267 = vector.load %arg19[%get3A_265, %get3A_266] : memref<16x144xf32, #tpu.memory_space<vmem>>, vector<16x144xf32>
    %dot_general3A_268 = arith.constant dense<0.000000e+00> : vector<1280x144xf32>
    %dot_general3A_269 = tpu.matmul %slice3A_259, %get3A_267, %dot_general3A_268 {dimension_numbers = #tpu.dot_dimension_numbers<[1], [0], [0], [1], [0, 0, 1, 1], [], []>, transpose_lhs_hint = false} : vector<1280x16xf32>, vector<16x144xf32>, vector<1280x144xf32> -> vector<1280x144xf32>
    %mul3A_270 = arith.mulf %dot_general3A_264, %dot_general3A_269 : vector<1280x144xf32>
    %add3A_271 = arith.addf %add3A_201, %mul3A_270 : vector<1280x144xf32>
    %get3A_272 = arith.constant 0 : index
    %get3A_273 = arith.constant 2 : index
    %get3A_274 = arith.constant 0 : index
    %get3A_275 = vector.load %arg5[%get3A_272, %get3A_273, %get3A_274] : memref<9x9x1280xf32, #tpu.memory_space<vmem>>, vector<1x1x1280xf32>
    %get3A_276 = vector.shape_cast %get3A_275 : vector<1x1x1280xf32> to vector<1280xf32>
    %reshape3A_277 = vector.shape_cast %get3A_276 : vector<1280xf32> to vector<1x1280xf32>
    %get3A_278 = arith.constant 1 : index
    %get3A_279 = arith.constant 2 : index
    %get3A_280 = arith.constant 0 : index
    %get3A_281 = vector.load %arg5[%get3A_278, %get3A_279, %get3A_280] : memref<9x9x1280xf32, #tpu.memory_space<vmem>>, vector<1x1x1280xf32>
    %get3A_282 = vector.shape_cast %get3A_281 : vector<1x1x1280xf32> to vector<1280xf32>
    %reshape3A_283 = vector.shape_cast %get3A_282 : vector<1280xf32> to vector<1x1280xf32>
    %get3A_284 = arith.constant 2 : index
    %get3A_285 = arith.constant 2 : index
    %get3A_286 = arith.constant 0 : index
    %get3A_287 = vector.load %arg5[%get3A_284, %get3A_285, %get3A_286] : memref<9x9x1280xf32, #tpu.memory_space<vmem>>, vector<1x1x1280xf32>
    %get3A_288 = vector.shape_cast %get3A_287 : vector<1x1x1280xf32> to vector<1280xf32>
    %reshape3A_289 = vector.shape_cast %get3A_288 : vector<1280xf32> to vector<1x1280xf32>
    %get3A_290 = arith.constant 3 : index
    %get3A_291 = arith.constant 2 : index
    %get3A_292 = arith.constant 0 : index
    %get3A_293 = vector.load %arg5[%get3A_290, %get3A_291, %get3A_292] : memref<9x9x1280xf32, #tpu.memory_space<vmem>>, vector<1x1x1280xf32>
    %get3A_294 = vector.shape_cast %get3A_293 : vector<1x1x1280xf32> to vector<1280xf32>
    %reshape3A_295 = vector.shape_cast %get3A_294 : vector<1280xf32> to vector<1x1280xf32>
    %get3A_296 = arith.constant 4 : index
    %get3A_297 = arith.constant 2 : index
    %get3A_298 = arith.constant 0 : index
    %get3A_299 = vector.load %arg5[%get3A_296, %get3A_297, %get3A_298] : memref<9x9x1280xf32, #tpu.memory_space<vmem>>, vector<1x1x1280xf32>
    %get3A_300 = vector.shape_cast %get3A_299 : vector<1x1x1280xf32> to vector<1280xf32>
    %reshape3A_301 = vector.shape_cast %get3A_300 : vector<1280xf32> to vector<1x1280xf32>
    %get3A_302 = arith.constant 5 : index
    %get3A_303 = arith.constant 2 : index
    %get3A_304 = arith.constant 0 : index
    %get3A_305 = vector.load %arg5[%get3A_302, %get3A_303, %get3A_304] : memref<9x9x1280xf32, #tpu.memory_space<vmem>>, vector<1x1x1280xf32>
    %get3A_306 = vector.shape_cast %get3A_305 : vector<1x1x1280xf32> to vector<1280xf32>
    %reshape3A_307 = vector.shape_cast %get3A_306 : vector<1280xf32> to vector<1x1280xf32>
    %get3A_308 = arith.constant 6 : index
    %get3A_309 = arith.constant 2 : index
    %get3A_310 = arith.constant 0 : index
    %get3A_311 = vector.load %arg5[%get3A_308, %get3A_309, %get3A_310] : memref<9x9x1280xf32, #tpu.memory_space<vmem>>, vector<1x1x1280xf32>
    %get3A_312 = vector.shape_cast %get3A_311 : vector<1x1x1280xf32> to vector<1280xf32>
    %reshape3A_313 = vector.shape_cast %get3A_312 : vector<1280xf32> to vector<1x1280xf32>
    %get3A_314 = arith.constant 7 : index
    %get3A_315 = arith.constant 2 : index
    %get3A_316 = arith.constant 0 : index
    %get3A_317 = vector.load %arg5[%get3A_314, %get3A_315, %get3A_316] : memref<9x9x1280xf32, #tpu.memory_space<vmem>>, vector<1x1x1280xf32>
    %get3A_318 = vector.shape_cast %get3A_317 : vector<1x1x1280xf32> to vector<1280xf32>
    %reshape3A_319 = vector.shape_cast %get3A_318 : vector<1280xf32> to vector<1x1280xf32>
    %get3A_320 = arith.constant 8 : index
    %get3A_321 = arith.constant 2 : index
    %get3A_322 = arith.constant 0 : index
    %get3A_323 = vector.load %arg5[%get3A_320, %get3A_321, %get3A_322] : memref<9x9x1280xf32, #tpu.memory_space<vmem>>, vector<1x1x1280xf32>
    %get3A_324 = vector.shape_cast %get3A_323 : vector<1x1x1280xf32> to vector<1280xf32>
    %reshape3A_325 = vector.shape_cast %get3A_324 : vector<1280xf32> to vector<1x1280xf32>
    %concatenate3A_326 = tpu.concatenate %reshape3A_277, %reshape3A_283, %reshape3A_289, %reshape3A_295, %reshape3A_301, %reshape3A_307, %reshape3A_313, %reshape3A_319, %reshape3A_325 in 0 : vector<1x1280xf32>, vector<1x1280xf32>, vector<1x1280xf32>, vector<1x1280xf32>, vector<1x1280xf32>, vector<1x1280xf32>, vector<1x1280xf32>, vector<1x1280xf32>, vector<1x1280xf32> -> vector<9x1280xf32>
    %mul3A_327 = vector.broadcast %reshape3A_131 : vector<1x1280xf32> to vector<9x1280xf32>
    %mul3A_328 = arith.mulf %concatenate3A_326, %mul3A_327 : vector<9x1280xf32>
    %slice3A_329 = vector.extract_strided_slice %add3A_126 {offsets = [0, 32], sizes = [1280, 16], strides = [1, 1]} : vector<1280x48xf32> to vector<1280x16xf32>
    %get3A_330 = arith.constant 0 : index
    %get3A_331 = arith.constant 0 : index
    %get3A_332 = vector.load %arg18[%get3A_330, %get3A_331] : memref<9x144xf32, #tpu.memory_space<vmem>>, vector<9x144xf32>
    %dot_general3A_333 = arith.constant dense<0.000000e+00> : vector<1280x144xf32>
    %dot_general3A_334 = tpu.matmul %mul3A_328, %get3A_332, %dot_general3A_333 {dimension_numbers = #tpu.dot_dimension_numbers<[0], [0], [1], [1], [0, 1, 1, 1], [], []>, transpose_lhs_hint = false} : vector<9x1280xf32>, vector<9x144xf32>, vector<1280x144xf32> -> vector<1280x144xf32>
    %get3A_335 = arith.constant 0 : index
    %get3A_336 = arith.constant 0 : index
    %get3A_337 = vector.load %arg19[%get3A_335, %get3A_336] : memref<16x144xf32, #tpu.memory_space<vmem>>, vector<16x144xf32>
    %dot_general3A_338 = arith.constant dense<0.000000e+00> : vector<1280x144xf32>
    %dot_general3A_339 = tpu.matmul %slice3A_329, %get3A_337, %dot_general3A_338 {dimension_numbers = #tpu.dot_dimension_numbers<[1], [0], [0], [1], [0, 0, 1, 1], [], []>, transpose_lhs_hint = false} : vector<1280x16xf32>, vector<16x144xf32>, vector<1280x144xf32> -> vector<1280x144xf32>
    %mul3A_340 = arith.mulf %dot_general3A_334, %dot_general3A_339 : vector<1280x144xf32>
    %add3A_341 = arith.addf %add3A_271, %mul3A_340 : vector<1280x144xf32>
    %slice3A_342 = vector.extract_strided_slice %add3A_341 {offsets = [0, 0], sizes = [1280, 128], strides = [1, 1]} : vector<1280x144xf32> to vector<1280x128xf32>
    %swap3A = arith.constant 0 : index
    %swap3A_343 = arith.constant 0 : index
    %swap3A_344 = vector.load %arg20[%swap3A, %swap3A_343] : memref<1280x128xf32, #tpu.memory_space<vmem>>, vector<1280x128xf32>
    tpu.vector_store %arg20[%swap3A, %swap3A_343], %slice3A_342 {strides = array<i32>} : memref<1280x128xf32, #tpu.memory_space<vmem>>, vector<1280x128xf32>,
    %slice3A_345 = vector.extract_strided_slice %add3A_341 {offsets = [0, 128], sizes = [1280, 16], strides = [1, 1]} : vector<1280x144xf32> to vector<1280x16xf32>
    %broadcast_in_dim3A_346 = arith.constant 0.000000e+00 : f32
    %broadcast_in_dim3A_347 = vector.broadcast %broadcast_in_dim3A_346 : f32 to vector<1280x112xf32>
    %concatenate3A_348 = tpu.concatenate %slice3A_345, %broadcast_in_dim3A_347 in 1 : vector<1280x16xf32>, vector<1280x112xf32> -> vector<1280x128xf32>
    %swap3A_349 = arith.constant 0 : index
    %swap3A_350 = arith.constant 0 : index
    %swap3A_351 = vector.load %arg21[%swap3A_349, %swap3A_350] : memref<1280x128xf32, #tpu.memory_space<vmem>>, vector<1280x128xf32>
    tpu.vector_store %arg21[%swap3A_349, %swap3A_350], %concatenate3A_348 {strides = array<i32>} : memref<1280x128xf32, #tpu.memory_space<vmem>>, vector<1280x128xf32>,
    return
  }
  func.func @transform_0(%arg0: i32) -> (i32, i32) {
    %add3A = arith.constant 0 : i32
    %add3A_0 = arith.addi %arg0, %add3A : i32
    %c0_i32 = arith.constant 0 : i32
    %c0_i32_1 = arith.constant 0 : i32
    return %add3A_0, %c0_i32 : i32, i32
  }
  func.func @transform_1(%arg0: i32) -> (i32, i32, i32) {
    %add3A = arith.constant 0 : i32
    %add3A_0 = arith.addi %arg0, %add3A : i32
    %c0_i32 = arith.constant 0 : i32
    %c0_i32_1 = arith.constant 0 : i32
    %c0_i32_2 = arith.constant 0 : i32
    return %add3A_0, %c0_i32, %c0_i32_1 : i32, i32, i32
  }
  func.func @transform_2(%arg0: i32) -> (i32, i32, i32) {
    %add3A = arith.constant 0 : i32
    %add3A_0 = arith.addi %arg0, %add3A : i32
    %c0_i32 = arith.constant 0 : i32
    %c0_i32_1 = arith.constant 0 : i32
    %c0_i32_2 = arith.constant 0 : i32
    return %add3A_0, %c0_i32, %c0_i32_1 : i32, i32, i32
  }
  func.func @transform_3(%arg0: i32) -> (i32, i32, i32) {
    %add3A = arith.constant 0 : i32
    %add3A_0 = arith.addi %arg0, %add3A : i32
    %c0_i32 = arith.constant 0 : i32
    %c0_i32_1 = arith.constant 0 : i32
    %c0_i32_2 = arith.constant 0 : i32
    return %add3A_0, %c0_i32, %c0_i32_1 : i32, i32, i32
  }
  func.func @transform_4(%arg0: i32) -> (i32, i32, i32) {
    %add3A = arith.constant 0 : i32
    %add3A_0 = arith.addi %arg0, %add3A : i32
    %c0_i32 = arith.constant 0 : i32
    %c0_i32_1 = arith.constant 0 : i32
    %c0_i32_2 = arith.constant 0 : i32
    return %c0_i32, %c0_i32_1, %add3A_0 : i32, i32, i32
  }
  func.func @transform_5(%arg0: i32) -> (i32, i32) {
    %c0_i32 = arith.constant 0 : i32
    %c0_i32_0 = arith.constant 0 : i32
    %c0_i32_1 = arith.constant 0 : i32
    return %c0_i32, %c0_i32_0 : i32, i32
  }
  func.func @transform_6(%arg0: i32) -> (i32, i32) {
    %c0_i32 = arith.constant 0 : i32
    %c0_i32_0 = arith.constant 0 : i32
    %c0_i32_1 = arith.constant 0 : i32
    return %c0_i32, %c0_i32_0 : i32, i32
  }
  func.func @transform_7(%arg0: i32) -> (i32, i32) {
    %c0_i32 = arith.constant 0 : i32
    %c0_i32_0 = arith.constant 0 : i32
    %c0_i32_1 = arith.constant 0 : i32
    return %c0_i32, %c0_i32_0 : i32, i32
  }
  func.func @transform_8(%arg0: i32) -> (i32, i32) {
    %c0_i32 = arith.constant 0 : i32
    %c0_i32_0 = arith.constant 0 : i32
    %c0_i32_1 = arith.constant 0 : i32
    return %c0_i32, %c0_i32_0 : i32, i32
  }
  func.func @transform_9(%arg0: i32) -> (i32, i32) {
    %c0_i32 = arith.constant 0 : i32
    %c0_i32_0 = arith.constant 0 : i32
    %c0_i32_1 = arith.constant 0 : i32
    return %c0_i32, %c0_i32_0 : i32, i32
  }
  func.func @transform_10(%arg0: i32) -> (i32, i32) {
    %c0_i32 = arith.constant 0 : i32
    %c0_i32_0 = arith.constant 0 : i32
    %c0_i32_1 = arith.constant 0 : i32
    return %c0_i32, %c0_i32_0 : i32, i32
  }
  func.func @transform_11(%arg0: i32) -> (i32, i32) {
    %c0_i32 = arith.constant 0 : i32
    %c0_i32_0 = arith.constant 0 : i32
    %c0_i32_1 = arith.constant 0 : i32
    return %c0_i32, %c0_i32_0 : i32, i32
  }
  func.func @transform_12(%arg0: i32) -> (i32, i32) {
    %c0_i32 = arith.constant 0 : i32
    %c0_i32_0 = arith.constant 0 : i32
    %c0_i32_1 = arith.constant 0 : i32
    return %c0_i32, %c0_i32_0 : i32, i32
  }
  func.func @transform_13(%arg0: i32) -> (i32, i32) {
    %c0_i32 = arith.constant 0 : i32
    %c0_i32_0 = arith.constant 0 : i32
    %c0_i32_1 = arith.constant 0 : i32
    return %c0_i32, %c0_i32_0 : i32, i32
  }
  func.func @transform_14(%arg0: i32) -> (i32, i32) {
    %c0_i32 = arith.constant 0 : i32
    %c0_i32_0 = arith.constant 0 : i32
    %c0_i32_1 = arith.constant 0 : i32
    return %c0_i32, %c0_i32_0 : i32, i32
  }
  func.func @transform_15(%arg0: i32) -> (i32, i32) {
    %c0_i32 = arith.constant 0 : i32
    %c0_i32_0 = arith.constant 0 : i32
    %c0_i32_1 = arith.constant 0 : i32
    return %c0_i32, %c0_i32_0 : i32, i32
  }
  func.func @transform_16(%arg0: i32) -> (i32, i32) {
    %c0_i32 = arith.constant 0 : i32
    %c0_i32_0 = arith.constant 0 : i32
    %c0_i32_1 = arith.constant 0 : i32
    return %c0_i32, %c0_i32_0 : i32, i32
  }
  func.func @transform_17(%arg0: i32) -> (i32, i32) {
    %c0_i32 = arith.constant 0 : i32
    %c0_i32_0 = arith.constant 0 : i32
    %c0_i32_1 = arith.constant 0 : i32
    return %c0_i32, %c0_i32_0 : i32, i32
  }
  func.func @transform_18(%arg0: i32) -> (i32, i32) {
    %c0_i32 = arith.constant 0 : i32
    %c0_i32_0 = arith.constant 0 : i32
    %c0_i32_1 = arith.constant 0 : i32
    return %c0_i32, %c0_i32_0 : i32, i32
  }
  func.func @transform_19(%arg0: i32) -> (i32, i32) {
    %c0_i32 = arith.constant 0 : i32
    %c0_i32_0 = arith.constant 0 : i32
    return %arg0, %c0_i32 : i32, i32
  }
  func.func @transform_20(%arg0: i32) -> (i32, i32) {
    %c0_i32 = arith.constant 0 : i32
    %c0_i32_0 = arith.constant 0 : i32
    return %arg0, %c0_i32 : i32, i32
  }
}

module attributes {stable_mosaic.version = 14 : i64} {
  func.func @_dense_body(%arg0: i32, %arg1: memref<1280x128xf32, #tpu.memory_space<vmem>>, %arg2: memref<1x1x1280xf32, #tpu.memory_space<vmem>>, %arg3: memref<1x1x1280xf32, #tpu.memory_space<vmem>>, %arg4: memref<1x1x1280xf32, #tpu.memory_space<vmem>>, %arg5: memref<9x9x1280xf32, #tpu.memory_space<vmem>>, %arg6: memref<128x64xf32, #tpu.memory_space<vmem>>, %arg7: memref<96x64xf32, #tpu.memory_space<vmem>>, %arg8: memref<96x64xf32, #tpu.memory_space<vmem>>, %arg9: memref<1x64xf32, #tpu.memory_space<vmem>>, %arg10: memref<1x64xf32, #tpu.memory_space<vmem>>, %arg11: memref<1x64xf32, #tpu.memory_space<vmem>>, %arg12: memref<64x64xf32, #tpu.memory_space<vmem>>, %arg13: memref<1x64xf32, #tpu.memory_space<vmem>>, %arg14: memref<1x64xf32, #tpu.memory_space<vmem>>, %arg15: memref<1x64xf32, #tpu.memory_space<vmem>>, %arg16: memref<64x48xf32, #tpu.memory_space<vmem>>, %arg17: memref<1x48xf32, #tpu.memory_space<vmem>>, %arg18: memref<9x144xf32, #tpu.memory_space<vmem>>, %arg19: memref<16x144xf32, #tpu.memory_space<vmem>>, %arg20: memref<1280x128xf32, #tpu.memory_space<vmem>>, %arg21: memref<1280x128xf32, #tpu.memory_space<vmem>>) attributes {dimension_semantics = [#tpu.dimension_semantics<arbitrary>], iteration_bounds = array<i64: 80>, scalar_prefetch = 0 : i64, scratch_operands = 0 : i64, tpu.core_type = #tpu.core_type<tc>, window_params = [{transform_indices = @transform_0, window_bounds = array<i64: 1280, 128>}, {transform_indices = @transform_1, window_bounds = array<i64: 1, 1, 1280>}, {transform_indices = @transform_2, window_bounds = array<i64: 1, 1, 1280>}, {transform_indices = @transform_3, window_bounds = array<i64: 1, 1, 1280>}, {transform_indices = @transform_4, window_bounds = array<i64: 9, 9, 1280>}, {pipeline_mode = #tpu.pipeline_mode<synchronous>, transform_indices = @transform_5, window_bounds = array<i64: 128, 64>}, {pipeline_mode = #tpu.pipeline_mode<synchronous>, transform_indices = @transform_6, window_bounds = array<i64: 96, 64>}, {pipeline_mode = #tpu.pipeline_mode<synchronous>, transform_indices = @transform_7, window_bounds = array<i64: 96, 64>}, {pipeline_mode = #tpu.pipeline_mode<synchronous>, transform_indices = @transform_8, window_bounds = array<i64: 1, 64>}, {pipeline_mode = #tpu.pipeline_mode<synchronous>, transform_indices = @transform_9, window_bounds = array<i64: 1, 64>}, {pipeline_mode = #tpu.pipeline_mode<synchronous>, transform_indices = @transform_10, window_bounds = array<i64: 1, 64>}, {pipeline_mode = #tpu.pipeline_mode<synchronous>, transform_indices = @transform_11, window_bounds = array<i64: 64, 64>}, {pipeline_mode = #tpu.pipeline_mode<synchronous>, transform_indices = @transform_12, window_bounds = array<i64: 1, 64>}, {pipeline_mode = #tpu.pipeline_mode<synchronous>, transform_indices = @transform_13, window_bounds = array<i64: 1, 64>}, {pipeline_mode = #tpu.pipeline_mode<synchronous>, transform_indices = @transform_14, window_bounds = array<i64: 1, 64>}, {pipeline_mode = #tpu.pipeline_mode<synchronous>, transform_indices = @transform_15, window_bounds = array<i64: 64, 48>}, {pipeline_mode = #tpu.pipeline_mode<synchronous>, transform_indices = @transform_16, window_bounds = array<i64: 1, 48>}, {pipeline_mode = #tpu.pipeline_mode<synchronous>, transform_indices = @transform_17, window_bounds = array<i64: 9, 144>}, {pipeline_mode = #tpu.pipeline_mode<synchronous>, transform_indices = @transform_18, window_bounds = array<i64: 16, 144>}, {transform_indices = @transform_19, window_bounds = array<i64: 1280, 128>}, {transform_indices = @transform_20, window_bounds = array<i64: 1280, 128>}]} {
    %get3A = arith.constant 0 : index
    %get3A_0 = arith.constant 0 : index
    %get3A_1 = vector.load %arg1[%get3A, %get3A_0] : memref<1280x128xf32, #tpu.memory_space<vmem>>, vector<1280x128xf32>
    %iota3A = tpu.iota {dimensions = array<i32: 0>} : vector<96x1280xi32>
    %convert_element_type3A = arith.sitofp %iota3A : vector<96x1280xi32> to vector<96x1280xf32>
    %get3A_2 = arith.constant 0 : index
    %get3A_3 = arith.constant 0 : index
    %get3A_4 = arith.constant 0 : index
    %get3A_5 = vector.load %arg2[%get3A_2, %get3A_3, %get3A_4] : memref<1x1x1280xf32, #tpu.memory_space<vmem>>, vector<1x1x1280xf32>
    %reshape3A = vector.shape_cast %get3A_5 : vector<1x1x1280xf32> to vector<1x1280xf32>
    %get3A_6 = arith.constant 0 : index
    %get3A_7 = arith.constant 0 : index
    %get3A_8 = arith.constant 0 : index
    %get3A_9 = vector.load %arg3[%get3A_6, %get3A_7, %get3A_8] : memref<1x1x1280xf32, #tpu.memory_space<vmem>>, vector<1x1x1280xf32>
    %reshape3A_10 = vector.shape_cast %get3A_9 : vector<1x1x1280xf32> to vector<1x1280xf32>
    %eq3A = vector.broadcast %reshape3A : vector<1x1280xf32> to vector<96x1280xf32>
    %eq3A_11 = arith.cmpf oeq, %convert_element_type3A, %eq3A : vector<96x1280xf32>
    %convert_element_type3A_12 = arith.extui %eq3A_11 : vector<96x1280xi1> to vector<96x1280xi32>
    %convert_element_type3A_13 = arith.sitofp %convert_element_type3A_12 : vector<96x1280xi32> to vector<96x1280xf32>
    %eq3A_14 = vector.broadcast %reshape3A_10 : vector<1x1280xf32> to vector<96x1280xf32>
    %eq3A_15 = arith.cmpf oeq, %convert_element_type3A, %eq3A_14 : vector<96x1280xf32>
    %convert_element_type3A_16 = arith.extui %eq3A_15 : vector<96x1280xi1> to vector<96x1280xi32>
    %convert_element_type3A_17 = arith.sitofp %convert_element_type3A_16 : vector<96x1280xi32> to vector<96x1280xf32>
    %get3A_18 = arith.constant 0 : index
    %get3A_19 = arith.constant 0 : index
    %get3A_20 = vector.load %arg6[%get3A_18, %get3A_19] : memref<128x64xf32, #tpu.memory_space<vmem>>, vector<128x64xf32>
    %dot_general3A = arith.constant dense<0.000000e+00> : vector<1280x64xf32>
    %dot_general3A_21 = tpu.matmul %get3A_1, %get3A_20, %dot_general3A {dimension_numbers = #tpu.dot_dimension_numbers<[1], [0], [0], [1], [0, 0, 1, 1], [], []>, transpose_lhs_hint = false} : vector<1280x128xf32>, vector<128x64xf32>, vector<1280x64xf32> -> vector<1280x64xf32>
    %get3A_22 = arith.constant 0 : index
    %get3A_23 = arith.constant 0 : index
    %get3A_24 = vector.load %arg7[%get3A_22, %get3A_23] : memref<96x64xf32, #tpu.memory_space<vmem>>, vector<96x64xf32>
    %dot_general3A_25 = arith.constant dense<0.000000e+00> : vector<1280x64xf32>
    %dot_general3A_26 = tpu.matmul %convert_element_type3A_13, %get3A_24, %dot_general3A_25 {dimension_numbers = #tpu.dot_dimension_numbers<[0], [0], [1], [1], [0, 1, 1, 1], [], []>, transpose_lhs_hint = false} : vector<96x1280xf32>, vector<96x64xf32>, vector<1280x64xf32> -> vector<1280x64xf32>
    %add3A = arith.addf %dot_general3A_21, %dot_general3A_26 : vector<1280x64xf32>
    %get3A_27 = arith.constant 0 : index
    %get3A_28 = arith.constant 0 : index
    %get3A_29 = vector.load %arg8[%get3A_27, %get3A_28] : memref<96x64xf32, #tpu.memory_space<vmem>>, vector<96x64xf32>
    %dot_general3A_30 = arith.constant dense<0.000000e+00> : vector<1280x64xf32>
    %dot_general3A_31 = tpu.matmul %convert_element_type3A_17, %get3A_29, %dot_general3A_30 {dimension_numbers = #tpu.dot_dimension_numbers<[0], [0], [1], [1], [0, 1, 1, 1], [], []>, transpose_lhs_hint = false} : vector<96x1280xf32>, vector<96x64xf32>, vector<1280x64xf32> -> vector<1280x64xf32>
    %add3A_32 = arith.addf %add3A, %dot_general3A_31 : vector<1280x64xf32>
    %get3A_33 = arith.constant 0 : index
    %get3A_34 = arith.constant 0 : index
    %get3A_35 = vector.load %arg9[%get3A_33, %get3A_34] : memref<1x64xf32, #tpu.memory_space<vmem>>, vector<1x64xf32>
    %add3A_36 = vector.broadcast %get3A_35 : vector<1x64xf32> to vector<1280x64xf32>
    %add3A_37 = arith.addf %add3A_32, %add3A_36 : vector<1280x64xf32>
    %get3A_38 = arith.constant 0 : index
    %get3A_39 = arith.constant 0 : index
    %get3A_40 = vector.load %arg10[%get3A_38, %get3A_39] : memref<1x64xf32, #tpu.memory_space<vmem>>, vector<1x64xf32>
    %get3A_41 = arith.constant 0 : index
    %get3A_42 = arith.constant 0 : index
    %get3A_43 = vector.load %arg11[%get3A_41, %get3A_42] : memref<1x64xf32, #tpu.memory_space<vmem>>, vector<1x64xf32>
    %reduce_sum3A = arith.constant dense<0.000000e+00> : vector<1280xf32>
    %reduce_sum3A_44 = vector.multi_reduction <add>, %add3A_37, %reduce_sum3A [1] : vector<1280x64xf32> to vector<1280xf32>
    %broadcast_in_dim3A = vector.shape_cast %reduce_sum3A_44 : vector<1280xf32> to vector<1280x1xf32>
    %div3A = arith.constant 6.400000e+01 : f32
    %div3A_45 = vector.broadcast %div3A : f32 to vector<1280x1xf32>
    %div3A_46 = arith.divf %broadcast_in_dim3A, %div3A_45 : vector<1280x1xf32>
    %sub3A = vector.broadcast %div3A_46 : vector<1280x1xf32> to vector<1280x64xf32>
    %sub3A_47 = arith.subf %add3A_37, %sub3A : vector<1280x64xf32>
    %mul3A = arith.mulf %sub3A_47, %sub3A_47 : vector<1280x64xf32>
    %reduce_sum3A_48 = arith.constant dense<0.000000e+00> : vector<1280xf32>
    %reduce_sum3A_49 = vector.multi_reduction <add>, %mul3A, %reduce_sum3A_48 [1] : vector<1280x64xf32> to vector<1280xf32>
    %broadcast_in_dim3A_50 = vector.shape_cast %reduce_sum3A_49 : vector<1280xf32> to vector<1280x1xf32>
    %div3A_51 = arith.constant 6.400000e+01 : f32
    %div3A_52 = vector.broadcast %div3A_51 : f32 to vector<1280x1xf32>
    %div3A_53 = arith.divf %broadcast_in_dim3A_50, %div3A_52 : vector<1280x1xf32>
    %add3A_54 = arith.constant 9.99999974E-6 : f32
    %add3A_55 = vector.broadcast %add3A_54 : f32 to vector<1280x1xf32>
    %add3A_56 = arith.addf %div3A_53, %add3A_55 : vector<1280x1xf32>
    %rsqrt3A = math.rsqrt %add3A_56 : vector<1280x1xf32>
    %mul3A_57 = vector.broadcast %rsqrt3A : vector<1280x1xf32> to vector<1280x64xf32>
    %mul3A_58 = arith.mulf %sub3A_47, %mul3A_57 : vector<1280x64xf32>
    %mul3A_59 = vector.broadcast %get3A_40 : vector<1x64xf32> to vector<1280x64xf32>
    %mul3A_60 = arith.mulf %mul3A_58, %mul3A_59 : vector<1280x64xf32>
    %add3A_61 = vector.broadcast %get3A_43 : vector<1x64xf32> to vector<1280x64xf32>
    %add3A_62 = arith.addf %mul3A_60, %add3A_61 : vector<1280x64xf32>
    %logistic3A = arith.negf %add3A_62 : vector<1280x64xf32>
    %logistic3A_63 = math.exp %logistic3A : vector<1280x64xf32>
    %logistic3A_64 = arith.constant 1.000000e+00 : f32
    %logistic3A_65 = vector.broadcast %logistic3A_64 : f32 to vector<1280x64xf32>
    %logistic3A_66 = arith.addf %logistic3A_65, %logistic3A_63 : vector<1280x64xf32>
    %logistic3A_67 = arith.divf %logistic3A_65, %logistic3A_66 : vector<1280x64xf32>
    %mul3A_68 = arith.mulf %add3A_62, %logistic3A_67 : vector<1280x64xf32>
    %get3A_69 = arith.constant 0 : index
    %get3A_70 = arith.constant 0 : index
    %get3A_71 = vector.load %arg12[%get3A_69, %get3A_70] : memref<64x64xf32, #tpu.memory_space<vmem>>, vector<64x64xf32>
    %dot_general3A_72 = arith.constant dense<0.000000e+00> : vector<1280x64xf32>
    %dot_general3A_73 = tpu.matmul %mul3A_68, %get3A_71, %dot_general3A_72 {dimension_numbers = #tpu.dot_dimension_numbers<[1], [0], [0], [1], [0, 0, 1, 1], [], []>, transpose_lhs_hint = false} : vector<1280x64xf32>, vector<64x64xf32>, vector<1280x64xf32> -> vector<1280x64xf32>
    %get3A_74 = arith.constant 0 : index
    %get3A_75 = arith.constant 0 : index
    %get3A_76 = vector.load %arg13[%get3A_74, %get3A_75] : memref<1x64xf32, #tpu.memory_space<vmem>>, vector<1x64xf32>
    %add3A_77 = vector.broadcast %get3A_76 : vector<1x64xf32> to vector<1280x64xf32>
    %add3A_78 = arith.addf %dot_general3A_73, %add3A_77 : vector<1280x64xf32>
    %get3A_79 = arith.constant 0 : index
    %get3A_80 = arith.constant 0 : index
    %get3A_81 = vector.load %arg14[%get3A_79, %get3A_80] : memref<1x64xf32, #tpu.memory_space<vmem>>, vector<1x64xf32>
    %get3A_82 = arith.constant 0 : index
    %get3A_83 = arith.constant 0 : index
    %get3A_84 = vector.load %arg15[%get3A_82, %get3A_83] : memref<1x64xf32, #tpu.memory_space<vmem>>, vector<1x64xf32>
    %reduce_sum3A_85 = arith.constant dense<0.000000e+00> : vector<1280xf32>
    %reduce_sum3A_86 = vector.multi_reduction <add>, %add3A_78, %reduce_sum3A_85 [1] : vector<1280x64xf32> to vector<1280xf32>
    %broadcast_in_dim3A_87 = vector.shape_cast %reduce_sum3A_86 : vector<1280xf32> to vector<1280x1xf32>
    %div3A_88 = arith.constant 6.400000e+01 : f32
    %div3A_89 = vector.broadcast %div3A_88 : f32 to vector<1280x1xf32>
    %div3A_90 = arith.divf %broadcast_in_dim3A_87, %div3A_89 : vector<1280x1xf32>
    %sub3A_91 = vector.broadcast %div3A_90 : vector<1280x1xf32> to vector<1280x64xf32>
    %sub3A_92 = arith.subf %add3A_78, %sub3A_91 : vector<1280x64xf32>
    %mul3A_93 = arith.mulf %sub3A_92, %sub3A_92 : vector<1280x64xf32>
    %reduce_sum3A_94 = arith.constant dense<0.000000e+00> : vector<1280xf32>
    %reduce_sum3A_95 = vector.multi_reduction <add>, %mul3A_93, %reduce_sum3A_94 [1] : vector<1280x64xf32> to vector<1280xf32>
    %broadcast_in_dim3A_96 = vector.shape_cast %reduce_sum3A_95 : vector<1280xf32> to vector<1280x1xf32>
    %div3A_97 = arith.constant 6.400000e+01 : f32
    %div3A_98 = vector.broadcast %div3A_97 : f32 to vector<1280x1xf32>
    %div3A_99 = arith.divf %broadcast_in_dim3A_96, %div3A_98 : vector<1280x1xf32>
    %add3A_100 = arith.constant 9.99999974E-6 : f32
    %add3A_101 = vector.broadcast %add3A_100 : f32 to vector<1280x1xf32>
    %add3A_102 = arith.addf %div3A_99, %add3A_101 : vector<1280x1xf32>
    %rsqrt3A_103 = math.rsqrt %add3A_102 : vector<1280x1xf32>
    %mul3A_104 = vector.broadcast %rsqrt3A_103 : vector<1280x1xf32> to vector<1280x64xf32>
    %mul3A_105 = arith.mulf %sub3A_92, %mul3A_104 : vector<1280x64xf32>
    %mul3A_106 = vector.broadcast %get3A_81 : vector<1x64xf32> to vector<1280x64xf32>
    %mul3A_107 = arith.mulf %mul3A_105, %mul3A_106 : vector<1280x64xf32>
    %add3A_108 = vector.broadcast %get3A_84 : vector<1x64xf32> to vector<1280x64xf32>
    %add3A_109 = arith.addf %mul3A_107, %add3A_108 : vector<1280x64xf32>
    %logistic3A_110 = arith.negf %add3A_109 : vector<1280x64xf32>
    %logistic3A_111 = math.exp %logistic3A_110 : vector<1280x64xf32>
    %logistic3A_112 = arith.constant 1.000000e+00 : f32
    %logistic3A_113 = vector.broadcast %logistic3A_112 : f32 to vector<1280x64xf32>
    %logistic3A_114 = arith.addf %logistic3A_113, %logistic3A_111 : vector<1280x64xf32>
    %logistic3A_115 = arith.divf %logistic3A_113, %logistic3A_114 : vector<1280x64xf32>
    %mul3A_116 = arith.mulf %add3A_109, %logistic3A_115 : vector<1280x64xf32>
    %get3A_117 = arith.constant 0 : index
    %get3A_118 = arith.constant 0 : index
    %get3A_119 = vector.load %arg16[%get3A_117, %get3A_118] : memref<64x48xf32, #tpu.memory_space<vmem>>, vector<64x48xf32>
    %dot_general3A_120 = arith.constant dense<0.000000e+00> : vector<1280x48xf32>
    %dot_general3A_121 = tpu.matmul %mul3A_116, %get3A_119, %dot_general3A_120 {dimension_numbers = #tpu.dot_dimension_numbers<[1], [0], [0], [1], [0, 0, 1, 1], [], []>, transpose_lhs_hint = false} : vector<1280x64xf32>, vector<64x48xf32>, vector<1280x48xf32> -> vector<1280x48xf32>
    %get3A_122 = arith.constant 0 : index
    %get3A_123 = arith.constant 0 : index
    %get3A_124 = vector.load %arg17[%get3A_122, %get3A_123] : memref<1x48xf32, #tpu.memory_space<vmem>>, vector<1x48xf32>
    %add3A_125 = vector.broadcast %get3A_124 : vector<1x48xf32> to vector<1280x48xf32>
    %add3A_126 = arith.addf %dot_general3A_121, %add3A_125 : vector<1280x48xf32>
    %get3A_127 = arith.constant 0 : index
    %get3A_128 = arith.constant 0 : index
    %get3A_129 = arith.constant 0 : index
    %get3A_130 = vector.load %arg4[%get3A_127, %get3A_128, %get3A_129] : memref<1x1x1280xf32, #tpu.memory_space<vmem>>, vector<1x1x1280xf32>
    %reshape3A_131 = vector.shape_cast %get3A_130 : vector<1x1x1280xf32> to vector<1x1280xf32>
    %broadcast_in_dim3A_132 = arith.constant 0.000000e+00 : f32
    %broadcast_in_dim3A_133 = vector.broadcast %broadcast_in_dim3A_132 : f32 to vector<1280x144xf32>
    %get3A_134 = arith.constant 0 : index
    %get3A_135 = arith.constant 0 : index
    %get3A_136 = arith.constant 0 : index
    %get3A_137 = vector.load %arg5[%get3A_134, %get3A_135, %get3A_136] : memref<9x9x1280xf32, #tpu.memory_space<vmem>>, vector<1x1x1280xf32>
    %get3A_138 = vector.shape_cast %get3A_137 : vector<1x1x1280xf32> to vector<1280xf32>
    %reshape3A_139 = vector.shape_cast %get3A_138 : vector<1280xf32> to vector<1x1280xf32>
    %get3A_140 = arith.constant 1 : index
    %get3A_141 = arith.constant 0 : index
    %get3A_142 = arith.constant 0 : index
    %get3A_143 = vector.load %arg5[%get3A_140, %get3A_141, %get3A_142] : memref<9x9x1280xf32, #tpu.memory_space<vmem>>, vector<1x1x1280xf32>
    %get3A_144 = vector.shape_cast %get3A_143 : vector<1x1x1280xf32> to vector<1280xf32>
    %reshape3A_145 = vector.shape_cast %get3A_144 : vector<1280xf32> to vector<1x1280xf32>
    %get3A_146 = arith.constant 2 : index
    %get3A_147 = arith.constant 0 : index
    %get3A_148 = arith.constant 0 : index
    %get3A_149 = vector.load %arg5[%get3A_146, %get3A_147, %get3A_148] : memref<9x9x1280xf32, #tpu.memory_space<vmem>>, vector<1x1x1280xf32>
    %get3A_150 = vector.shape_cast %get3A_149 : vector<1x1x1280xf32> to vector<1280xf32>
    %reshape3A_151 = vector.shape_cast %get3A_150 : vector<1280xf32> to vector<1x1280xf32>
    %get3A_152 = arith.constant 3 : index
    %get3A_153 = arith.constant 0 : index
    %get3A_154 = arith.constant 0 : index
    %get3A_155 = vector.load %arg5[%get3A_152, %get3A_153, %get3A_154] : memref<9x9x1280xf32, #tpu.memory_space<vmem>>, vector<1x1x1280xf32>
    %get3A_156 = vector.shape_cast %get3A_155 : vector<1x1x1280xf32> to vector<1280xf32>
    %reshape3A_157 = vector.shape_cast %get3A_156 : vector<1280xf32> to vector<1x1280xf32>
    %get3A_158 = arith.constant 4 : index
    %get3A_159 = arith.constant 0 : index
    %get3A_160 = arith.constant 0 : index
    %get3A_161 = vector.load %arg5[%get3A_158, %get3A_159, %get3A_160] : memref<9x9x1280xf32, #tpu.memory_space<vmem>>, vector<1x1x1280xf32>
    %get3A_162 = vector.shape_cast %get3A_161 : vector<1x1x1280xf32> to vector<1280xf32>
    %reshape3A_163 = vector.shape_cast %get3A_162 : vector<1280xf32> to vector<1x1280xf32>
    %get3A_164 = arith.constant 5 : index
    %get3A_165 = arith.constant 0 : index
    %get3A_166 = arith.constant 0 : index
    %get3A_167 = vector.load %arg5[%get3A_164, %get3A_165, %get3A_166] : memref<9x9x1280xf32, #tpu.memory_space<vmem>>, vector<1x1x1280xf32>
    %get3A_168 = vector.shape_cast %get3A_167 : vector<1x1x1280xf32> to vector<1280xf32>
    %reshape3A_169 = vector.shape_cast %get3A_168 : vector<1280xf32> to vector<1x1280xf32>
    %get3A_170 = arith.constant 6 : index
    %get3A_171 = arith.constant 0 : index
    %get3A_172 = arith.constant 0 : index
    %get3A_173 = vector.load %arg5[%get3A_170, %get3A_171, %get3A_172] : memref<9x9x1280xf32, #tpu.memory_space<vmem>>, vector<1x1x1280xf32>
    %get3A_174 = vector.shape_cast %get3A_173 : vector<1x1x1280xf32> to vector<1280xf32>
    %reshape3A_175 = vector.shape_cast %get3A_174 : vector<1280xf32> to vector<1x1280xf32>
    %get3A_176 = arith.constant 7 : index
    %get3A_177 = arith.constant 0 : index
    %get3A_178 = arith.constant 0 : index
    %get3A_179 = vector.load %arg5[%get3A_176, %get3A_177, %get3A_178] : memref<9x9x1280xf32, #tpu.memory_space<vmem>>, vector<1x1x1280xf32>
    %get3A_180 = vector.shape_cast %get3A_179 : vector<1x1x1280xf32> to vector<1280xf32>
    %reshape3A_181 = vector.shape_cast %get3A_180 : vector<1280xf32> to vector<1x1280xf32>
    %get3A_182 = arith.constant 8 : index
    %get3A_183 = arith.constant 0 : index
    %get3A_184 = arith.constant 0 : index
    %get3A_185 = vector.load %arg5[%get3A_182, %get3A_183, %get3A_184] : memref<9x9x1280xf32, #tpu.memory_space<vmem>>, vector<1x1x1280xf32>
    %get3A_186 = vector.shape_cast %get3A_185 : vector<1x1x1280xf32> to vector<1280xf32>
    %reshape3A_187 = vector.shape_cast %get3A_186 : vector<1280xf32> to vector<1x1280xf32>
    %concatenate3A = tpu.concatenate %reshape3A_139, %reshape3A_145, %reshape3A_151, %reshape3A_157, %reshape3A_163, %reshape3A_169, %reshape3A_175, %reshape3A_181, %reshape3A_187 in 0 : vector<1x1280xf32>, vector<1x1280xf32>, vector<1x1280xf32>, vector<1x1280xf32>, vector<1x1280xf32>, vector<1x1280xf32>, vector<1x1280xf32>, vector<1x1280xf32>, vector<1x1280xf32> -> vector<9x1280xf32>
    %mul3A_188 = vector.broadcast %reshape3A_131 : vector<1x1280xf32> to vector<9x1280xf32>
    %mul3A_189 = arith.mulf %concatenate3A, %mul3A_188 : vector<9x1280xf32>
    %slice3A = vector.extract_strided_slice %add3A_126 {offsets = [0, 0], sizes = [1280, 16], strides = [1, 1]} : vector<1280x48xf32> to vector<1280x16xf32>
    %get3A_190 = arith.constant 0 : index
    %get3A_191 = arith.constant 0 : index
    %get3A_192 = vector.load %arg18[%get3A_190, %get3A_191] : memref<9x144xf32, #tpu.memory_space<vmem>>, vector<9x144xf32>
    %dot_general3A_193 = arith.constant dense<0.000000e+00> : vector<1280x144xf32>
    %dot_general3A_194 = tpu.matmul %mul3A_189, %get3A_192, %dot_general3A_193 {dimension_numbers = #tpu.dot_dimension_numbers<[0], [0], [1], [1], [0, 1, 1, 1], [], []>, transpose_lhs_hint = false} : vector<9x1280xf32>, vector<9x144xf32>, vector<1280x144xf32> -> vector<1280x144xf32>
    %get3A_195 = arith.constant 0 : index
    %get3A_196 = arith.constant 0 : index
    %get3A_197 = vector.load %arg19[%get3A_195, %get3A_196] : memref<16x144xf32, #tpu.memory_space<vmem>>, vector<16x144xf32>
    %dot_general3A_198 = arith.constant dense<0.000000e+00> : vector<1280x144xf32>
    %dot_general3A_199 = tpu.matmul %slice3A, %get3A_197, %dot_general3A_198 {dimension_numbers = #tpu.dot_dimension_numbers<[1], [0], [0], [1], [0, 0, 1, 1], [], []>, transpose_lhs_hint = false} : vector<1280x16xf32>, vector<16x144xf32>, vector<1280x144xf32> -> vector<1280x144xf32>
    %mul3A_200 = arith.mulf %dot_general3A_194, %dot_general3A_199 : vector<1280x144xf32>
    %add3A_201 = arith.addf %broadcast_in_dim3A_133, %mul3A_200 : vector<1280x144xf32>
    %get3A_202 = arith.constant 0 : index
    %get3A_203 = arith.constant 1 : index
    %get3A_204 = arith.constant 0 : index
    %get3A_205 = vector.load %arg5[%get3A_202, %get3A_203, %get3A_204] : memref<9x9x1280xf32, #tpu.memory_space<vmem>>, vector<1x1x1280xf32>
    %get3A_206 = vector.shape_cast %get3A_205 : vector<1x1x1280xf32> to vector<1280xf32>
    %reshape3A_207 = vector.shape_cast %get3A_206 : vector<1280xf32> to vector<1x1280xf32>
    %get3A_208 = arith.constant 1 : index
    %get3A_209 = arith.constant 1 : index
    %get3A_210 = arith.constant 0 : index
    %get3A_211 = vector.load %arg5[%get3A_208, %get3A_209, %get3A_210] : memref<9x9x1280xf32, #tpu.memory_space<vmem>>, vector<1x1x1280xf32>
    %get3A_212 = vector.shape_cast %get3A_211 : vector<1x1x1280xf32> to vector<1280xf32>
    %reshape3A_213 = vector.shape_cast %get3A_212 : vector<1280xf32> to vector<1x1280xf32>
    %get3A_214 = arith.constant 2 : index
    %get3A_215 = arith.constant 1 : index
    %get3A_216 = arith.constant 0 : index
    %get3A_217 = vector.load %arg5[%get3A_214, %get3A_215, %get3A_216] : memref<9x9x1280xf32, #tpu.memory_space<vmem>>, vector<1x1x1280xf32>
    %get3A_218 = vector.shape_cast %get3A_217 : vector<1x1x1280xf32> to vector<1280xf32>
    %reshape3A_219 = vector.shape_cast %get3A_218 : vector<1280xf32> to vector<1x1280xf32>
    %get3A_220 = arith.constant 3 : index
    %get3A_221 = arith.constant 1 : index
    %get3A_222 = arith.constant 0 : index
    %get3A_223 = vector.load %arg5[%get3A_220, %get3A_221, %get3A_222] : memref<9x9x1280xf32, #tpu.memory_space<vmem>>, vector<1x1x1280xf32>
    %get3A_224 = vector.shape_cast %get3A_223 : vector<1x1x1280xf32> to vector<1280xf32>
    %reshape3A_225 = vector.shape_cast %get3A_224 : vector<1280xf32> to vector<1x1280xf32>
    %get3A_226 = arith.constant 4 : index
    %get3A_227 = arith.constant 1 : index
    %get3A_228 = arith.constant 0 : index
    %get3A_229 = vector.load %arg5[%get3A_226, %get3A_227, %get3A_228] : memref<9x9x1280xf32, #tpu.memory_space<vmem>>, vector<1x1x1280xf32>
    %get3A_230 = vector.shape_cast %get3A_229 : vector<1x1x1280xf32> to vector<1280xf32>
    %reshape3A_231 = vector.shape_cast %get3A_230 : vector<1280xf32> to vector<1x1280xf32>
    %get3A_232 = arith.constant 5 : index
    %get3A_233 = arith.constant 1 : index
    %get3A_234 = arith.constant 0 : index
    %get3A_235 = vector.load %arg5[%get3A_232, %get3A_233, %get3A_234] : memref<9x9x1280xf32, #tpu.memory_space<vmem>>, vector<1x1x1280xf32>
    %get3A_236 = vector.shape_cast %get3A_235 : vector<1x1x1280xf32> to vector<1280xf32>
    %reshape3A_237 = vector.shape_cast %get3A_236 : vector<1280xf32> to vector<1x1280xf32>
    %get3A_238 = arith.constant 6 : index
    %get3A_239 = arith.constant 1 : index
    %get3A_240 = arith.constant 0 : index
    %get3A_241 = vector.load %arg5[%get3A_238, %get3A_239, %get3A_240] : memref<9x9x1280xf32, #tpu.memory_space<vmem>>, vector<1x1x1280xf32>
    %get3A_242 = vector.shape_cast %get3A_241 : vector<1x1x1280xf32> to vector<1280xf32>
    %reshape3A_243 = vector.shape_cast %get3A_242 : vector<1280xf32> to vector<1x1280xf32>
    %get3A_244 = arith.constant 7 : index
    %get3A_245 = arith.constant 1 : index
    %get3A_246 = arith.constant 0 : index
    %get3A_247 = vector.load %arg5[%get3A_244, %get3A_245, %get3A_246] : memref<9x9x1280xf32, #tpu.memory_space<vmem>>, vector<1x1x1280xf32>
    %get3A_248 = vector.shape_cast %get3A_247 : vector<1x1x1280xf32> to vector<1280xf32>
    %reshape3A_249 = vector.shape_cast %get3A_248 : vector<1280xf32> to vector<1x1280xf32>
    %get3A_250 = arith.constant 8 : index
    %get3A_251 = arith.constant 1 : index
    %get3A_252 = arith.constant 0 : index
    %get3A_253 = vector.load %arg5[%get3A_250, %get3A_251, %get3A_252] : memref<9x9x1280xf32, #tpu.memory_space<vmem>>, vector<1x1x1280xf32>
    %get3A_254 = vector.shape_cast %get3A_253 : vector<1x1x1280xf32> to vector<1280xf32>
    %reshape3A_255 = vector.shape_cast %get3A_254 : vector<1280xf32> to vector<1x1280xf32>
    %concatenate3A_256 = tpu.concatenate %reshape3A_207, %reshape3A_213, %reshape3A_219, %reshape3A_225, %reshape3A_231, %reshape3A_237, %reshape3A_243, %reshape3A_249, %reshape3A_255 in 0 : vector<1x1280xf32>, vector<1x1280xf32>, vector<1x1280xf32>, vector<1x1280xf32>, vector<1x1280xf32>, vector<1x1280xf32>, vector<1x1280xf32>, vector<1x1280xf32>, vector<1x1280xf32> -> vector<9x1280xf32>
    %mul3A_257 = vector.broadcast %reshape3A_131 : vector<1x1280xf32> to vector<9x1280xf32>
    %mul3A_258 = arith.mulf %concatenate3A_256, %mul3A_257 : vector<9x1280xf32>
    %slice3A_259 = vector.extract_strided_slice %add3A_126 {offsets = [0, 16], sizes = [1280, 16], strides = [1, 1]} : vector<1280x48xf32> to vector<1280x16xf32>
    %get3A_260 = arith.constant 0 : index
    %get3A_261 = arith.constant 0 : index
    %get3A_262 = vector.load %arg18[%get3A_260, %get3A_261] : memref<9x144xf32, #tpu.memory_space<vmem>>, vector<9x144xf32>
    %dot_general3A_263 = arith.constant dense<0.000000e+00> : vector<1280x144xf32>
    %dot_general3A_264 = tpu.matmul %mul3A_258, %get3A_262, %dot_general3A_263 {dimension_numbers = #tpu.dot_dimension_numbers<[0], [0], [1], [1], [0, 1, 1, 1], [], []>, transpose_lhs_hint = false} : vector<9x1280xf32>, vector<9x144xf32>, vector<1280x144xf32> -> vector<1280x144xf32>
    %get3A_265 = arith.constant 0 : index
    %get3A_266 = arith.constant 0 : index
    %get3A_267 = vector.load %arg19[%get3A_265, %get3A_266] : memref<16x144xf32, #tpu.memory_space<vmem>>, vector<16x144xf32>
    %dot_general3A_268 = arith.constant dense<0.000000e+00> : vector<1280x144xf32>
    %dot_general3A_269 = tpu.matmul %slice3A_259, %get3A_267, %dot_general3A_268 {dimension_numbers = #tpu.dot_dimension_numbers<[1], [0], [0], [1], [0, 0, 1, 1], [], []>, transpose_lhs_hint = false} : vector<1280x16xf32>, vector<16x144xf32>, vector<1280x144xf32> -> vector<1280x144xf32>
    %mul3A_270 = arith.mulf %dot_general3A_264, %dot_general3A_269 : vector<1280x144xf32>
    %add3A_271 = arith.addf %add3A_201, %mul3A_270 : vector<1280x144xf32>
    %get3A_272 = arith.constant 0 : index
    %get3A_273 = arith.constant 2 : index
    %get3A_274 = arith.constant 0 : index
    %get3A_275 = vector.load %arg5[%get3A_272, %get3A_273, %get3A_274] : memref<9x9x1280xf32, #tpu.memory_space<vmem>>, vector<1x1x1280xf32>
    %get3A_276 = vector.shape_cast %get3A_275 : vector<1x1x1280xf32> to vector<1280xf32>
    %reshape3A_277 = vector.shape_cast %get3A_276 : vector<1280xf32> to vector<1x1280xf32>
    %get3A_278 = arith.constant 1 : index
    %get3A_279 = arith.constant 2 : index
    %get3A_280 = arith.constant 0 : index
    %get3A_281 = vector.load %arg5[%get3A_278, %get3A_279, %get3A_280] : memref<9x9x1280xf32, #tpu.memory_space<vmem>>, vector<1x1x1280xf32>
    %get3A_282 = vector.shape_cast %get3A_281 : vector<1x1x1280xf32> to vector<1280xf32>
    %reshape3A_283 = vector.shape_cast %get3A_282 : vector<1280xf32> to vector<1x1280xf32>
    %get3A_284 = arith.constant 2 : index
    %get3A_285 = arith.constant 2 : index
    %get3A_286 = arith.constant 0 : index
    %get3A_287 = vector.load %arg5[%get3A_284, %get3A_285, %get3A_286] : memref<9x9x1280xf32, #tpu.memory_space<vmem>>, vector<1x1x1280xf32>
    %get3A_288 = vector.shape_cast %get3A_287 : vector<1x1x1280xf32> to vector<1280xf32>
    %reshape3A_289 = vector.shape_cast %get3A_288 : vector<1280xf32> to vector<1x1280xf32>
    %get3A_290 = arith.constant 3 : index
    %get3A_291 = arith.constant 2 : index
    %get3A_292 = arith.constant 0 : index
    %get3A_293 = vector.load %arg5[%get3A_290, %get3A_291, %get3A_292] : memref<9x9x1280xf32, #tpu.memory_space<vmem>>, vector<1x1x1280xf32>
    %get3A_294 = vector.shape_cast %get3A_293 : vector<1x1x1280xf32> to vector<1280xf32>
    %reshape3A_295 = vector.shape_cast %get3A_294 : vector<1280xf32> to vector<1x1280xf32>
    %get3A_296 = arith.constant 4 : index
    %get3A_297 = arith.constant 2 : index
    %get3A_298 = arith.constant 0 : index
    %get3A_299 = vector.load %arg5[%get3A_296, %get3A_297, %get3A_298] : memref<9x9x1280xf32, #tpu.memory_space<vmem>>, vector<1x1x1280xf32>
    %get3A_300 = vector.shape_cast %get3A_299 : vector<1x1x1280xf32> to vector<1280xf32>
    %reshape3A_301 = vector.shape_cast %get3A_300 : vector<1280xf32> to vector<1x1280xf32>
    %get3A_302 = arith.constant 5 : index
    %get3A_303 = arith.constant 2 : index
    %get3A_304 = arith.constant 0 : index
    %get3A_305 = vector.load %arg5[%get3A_302, %get3A_303, %get3A_304] : memref<9x9x1280xf32, #tpu.memory_space<vmem>>, vector<1x1x1280xf32>
    %get3A_306 = vector.shape_cast %get3A_305 : vector<1x1x1280xf32> to vector<1280xf32>
    %reshape3A_307 = vector.shape_cast %get3A_306 : vector<1280xf32> to vector<1x1280xf32>
    %get3A_308 = arith.constant 6 : index
    %get3A_309 = arith.constant 2 : index
    %get3A_310 = arith.constant 0 : index
    %get3A_311 = vector.load %arg5[%get3A_308, %get3A_309, %get3A_310] : memref<9x9x1280xf32, #tpu.memory_space<vmem>>, vector<1x1x1280xf32>
    %get3A_312 = vector.shape_cast %get3A_311 : vector<1x1x1280xf32> to vector<1280xf32>
    %reshape3A_313 = vector.shape_cast %get3A_312 : vector<1280xf32> to vector<1x1280xf32>
    %get3A_314 = arith.constant 7 : index
    %get3A_315 = arith.constant 2 : index
    %get3A_316 = arith.constant 0 : index
    %get3A_317 = vector.load %arg5[%get3A_314, %get3A_315, %get3A_316] : memref<9x9x1280xf32, #tpu.memory_space<vmem>>, vector<1x1x1280xf32>
    %get3A_318 = vector.shape_cast %get3A_317 : vector<1x1x1280xf32> to vector<1280xf32>
    %reshape3A_319 = vector.shape_cast %get3A_318 : vector<1280xf32> to vector<1x1280xf32>
    %get3A_320 = arith.constant 8 : index
    %get3A_321 = arith.constant 2 : index
    %get3A_322 = arith.constant 0 : index
    %get3A_323 = vector.load %arg5[%get3A_320, %get3A_321, %get3A_322] : memref<9x9x1280xf32, #tpu.memory_space<vmem>>, vector<1x1x1280xf32>
    %get3A_324 = vector.shape_cast %get3A_323 : vector<1x1x1280xf32> to vector<1280xf32>
    %reshape3A_325 = vector.shape_cast %get3A_324 : vector<1280xf32> to vector<1x1280xf32>
    %concatenate3A_326 = tpu.concatenate %reshape3A_277, %reshape3A_283, %reshape3A_289, %reshape3A_295, %reshape3A_301, %reshape3A_307, %reshape3A_313, %reshape3A_319, %reshape3A_325 in 0 : vector<1x1280xf32>, vector<1x1280xf32>, vector<1x1280xf32>, vector<1x1280xf32>, vector<1x1280xf32>, vector<1x1280xf32>, vector<1x1280xf32>, vector<1x1280xf32>, vector<1x1280xf32> -> vector<9x1280xf32>
    %mul3A_327 = vector.broadcast %reshape3A_131 : vector<1x1280xf32> to vector<9x1280xf32>
    %mul3A_328 = arith.mulf %concatenate3A_326, %mul3A_327 : vector<9x1280xf32>
    %slice3A_329 = vector.extract_strided_slice %add3A_126 {offsets = [0, 32], sizes = [1280, 16], strides = [1, 1]} : vector<1280x48xf32> to vector<1280x16xf32>
    %get3A_330 = arith.constant 0 : index
    %get3A_331 = arith.constant 0 : index
    %get3A_332 = vector.load %arg18[%get3A_330, %get3A_331] : memref<9x144xf32, #tpu.memory_space<vmem>>, vector<9x144xf32>
    %dot_general3A_333 = arith.constant dense<0.000000e+00> : vector<1280x144xf32>
    %dot_general3A_334 = tpu.matmul %mul3A_328, %get3A_332, %dot_general3A_333 {dimension_numbers = #tpu.dot_dimension_numbers<[0], [0], [1], [1], [0, 1, 1, 1], [], []>, transpose_lhs_hint = false} : vector<9x1280xf32>, vector<9x144xf32>, vector<1280x144xf32> -> vector<1280x144xf32>
    %get3A_335 = arith.constant 0 : index
    %get3A_336 = arith.constant 0 : index
    %get3A_337 = vector.load %arg19[%get3A_335, %get3A_336] : memref<16x144xf32, #tpu.memory_space<vmem>>, vector<16x144xf32>
    %dot_general3A_338 = arith.constant dense<0.000000e+00> : vector<1280x144xf32>
    %dot_general3A_339 = tpu.matmul %slice3A_329, %get3A_337, %dot_general3A_338 {dimension_numbers = #tpu.dot_dimension_numbers<[1], [0], [0], [1], [0, 0, 1, 1], [], []>, transpose_lhs_hint = false} : vector<1280x16xf32>, vector<16x144xf32>, vector<1280x144xf32> -> vector<1280x144xf32>
    %mul3A_340 = arith.mulf %dot_general3A_334, %dot_general3A_339 : vector<1280x144xf32>
    %add3A_341 = arith.addf %add3A_271, %mul3A_340 : vector<1280x144xf32>
    %slice3A_342 = vector.extract_strided_slice %add3A_341 {offsets = [0, 0], sizes = [1280, 128], strides = [1, 1]} : vector<1280x144xf32> to vector<1280x128xf32>
    %swap3A = arith.constant 0 : index
    %swap3A_343 = arith.constant 0 : index
    %swap3A_344 = vector.load %arg20[%swap3A, %swap3A_343] : memref<1280x128xf32, #tpu.memory_space<vmem>>, vector<1280x128xf32>
    tpu.vector_store %arg20[%swap3A, %swap3A_343], %slice3A_342 {strides = array<i32>} : memref<1280x128xf32, #tpu.memory_space<vmem>>, vector<1280x128xf32>,
    %slice3A_345 = vector.extract_strided_slice %add3A_341 {offsets = [0, 128], sizes = [1280, 16], strides = [1, 1]} : vector<1280x144xf32> to vector<1280x16xf32>
    %broadcast_in_dim3A_346 = arith.constant 0.000000e+00 : f32
    %broadcast_in_dim3A_347 = vector.broadcast %broadcast_in_dim3A_346 : f32 to vector<1280x112xf32>
    %concatenate3A_348 = tpu.concatenate %slice3A_345, %broadcast_in_dim3A_347 in 1 : vector<1280x16xf32>, vector<1280x112xf32> -> vector<1280x128xf32>
    %swap3A_349 = arith.constant 0 : index
    %swap3A_350 = arith.constant 0 : index
    %swap3A_351 = vector.load %arg21[%swap3A_349, %swap3A_350] : memref<1280x128xf32, #tpu.memory_space<vmem>>, vector<1280x128xf32>
    tpu.vector_store %arg21[%swap3A_349, %swap3A_350], %concatenate3A_348 {strides = array<i32>} : memref<1280x128xf32, #tpu.memory_space<vmem>>, vector<1280x128xf32>,
    return
  }
  func.func @transform_0(%arg0: i32) -> (i32, i32) {
    %add3A = arith.constant 170 : i32
    %add3A_0 = arith.addi %arg0, %add3A : i32
    %c0_i32 = arith.constant 0 : i32
    %c0_i32_1 = arith.constant 0 : i32
    return %add3A_0, %c0_i32 : i32, i32
  }
  func.func @transform_1(%arg0: i32) -> (i32, i32, i32) {
    %add3A = arith.constant 170 : i32
    %add3A_0 = arith.addi %arg0, %add3A : i32
    %c0_i32 = arith.constant 0 : i32
    %c0_i32_1 = arith.constant 0 : i32
    %c0_i32_2 = arith.constant 0 : i32
    return %add3A_0, %c0_i32, %c0_i32_1 : i32, i32, i32
  }
  func.func @transform_2(%arg0: i32) -> (i32, i32, i32) {
    %add3A = arith.constant 170 : i32
    %add3A_0 = arith.addi %arg0, %add3A : i32
    %c0_i32 = arith.constant 0 : i32
    %c0_i32_1 = arith.constant 0 : i32
    %c0_i32_2 = arith.constant 0 : i32
    return %add3A_0, %c0_i32, %c0_i32_1 : i32, i32, i32
  }
  func.func @transform_3(%arg0: i32) -> (i32, i32, i32) {
    %add3A = arith.constant 170 : i32
    %add3A_0 = arith.addi %arg0, %add3A : i32
    %c0_i32 = arith.constant 0 : i32
    %c0_i32_1 = arith.constant 0 : i32
    %c0_i32_2 = arith.constant 0 : i32
    return %add3A_0, %c0_i32, %c0_i32_1 : i32, i32, i32
  }
  func.func @transform_4(%arg0: i32) -> (i32, i32, i32) {
    %add3A = arith.constant 170 : i32
    %add3A_0 = arith.addi %arg0, %add3A : i32
    %c0_i32 = arith.constant 0 : i32
    %c0_i32_1 = arith.constant 0 : i32
    %c0_i32_2 = arith.constant 0 : i32
    return %c0_i32, %c0_i32_1, %add3A_0 : i32, i32, i32
  }
  func.func @transform_5(%arg0: i32) -> (i32, i32) {
    %c0_i32 = arith.constant 0 : i32
    %c0_i32_0 = arith.constant 0 : i32
    %c0_i32_1 = arith.constant 0 : i32
    return %c0_i32, %c0_i32_0 : i32, i32
  }
  func.func @transform_6(%arg0: i32) -> (i32, i32) {
    %c0_i32 = arith.constant 0 : i32
    %c0_i32_0 = arith.constant 0 : i32
    %c0_i32_1 = arith.constant 0 : i32
    return %c0_i32, %c0_i32_0 : i32, i32
  }
  func.func @transform_7(%arg0: i32) -> (i32, i32) {
    %c0_i32 = arith.constant 0 : i32
    %c0_i32_0 = arith.constant 0 : i32
    %c0_i32_1 = arith.constant 0 : i32
    return %c0_i32, %c0_i32_0 : i32, i32
  }
  func.func @transform_8(%arg0: i32) -> (i32, i32) {
    %c0_i32 = arith.constant 0 : i32
    %c0_i32_0 = arith.constant 0 : i32
    %c0_i32_1 = arith.constant 0 : i32
    return %c0_i32, %c0_i32_0 : i32, i32
  }
  func.func @transform_9(%arg0: i32) -> (i32, i32) {
    %c0_i32 = arith.constant 0 : i32
    %c0_i32_0 = arith.constant 0 : i32
    %c0_i32_1 = arith.constant 0 : i32
    return %c0_i32, %c0_i32_0 : i32, i32
  }
  func.func @transform_10(%arg0: i32) -> (i32, i32) {
    %c0_i32 = arith.constant 0 : i32
    %c0_i32_0 = arith.constant 0 : i32
    %c0_i32_1 = arith.constant 0 : i32
    return %c0_i32, %c0_i32_0 : i32, i32
  }
  func.func @transform_11(%arg0: i32) -> (i32, i32) {
    %c0_i32 = arith.constant 0 : i32
    %c0_i32_0 = arith.constant 0 : i32
    %c0_i32_1 = arith.constant 0 : i32
    return %c0_i32, %c0_i32_0 : i32, i32
  }
  func.func @transform_12(%arg0: i32) -> (i32, i32) {
    %c0_i32 = arith.constant 0 : i32
    %c0_i32_0 = arith.constant 0 : i32
    %c0_i32_1 = arith.constant 0 : i32
    return %c0_i32, %c0_i32_0 : i32, i32
  }
  func.func @transform_13(%arg0: i32) -> (i32, i32) {
    %c0_i32 = arith.constant 0 : i32
    %c0_i32_0 = arith.constant 0 : i32
    %c0_i32_1 = arith.constant 0 : i32
    return %c0_i32, %c0_i32_0 : i32, i32
  }
  func.func @transform_14(%arg0: i32) -> (i32, i32) {
    %c0_i32 = arith.constant 0 : i32
    %c0_i32_0 = arith.constant 0 : i32
    %c0_i32_1 = arith.constant 0 : i32
    return %c0_i32, %c0_i32_0 : i32, i32
  }
  func.func @transform_15(%arg0: i32) -> (i32, i32) {
    %c0_i32 = arith.constant 0 : i32
    %c0_i32_0 = arith.constant 0 : i32
    %c0_i32_1 = arith.constant 0 : i32
    return %c0_i32, %c0_i32_0 : i32, i32
  }
  func.func @transform_16(%arg0: i32) -> (i32, i32) {
    %c0_i32 = arith.constant 0 : i32
    %c0_i32_0 = arith.constant 0 : i32
    %c0_i32_1 = arith.constant 0 : i32
    return %c0_i32, %c0_i32_0 : i32, i32
  }
  func.func @transform_17(%arg0: i32) -> (i32, i32) {
    %c0_i32 = arith.constant 0 : i32
    %c0_i32_0 = arith.constant 0 : i32
    %c0_i32_1 = arith.constant 0 : i32
    return %c0_i32, %c0_i32_0 : i32, i32
  }
  func.func @transform_18(%arg0: i32) -> (i32, i32) {
    %c0_i32 = arith.constant 0 : i32
    %c0_i32_0 = arith.constant 0 : i32
    %c0_i32_1 = arith.constant 0 : i32
    return %c0_i32, %c0_i32_0 : i32, i32
  }
  func.func @transform_19(%arg0: i32) -> (i32, i32) {
    %c0_i32 = arith.constant 0 : i32
    %c0_i32_0 = arith.constant 0 : i32
    return %arg0, %c0_i32 : i32, i32
  }
  func.func @transform_20(%arg0: i32) -> (i32, i32) {
    %c0_i32 = arith.constant 0 : i32
    %c0_i32_0 = arith.constant 0 : i32
    return %arg0, %c0_i32 : i32, i32
  }
}

</mosaic_0001>

<sc_bundles>
// kernel: kernel.10.cloned.1.call-start
scs
__scs_entry_jumppad:
0x0: {  	(pc) =	sbr.rel $0x88, $3  }
0x1: {  	(tag) =	ssettag $0x0;
	lr =	simm.s32 $0x1  }
0x2: {  	[smem:$0x3F90] =	sst lr;
	_ =	strace $0xD0000000  }
0x3: {  	_ = 	snop  }
0x4: {  	_ = 	snop  }
0x5: {  	_ = 	snop  }
0x6: {  	_ = 	snop  }
0x7: {  	_ = 	snop  }
__scs_overlays_trampoline_lowered:
0x8: {  	[smem:$0x3F9F] =	sst s0  }
0x9: {  	[smem:$0x3FA0] =	sst s1  }
0xa: {  	[smem:$0x3FA1] =	sst s2  }
0xb: {  	[smem:$0x3FA2] =	sst s3  }
0xc: {  	[smem:$0x3FA3] =	sst s4  }
0xd: {  	[smem:$0x3FA4] =	sst s5  }
0xe: {  	[smem:$0x3FA5] =	sst s6  }
0xf: {  	[smem:$0x3FA6] =	sst s7  }
0x10: {  	[smem:$0x3FA7] =	sst s8  }
0x11: {  	[smem:$0x3FA8] =	sst s9;
	s0 =	simm.s32 @!p0 $0x0  }
0x12: {  	s1 =	sld [smem:$0x3F8E];
	s0 =	simm.s32 @p0 $0x1  }
0x13: {  	[smem:$0x3FA9] =	sst s0;
	s0 =	simm.s32 @!p1 $0x0  }
0x14: {  	s2 =	sld [smem:$0x3F8D];
	s0 =	simm.s32 @p1 $0x1  }
0x15: {  	[smem:$0x3FAA] =	sst s0;
	s0 =	simm.s32 @!p2 $0x0  }
0x16: {  	s3 =	sld [smem:$0x3FDB];
	s0 =	simm.s32 @p2 $0x1  }
0x17: {  	s4 =	simm.s32 $0x1BF5;
	[smem:$0x3FAC] =	sst s0  }
0x18: {  	s0 =	sld [smem:$0x3F8F];
	_ =	swait.ge [sflag:s4], $0x0  }
0x19: {  	s7 =	sld [smem:$0x3F90]  }
0x1a: {  	s8 =	sadd.s32 $0xFFFFE003, lr  }
0x1b: {  	s9 =	sadd.s32 $0xFFFFFEF7, lr;
	s5 =	simm.s32 $0xFFFFFFFF;
	p2 =	slt.u32 s8, $0xFFFFF086  }
0x1c: {  	p1 =	slt.u32 s9, $0xF7A;
	s5 =	simm.s32 @!p2 $0x0  }
0x1d: {  	s5 =	simm.s32 @p1 $0x1;
	p0 =	seq.s32 s7, s2  }
0x1e: {  	s7 =	smul.u32 @!p0 $0xF7A, s2;
	p2 =	seq.s32 @!p0 s5, $0x0  }
0x1f: {  	s9 =	smul.u32 $0xF7A, s1;
	s8 =	simm.s32 @!p0 $0x1BF5;
	p2 =	por !p2, p0  }
0x20: {  	[sflag:s8] =	ssyncset.s32 @!p0 $0xFFFFF086;
	s6 =	sadd.s32 @!p0 s3, s7;
	s7 =	simm.s32 @!p0 $0x108  }
0x21: {  	s3 =	sadd.s32 s3, s9;
	s6 =	sadd.s32 @!p0 $0x88, s6;
	s7 =	simm.s32 @p2 $0x1082  }
0x22: {  	[simem:s7], [sflag:s8] =	dma.local @!p0 [hbm:s6], $0xF7A  }
0x23: {  	s9 =	sor.u32 $0xD0000000, s2;
	s6 =	simm.s32 $0x108;
	_ =	swait.ge @!p0 [sflag:s8], $0x0  }
0x24: {  	s3 =	sadd.s32 $0x88, s3;
	s6 =	simm.s32 @!p1 $0x1082;
	[sflag:s4] =	ssyncset.s32 $0xFFFFF086  }
0x25: {  	[simem:s6], [sflag:s4] =	dma.local [hbm:s3], $0xF7A  }
0x26: {  	[smem:$0x3F90] =	sst s1;
	(tag) =	ssettag s2;
	_ =	strace s9  }
0x27: {  	s1 =	sld [smem:$0x3FA0]  }
0x28: {  	s2 =	sld [smem:$0x3FA1]  }
0x29: {  	s4 =	sld [smem:$0x3FA3]  }
0x2a: {  	p0 =	seq.s32 s5, $0x0;
	s5 =	sld [smem:$0x3FA4]  }
0x2b: {  	s6 =	sld [smem:$0x3FA5]  }
0x2c: {  	s7 =	sld [smem:$0x3FA6]  }
0x2d: {  	s3 =	simm.s32 $0x108;
	s8 =	sld [smem:$0x3FA7]  }
0x2e: {  	s3 =	simm.s32 @!p0 $0x1082;
	s9 =	sld [smem:$0x3FA8]  }
0x2f: {  	lr =	sadd.s32 s0, s3;
	s0 =	sld [smem:$0x3F9F]  }
0x30: {  	s3 =	sld [smem:$0x3FA2]  }
0x31: {  	[smem:$0x3FAB] =	sst s10  }
0x32: {  	s10 =	sld [smem:$0x3FA9];
	_ =	sdelay $0x3  }
0x33: {  	p0 =	seq.s32 s10, $0x1;
	s10 =	sld [smem:$0x3FAB];
	_ =	sdelay $0x3  }
0x34: {  	[smem:$0x3FAB] =	sst s10  }
0x35: {  	s10 =	sld [smem:$0x3FAA];
	_ =	sdelay $0x3  }
0x36: {  	p1 =	seq.s32 s10, $0x1;
	s10 =	sld [smem:$0x3FAB];
	_ =	sdelay $0x3  }
0x37: {  	[smem:$0x3FAB] =	sst s10  }
0x38: {  	s10 =	sld [smem:$0x3FAC]  }
0x39: {  	_ = 	snop;
	(pc) =	sbr.ind lr, $3  }
0x3a: {  	_ = 	snop  }
0x3b: {  	_ = 	snop  }
0x3c: {  	p2 =	seq.s32 s10, $0x1;
	s10 =	sld [smem:$0x3FAB]  }
0x3d: {  	_ =	shalt  }
0x3e: {  	_ =	shalt  }
0x3f: {  	_ =	shalt  }
0x40: {  	_ =	shalt  }
0x41: {  	_ =	shalt  }
0x42: {  	_ =	shalt  }
0x43: {  	_ =	shalt  }
0x44: {  	_ =	shalt  }
0x45: {  	_ =	shalt  }
0x46: {  	_ =	shalt  }
0x47: {  	_ =	shalt  }
0x48: {  	_ =	shalt  }
0x49: {  	_ =	shalt  }
0x4a: {  	_ =	shalt  }
0x4b: {  	_ =	shalt  }
0x4c: {  	_ =	shalt  }
0x4d: {  	_ =	shalt  }
0x4e: {  	_ =	shalt  }
0x4f: {  	_ =	shalt  }
0x50: {  	_ =	shalt  }
0x51: {  	_ =	shalt  }
0x52: {  	_ =	shalt  }
0x53: {  	_ =	shalt  }
0x54: {  	_ =	shalt  }
0x55: {  	_ =	shalt  }
0x56: {  	_ =	shalt  }
0x57: {  	_ =	shalt  }
0x58: {  	_ =	shalt  }
0x59: {  	_ =	shalt  }
0x5a: {  	_ =	shalt  }
0x5b: {  	_ =	shalt  }
0x5c: {  	_ =	shalt  }
0x5d: {  	_ =	shalt  }
0x5e: {  	_ =	shalt  }
0x5f: {  	_ =	shalt  }
0x60: {  	_ =	shalt  }
0x61: {  	_ =	shalt  }
0x62: {  	_ =	shalt  }
0x63: {  	_ =	shalt  }
0x64: {  	_ =	shalt  }
0x65: {  	_ =	shalt  }
0x66: {  	_ =	shalt  }
0x67: {  	_ =	shalt  }
0x68: {  	_ =	shalt  }
0x69: {  	_ =	shalt  }
0x6a: {  	_ =	shalt  }
0x6b: {  	_ =	shalt  }
0x6c: {  	_ =	shalt  }
0x6d: {  	_ =	shalt  }
0x6e: {  	_ =	shalt  }
0x6f: {  	_ =	shalt  }
0x70: {  	_ =	shalt  }
0x71: {  	_ =	shalt  }
0x72: {  	_ =	shalt  }
0x73: {  	_ =	shalt  }
0x74: {  	_ =	shalt  }
0x75: {  	_ =	shalt  }
0x76: {  	_ =	shalt  }
0x77: {  	_ =	shalt  }
0x78: {  	_ =	shalt  }
0x79: {  	_ =	shalt  }
0x7a: {  	_ =	shalt  }
0x7b: {  	_ =	shalt  }
0x7c: {  	_ =	shalt  }
0x7d: {  	_ =	shalt  }
0x7e: {  	_ =	shalt  }
0x7f: {  	_ =	shalt  }
0x80: {  	_ =	shalt  }
0x81: {  	_ =	shalt  }
0x82: {  	_ =	shalt  }
0x83: {  	_ =	shalt  }
0x84: {  	_ =	shalt  }
0x85: {  	_ =	shalt  }
0x86: {  	_ =	shalt  }
0x87: {  	_ =	shalt  }
.Lfunc_end0:
.L_simem_size_0:
called_computation.1_lowered:
.L_overlay_start_0:
0x88: {  	s2 =	sld [smem:$0x3FD9]  }
0x89: {  	s3 =	sld [smem:$0x3FFE];
	_ =	sdelay $0x1  }
0x8a: {  	s1 =	srdreg.scid  }
0x8b: {  	s0 =	sand.u32 $0x1, s1  }
0x8c: {  	s17 =	sshll.u32 s0, $0xA;
	s2 =	sadd.s32 s3, s2  }
0x8d: {  	s2 =	sadd.s32 s2, s17  }
0x8e: {  	[smem:$0x3FB7] =	sst s2  }
0x8f: {  	_ = 	snop  }
0x90: {  	s2 =	sld [smem:$0x3FD0];
	(tm) =	ssettm $0x1  }
0x91: {  	s18 =	sld [smem:$0x3FFB];
	_ =	sdelay $0x3  }
0x92: {  	_ =	strace s18  }
0x93: {  	s3 =	sld [smem:$0x3FFC];
	_ =	sdelay $0x3  }
0x94: {  	_ =	strace s3  }
0x95: {  	s3 =	sld [smem:$0x3FFD];
	_ =	sdelay $0x3  }
0x96: {  	_ =	strace s3  }
0x97: {  	_ =	strace $0x8FFFFFFF  }
0x98: {  	s19 =	sld [smem:$0x3FDB];
	_ =	sdelay $0x1  }
0x99: {  	s4 =	simm.s32 $_scs_section_size  }
0x9a: {  	s5 =	simm.s32 $_size__tile_overlayer_lowered;
	s6 =	simm.s32 $_tile_overlayer_lowered  }
0x9b: {  	s22 =	simm.s32 $0x1BFF;
	s21 =	sshll.u32 s6, $0x1;
	s3 =	sadd.s32 s4, s19  }
0x9c: {  	s7 =	simm.s32 $0x0;
	s20 =	sshll.u32 s5, $0x1;
	s5 =	sadd.s32 s21, s3  }
0x9d: {  	[timem:s7], [sflag:s22] =	dma.local [hbm:s5], s20  }
0x9e: {  	_ =	swait.ge [sflag:s22], s20  }
0x9f: {  	s4 =	ssub.s32 $0x0, s20;
	[sflag:s22] =	ssyncset.done $0x0  }
0xa0: {  	[sflag:s22] =	ssyncadd.s32 s4;
	_ =	sdelay $0x1  }
0xa1: {  	s23 =	simm.s32 $0x1B8B  }
0xa2: {  	_ =	swait.ge [sflag:s23], $0x1  }
0xa3: {  	[sflag:s23] =	ssyncset.done $0x0  }
0xa4: {  	s25 =	simm.s32 $0x1B8E;
	s24 =	sld [smem:$0x3FFE];
	[sflag:s23] =	ssyncadd.s32 $0xFFFFFFFF  }
0xa5: {  	s26 =	simm.s32 $execute0_lowered;
	[smem:$0x3FD2] =	sst s25  }
0xa6: {  	s5 =	sshll.u32 s26, $0x1;
	_ =	strace $0x80000049;
	[dreg:$0x1] =	wrdreg $0xFFFFFFFF  }
0xa7: {  	s28 =	simm.s32 $_size_execute0_lowered;
	s3 =	sadd.s32 s3, s5;
	[dreg:$0x0] =	wrdreg $0x0  }
0xa8: {  	s5 =	sshll.u32 s28, $0x1;
	[dreg:$0x2] =	wrdreg s3  }
0xa9: {  	[dreg:$0x3] =	wrdreg s5  }
0xaa: {  	[dreg:$0x4] =	wrdreg $0xC0  }
0xab: {  	_ =	task [dreg:s7], $0x5FFFF  }
0xac: {  	[dreg:$0x1] =	wrdreg $0xFFFFFFFF  }
0xad: {  	[dreg:$0x0] =	wrdreg $0x60  }
0xae: {  	[dreg:$0x2] =	wrdreg s24  }
0xaf: {  	[dreg:$0x3] =	wrdreg s2  }
0xb0: {  	[dreg:$0x4] =	wrdreg $0x0  }
0xb1: {  	[dreg:$0x5] =	wrdreg $0x9  }
0xb2: {  	_ =	task.clear_ibuf [dreg:s7], $0x6FFFF;
	_ =	strace $0x90000049  }
0xb3: {  	s29 =	simm.s32 $0x9;
	_ =	strace $0x8000004B  }
0xb4: {  	_ =	swait.ge [sflag:s29], $0x1  }
0xb5: {  	[sflag:s29] =	ssyncadd.s32 $0xFFFFFFFF  }
0xb6: {  	_ =	strace $0x9000004B  }
0xb7: {  	_ =	sfence  }
0xb8: {  	s30 =	sld [smem:$0x0];
	_ =	sdelay $0x2  }
0xb9: {  	s31 =	sshll.u32 s1, $0xD;
	s1 =	sshrl.u32 s1, $0x2  }
0xba: {  	s3 =	sand.u32 $0x4000, s31;
	s1 =	sadd.s32 s1, s30  }
0xbb: {  	s0 =	sor.u32 s3, s0;
	s1 =	sshll.u32 s1, $0x11  }
0xbc: {  	s0 =	sor.u32 s1, s0  }
0xbd: {  	s0 =	sadd.s32 $0x8F2B, s0  }
0xbe: {  	[sflag:s0] =	ssyncadd.remote.s32 $0x1  }
0xbf: {  	_ =	sfence.sel $0xFFFF  }
0xc0: {  	[dreg:$0x0] =	wrdreg $0xFFFFFFFF;
	(pc) =	sbr.abs _section_cstart, $3  }
0xc1: {  	[dreg:$0x1] =	wrdreg $0xFFFFFFFF  }
0xc2: {  	_ =	task.clear_ibuf [dreg:s7], $0x2FFFF;
	_ =	strace $0x9FFFFFFF  }
0xc3: {  	(tm) =	ssettm $0x7FFFFFFF  }
tec
execute0_lowered:
.L_overlay_start_1:
0x0: {  	(tag) =	ssettag $0x1  }
0x1: {  	s0 =	rddreg [dreg:$0x0]  }
0x2: {  	s2 =	rddreg [dreg:$0x1]  }
0x3: {  	s1 =	rddreg [dreg:$0x2]  }
0x4: {  	s3 =	simm.s32 $0x0;
	s4 =	srdreg.scid;
	s14 =	stileid.u32  }
0x5: {  	s15 =	simm.s32 $0x5;
	s16 =	simm.s32 $0x19000;
	s7 =	smul.u32 $0x14000, s14  }
0x6: {  	s17 =	simm.s32 $0x14000;
	s18 =	simm.s32 $0x15400;
	s11 =	smul.u32 $0x50000, s14  }
0x7: {  	s28 =	simm.s32 $0x3;
	s29 =	simm.s32 $0x4;
	s20 =	smul.u32 $0xAA00, s14  }
0x8: {  	s30 =	simm.s32 $0x0;
	[smem:$0x7FF] =	sst s3;
	s23 =	smul.u32 $0x1A9000, s14  }
0x9: {  	s6 =	sand.u32 $0x1, s4;
	s8 =	sadd.s32 $0x2E800, s0;
	s25 =	smul.u32 $0x35200, s14  }
0xa: {  	s10 =	sadd.s32 $0x380800, s0;
	s22 =	sshll.u32 s14, $0x6;
	s14 =	smul.u32 $0x1540, s14  }
0xb: {  	s4 =	sadd.s32 $0x23200, s0;
	s5 =	smul.u32 $0x140000, s6;
	s19 =	ssub.s32 $0x2, s6  }
0xc: {  	_ =	strace $0x8000004A;
	p0 =	seq.s32 s6, $0x1;
	s9 =	sshrl.u32 s19, $0x1  }
0xd: {  	s21 =	sshrl.u32 s11, $0x2;
	s24 =	sshrl.u32 s20, $0x3;
	s26 =	sshrl.u32 s23, $0x3  }
0xe: {  	s31 =	sadd.s32 s14, s2;
	s20 =	simm.s32 $0x28;
	s23 =	simm.s32 $0x16800  }
0xf: {  	s5 =	sadd.s32 s7, s5;
	s12 =	ssub.s32 s19, s9;
	s13 =	sadd.s32 s21, s1  }
0x10: {  	s6 =	sadd.s32 s2, s24;
	s11 =	sadd.s32 $0x280, s26;
	s7 =	sadd.s32 s8, s25  }
0x11: {  	s9 =	sadd.s32 s10, s25;
	s19 =	simm.s32 $0x1;
	s21 =	simm.s32 $0x19080  }
.Ltmp0:
0x12: {  	s24 =	simm.s32 $0x17C00;
	s25 =	simm.s32 $0x2;
	(pc) =	sbr.rel .LBB2_1-.Ltmp0, $4  }
0x13: {  	s26 =	simm.s32 $0x19180;
	s5 =	sshrl.u32 s5, $0x3;
	s8 =	sadd.s32 s8, s11  }
0x14: {  	s10 =	sadd.s32 s10, s11;
	s12 =	smax.u32 s12, $0x1;
	s14 =	sshrl.u32 s13, $0x3  }
0x15: {  	s0 =	sadd.s32 s5, s0;
	s5 =	sor.u32 $0x1C05, s22;
	[dreg:$0x4] =	wrdreg s8  }
0x16: {  	s22 =	simm.s32 $0x19100;
	s11 =	sadd.s32 $0x6D2800, s0;
	s0 =	sadd.s32 $0x20, s31  }
.LBB2_8:
0x17: {  	_ =	swait.ge [sflag:s29], $0x1400  }
0x18: {  	[sflag:s29] =	ssyncset.done $0x0  }
0x19: {  	[sflag:s29] =	ssyncadd.s32 $0xFFFFEC00  }
0x1a: {  	_ =	swait.ge [sflag:s29], $0x1400  }
0x1b: {  	s30 =	sadd.s32 $0x1, s30;
	[sflag:s29] =	ssyncset.done $0x0  }
0x1c: {  	p1 =	sne.s32 s30, s12;
	[sflag:s29] =	ssyncadd.s32 $0xFFFFEC00  }
.Ltmp1:
0x1d: {  	[bflag:$0x0] =	sbarrier.arrive $0xFFFF;
	(pc) =	sbr.rel @!p1 .LBB2_9-.Ltmp1, $4  }
0x1e: {  	[hbm:s11], [sflag:s5] =	dma.local [spmem:s14], $0x2800  }
0x1f: {  	_ =	swait.ge [sflag:s15], $0x2800  }
0x20: {  	[sflag:s15] =	ssyncset.done $0x0  }
0x21: {  	[sflag:s15] =	ssyncadd.s32 $0xFFFFD800  }
.LBB2_1:
0x22: {  	[spmem:s14], [sflag:s5] =	dma.local [hbm:s4], $0x2800  }
.Ltmp2:
0x23: {  	_ =	swait.ge [sflag:s15], $0x2800;
	(pc) =	sbr.rel @!p0 .LBB2_2-.Ltmp2, $4  }
0x24: {  	[sflag:s15] =	ssyncset.done $0x0  }
0x25: {  	[sflag:s15] =	ssyncadd.s32 $0xFFFFD800  }
0x26: {  	s31 =	simm.s32 $0x0;
	[bflag:$0x0] =	sbarrier.arrive $0xFFFF  }
0x27: {  	[tilespmem:s16], [sflag:$0x1] =	stream.linear.gather [hbm4b:s6+s3], $0x100, $0x38;
	[tilespmem:$0x19200] =	vst v63  }
0x28: {  	[tilespmem:s17], [sflag:$0x1] =	stream.linear.gather [hbm4b:s9+s31], $0x1400, $0x38;
	[tilespmem:$0x19200] =	vst v63  }
0x29: {  	s13 =	smov.u32 s0  }
0x2a: {  	[tilespmem:s18], [sflag:$0x1] =	stream.linear.gather [hbm4b:s10+s31], $0x1400, $0x38;
	[tilespmem:$0x19200] =	vst v63  }
.LBB2_6:
0x2b: {  	_ =	swait.ge [sflag:s19], $0x100  }
0x2c: {  	[sflag:s19] =	ssyncset.done $0x0  }
0x2d: {  	[sflag:s19] =	ssyncadd.s32 $0xFFFFFF00  }
0x2e: {  	_ =	swait.ge [sflag:s19], $0x1400  }
0x2f: {  	[sflag:s19] =	ssyncset.done $0x0  }
0x30: {  	[sflag:s19] =	ssyncadd.s32 $0xFFFFEC00  }
0x31: {  	_ =	swait.ge [sflag:s19], $0x1400  }
0x32: {  	[sflag:s19] =	ssyncset.done $0x0  }
0x33: {  	p1 =	seq.s32 s31, $0x0;
	[sflag:s19] =	ssyncadd.s32 $0xFFFFEC00  }
0x34: {  	[spmem:s1] =	stream.indirect.scatter.add.f32 [tilespmem:s17], [sflag:$0x3], $0x80, s16, s20, $0xb8;
	[tilespmem:$0x19200] =	vst v63  }
0x35: {  	s2 =	simm.s32 @!p1 $0x4  }
0x36: {  	[spmem:s1] =	stream.indirect.scatter.add.f32 [tilespmem:s18], [sflag:$0x3], $0x80, s21, s20, $0xb8;
	[tilespmem:$0x19200] =	vst v63  }
0x37: {  	_ =	swait.ge @!p1 [sflag:s2], $0x1400  }
0x38: {  	[sflag:s2] =	ssyncset.done @!p1 $0x0  }
0x39: {  	[sflag:s2] =	ssyncadd.s32 @!p1 $0xFFFFEC00  }
0x3a: {  	_ =	swait.ge @!p1 [sflag:s2], $0x1400  }
0x3b: {  	[sflag:s2] =	ssyncset.done @!p1 $0x0  }
0x3c: {  	[sflag:s2] =	ssyncadd.s32 @!p1 $0xFFFFEC00;
	s2 =	sadd.s32 s31, s9  }
0x3d: {  	[tilespmem:s22], [sflag:$0x2] =	stream.linear.gather [hbm4b:s13+s3], $0x100, $0x38;
	[tilespmem:$0x19200] =	vst v63  }
0x3e: {  	s8 =	sadd.s32 $0x500, s2  }
0x3f: {  	[tilespmem:s23], [sflag:$0x2] =	stream.linear.gather [hbm4b:s8+s3], $0x1400, $0x38;
	[tilespmem:$0x19200] =	vst v63  }
0x40: {  	s8 =	sadd.s32 $0x780, s2  }
0x41: {  	[tilespmem:s24], [sflag:$0x2] =	stream.linear.gather [hbm4b:s8+s3], $0x1400, $0x38;
	[tilespmem:$0x19200] =	vst v63  }
0x42: {  	_ =	swait.ge [sflag:s25], $0x100  }
0x43: {  	[sflag:s25] =	ssyncset.done $0x0  }
0x44: {  	[sflag:s25] =	ssyncadd.s32 $0xFFFFFF00  }
0x45: {  	_ =	swait.ge [sflag:s25], $0x1400  }
0x46: {  	[sflag:s25] =	ssyncset.done $0x0  }
0x47: {  	[sflag:s25] =	ssyncadd.s32 $0xFFFFEC00  }
0x48: {  	_ =	swait.ge [sflag:s25], $0x1400  }
0x49: {  	[sflag:s25] =	ssyncset.done $0x0  }
0x4a: {  	[sflag:s25] =	ssyncadd.s32 $0xFFFFEC00  }
0x4b: {  	[spmem:s1] =	stream.indirect.scatter.add.f32 [tilespmem:s23], [sflag:$0x4], $0x80, s22, s20, $0xb8;
	[tilespmem:$0x19200] =	vst v63  }
0x4c: {  	_ = 	snop  }
0x4d: {  	[spmem:s1] =	stream.indirect.scatter.add.f32 [tilespmem:s24], [sflag:$0x4], $0x80, s26, s20, $0xb8;
	[tilespmem:$0x19200] =	vst v63  }
0x4e: {  	p1 =	seq.s32 s31, $0x34800;
	_ =	swait.ge [sflag:s28], $0x1400  }
.Ltmp3:
0x4f: {  	[sflag:s28] =	ssyncset.done $0x0;
	(pc) =	sbr.rel @p1 .LBB2_8-.Ltmp3, $4  }
0x50: {  	[sflag:s28] =	ssyncadd.s32 $0xFFFFEC00  }
0x51: {  	_ =	swait.ge [sflag:s28], $0x1400  }
0x52: {  	[sflag:s28] =	ssyncset.done $0x0  }
0x53: {  	[sflag:s28] =	ssyncadd.s32 $0xFFFFEC00  }
0x54: {  	s8 =	sadd.s32 $0x20, s13  }
0x55: {  	[tilespmem:s16], [sflag:$0x1] =	stream.linear.gather [hbm4b:s8+s3], $0x100, $0x38;
	[tilespmem:$0x19200] =	vst v63  }
.Ltmp4:
0x56: {  	_ = 	snop;
	(pc) =	sbr.rel .LBB2_6-.Ltmp4, $4  }
0x57: {  	s8 =	sadd.s32 $0xA00, s2  }
0x58: {  	[tilespmem:s17], [sflag:$0x1] =	stream.linear.gather [hbm4b:s8+s3], $0x1400, $0x38;
	[tilespmem:$0x19200] =	vst v63  }
0x59: {  	s31 =	sadd.s32 $0xA00, s31;
	s13 =	sadd.s32 $0x40, s13;
	s8 =	sadd.s32 $0xC80, s2  }
0x5a: {  	[tilespmem:s18], [sflag:$0x1] =	stream.linear.gather [hbm4b:s8+s3], $0x1400, $0x38;
	[tilespmem:$0x19200] =	vst v63  }
.LBB2_2:
0x5b: {  	[tilespmem:s17], [sflag:$0x1] =	stream.linear.gather [hbm4b:s7+s31], $0x1400, $0x38;
	[tilespmem:$0x19200] =	vst v63  }
0x5c: {  	s2 =	rddreg [dreg:$0x4];
	s13 =	smov.u32 s0  }
0x5d: {  	[tilespmem:s18], [sflag:$0x1] =	stream.linear.gather [hbm4b:s2+s31], $0x1400, $0x38;
	[tilespmem:$0x19200] =	vst v63  }
.LBB2_3:
0x5e: {  	_ =	swait.ge [sflag:s19], $0x100  }
0x5f: {  	[sflag:s19] =	ssyncset.done $0x0  }
0x60: {  	[sflag:s19] =	ssyncadd.s32 $0xFFFFFF00  }
0x61: {  	_ =	swait.ge [sflag:s19], $0x1400  }
0x62: {  	[sflag:s19] =	ssyncset.done $0x0  }
0x63: {  	[sflag:s19] =	ssyncadd.s32 $0xFFFFEC00  }
0x64: {  	_ =	swait.ge [sflag:s19], $0x1400  }
0x65: {  	[sflag:s19] =	ssyncset.done $0x0  }
0x66: {  	p1 =	seq.s32 s31, $0x0;
	[sflag:s19] =	ssyncadd.s32 $0xFFFFEC00  }
0x67: {  	[spmem:s1] =	stream.indirect.scatter.add.f32 [tilespmem:s17], [sflag:$0x3], $0x80, s16, s20, $0xb8;
	[tilespmem:$0x19200] =	vst v63  }
0x68: {  	s2 =	simm.s32 @!p1 $0x4  }
0x69: {  	[spmem:s1] =	stream.indirect.scatter.add.f32 [tilespmem:s18], [sflag:$0x3], $0x80, s21, s20, $0xb8;
	[tilespmem:$0x19200] =	vst v63  }
0x6a: {  	_ =	swait.ge @!p1 [sflag:s2], $0x1400  }
0x6b: {  	[sflag:s2] =	ssyncset.done @!p1 $0x0  }
0x6c: {  	[sflag:s2] =	ssyncadd.s32 @!p1 $0xFFFFEC00  }
0x6d: {  	_ =	swait.ge @!p1 [sflag:s2], $0x1400  }
0x6e: {  	[sflag:s2] =	ssyncset.done @!p1 $0x0  }
0x6f: {  	[sflag:s2] =	ssyncadd.s32 @!p1 $0xFFFFEC00;
	s2 =	sadd.s32 s31, s7  }
0x70: {  	[tilespmem:s22], [sflag:$0x2] =	stream.linear.gather [hbm4b:s13+s3], $0x100, $0x38;
	[tilespmem:$0x19200] =	vst v63  }
0x71: {  	s8 =	sadd.s32 $0x500, s2  }
0x72: {  	[tilespmem:s23], [sflag:$0x2] =	stream.linear.gather [hbm4b:s8+s3], $0x1400, $0x38;
	[tilespmem:$0x19200] =	vst v63  }
0x73: {  	s8 =	sadd.s32 $0x780, s2  }
0x74: {  	[tilespmem:s24], [sflag:$0x2] =	stream.linear.gather [hbm4b:s8+s3], $0x1400, $0x38;
	[tilespmem:$0x19200] =	vst v63  }
0x75: {  	_ =	swait.ge [sflag:s25], $0x100  }
0x76: {  	[sflag:s25] =	ssyncset.done $0x0  }
0x77: {  	[sflag:s25] =	ssyncadd.s32 $0xFFFFFF00  }
0x78: {  	_ =	swait.ge [sflag:s25], $0x1400  }
0x79: {  	[sflag:s25] =	ssyncset.done $0x0  }
0x7a: {  	[sflag:s25] =	ssyncadd.s32 $0xFFFFEC00  }
0x7b: {  	_ =	swait.ge [sflag:s25], $0x1400  }
0x7c: {  	[sflag:s25] =	ssyncset.done $0x0  }
0x7d: {  	[sflag:s25] =	ssyncadd.s32 $0xFFFFEC00  }
0x7e: {  	[spmem:s1] =	stream.indirect.scatter.add.f32 [tilespmem:s23], [sflag:$0x4], $0x80, s22, s20, $0xb8;
	[tilespmem:$0x19200] =	vst v63  }
0x7f: {  	_ = 	snop  }
0x80: {  	[spmem:s1] =	stream.indirect.scatter.add.f32 [tilespmem:s24], [sflag:$0x4], $0x80, s26, s20, $0xb8;
	[tilespmem:$0x19200] =	vst v63  }
0x81: {  	p1 =	seq.s32 s31, $0x34800;
	_ =	swait.ge [sflag:s28], $0x1400  }
.Ltmp5:
0x82: {  	[sflag:s28] =	ssyncset.done $0x0;
	(pc) =	sbr.rel @p1 .LBB2_8-.Ltmp5, $4  }
0x83: {  	[sflag:s28] =	ssyncadd.s32 $0xFFFFEC00  }
0x84: {  	_ =	swait.ge [sflag:s28], $0x1400  }
0x85: {  	[sflag:s28] =	ssyncset.done $0x0  }
0x86: {  	[sflag:s28] =	ssyncadd.s32 $0xFFFFEC00  }
0x87: {  	s8 =	sadd.s32 $0x20, s13  }
0x88: {  	[tilespmem:s16], [sflag:$0x1] =	stream.linear.gather [hbm4b:s8+s3], $0x100, $0x38;
	[tilespmem:$0x19200] =	vst v63  }
.Ltmp6:
0x89: {  	_ = 	snop;
	(pc) =	sbr.rel .LBB2_3-.Ltmp6, $4  }
0x8a: {  	s8 =	sadd.s32 $0xA00, s2  }
0x8b: {  	[tilespmem:s17], [sflag:$0x1] =	stream.linear.gather [hbm4b:s8+s3], $0x1400, $0x38;
	[tilespmem:$0x19200] =	vst v63  }
0x8c: {  	s31 =	sadd.s32 $0xA00, s31;
	s13 =	sadd.s32 $0x40, s13;
	s8 =	sadd.s32 $0xC80, s2  }
0x8d: {  	[tilespmem:s18], [sflag:$0x1] =	stream.linear.gather [hbm4b:s8+s3], $0x1400, $0x38;
	[tilespmem:$0x19200] =	vst v63  }
.LBB2_9:
0x8e: {  	_ =	sfence.sel $0x180000  }
0x8f: {  	[bflag:$0x0] =	sbarrier.arrive $0xFFFF  }
0x90: {  	_ =	strace $0x9000004A  }
0x91: {  	s0 =	stileid.u32;
	[bflag:$0x2] =	sbarrier.arrive $0xFFFF  }
0x92: {  	p0 =	sne.s32 s0, $0x0;
	s0 =	rddreg [dreg:$0x3]  }
0x93: {  	s0 =	sadd.s32 @!p0 $0x100000, s0  }
0x94: {  	[sflag:s0] =	ssyncadd.tile.s32 @!p0 $0x1;
	_ =	shalt  }
.Lfunc_end2:
_tile_overlayer_lowered:
.L_overlay_start_2:
0x95: {  	(tag) =	ssettag $0x2  }
0x96: {  	s0 =	rddreg [dreg:$0x0];
	s2 =	stileid.u32  }
0x97: {  	s1 =	rddreg [dreg:$0x1];
	p0 =	sne.s32 s2, $0x0  }
0x98: {  	s3 =	rddreg [dreg:$0x2];
	[bflag:$0x3] =	sbarrier.arrive $0xFFFF;
	s2 =	simm.s32 @!p0 $0x1C05  }
0x99: {  	[timem:s3], [sflag:s2] =	dma.local @!p0 [hbm:s0], s1  }
0x9a: {  	s0 =	simm.s32 @!p0 $0x5  }
0x9b: {  	_ =	swait.ge @!p0 [sflag:s0], s1  }
0x9c: {  	s1 =	ssub.s32 @!p0 $0x0, s1;
	[sflag:s0] =	ssyncset.done @!p0 $0x0  }
0x9d: {  	[sflag:s0] =	ssyncadd.s32 @!p0 s1  }
0x9e: {  	[bflag:$0x3] =	sbarrier.arrive $0xFFFF  }
0x9f: {  	_ =	shalt  }

// kernel: kernel.13.cloned.1.call-start
scs
__scs_entry_jumppad:
0x0: {  	(pc) =	sbr.rel $0x88, $3  }
0x1: {  	(tag) =	ssettag $0x0;
	lr =	simm.s32 $0x1  }
0x2: {  	[smem:$0x3F90] =	sst lr;
	_ =	strace $0xD0000000  }
0x3: {  	_ = 	snop  }
0x4: {  	_ = 	snop  }
0x5: {  	_ = 	snop  }
0x6: {  	_ = 	snop  }
0x7: {  	_ = 	snop  }
__scs_overlays_trampoline_lowered:
0x8: {  	[smem:$0x3F9F] =	sst s0  }
0x9: {  	[smem:$0x3FA0] =	sst s1  }
0xa: {  	[smem:$0x3FA1] =	sst s2  }
0xb: {  	[smem:$0x3FA2] =	sst s3  }
0xc: {  	[smem:$0x3FA3] =	sst s4  }
0xd: {  	[smem:$0x3FA4] =	sst s5  }
0xe: {  	[smem:$0x3FA5] =	sst s6  }
0xf: {  	[smem:$0x3FA6] =	sst s7  }
0x10: {  	[smem:$0x3FA7] =	sst s8  }
0x11: {  	[smem:$0x3FA8] =	sst s9;
	s0 =	simm.s32 @!p0 $0x0  }
0x12: {  	s1 =	sld [smem:$0x3F8E];
	s0 =	simm.s32 @p0 $0x1  }
0x13: {  	[smem:$0x3FA9] =	sst s0;
	s0 =	simm.s32 @!p1 $0x0  }
0x14: {  	s2 =	sld [smem:$0x3F8D];
	s0 =	simm.s32 @p1 $0x1  }
0x15: {  	[smem:$0x3FAA] =	sst s0;
	s0 =	simm.s32 @!p2 $0x0  }
0x16: {  	s3 =	sld [smem:$0x3FDB];
	s0 =	simm.s32 @p2 $0x1  }
0x17: {  	s4 =	simm.s32 $0x1BF5;
	[smem:$0x3FAC] =	sst s0  }
0x18: {  	s0 =	sld [smem:$0x3F8F];
	_ =	swait.ge [sflag:s4], $0x0  }
0x19: {  	s7 =	sld [smem:$0x3F90]  }
0x1a: {  	s8 =	sadd.s32 $0xFFFFE003, lr  }
0x1b: {  	s9 =	sadd.s32 $0xFFFFFEF7, lr;
	s5 =	simm.s32 $0xFFFFFFFF;
	p2 =	slt.u32 s8, $0xFFFFF086  }
0x1c: {  	p1 =	slt.u32 s9, $0xF7A;
	s5 =	simm.s32 @!p2 $0x0  }
0x1d: {  	s5 =	simm.s32 @p1 $0x1;
	p0 =	seq.s32 s7, s2  }
0x1e: {  	s7 =	smul.u32 @!p0 $0xF7A, s2;
	p2 =	seq.s32 @!p0 s5, $0x0  }
0x1f: {  	s9 =	smul.u32 $0xF7A, s1;
	s8 =	simm.s32 @!p0 $0x1BF5;
	p2 =	por !p2, p0  }
0x20: {  	[sflag:s8] =	ssyncset.s32 @!p0 $0xFFFFF086;
	s6 =	sadd.s32 @!p0 s3, s7;
	s7 =	simm.s32 @!p0 $0x108  }
0x21: {  	s3 =	sadd.s32 s3, s9;
	s6 =	sadd.s32 @!p0 $0x88, s6;
	s7 =	simm.s32 @p2 $0x1082  }
0x22: {  	[simem:s7], [sflag:s8] =	dma.local @!p0 [hbm:s6], $0xF7A  }
0x23: {  	s9 =	sor.u32 $0xD0000000, s2;
	s6 =	simm.s32 $0x108;
	_ =	swait.ge @!p0 [sflag:s8], $0x0  }
0x24: {  	s3 =	sadd.s32 $0x88, s3;
	s6 =	simm.s32 @!p1 $0x1082;
	[sflag:s4] =	ssyncset.s32 $0xFFFFF086  }
0x25: {  	[simem:s6], [sflag:s4] =	dma.local [hbm:s3], $0xF7A  }
0x26: {  	[smem:$0x3F90] =	sst s1;
	(tag) =	ssettag s2;
	_ =	strace s9  }
0x27: {  	s1 =	sld [smem:$0x3FA0]  }
0x28: {  	s2 =	sld [smem:$0x3FA1]  }
0x29: {  	s4 =	sld [smem:$0x3FA3]  }
0x2a: {  	p0 =	seq.s32 s5, $0x0;
	s5 =	sld [smem:$0x3FA4]  }
0x2b: {  	s6 =	sld [smem:$0x3FA5]  }
0x2c: {  	s7 =	sld [smem:$0x3FA6]  }
0x2d: {  	s3 =	simm.s32 $0x108;
	s8 =	sld [smem:$0x3FA7]  }
0x2e: {  	s3 =	simm.s32 @!p0 $0x1082;
	s9 =	sld [smem:$0x3FA8]  }
0x2f: {  	lr =	sadd.s32 s0, s3;
	s0 =	sld [smem:$0x3F9F]  }
0x30: {  	s3 =	sld [smem:$0x3FA2]  }
0x31: {  	[smem:$0x3FAB] =	sst s10  }
0x32: {  	s10 =	sld [smem:$0x3FA9];
	_ =	sdelay $0x3  }
0x33: {  	p0 =	seq.s32 s10, $0x1;
	s10 =	sld [smem:$0x3FAB];
	_ =	sdelay $0x3  }
0x34: {  	[smem:$0x3FAB] =	sst s10  }
0x35: {  	s10 =	sld [smem:$0x3FAA];
	_ =	sdelay $0x3  }
0x36: {  	p1 =	seq.s32 s10, $0x1;
	s10 =	sld [smem:$0x3FAB];
	_ =	sdelay $0x3  }
0x37: {  	[smem:$0x3FAB] =	sst s10  }
0x38: {  	s10 =	sld [smem:$0x3FAC]  }
0x39: {  	_ = 	snop;
	(pc) =	sbr.ind lr, $3  }
0x3a: {  	_ = 	snop  }
0x3b: {  	_ = 	snop  }
0x3c: {  	p2 =	seq.s32 s10, $0x1;
	s10 =	sld [smem:$0x3FAB]  }
0x3d: {  	_ =	shalt  }
0x3e: {  	_ =	shalt  }
0x3f: {  	_ =	shalt  }
0x40: {  	_ =	shalt  }
0x41: {  	_ =	shalt  }
0x42: {  	_ =	shalt  }
0x43: {  	_ =	shalt  }
0x44: {  	_ =	shalt  }
0x45: {  	_ =	shalt  }
0x46: {  	_ =	shalt  }
0x47: {  	_ =	shalt  }
0x48: {  	_ =	shalt  }
0x49: {  	_ =	shalt  }
0x4a: {  	_ =	shalt  }
0x4b: {  	_ =	shalt  }
0x4c: {  	_ =	shalt  }
0x4d: {  	_ =	shalt  }
0x4e: {  	_ =	shalt  }
0x4f: {  	_ =	shalt  }
0x50: {  	_ =	shalt  }
0x51: {  	_ =	shalt  }
0x52: {  	_ =	shalt  }
0x53: {  	_ =	shalt  }
0x54: {  	_ =	shalt  }
0x55: {  	_ =	shalt  }
0x56: {  	_ =	shalt  }
0x57: {  	_ =	shalt  }
0x58: {  	_ =	shalt  }
0x59: {  	_ =	shalt  }
0x5a: {  	_ =	shalt  }
0x5b: {  	_ =	shalt  }
0x5c: {  	_ =	shalt  }
0x5d: {  	_ =	shalt  }
0x5e: {  	_ =	shalt  }
0x5f: {  	_ =	shalt  }
0x60: {  	_ =	shalt  }
0x61: {  	_ =	shalt  }
0x62: {  	_ =	shalt  }
0x63: {  	_ =	shalt  }
0x64: {  	_ =	shalt  }
0x65: {  	_ =	shalt  }
0x66: {  	_ =	shalt  }
0x67: {  	_ =	shalt  }
0x68: {  	_ =	shalt  }
0x69: {  	_ =	shalt  }
0x6a: {  	_ =	shalt  }
0x6b: {  	_ =	shalt  }
0x6c: {  	_ =	shalt  }
0x6d: {  	_ =	shalt  }
0x6e: {  	_ =	shalt  }
0x6f: {  	_ =	shalt  }
0x70: {  	_ =	shalt  }
0x71: {  	_ =	shalt  }
0x72: {  	_ =	shalt  }
0x73: {  	_ =	shalt  }
0x74: {  	_ =	shalt  }
0x75: {  	_ =	shalt  }
0x76: {  	_ =	shalt  }
0x77: {  	_ =	shalt  }
0x78: {  	_ =	shalt  }
0x79: {  	_ =	shalt  }
0x7a: {  	_ =	shalt  }
0x7b: {  	_ =	shalt  }
0x7c: {  	_ =	shalt  }
0x7d: {  	_ =	shalt  }
0x7e: {  	_ =	shalt  }
0x7f: {  	_ =	shalt  }
0x80: {  	_ =	shalt  }
0x81: {  	_ =	shalt  }
0x82: {  	_ =	shalt  }
0x83: {  	_ =	shalt  }
0x84: {  	_ =	shalt  }
0x85: {  	_ =	shalt  }
0x86: {  	_ =	shalt  }
0x87: {  	_ =	shalt  }
.Lfunc_end0:
.L_simem_size_0:
called_computation.2_lowered:
.L_overlay_start_0:
0x88: {  	s2 =	sld [smem:$0x3FD9]  }
0x89: {  	s3 =	sld [smem:$0x3FFE];
	_ =	sdelay $0x1  }
0x8a: {  	s1 =	srdreg.scid  }
0x8b: {  	s0 =	sand.u32 $0x1, s1  }
0x8c: {  	s17 =	sshll.u32 s0, $0xA;
	s2 =	sadd.s32 s3, s2  }
0x8d: {  	s2 =	sadd.s32 s2, s17  }
0x8e: {  	[smem:$0x3FB7] =	sst s2  }
0x8f: {  	_ = 	snop  }
0x90: {  	(tm) =	ssettm $0x1  }
0x91: {  	s18 =	sld [smem:$0x3FFB];
	_ =	sdelay $0x3  }
0x92: {  	_ =	strace s18  }
0x93: {  	s2 =	sld [smem:$0x3FFC];
	_ =	sdelay $0x3  }
0x94: {  	_ =	strace s2  }
0x95: {  	s2 =	sld [smem:$0x3FFD];
	_ =	sdelay $0x3  }
0x96: {  	_ =	strace s2  }
0x97: {  	_ =	strace $0x8FFFFFFF  }
0x98: {  	s19 =	sld [smem:$0x3FDB];
	_ =	sdelay $0x1  }
0x99: {  	s20 =	simm.s32 $_scs_section_size  }
0x9a: {  	s4 =	simm.s32 $_size__tile_overlayer_lowered;
	s5 =	simm.s32 $_tile_overlayer_lowered  }
0x9b: {  	s6 =	simm.s32 $0x1BFF;
	s21 =	sshll.u32 s5, $0x1;
	s3 =	sadd.s32 s20, s19  }
0x9c: {  	s22 =	simm.s32 $0x0;
	s4 =	sshll.u32 s4, $0x1;
	s5 =	sadd.s32 s21, s3  }
0x9d: {  	[timem:s22], [sflag:s6] =	dma.local [hbm:s5], s4  }
0x9e: {  	_ =	swait.ge [sflag:s6], s4  }
0x9f: {  	s4 =	ssub.s32 $0x0, s4;
	[sflag:s6] =	ssyncset.done $0x0  }
0xa0: {  	[sflag:s6] =	ssyncadd.s32 s4;
	_ =	sdelay $0x1  }
0xa1: {  	s23 =	simm.s32 $0x1B8B  }
0xa2: {  	_ =	swait.ge [sflag:s23], $0x1  }
0xa3: {  	[sflag:s23] =	ssyncset.done $0x0  }
0xa4: {  	[sflag:s23] =	ssyncadd.s32 $0xFFFFFFFF  }
0xa5: {  	s4 =	sld [smem:$0x0]  }
0xa6: {  	s5 =	sand.u32 $0xFFFFFFFE, s1  }
0xa7: {  	p0 =	sne.s32 s1, s5  }
0xa8: {  	s5 =	sshll.u32 @p0 s5, $0xE  }
0xa9: {  	s5 =	sadd.s32 @p0 $0x11B8D, s5;
	s6 =	sshll.u32 @p0 s4, $0x11  }
0xaa: {  	s5 =	sor.u32 @p0 s6, s5  }
0xab: {  	[sflag:s5] =	ssyncadd.remote.s32 @p0 $0x1;
	_ =	sdelay $0x1  }
0xac: {  	s5 =	simm.s32 @p0 $0x1B8D  }
0xad: {  	_ =	swait.eq @p0 [sflag:s5], $0x1  }
0xae: {  	[sflag:s5] =	ssyncadd.s32 @p0 $0xFFFFFFFF  }
0xaf: {  	s6 =	sshll.u32 @!p0 s1, $0xE  }
0xb0: {  	s6 =	sor.u32 @!p0 $0x4000, s6;
	s5 =	simm.s32 @!p0 $0x1B8D  }
0xb1: {  	s4 =	sshll.u32 @!p0 s4, $0x11;
	s6 =	sadd.s32 @!p0 $0x11B8D, s6;
	_ =	swait.eq @!p0 [sflag:s5], $0x1  }
0xb2: {  	s4 =	sor.u32 @!p0 s4, s6;
	[sflag:s5] =	ssyncadd.s32 @!p0 $0xFFFFFFFF  }
0xb3: {  	s25 =	simm.s32 $0x1B8E;
	s24 =	sld [smem:$0x3FFE];
	[sflag:s4] =	ssyncadd.remote.s32 @!p0 $0x1  }
0xb4: {  	s26 =	simm.s32 $execute0_lowered;
	[smem:$0x3FD2] =	sst s25  }
0xb5: {  	s5 =	sshll.u32 s26, $0x1;
	_ =	strace $0x8000004C;
	[dreg:$0x1] =	wrdreg $0xFFFFFFFF  }
0xb6: {  	s28 =	simm.s32 $_size_execute0_lowered;
	s3 =	sadd.s32 s3, s5;
	[dreg:$0x0] =	wrdreg $0x0  }
0xb7: {  	s5 =	sshll.u32 s28, $0x1;
	[dreg:$0x2] =	wrdreg s3  }
0xb8: {  	[dreg:$0x3] =	wrdreg s5  }
0xb9: {  	[dreg:$0x4] =	wrdreg $0xC0  }
0xba: {  	_ =	task [dreg:s22], $0x5FFFF  }
0xbb: {  	[dreg:$0x1] =	wrdreg $0xFFFFFFFF  }
0xbc: {  	[dreg:$0x0] =	wrdreg $0x60  }
0xbd: {  	[dreg:$0x2] =	wrdreg s24  }
0xbe: {  	[dreg:$0x3] =	wrdreg $0x0  }
0xbf: {  	[dreg:$0x4] =	wrdreg $0xA  }
0xc0: {  	_ =	task.clear_ibuf [dreg:s22], $0x5FFFF;
	_ =	strace $0x9000004C  }
0xc1: {  	s29 =	simm.s32 $0xA;
	_ =	strace $0x8000004E  }
0xc2: {  	_ =	swait.ge [sflag:s29], $0x1  }
0xc3: {  	[sflag:s29] =	ssyncadd.s32 $0xFFFFFFFF  }
0xc4: {  	_ =	strace $0x9000004E  }
0xc5: {  	_ =	sfence  }
0xc6: {  	s30 =	sld [smem:$0x0];
	_ =	sdelay $0x2  }
0xc7: {  	s31 =	sshll.u32 s1, $0xD;
	s1 =	sshrl.u32 s1, $0x2  }
0xc8: {  	s4 =	sand.u32 $0x4000, s31;
	s1 =	sadd.s32 s1, s30  }
0xc9: {  	s0 =	sor.u32 s4, s0;
	s1 =	sshll.u32 s1, $0x11  }
0xca: {  	s0 =	sor.u32 s1, s0  }
0xcb: {  	s0 =	sadd.s32 $0x8F2B, s0  }
0xcc: {  	[sflag:s0] =	ssyncadd.remote.s32 $0x1  }
0xcd: {  	_ =	sfence.sel $0xFFFF  }
0xce: {  	[dreg:$0x0] =	wrdreg $0xFFFFFFFF;
	(pc) =	sbr.abs _section_cstart, $3  }
0xcf: {  	[dreg:$0x1] =	wrdreg $0xFFFFFFFF  }
0xd0: {  	_ =	task.clear_ibuf [dreg:s22], $0x2FFFF;
	_ =	strace $0x9FFFFFFF  }
0xd1: {  	(tm) =	ssettm $0x7FFFFFFF  }
tec
execute0_lowered:
.L_overlay_start_1:
0x0: {  	(tag) =	ssettag $0x1  }
0x1: {  	s0 =	rddreg [dreg:$0x0];
	s9 =	stileid.u32  }
0x2: {  	s1 =	srdreg.scid;
	s2 =	rddreg [dreg:$0x1];
	s3 =	simm.s32 $0x0  }
0x3: {  	s16 =	simm.s32 $0x19000;
	s17 =	simm.s32 $0x14000;
	s4 =	smul.u32 $0x19000, s9  }
0x4: {  	s18 =	simm.s32 $0x15400;
	s19 =	simm.s32 $0x1;
	s6 =	smul.u32 $0x14000, s9  }
0x5: {  	s28 =	simm.s32 $0x3;
	s29 =	simm.s32 $0x4;
	s8 =	smul.u32 $0x50000, s9  }
0x6: {  	s30 =	simm.s32 $0x0;
	s1 =	sand.u32 $0x1, s1;
	s24 =	smul.u32 $0x5000, s9  }
0x7: {  	[smem:$0x7FF] =	sst s3;
	s12 =	sadd.s32 $0x722800, s0;
	s15 =	smul.u32 $0xA00, s9  }
0x8: {  	s23 =	sshll.u32 s9, $0x6;
	s5 =	smul.u32 $0x140000, s1;
	_ =	strace $0x8000004D  }
0x9: {  	s21 =	ssub.s32 $0x2, s1;
	p0 =	seq.s32 s1, $0x1;
	s10 =	sadd.s32 s4, s0  }
0xa: {  	s7 =	sshrl.u32 s21, $0x1;
	s4 =	sadd.s32 $0x23200, s0;
	s22 =	sshrl.u32 s8, $0x2  }
0xb: {  	s25 =	sshrl.u32 s24, $0x3;
	s31 =	sadd.s32 s15, s12;
	s15 =	simm.s32 $0x5  }
0xc: {  	s24 =	simm.s32 $0x17C00;
	s20 =	sadd.s32 s6, s5;
	s13 =	ssub.s32 s21, s7  }
0xd: {  	s14 =	sadd.s32 s22, s2;
	s5 =	sor.u32 $0x1C05, s23;
	s7 =	sadd.s32 s12, s25  }
0xe: {  	s26 =	sadd.s32 $0x72CA80, s10;
	s9 =	sadd.s32 $0x8BC800, s10;
	s1 =	sadd.s32 $0x20, s31  }
.Ltmp0:
0xf: {  	s21 =	simm.s32 $0x19080;
	s22 =	simm.s32 $0x19100;
	(pc) =	sbr.rel .LBB2_1-.Ltmp0, $4  }
0x10: {  	s23 =	simm.s32 $0x16800;
	s25 =	simm.s32 $0x2;
	s6 =	sshrl.u32 s20, $0x3  }
0x11: {  	[dreg:$0x3] =	wrdreg s26;
	s12 =	smax.u32 s13, $0x1;
	s20 =	simm.s32 $0x28  }
0x12: {  	s26 =	simm.s32 $0x19180;
	s0 =	sadd.s32 s6, s0;
	s6 =	sadd.s32 $0x72C800, s10  }
0x13: {  	s14 =	sshrl.u32 s14, $0x3;
	s10 =	sadd.s32 $0x8BCA80, s10;
	s11 =	sadd.s32 $0xA4C800, s0  }
.LBB2_8:
0x14: {  	_ =	swait.ge [sflag:s29], $0x1400  }
0x15: {  	[sflag:s29] =	ssyncset.done $0x0  }
0x16: {  	[sflag:s29] =	ssyncadd.s32 $0xFFFFEC00  }
0x17: {  	_ =	swait.ge [sflag:s29], $0x1400  }
0x18: {  	s30 =	sadd.s32 $0x1, s30;
	[sflag:s29] =	ssyncset.done $0x0  }
0x19: {  	p1 =	sne.s32 s30, s12;
	[sflag:s29] =	ssyncadd.s32 $0xFFFFEC00  }
.Ltmp1:
0x1a: {  	[bflag:$0x0] =	sbarrier.arrive $0xFFFF;
	(pc) =	sbr.rel @!p1 .LBB2_9-.Ltmp1, $4  }
0x1b: {  	[hbm:s11], [sflag:s5] =	dma.local [spmem:s14], $0x2800  }
0x1c: {  	_ =	swait.ge [sflag:s15], $0x2800  }
0x1d: {  	[sflag:s15] =	ssyncset.done $0x0  }
0x1e: {  	[sflag:s15] =	ssyncadd.s32 $0xFFFFD800  }
.LBB2_1:
0x1f: {  	[spmem:s14], [sflag:s5] =	dma.local [hbm:s4], $0x2800  }
.Ltmp2:
0x20: {  	_ =	swait.ge [sflag:s15], $0x2800;
	(pc) =	sbr.rel @!p0 .LBB2_2-.Ltmp2, $4  }
0x21: {  	[sflag:s15] =	ssyncset.done $0x0  }
0x22: {  	[sflag:s15] =	ssyncadd.s32 $0xFFFFD800  }
0x23: {  	s31 =	simm.s32 $0x0;
	[bflag:$0x0] =	sbarrier.arrive $0xFFFF  }
0x24: {  	[tilespmem:s16], [sflag:$0x1] =	stream.linear.gather [hbm4b:s7+s3], $0x100, $0x38;
	[tilespmem:$0x19200] =	vst v63  }
0x25: {  	[tilespmem:s17], [sflag:$0x1] =	stream.linear.gather [hbm4b:s9+s31], $0x1400, $0x38;
	[tilespmem:$0x19200] =	vst v63  }
0x26: {  	s13 =	smov.u32 s1  }
0x27: {  	[tilespmem:s18], [sflag:$0x1] =	stream.linear.gather [hbm4b:s10+s31], $0x1400, $0x38;
	[tilespmem:$0x19200] =	vst v63  }
.LBB2_6:
0x28: {  	_ =	swait.ge [sflag:s19], $0x100  }
0x29: {  	[sflag:s19] =	ssyncset.done $0x0  }
0x2a: {  	[sflag:s19] =	ssyncadd.s32 $0xFFFFFF00  }
0x2b: {  	_ =	swait.ge [sflag:s19], $0x1400  }
0x2c: {  	[sflag:s19] =	ssyncset.done $0x0  }
0x2d: {  	[sflag:s19] =	ssyncadd.s32 $0xFFFFEC00  }
0x2e: {  	_ =	swait.ge [sflag:s19], $0x1400  }
0x2f: {  	[sflag:s19] =	ssyncset.done $0x0  }
0x30: {  	p1 =	seq.s32 s31, $0x0;
	[sflag:s19] =	ssyncadd.s32 $0xFFFFEC00  }
0x31: {  	[spmem:s2] =	stream.indirect.scatter.add.f32 [tilespmem:s17], [sflag:$0x3], $0x80, s16, s20, $0xb8;
	[tilespmem:$0x19200] =	vst v63  }
0x32: {  	s0 =	simm.s32 @!p1 $0x4  }
0x33: {  	[spmem:s2] =	stream.indirect.scatter.add.f32 [tilespmem:s18], [sflag:$0x3], $0x80, s21, s20, $0xb8;
	[tilespmem:$0x19200] =	vst v63  }
0x34: {  	_ =	swait.ge @!p1 [sflag:s0], $0x1400  }
0x35: {  	[sflag:s0] =	ssyncset.done @!p1 $0x0  }
0x36: {  	[sflag:s0] =	ssyncadd.s32 @!p1 $0xFFFFEC00  }
0x37: {  	_ =	swait.ge @!p1 [sflag:s0], $0x1400  }
0x38: {  	[sflag:s0] =	ssyncset.done @!p1 $0x0  }
0x39: {  	[sflag:s0] =	ssyncadd.s32 @!p1 $0xFFFFEC00;
	s0 =	sadd.s32 s31, s9  }
0x3a: {  	[tilespmem:s22], [sflag:$0x2] =	stream.linear.gather [hbm4b:s13+s3], $0x100, $0x38;
	[tilespmem:$0x19200] =	vst v63  }
0x3b: {  	s8 =	sadd.s32 $0x500, s0  }
0x3c: {  	[tilespmem:s23], [sflag:$0x2] =	stream.linear.gather [hbm4b:s8+s3], $0x1400, $0x38;
	[tilespmem:$0x19200] =	vst v63  }
0x3d: {  	s8 =	sadd.s32 $0x780, s0  }
0x3e: {  	[tilespmem:s24], [sflag:$0x2] =	stream.linear.gather [hbm4b:s8+s3], $0x1400, $0x38;
	[tilespmem:$0x19200] =	vst v63  }
0x3f: {  	_ =	swait.ge [sflag:s25], $0x100  }
0x40: {  	[sflag:s25] =	ssyncset.done $0x0  }
0x41: {  	[sflag:s25] =	ssyncadd.s32 $0xFFFFFF00  }
0x42: {  	_ =	swait.ge [sflag:s25], $0x1400  }
0x43: {  	[sflag:s25] =	ssyncset.done $0x0  }
0x44: {  	[sflag:s25] =	ssyncadd.s32 $0xFFFFEC00  }
0x45: {  	_ =	swait.ge [sflag:s25], $0x1400  }
0x46: {  	[sflag:s25] =	ssyncset.done $0x0  }
0x47: {  	[sflag:s25] =	ssyncadd.s32 $0xFFFFEC00  }
0x48: {  	[spmem:s2] =	stream.indirect.scatter.add.f32 [tilespmem:s23], [sflag:$0x4], $0x80, s22, s20, $0xb8;
	[tilespmem:$0x19200] =	vst v63  }
0x49: {  	_ = 	snop  }
0x4a: {  	[spmem:s2] =	stream.indirect.scatter.add.f32 [tilespmem:s24], [sflag:$0x4], $0x80, s26, s20, $0xb8;
	[tilespmem:$0x19200] =	vst v63  }
0x4b: {  	p1 =	seq.s32 s31, $0x18600;
	_ =	swait.ge [sflag:s28], $0x1400  }
.Ltmp3:
0x4c: {  	[sflag:s28] =	ssyncset.done $0x0;
	(pc) =	sbr.rel @p1 .LBB2_8-.Ltmp3, $4  }
0x4d: {  	[sflag:s28] =	ssyncadd.s32 $0xFFFFEC00  }
0x4e: {  	_ =	swait.ge [sflag:s28], $0x1400  }
0x4f: {  	[sflag:s28] =	ssyncset.done $0x0  }
0x50: {  	[sflag:s28] =	ssyncadd.s32 $0xFFFFEC00  }
0x51: {  	s8 =	sadd.s32 $0x20, s13  }
0x52: {  	[tilespmem:s16], [sflag:$0x1] =	stream.linear.gather [hbm4b:s8+s3], $0x100, $0x38;
	[tilespmem:$0x19200] =	vst v63  }
.Ltmp4:
0x53: {  	_ = 	snop;
	(pc) =	sbr.rel .LBB2_6-.Ltmp4, $4  }
0x54: {  	s8 =	sadd.s32 $0xA00, s0  }
0x55: {  	[tilespmem:s17], [sflag:$0x1] =	stream.linear.gather [hbm4b:s8+s3], $0x1400, $0x38;
	[tilespmem:$0x19200] =	vst v63  }
0x56: {  	s31 =	sadd.s32 $0xA00, s31;
	s13 =	sadd.s32 $0x40, s13;
	s8 =	sadd.s32 $0xC80, s0  }
0x57: {  	[tilespmem:s18], [sflag:$0x1] =	stream.linear.gather [hbm4b:s8+s3], $0x1400, $0x38;
	[tilespmem:$0x19200] =	vst v63  }
.LBB2_2:
0x58: {  	[tilespmem:s17], [sflag:$0x1] =	stream.linear.gather [hbm4b:s6+s31], $0x1400, $0x38;
	[tilespmem:$0x19200] =	vst v63  }
0x59: {  	s0 =	rddreg [dreg:$0x3];
	s13 =	smov.u32 s1  }
0x5a: {  	[tilespmem:s18], [sflag:$0x1] =	stream.linear.gather [hbm4b:s0+s31], $0x1400, $0x38;
	[tilespmem:$0x19200] =	vst v63  }
.LBB2_3:
0x5b: {  	_ =	swait.ge [sflag:s19], $0x100  }
0x5c: {  	[sflag:s19] =	ssyncset.done $0x0  }
0x5d: {  	[sflag:s19] =	ssyncadd.s32 $0xFFFFFF00  }
0x5e: {  	_ =	swait.ge [sflag:s19], $0x1400  }
0x5f: {  	[sflag:s19] =	ssyncset.done $0x0  }
0x60: {  	[sflag:s19] =	ssyncadd.s32 $0xFFFFEC00  }
0x61: {  	_ =	swait.ge [sflag:s19], $0x1400  }
0x62: {  	[sflag:s19] =	ssyncset.done $0x0  }
0x63: {  	p1 =	seq.s32 s31, $0x0;
	[sflag:s19] =	ssyncadd.s32 $0xFFFFEC00  }
0x64: {  	[spmem:s2] =	stream.indirect.scatter.add.f32 [tilespmem:s17], [sflag:$0x3], $0x80, s16, s20, $0xb8;
	[tilespmem:$0x19200] =	vst v63  }
0x65: {  	s0 =	simm.s32 @!p1 $0x4  }
0x66: {  	[spmem:s2] =	stream.indirect.scatter.add.f32 [tilespmem:s18], [sflag:$0x3], $0x80, s21, s20, $0xb8;
	[tilespmem:$0x19200] =	vst v63  }
0x67: {  	_ =	swait.ge @!p1 [sflag:s0], $0x1400  }
0x68: {  	[sflag:s0] =	ssyncset.done @!p1 $0x0  }
0x69: {  	[sflag:s0] =	ssyncadd.s32 @!p1 $0xFFFFEC00  }
0x6a: {  	_ =	swait.ge @!p1 [sflag:s0], $0x1400  }
0x6b: {  	[sflag:s0] =	ssyncset.done @!p1 $0x0  }
0x6c: {  	[sflag:s0] =	ssyncadd.s32 @!p1 $0xFFFFEC00;
	s0 =	sadd.s32 s31, s6  }
0x6d: {  	[tilespmem:s22], [sflag:$0x2] =	stream.linear.gather [hbm4b:s13+s3], $0x100, $0x38;
	[tilespmem:$0x19200] =	vst v63  }
0x6e: {  	s8 =	sadd.s32 $0x500, s0  }
0x6f: {  	[tilespmem:s23], [sflag:$0x2] =	stream.linear.gather [hbm4b:s8+s3], $0x1400, $0x38;
	[tilespmem:$0x19200] =	vst v63  }
0x70: {  	s8 =	sadd.s32 $0x780, s0  }
0x71: {  	[tilespmem:s24], [sflag:$0x2] =	stream.linear.gather [hbm4b:s8+s3], $0x1400, $0x38;
	[tilespmem:$0x19200] =	vst v63  }
0x72: {  	_ =	swait.ge [sflag:s25], $0x100  }
0x73: {  	[sflag:s25] =	ssyncset.done $0x0  }
0x74: {  	[sflag:s25] =	ssyncadd.s32 $0xFFFFFF00  }
0x75: {  	_ =	swait.ge [sflag:s25], $0x1400  }
0x76: {  	[sflag:s25] =	ssyncset.done $0x0  }
0x77: {  	[sflag:s25] =	ssyncadd.s32 $0xFFFFEC00  }
0x78: {  	_ =	swait.ge [sflag:s25], $0x1400  }
0x79: {  	[sflag:s25] =	ssyncset.done $0x0  }
0x7a: {  	[sflag:s25] =	ssyncadd.s32 $0xFFFFEC00  }
0x7b: {  	[spmem:s2] =	stream.indirect.scatter.add.f32 [tilespmem:s23], [sflag:$0x4], $0x80, s22, s20, $0xb8;
	[tilespmem:$0x19200] =	vst v63  }
0x7c: {  	_ = 	snop  }
0x7d: {  	[spmem:s2] =	stream.indirect.scatter.add.f32 [tilespmem:s24], [sflag:$0x4], $0x80, s26, s20, $0xb8;
	[tilespmem:$0x19200] =	vst v63  }
0x7e: {  	p1 =	seq.s32 s31, $0x18600;
	_ =	swait.ge [sflag:s28], $0x1400  }
.Ltmp5:
0x7f: {  	[sflag:s28] =	ssyncset.done $0x0;
	(pc) =	sbr.rel @p1 .LBB2_8-.Ltmp5, $4  }
0x80: {  	[sflag:s28] =	ssyncadd.s32 $0xFFFFEC00  }
0x81: {  	_ =	swait.ge [sflag:s28], $0x1400  }
0x82: {  	[sflag:s28] =	ssyncset.done $0x0  }
0x83: {  	[sflag:s28] =	ssyncadd.s32 $0xFFFFEC00  }
0x84: {  	s8 =	sadd.s32 $0x20, s13  }
0x85: {  	[tilespmem:s16], [sflag:$0x1] =	stream.linear.gather [hbm4b:s8+s3], $0x100, $0x38;
	[tilespmem:$0x19200] =	vst v63  }
.Ltmp6:
0x86: {  	_ = 	snop;
	(pc) =	sbr.rel .LBB2_3-.Ltmp6, $4  }
0x87: {  	s8 =	sadd.s32 $0xA00, s0  }
0x88: {  	[tilespmem:s17], [sflag:$0x1] =	stream.linear.gather [hbm4b:s8+s3], $0x1400, $0x38;
	[tilespmem:$0x19200] =	vst v63  }
0x89: {  	s31 =	sadd.s32 $0xA00, s31;
	s13 =	sadd.s32 $0x40, s13;
	s8 =	sadd.s32 $0xC80, s0  }
0x8a: {  	[tilespmem:s18], [sflag:$0x1] =	stream.linear.gather [hbm4b:s8+s3], $0x1400, $0x38;
	[tilespmem:$0x19200] =	vst v63  }
.LBB2_9:
0x8b: {  	_ =	sfence.sel $0x180000  }
0x8c: {  	[bflag:$0x0] =	sbarrier.arrive $0xFFFF  }
0x8d: {  	_ =	strace $0x9000004D  }
0x8e: {  	s0 =	stileid.u32;
	[bflag:$0x2] =	sbarrier.arrive $0xFFFF  }
0x8f: {  	p0 =	sne.s32 s0, $0x0;
	s0 =	rddreg [dreg:$0x2]  }
0x90: {  	s0 =	sadd.s32 @!p0 $0x100000, s0  }
0x91: {  	[sflag:s0] =	ssyncadd.tile.s32 @!p0 $0x1;
	_ =	shalt  }
.Lfunc_end2:
_tile_overlayer_lowered:
.L_overlay_start_2:
0x92: {  	(tag) =	ssettag $0x2  }
0x93: {  	s0 =	rddreg [dreg:$0x0];
	s2 =	stileid.u32  }
0x94: {  	s1 =	rddreg [dreg:$0x1];
	p0 =	sne.s32 s2, $0x0  }
0x95: {  	s3 =	rddreg [dreg:$0x2];
	[bflag:$0x3] =	sbarrier.arrive $0xFFFF;
	s2 =	simm.s32 @!p0 $0x1C05  }
0x96: {  	[timem:s3], [sflag:s2] =	dma.local @!p0 [hbm:s0], s1  }
0x97: {  	s0 =	simm.s32 @!p0 $0x5  }
0x98: {  	_ =	swait.ge @!p0 [sflag:s0], s1  }
0x99: {  	s1 =	ssub.s32 @!p0 $0x0, s1;
	[sflag:s0] =	ssyncset.done @!p0 $0x0  }
0x9a: {  	[sflag:s0] =	ssyncadd.s32 @!p0 s1  }
0x9b: {  	[bflag:$0x3] =	sbarrier.arrive $0xFFFF  }
0x9c: {  	_ =	shalt  }

// kernel: kernel.7.cloned.1.call-start
scs
__scs_entry_jumppad:
0x0: {  	(pc) =	sbr.rel $0x88, $3  }
0x1: {  	(tag) =	ssettag $0x0;
	lr =	simm.s32 $0x1  }
0x2: {  	[smem:$0x3F90] =	sst lr;
	_ =	strace $0xD0000000  }
0x3: {  	_ = 	snop  }
0x4: {  	_ = 	snop  }
0x5: {  	_ = 	snop  }
0x6: {  	_ = 	snop  }
0x7: {  	_ = 	snop  }
__scs_overlays_trampoline_lowered:
0x8: {  	[smem:$0x3F9F] =	sst s0  }
0x9: {  	[smem:$0x3FA0] =	sst s1  }
0xa: {  	[smem:$0x3FA1] =	sst s2  }
0xb: {  	[smem:$0x3FA2] =	sst s3  }
0xc: {  	[smem:$0x3FA3] =	sst s4  }
0xd: {  	[smem:$0x3FA4] =	sst s5  }
0xe: {  	[smem:$0x3FA5] =	sst s6  }
0xf: {  	[smem:$0x3FA6] =	sst s7  }
0x10: {  	[smem:$0x3FA7] =	sst s8  }
0x11: {  	[smem:$0x3FA8] =	sst s9;
	s0 =	simm.s32 @!p0 $0x0  }
0x12: {  	s1 =	sld [smem:$0x3F8E];
	s0 =	simm.s32 @p0 $0x1  }
0x13: {  	[smem:$0x3FA9] =	sst s0;
	s0 =	simm.s32 @!p1 $0x0  }
0x14: {  	s2 =	sld [smem:$0x3F8D];
	s0 =	simm.s32 @p1 $0x1  }
0x15: {  	[smem:$0x3FAA] =	sst s0;
	s0 =	simm.s32 @!p2 $0x0  }
0x16: {  	s3 =	sld [smem:$0x3FDB];
	s0 =	simm.s32 @p2 $0x1  }
0x17: {  	s4 =	simm.s32 $0x1BF5;
	[smem:$0x3FAC] =	sst s0  }
0x18: {  	s0 =	sld [smem:$0x3F8F];
	_ =	swait.ge [sflag:s4], $0x0  }
0x19: {  	s7 =	sld [smem:$0x3F90]  }
0x1a: {  	s8 =	sadd.s32 $0xFFFFE003, lr  }
0x1b: {  	s9 =	sadd.s32 $0xFFFFFEF7, lr;
	s5 =	simm.s32 $0xFFFFFFFF;
	p2 =	slt.u32 s8, $0xFFFFF086  }
0x1c: {  	p1 =	slt.u32 s9, $0xF7A;
	s5 =	simm.s32 @!p2 $0x0  }
0x1d: {  	s5 =	simm.s32 @p1 $0x1;
	p0 =	seq.s32 s7, s2  }
0x1e: {  	s7 =	smul.u32 @!p0 $0xF7A, s2;
	p2 =	seq.s32 @!p0 s5, $0x0  }
0x1f: {  	s9 =	smul.u32 $0xF7A, s1;
	s8 =	simm.s32 @!p0 $0x1BF5;
	p2 =	por !p2, p0  }
0x20: {  	[sflag:s8] =	ssyncset.s32 @!p0 $0xFFFFF086;
	s6 =	sadd.s32 @!p0 s3, s7;
	s7 =	simm.s32 @!p0 $0x108  }
0x21: {  	s3 =	sadd.s32 s3, s9;
	s6 =	sadd.s32 @!p0 $0x88, s6;
	s7 =	simm.s32 @p2 $0x1082  }
0x22: {  	[simem:s7], [sflag:s8] =	dma.local @!p0 [hbm:s6], $0xF7A  }
0x23: {  	s9 =	sor.u32 $0xD0000000, s2;
	s6 =	simm.s32 $0x108;
	_ =	swait.ge @!p0 [sflag:s8], $0x0  }
0x24: {  	s3 =	sadd.s32 $0x88, s3;
	s6 =	simm.s32 @!p1 $0x1082;
	[sflag:s4] =	ssyncset.s32 $0xFFFFF086  }
0x25: {  	[simem:s6], [sflag:s4] =	dma.local [hbm:s3], $0xF7A  }
0x26: {  	[smem:$0x3F90] =	sst s1;
	(tag) =	ssettag s2;
	_ =	strace s9  }
0x27: {  	s1 =	sld [smem:$0x3FA0]  }
0x28: {  	s2 =	sld [smem:$0x3FA1]  }
0x29: {  	s4 =	sld [smem:$0x3FA3]  }
0x2a: {  	p0 =	seq.s32 s5, $0x0;
	s5 =	sld [smem:$0x3FA4]  }
0x2b: {  	s6 =	sld [smem:$0x3FA5]  }
0x2c: {  	s7 =	sld [smem:$0x3FA6]  }
0x2d: {  	s3 =	simm.s32 $0x108;
	s8 =	sld [smem:$0x3FA7]  }
0x2e: {  	s3 =	simm.s32 @!p0 $0x1082;
	s9 =	sld [smem:$0x3FA8]  }
0x2f: {  	lr =	sadd.s32 s0, s3;
	s0 =	sld [smem:$0x3F9F]  }
0x30: {  	s3 =	sld [smem:$0x3FA2]  }
0x31: {  	[smem:$0x3FAB] =	sst s10  }
0x32: {  	s10 =	sld [smem:$0x3FA9];
	_ =	sdelay $0x3  }
0x33: {  	p0 =	seq.s32 s10, $0x1;
	s10 =	sld [smem:$0x3FAB];
	_ =	sdelay $0x3  }
0x34: {  	[smem:$0x3FAB] =	sst s10  }
0x35: {  	s10 =	sld [smem:$0x3FAA];
	_ =	sdelay $0x3  }
0x36: {  	p1 =	seq.s32 s10, $0x1;
	s10 =	sld [smem:$0x3FAB];
	_ =	sdelay $0x3  }
0x37: {  	[smem:$0x3FAB] =	sst s10  }
0x38: {  	s10 =	sld [smem:$0x3FAC]  }
0x39: {  	_ = 	snop;
	(pc) =	sbr.ind lr, $3  }
0x3a: {  	_ = 	snop  }
0x3b: {  	_ = 	snop  }
0x3c: {  	p2 =	seq.s32 s10, $0x1;
	s10 =	sld [smem:$0x3FAB]  }
0x3d: {  	_ =	shalt  }
0x3e: {  	_ =	shalt  }
0x3f: {  	_ =	shalt  }
0x40: {  	_ =	shalt  }
0x41: {  	_ =	shalt  }
0x42: {  	_ =	shalt  }
0x43: {  	_ =	shalt  }
0x44: {  	_ =	shalt  }
0x45: {  	_ =	shalt  }
0x46: {  	_ =	shalt  }
0x47: {  	_ =	shalt  }
0x48: {  	_ =	shalt  }
0x49: {  	_ =	shalt  }
0x4a: {  	_ =	shalt  }
0x4b: {  	_ =	shalt  }
0x4c: {  	_ =	shalt  }
0x4d: {  	_ =	shalt  }
0x4e: {  	_ =	shalt  }
0x4f: {  	_ =	shalt  }
0x50: {  	_ =	shalt  }
0x51: {  	_ =	shalt  }
0x52: {  	_ =	shalt  }
0x53: {  	_ =	shalt  }
0x54: {  	_ =	shalt  }
0x55: {  	_ =	shalt  }
0x56: {  	_ =	shalt  }
0x57: {  	_ =	shalt  }
0x58: {  	_ =	shalt  }
0x59: {  	_ =	shalt  }
0x5a: {  	_ =	shalt  }
0x5b: {  	_ =	shalt  }
0x5c: {  	_ =	shalt  }
0x5d: {  	_ =	shalt  }
0x5e: {  	_ =	shalt  }
0x5f: {  	_ =	shalt  }
0x60: {  	_ =	shalt  }
0x61: {  	_ =	shalt  }
0x62: {  	_ =	shalt  }
0x63: {  	_ =	shalt  }
0x64: {  	_ =	shalt  }
0x65: {  	_ =	shalt  }
0x66: {  	_ =	shalt  }
0x67: {  	_ =	shalt  }
0x68: {  	_ =	shalt  }
0x69: {  	_ =	shalt  }
0x6a: {  	_ =	shalt  }
0x6b: {  	_ =	shalt  }
0x6c: {  	_ =	shalt  }
0x6d: {  	_ =	shalt  }
0x6e: {  	_ =	shalt  }
0x6f: {  	_ =	shalt  }
0x70: {  	_ =	shalt  }
0x71: {  	_ =	shalt  }
0x72: {  	_ =	shalt  }
0x73: {  	_ =	shalt  }
0x74: {  	_ =	shalt  }
0x75: {  	_ =	shalt  }
0x76: {  	_ =	shalt  }
0x77: {  	_ =	shalt  }
0x78: {  	_ =	shalt  }
0x79: {  	_ =	shalt  }
0x7a: {  	_ =	shalt  }
0x7b: {  	_ =	shalt  }
0x7c: {  	_ =	shalt  }
0x7d: {  	_ =	shalt  }
0x7e: {  	_ =	shalt  }
0x7f: {  	_ =	shalt  }
0x80: {  	_ =	shalt  }
0x81: {  	_ =	shalt  }
0x82: {  	_ =	shalt  }
0x83: {  	_ =	shalt  }
0x84: {  	_ =	shalt  }
0x85: {  	_ =	shalt  }
0x86: {  	_ =	shalt  }
0x87: {  	_ =	shalt  }
.Lfunc_end0:
.L_simem_size_0:
called_computation_lowered:
.L_overlay_start_0:
0x88: {  	s2 =	sld [smem:$0x3FD9]  }
0x89: {  	s3 =	sld [smem:$0x3FFE];
	_ =	sdelay $0x1  }
0x8a: {  	s1 =	srdreg.scid  }
0x8b: {  	s0 =	sand.u32 $0x1, s1  }
0x8c: {  	s17 =	sshll.u32 s0, $0xA;
	s2 =	sadd.s32 s3, s2  }
0x8d: {  	s2 =	sadd.s32 s2, s17  }
0x8e: {  	[smem:$0x3FB7] =	sst s2  }
0x8f: {  	_ = 	snop  }
0x90: {  	s2 =	sld [smem:$0x3FC9];
	(tm) =	ssettm $0x1  }
0x91: {  	s18 =	sld [smem:$0x3FFB];
	_ =	sdelay $0x3  }
0x92: {  	_ =	strace s18  }
0x93: {  	s3 =	sld [smem:$0x3FFC];
	_ =	sdelay $0x3  }
0x94: {  	_ =	strace s3  }
0x95: {  	s3 =	sld [smem:$0x3FFD];
	_ =	sdelay $0x3  }
0x96: {  	_ =	strace s3  }
0x97: {  	_ =	strace $0x8FFFFFFF  }
0x98: {  	s19 =	sld [smem:$0x3FDB];
	_ =	sdelay $0x1  }
0x99: {  	s4 =	simm.s32 $_scs_section_size  }
0x9a: {  	s5 =	simm.s32 $_size__tile_overlayer_lowered;
	s6 =	simm.s32 $_tile_overlayer_lowered  }
0x9b: {  	s22 =	simm.s32 $0x1BFF;
	s21 =	sshll.u32 s6, $0x1;
	s3 =	sadd.s32 s4, s19  }
0x9c: {  	s7 =	simm.s32 $0x0;
	s20 =	sshll.u32 s5, $0x1;
	s5 =	sadd.s32 s21, s3  }
0x9d: {  	[timem:s7], [sflag:s22] =	dma.local [hbm:s5], s20  }
0x9e: {  	_ =	swait.ge [sflag:s22], s20  }
0x9f: {  	s4 =	ssub.s32 $0x0, s20;
	[sflag:s22] =	ssyncset.done $0x0  }
0xa0: {  	[sflag:s22] =	ssyncadd.s32 s4;
	_ =	sdelay $0x1  }
0xa1: {  	s23 =	simm.s32 $0x1B8B  }
0xa2: {  	_ =	swait.ge [sflag:s23], $0x1  }
0xa3: {  	[sflag:s23] =	ssyncset.done $0x0  }
0xa4: {  	s25 =	simm.s32 $0x1B8E;
	s24 =	sld [smem:$0x3FFE];
	[sflag:s23] =	ssyncadd.s32 $0xFFFFFFFF  }
0xa5: {  	s26 =	simm.s32 $execute0_lowered;
	[smem:$0x3FD2] =	sst s25  }
0xa6: {  	s5 =	sshll.u32 s26, $0x1;
	_ =	strace $0x80000046;
	[dreg:$0x1] =	wrdreg $0xFFFFFFFF  }
0xa7: {  	s28 =	simm.s32 $_size_execute0_lowered;
	s3 =	sadd.s32 s3, s5;
	[dreg:$0x0] =	wrdreg $0x0  }
0xa8: {  	s5 =	sshll.u32 s28, $0x1;
	[dreg:$0x2] =	wrdreg s3  }
0xa9: {  	[dreg:$0x3] =	wrdreg s5  }
0xaa: {  	[dreg:$0x4] =	wrdreg $0xC0  }
0xab: {  	_ =	task [dreg:s7], $0x5FFFF  }
0xac: {  	[dreg:$0x1] =	wrdreg $0xFFFFFFFF  }
0xad: {  	[dreg:$0x0] =	wrdreg $0x60  }
0xae: {  	[dreg:$0x2] =	wrdreg s2  }
0xaf: {  	[dreg:$0x3] =	wrdreg s24  }
0xb0: {  	[dreg:$0x4] =	wrdreg $0x9  }
0xb1: {  	_ =	task.clear_ibuf [dreg:s7], $0x5FFFF;
	_ =	strace $0x90000046  }
0xb2: {  	s29 =	simm.s32 $0x9;
	_ =	strace $0x80000048  }
0xb3: {  	_ =	swait.ge [sflag:s29], $0x1  }
0xb4: {  	[sflag:s29] =	ssyncadd.s32 $0xFFFFFFFF  }
0xb5: {  	_ =	strace $0x90000048  }
0xb6: {  	_ =	sfence  }
0xb7: {  	s30 =	sld [smem:$0x0];
	_ =	sdelay $0x2  }
0xb8: {  	s31 =	sshll.u32 s1, $0xD;
	s1 =	sshrl.u32 s1, $0x2  }
0xb9: {  	s3 =	sand.u32 $0x4000, s31;
	s1 =	sadd.s32 s1, s30  }
0xba: {  	s0 =	sor.u32 s3, s0;
	s1 =	sshll.u32 s1, $0x11  }
0xbb: {  	s0 =	sor.u32 s1, s0  }
0xbc: {  	s0 =	sadd.s32 $0x8F2B, s0  }
0xbd: {  	[sflag:s0] =	ssyncadd.remote.s32 $0x1  }
0xbe: {  	_ =	sfence.sel $0xFFFF  }
0xbf: {  	[dreg:$0x0] =	wrdreg $0xFFFFFFFF;
	(pc) =	sbr.abs _section_cstart, $3  }
0xc0: {  	[dreg:$0x1] =	wrdreg $0xFFFFFFFF  }
0xc1: {  	_ =	task.clear_ibuf [dreg:s7], $0x2FFFF;
	_ =	strace $0x9FFFFFFF  }
0xc2: {  	(tm) =	ssettm $0x7FFFFFFF  }
0xc3: {  	_ =	shalt  }
tec
execute0_lowered:
.L_overlay_start_1:
0x0: {  	(tag) =	ssettag $0x1  }
0x1: {  	s2 =	rddreg [dreg:$0x0];
	s1 =	srdreg.scid  }
0x2: {  	s0 =	stileid.u32;
	s4 =	rddreg [dreg:$0x1]  }
0x3: {  	s10 =	simm.s32 $0x2780;
	s5 =	sand.u32 $0x1, s1;
	s3 =	sshll.u32 s0, $0x1  }
0x4: {  	s11 =	simm.s32 $0x4F00;
	s1 =	rddreg [dreg:$0x2];
	s6 =	sor.u32 s5, s3  }
0x5: {  	s3 =	simm.s32 $0x0;
	s5 =	ssub.s32 $0x2, s5;
	s6 =	smul.u32 $0x4E2, s6  }
0x6: {  	s12 =	simm.s32 $0x0;
	[smem:$0x7FF] =	sst s3;
	s7 =	sshrl.u32 s5, $0x1  }
0x7: {  	_ =	strace $0x80000047;
	s9 =	ssub.s32 s5, s7;
	s8 =	sadd.s32 s6, s4  }
0x8: {  	s4 =	sadd.s32 $0x5800, s8;
	s5 =	sadd.s32 $0x19400, s8;
	s6 =	sadd.s32 $0xF600, s8  }
0x9: {  	s7 =	sadd.s32 $0x23200, s8;
	s8 =	smax.u32 s9, $0x1;
	s9 =	simm.s32 $0x1  }
.LBB2_1:
0xa: {  	[tilespmem:s3], [sflag:$0x1] =	stream.linear.gather [hbm4b:s2+s3], $0x2780, $0x38;
	[tilespmem:$0x7680] =	vst v63  }
0xb: {  	_ =	swait.ge [sflag:s9], $0x2780  }
0xc: {  	[sflag:s9] =	ssyncset.done $0x0  }
0xd: {  	[sflag:s9] =	ssyncadd.s32 $0xFFFFD880  }
0xe: {  	[tilespmem:s10], [sflag:$0x1] =	stream.linear.gather [hbm4b:s4+s3], $0x2710, $0x38;
	[tilespmem:$0x7680] =	vst v63  }
0xf: {  	_ =	swait.ge [sflag:s9], $0x2710  }
0x10: {  	[sflag:s9] =	ssyncset.done $0x0  }
0x11: {  	s13 =	simm.s32 $0x0;
	[sflag:s9] =	ssyncadd.s32 $0xFFFFD8F0  }
0x12: {  	v0 =	vld [tilespmem:s13+$0x2780];
	_ =	sdelay $0x7  }
0x13: {  	s14 =	simm.s32 $0x10;
	s15 =	simm.s32 $0x80;
	v0 =	vld.idx.msk [tilespmem:v0+s3+$0x0], $0xffff  }
.LBB2_2:
0x14: {  	p0 =	sne.s32 s15, $0x9C00;
	v1 =	vld [tilespmem:s14+$0x2780];
	_ =	sdelay $0x3  }
.Ltmp0:
0x15: {  	(pc) =	sbr.rel @p0 .LBB2_2-.Ltmp0, $3  }
0x16: {  	v0 =	vcvt.s32.f32 v0;
	_ =	sdelay $0x1  }
0x17: {  	[tilespmem:s13+$0x4F00] =	vst v0;
	s13 =	smov.u32 s14  }
0x18: {  	s14 =	sshra.s32 s15, $0x2;
	s15 =	sadd.s32 $0x40, s15;
	v0 =	vld.idx.msk [tilespmem:v1+s3+$0x0], $0xffff  }
0x19: {  	v1 =	vld [tilespmem:s14+$0x2780];
	_ =	sdelay $0x4  }
0x1a: {  	v0 =	vcvt.s32.f32 v0;
	_ =	sdelay $0x1  }
0x1b: {  	[tilespmem:s13+$0x4F00] =	vst v0  }
0x1c: {  	v0 =	vld.idx.msk [tilespmem:v1+s3+$0x0], $0xffff;
	_ =	sdelay $0x4  }
0x1d: {  	v0 =	vcvt.s32.f32 v0;
	_ =	sdelay $0x1  }
0x1e: {  	s31 =	simm.s32 $0x0;
	[tilespmem:s14+$0x4F00] =	vst v0  }
0x1f: {  	[hbm4b:s5+s31] =	stream.linear.scatter [tilespmem:s11], [sflag:$0x1], $0x2710, $0x38;
	[tilespmem:$0x7680] =	vst v63  }
0x20: {  	_ =	swait.ge [sflag:s9], $0x2710  }
0x21: {  	[sflag:s9] =	ssyncset.done $0x0  }
0x22: {  	[sflag:s9] =	ssyncadd.s32 $0xFFFFD8F0  }
0x23: {  	[tilespmem:s10], [sflag:$0x1] =	stream.linear.gather [hbm4b:s6+s31], $0x2710, $0x38;
	[tilespmem:$0x7680] =	vst v63  }
0x24: {  	_ =	swait.ge [sflag:s9], $0x2710  }
0x25: {  	[sflag:s9] =	ssyncset.done $0x0  }
0x26: {  	s13 =	simm.s32 $0x0;
	[sflag:s9] =	ssyncadd.s32 $0xFFFFD8F0  }
0x27: {  	v0 =	vld [tilespmem:s13+$0x2780];
	_ =	sdelay $0x7  }
0x28: {  	s15 =	simm.s32 $0x80;
	s14 =	simm.s32 $0x10;
	v0 =	vld.idx.msk [tilespmem:v0+s3+$0x0], $0xffff  }
.LBB2_4:
0x29: {  	p0 =	sne.s32 s15, $0x9C00;
	v1 =	vld [tilespmem:s14+$0x2780];
	_ =	sdelay $0x3  }
.Ltmp1:
0x2a: {  	(pc) =	sbr.rel @p0 .LBB2_4-.Ltmp1, $3  }
0x2b: {  	v0 =	vcvt.s32.f32 v0;
	_ =	sdelay $0x1  }
0x2c: {  	[tilespmem:s13+$0x4F00] =	vst v0;
	s13 =	smov.u32 s14  }
0x2d: {  	s14 =	sshra.s32 s15, $0x2;
	s15 =	sadd.s32 $0x40, s15;
	v0 =	vld.idx.msk [tilespmem:v1+s3+$0x0], $0xffff  }
0x2e: {  	v1 =	vld [tilespmem:s14+$0x2780];
	_ =	sdelay $0x4  }
0x2f: {  	v0 =	vcvt.s32.f32 v0;
	_ =	sdelay $0x1  }
0x30: {  	[tilespmem:s13+$0x4F00] =	vst v0  }
0x31: {  	v0 =	vld.idx.msk [tilespmem:v1+s3+$0x0], $0xffff;
	_ =	sdelay $0x4  }
0x32: {  	s12 =	sadd.s32 $0x1, s12;
	v0 =	vcvt.s32.f32 v0  }
0x33: {  	p0 =	sne.s32 s12, s8  }
.Ltmp2:
0x34: {  	[tilespmem:s14+$0x4F00] =	vst v0;
	(pc) =	sbr.rel @p0 .LBB2_1-.Ltmp2, $4  }
0x35: {  	[hbm4b:s7+s3] =	stream.linear.scatter [tilespmem:s11], [sflag:$0x1], $0x2710, $0x38;
	[tilespmem:$0x7680] =	vst v63  }
0x36: {  	_ =	swait.ge [sflag:s9], $0x2710  }
0x37: {  	[sflag:s9] =	ssyncset.done $0x0  }
0x38: {  	[sflag:s9] =	ssyncadd.s32 $0xFFFFD8F0  }
0x39: {  	_ =	sfence.sel $0x180000  }
0x3a: {  	[bflag:$0x0] =	sbarrier.arrive $0xFFFF  }
0x3b: {  	p0 =	sne.s32 s0, $0x0;
	_ =	strace $0x90000047  }
0x3c: {  	s0 =	sadd.s32 @!p0 $0x100000, s1;
	[bflag:$0x2] =	sbarrier.arrive $0xFFFF  }
0x3d: {  	[sflag:s0] =	ssyncadd.tile.s32 @!p0 $0x1;
	_ =	shalt  }
.Lfunc_end2:
_tile_overlayer_lowered:
.L_overlay_start_2:
0x3e: {  	(tag) =	ssettag $0x2  }
0x3f: {  	s0 =	rddreg [dreg:$0x0];
	s2 =	stileid.u32  }
0x40: {  	s1 =	rddreg [dreg:$0x1];
	p0 =	sne.s32 s2, $0x0  }
0x41: {  	s3 =	rddreg [dreg:$0x2];
	[bflag:$0x3] =	sbarrier.arrive $0xFFFF;
	s2 =	simm.s32 @!p0 $0x1C01  }
0x42: {  	[timem:s3], [sflag:s2] =	dma.local @!p0 [hbm:s0], s1  }
0x43: {  	s0 =	simm.s32 @!p0 $0x1  }
0x44: {  	_ =	swait.ge @!p0 [sflag:s0], s1  }
0x45: {  	s1 =	ssub.s32 @!p0 $0x0, s1;
	[sflag:s0] =	ssyncset.done @!p0 $0x0  }
0x46: {  	[sflag:s0] =	ssyncadd.s32 @!p0 s1  }
0x47: {  	[bflag:$0x3] =	sbarrier.arrive $0xFFFF  }
0x48: {  	_ =	shalt  }

</sc_bundles>
